<compile_context>
chip_gen: v7x
topology: tpu7x:2x2x1
jax: 0.10.2.dev20260603
libtpu: 0.0.44.dev20260713+nightly
codegen_flags: <defaults>
</compile_context>

<pallas_src>
import jax
import jax.numpy as jnp
from jax import lax
from jax.experimental import pallas as pl
from jax.experimental.pallas import tpu as pltpu
from jax.experimental.pallas import tpu_sc as plsc

NC = 2
NS = 16
NW = NC * NS
L = 16
D = 128
G = 128


def _sqrt16(s):
    i = plsc.bitcast(s, jnp.int32)
    i = jnp.int32(0x5F3759DF) - (i >> 1)
    y = plsc.bitcast(i, jnp.float32)
    half_s = s * jnp.float32(0.5)
    for _ in range(3):
        y = y * (jnp.float32(1.5) - half_s * y * y)
    return s * y


def _perm(x, idx):
    return jnp.take_along_axis(x, idx, axis=0)


def _merge(x, y, k, lanes):
    m = (lanes & k) == 0
    perm = lanes ^ k
    return jnp.where(m, x, _perm(y, perm)) + jnp.where(m, _perm(x, perm), y)


def _make_body(bpw, nchunk):
    def body(h_hbm, r_hbm, t_hbm, ent_hbm, rel_hbm, out_hbm,
             idx_h, idx_r, idx_t,
             hr0, hr1, hr2, t0, t1, t2, out_v, rel_sh,
             semi, srel, sadd, st0, st1, st2):
        sid = lax.axis_index("s")
        wid = sid * NC + lax.axis_index("c")
        base = wid * bpw
        lanes = lax.iota(jnp.int32, L)

        @pl.when(sid == 0)
        def _():
            pltpu.sync_copy(rel_hbm, rel_sh)

        stg = []
        for c in range(nchunk):
            stg.append(pltpu.async_copy(
                h_hbm.at[pl.ds(base + c * G, G)], idx_h.at[c], semi))
            stg.append(pltpu.async_copy(
                r_hbm.at[pl.ds(base + c * G, G)], idx_r.at[c], semi))
            stg.append(pltpu.async_copy(
                t_hbm.at[pl.ds(base + c * G, G)], idx_t.at[c], semi))
        for d in stg:
            d.wait()
        plsc.subcore_barrier()

        hrbufs = (hr0, hr1, hr2)
        tbufs = (t0, t1, t2)
        tsems = (st0, st1, st2)

        def fire_rel(c):
            return pltpu.async_copy(rel_sh.at[idx_r.at[c]],
                                    hrbufs[c % 3], srel)

        def fire_add(c):
            return pltpu.async_copy(ent_hbm.at[idx_h.at[c]],
                                    hrbufs[c % 3], sadd, add=True)

        def fire_t(c):
            return pltpu.async_copy(ent_hbm.at[idx_t.at[c]],
                                    tbufs[c % 3], tsems[c % 3])

        d_rel = {0: fire_rel(0)}
        d_t = {0: fire_t(0)}
        d_rel[1] = fire_rel(1)
        d_t[1] = fire_t(1)
        d_rel[0].wait()
        d_add = {0: fire_add(0)}

        for c in range(nchunk):
            d_add[c].wait()
            d_t[c].wait()
            if c + 1 < nchunk:
                d_rel[c + 1].wait()
                d_add[c + 1] = fire_add(c + 1)
            if c + 2 < nchunk:
                d_rel[c + 2] = fire_rel(c + 2)
                d_t[c + 2] = fire_t(c + 2)
            rhr = hrbufs[c % 3]
            rt = tbufs[c % 3]

            def group(g, f_prev, c=c, rhr=rhr, rt=rt):
                def one_acc(row):
                    acc = jnp.zeros((L,), jnp.float32)
                    for k in range(D // L):
                        hv = rhr[row, pl.ds(k * L, L)]
                        tv = rt[row, pl.ds(k * L, L)]
                        dv = hv - tv
                        acc = acc + dv * dv
                    return acc

                perm8 = lanes ^ 8
                vs = []
                for p in range(8):
                    a = one_acc(g * 8 + p)
                    vs.append(a + _perm(a, perm8))
                for k in (4, 2, 1):
                    half = len(vs) // 2
                    vs = [_merge(x, y, k, lanes)
                          for x, y in zip(vs[:half], vs[half:])]
                f = vs[0]

                @pl.when(g % 2 == 1)
                def _():
                    res = jnp.where(lanes < 8, f_prev, f)
                    out_v[pl.ds(c * G + (g // 2) * L, L)] = _sqrt16(res)

                return f

            lax.fori_loop(0, G // 8, group, jnp.zeros((L,), jnp.float32))
        pltpu.sync_copy(out_v, out_hbm.at[pl.ds(base, bpw)])
    return body


def kernel(h, r, t, entity_emb, relation_emb):
    b = h.shape[0]
    assert b % (NW * G) == 0
    bpw = b // NW
    nchunk = bpw // G
    mesh = plsc.VectorSubcoreMesh(core_axis_name="c", subcore_axis_name="s",
                                  num_cores=NC, num_subcores=NS)
    f = pl.kernel(
        _make_body(bpw, nchunk),
        out_type=jax.ShapeDtypeStruct((b,), jnp.float32),
        mesh=mesh,
        compiler_params=pltpu.CompilerParams(
            needs_layout_passes=False,
            disable_bounds_checks=True,
            disable_semaphore_checks=True,
            skip_device_barrier=True,
        ),
        scratch_types=[
            pltpu.VMEM((nchunk, G), jnp.int32),
            pltpu.VMEM((nchunk, G), jnp.int32),
            pltpu.VMEM((nchunk, G), jnp.int32),
            pltpu.VMEM((G, D), jnp.float32),
            pltpu.VMEM((G, D), jnp.float32),
            pltpu.VMEM((G, D), jnp.float32),
            pltpu.VMEM((G, D), jnp.float32),
            pltpu.VMEM((G, D), jnp.float32),
            pltpu.VMEM((G, D), jnp.float32),
            pltpu.VMEM((bpw,), jnp.float32),
            pltpu.VMEM_SHARED(relation_emb.shape, jnp.float32),
            pltpu.SemaphoreType.DMA,
            pltpu.SemaphoreType.DMA,
            pltpu.SemaphoreType.DMA,
            pltpu.SemaphoreType.DMA,
            pltpu.SemaphoreType.DMA,
            pltpu.SemaphoreType.DMA,
        ],
    )
    return f(h.astype(jnp.int32), r.astype(jnp.int32), t.astype(jnp.int32),
             entity_emb, relation_emb)

# --- scband reference (transcript-rebuilt; emitter-appended) ---
"""Pipeline reference for scband-projection-module-30897994727896 (READ-ONLY COPY).

The authoritative reference and input builder live on the scoring server;
editing this copy changes nothing except your own understanding.
"""

import jax, jax.numpy as jnp
import numpy as np

NUM_ENTITIES = 100000
NUM_RELATIONS = 500
EMBED_DIM = 128
BATCH = 16384


def setup_inputs(seed: int = 0) -> dict:
    key = jax.random.key(seed)
    k1, k2, k3, k4, k5 = jax.random.split(key, 5)
    h = jax.random.randint(k1, (BATCH,), 0, NUM_ENTITIES)
    r = jax.random.randint(k2, (BATCH,), 0, NUM_RELATIONS)
    t = jax.random.randint(k3, (BATCH,), 0, NUM_ENTITIES)
    # TransE parameters: entity and relation embedding tables.
    # pykeen initializes with xavier-uniform-like scale and normalizes relation
    # embeddings; we mimic with scaled normals + explicit normalization.
    entity_emb = jax.random.normal(k4, (NUM_ENTITIES, EMBED_DIM), dtype=jnp.float32) / jnp.sqrt(EMBED_DIM)
    relation_emb = jax.random.normal(k5, (NUM_RELATIONS, EMBED_DIM), dtype=jnp.float32)
    relation_emb = relation_emb / jnp.linalg.norm(relation_emb, axis=-1, keepdims=True)
    return {"h": h, "r": r, "t": t, "entity_emb": entity_emb, "relation_emb": relation_emb}


def reference(h, r, t, entity_emb, relation_emb):
    # TransE interaction: score(h, r, t) = -||e_h + e_r - e_t||_2
    e_h = jnp.take(entity_emb, h, axis=0)
    e_r = jnp.take(relation_emb, r, axis=0)
    e_t = jnp.take(entity_emb, t, axis=0)
    score = -jnp.linalg.norm(e_h + e_r - e_t, ord=2, axis=-1)
    # ProjectionModule.forward returns x = -score (a nonnegative distance)
    x = -score
    return x

if __name__ == "__main__":
    import jax
    _d = setup_inputs()
    print(jax.jit(kernel)(*tuple(_d.values())))

</pallas_src>

<mosaic_0001>
#map = affine_map<(d0, d1) -> (0)>
#map1 = affine_map<(d0, d1) -> (0, 0)>
module attributes {stable_mosaic.version = 14 : i64} {
  func.func @body(%arg0: i32, %arg1: i32, %arg2: memref<16384xi32, #tpu.memory_space<hbm>>, %arg3: memref<16384xi32, #tpu.memory_space<hbm>>, %arg4: memref<16384xi32, #tpu.memory_space<hbm>>, %arg5: memref<100000x128xf32, #tpu.memory_space<hbm>>, %arg6: memref<500x128xf32, #tpu.memory_space<hbm>>, %arg7: memref<16384xf32, #tpu.memory_space<hbm>>, %arg8: memref<4x128xi32, #tpu.memory_space<vmem>>, %arg9: memref<4x128xi32, #tpu.memory_space<vmem>>, %arg10: memref<4x128xi32, #tpu.memory_space<vmem>>, %arg11: memref<128x128xf32, #tpu.memory_space<vmem>>, %arg12: memref<128x128xf32, #tpu.memory_space<vmem>>, %arg13: memref<128x128xf32, #tpu.memory_space<vmem>>, %arg14: memref<128x128xf32, #tpu.memory_space<vmem>>, %arg15: memref<128x128xf32, #tpu.memory_space<vmem>>, %arg16: memref<128x128xf32, #tpu.memory_space<vmem>>, %arg17: memref<512xf32, #tpu.memory_space<vmem>>, %arg18: memref<500x128xf32, #tpu.memory_space<vmem_shared>>, %arg19: memref<!tpu.dma_semaphore, #tpu.memory_space<semaphore_mem>>, %arg20: memref<!tpu.dma_semaphore, #tpu.memory_space<semaphore_mem>>, %arg21: memref<!tpu.dma_semaphore, #tpu.memory_space<semaphore_mem>>, %arg22: memref<!tpu.dma_semaphore, #tpu.memory_space<semaphore_mem>>, %arg23: memref<!tpu.dma_semaphore, #tpu.memory_space<semaphore_mem>>, %arg24: memref<!tpu.dma_semaphore, #tpu.memory_space<semaphore_mem>>) attributes {dimension_semantics = [#tpu.dimension_semantics<core_parallel>, #tpu.dimension_semantics<subcore_parallel>], iteration_bounds = array<i64: 2, 16>, scalar_prefetch = 0 : i64, scratch_operands = 17 : i64, tpu.core_type = #tpu.core_type<sc_vector_subcore>, window_params = [{transform_indices = #map}, {transform_indices = #map}, {transform_indices = #map}, {transform_indices = #map1}, {transform_indices = #map1}, {transform_indices = #map}]} {
    %mul3A = arith.constant 2 : i32
    %mul3A_0 = arith.muli %arg1, %mul3A : i32
    %add3A = arith.addi %mul3A_0, %arg0 : i32
    %mul3A_1 = arith.constant 512 : i32
    %mul3A_2 = arith.muli %add3A, %mul3A_1 : i32
    %iota3A = tpu.iota {dimensions = array<i32: 0>} : vector<16xi32>
    %eq3A = arith.constant 0 : i32
    %eq3A_3 = arith.cmpi eq, %arg1, %eq3A : i32
    %convert_element_type3A = arith.extui %eq3A_3 : i1 to i32
    %cond3A = arith.constant 0 : i32
    %cond3A_4 = arith.cmpi ne, %convert_element_type3A, %cond3A : i32
    scf.if %cond3A_4 {
      "tpu.region"() ({
        %run_scoped3A = tpu.sem_alloc : memref<!tpu.dma_semaphore, #tpu.memory_space<semaphore_mem>>
        tpu.enqueue_dma source(%arg6 : memref<500x128xf32, #tpu.memory_space<hbm>>) target(%arg18 : memref<500x128xf32, #tpu.memory_space<vmem_shared>>) target_semaphore(%run_scoped3A : memref<!tpu.dma_semaphore, #tpu.memory_space<semaphore_mem>>)
        tpu.wait_dma2 semaphore(%run_scoped3A : memref<!tpu.dma_semaphore, #tpu.memory_space<semaphore_mem>>) src(%arg6 : memref<500x128xf32, #tpu.memory_space<hbm>>) dst(%arg18 : memref<500x128xf32, #tpu.memory_space<vmem_shared>>)
        tpu.yield
      }) : () -> ()
    } else {
    }
    %add3A_5 = arith.constant 0 : i32
    %add3A_6 = arith.addi %mul3A_2, %add3A_5 : i32
    %dma_start3A = arith.constant 0 : i32
    %dma_start3A_7 = arith.constant 0 : i32
    %dma_start3A_8 = tpu.memref_slice %arg8[%dma_start3A, %dma_start3A_7] : memref<4x128xi32, #tpu.memory_space<vmem>> -> memref<1x128xi32, #tpu.memory_space<vmem>>
    %dma_start3A_9 = tpu.memref_squeeze %dma_start3A_8 : memref<1x128xi32, #tpu.memory_space<vmem>> -> memref<128xi32, #tpu.memory_space<vmem>>
    %dma_start3A_10 = tpu.memref_slice %arg2[%add3A_6] : memref<16384xi32, #tpu.memory_space<hbm>> -> memref<128xi32, #tpu.memory_space<hbm>>
    %dma_start3A_11 = arith.constant 0 : i32
    %dma_start3A_12 = tpu.memref_slice %arg8[%dma_start3A, %dma_start3A_11] : memref<4x128xi32, #tpu.memory_space<vmem>> -> memref<1x128xi32, #tpu.memory_space<vmem>>
    %dma_start3A_13 = tpu.memref_squeeze %dma_start3A_12 : memref<1x128xi32, #tpu.memory_space<vmem>> -> memref<128xi32, #tpu.memory_space<vmem>>
    %dma_start3A_14 = tpu.memref_slice %arg2[%add3A_6] : memref<16384xi32, #tpu.memory_space<hbm>> -> memref<128xi32, #tpu.memory_space<hbm>>
    tpu.enqueue_dma source(%dma_start3A_14 : memref<128xi32, #tpu.memory_space<hbm>>) target(%dma_start3A_13 : memref<128xi32, #tpu.memory_space<vmem>>) target_semaphore(%arg19 : memref<!tpu.dma_semaphore, #tpu.memory_space<semaphore_mem>>)
    %add3A_15 = arith.constant 0 : i32
    %add3A_16 = arith.addi %mul3A_2, %add3A_15 : i32
    %dma_start3A_17 = arith.constant 0 : i32
    %dma_start3A_18 = arith.constant 0 : i32
    %dma_start3A_19 = tpu.memref_slice %arg9[%dma_start3A_17, %dma_start3A_18] : memref<4x128xi32, #tpu.memory_space<vmem>> -> memref<1x128xi32, #tpu.memory_space<vmem>>
    %dma_start3A_20 = tpu.memref_squeeze %dma_start3A_19 : memref<1x128xi32, #tpu.memory_space<vmem>> -> memref<128xi32, #tpu.memory_space<vmem>>
    %dma_start3A_21 = tpu.memref_slice %arg3[%add3A_16] : memref<16384xi32, #tpu.memory_space<hbm>> -> memref<128xi32, #tpu.memory_space<hbm>>
    %dma_start3A_22 = arith.constant 0 : i32
    %dma_start3A_23 = tpu.memref_slice %arg9[%dma_start3A_17, %dma_start3A_22] : memref<4x128xi32, #tpu.memory_space<vmem>> -> memref<1x128xi32, #tpu.memory_space<vmem>>
    %dma_start3A_24 = tpu.memref_squeeze %dma_start3A_23 : memref<1x128xi32, #tpu.memory_space<vmem>> -> memref<128xi32, #tpu.memory_space<vmem>>
    %dma_start3A_25 = tpu.memref_slice %arg3[%add3A_16] : memref<16384xi32, #tpu.memory_space<hbm>> -> memref<128xi32, #tpu.memory_space<hbm>>
    tpu.enqueue_dma source(%dma_start3A_25 : memref<128xi32, #tpu.memory_space<hbm>>) target(%dma_start3A_24 : memref<128xi32, #tpu.memory_space<vmem>>) target_semaphore(%arg19 : memref<!tpu.dma_semaphore, #tpu.memory_space<semaphore_mem>>)
    %add3A_26 = arith.constant 0 : i32
    %add3A_27 = arith.addi %mul3A_2, %add3A_26 : i32
    %dma_start3A_28 = arith.constant 0 : i32
    %dma_start3A_29 = arith.constant 0 : i32
    %dma_start3A_30 = tpu.memref_slice %arg10[%dma_start3A_28, %dma_start3A_29] : memref<4x128xi32, #tpu.memory_space<vmem>> -> memref<1x128xi32, #tpu.memory_space<vmem>>
    %dma_start3A_31 = tpu.memref_squeeze %dma_start3A_30 : memref<1x128xi32, #tpu.memory_space<vmem>> -> memref<128xi32, #tpu.memory_space<vmem>>
    %dma_start3A_32 = tpu.memref_slice %arg4[%add3A_27] : memref<16384xi32, #tpu.memory_space<hbm>> -> memref<128xi32, #tpu.memory_space<hbm>>
    %dma_start3A_33 = arith.constant 0 : i32
    %dma_start3A_34 = tpu.memref_slice %arg10[%dma_start3A_28, %dma_start3A_33] : memref<4x128xi32, #tpu.memory_space<vmem>> -> memref<1x128xi32, #tpu.memory_space<vmem>>
    %dma_start3A_35 = tpu.memref_squeeze %dma_start3A_34 : memref<1x128xi32, #tpu.memory_space<vmem>> -> memref<128xi32, #tpu.memory_space<vmem>>
    %dma_start3A_36 = tpu.memref_slice %arg4[%add3A_27] : memref<16384xi32, #tpu.memory_space<hbm>> -> memref<128xi32, #tpu.memory_space<hbm>>
    tpu.enqueue_dma source(%dma_start3A_36 : memref<128xi32, #tpu.memory_space<hbm>>) target(%dma_start3A_35 : memref<128xi32, #tpu.memory_space<vmem>>) target_semaphore(%arg19 : memref<!tpu.dma_semaphore, #tpu.memory_space<semaphore_mem>>)
    %add3A_37 = arith.constant 128 : i32
    %add3A_38 = arith.addi %mul3A_2, %add3A_37 : i32
    %dma_start3A_39 = arith.constant 1 : i32
    %dma_start3A_40 = arith.constant 0 : i32
    %dma_start3A_41 = tpu.memref_slice %arg8[%dma_start3A_39, %dma_start3A_40] : memref<4x128xi32, #tpu.memory_space<vmem>> -> memref<1x128xi32, #tpu.memory_space<vmem>>
    %dma_start3A_42 = tpu.memref_squeeze %dma_start3A_41 : memref<1x128xi32, #tpu.memory_space<vmem>> -> memref<128xi32, #tpu.memory_space<vmem>>
    %dma_start3A_43 = tpu.memref_slice %arg2[%add3A_38] : memref<16384xi32, #tpu.memory_space<hbm>> -> memref<128xi32, #tpu.memory_space<hbm>>
    %dma_start3A_44 = arith.constant 0 : i32
    %dma_start3A_45 = tpu.memref_slice %arg8[%dma_start3A_39, %dma_start3A_44] : memref<4x128xi32, #tpu.memory_space<vmem>> -> memref<1x128xi32, #tpu.memory_space<vmem>>
    %dma_start3A_46 = tpu.memref_squeeze %dma_start3A_45 : memref<1x128xi32, #tpu.memory_space<vmem>> -> memref<128xi32, #tpu.memory_space<vmem>>
    %dma_start3A_47 = tpu.memref_slice %arg2[%add3A_38] : memref<16384xi32, #tpu.memory_space<hbm>> -> memref<128xi32, #tpu.memory_space<hbm>>
    tpu.enqueue_dma source(%dma_start3A_47 : memref<128xi32, #tpu.memory_space<hbm>>) target(%dma_start3A_46 : memref<128xi32, #tpu.memory_space<vmem>>) target_semaphore(%arg19 : memref<!tpu.dma_semaphore, #tpu.memory_space<semaphore_mem>>)
    %add3A_48 = arith.constant 128 : i32
    %add3A_49 = arith.addi %mul3A_2, %add3A_48 : i32
    %dma_start3A_50 = arith.constant 1 : i32
    %dma_start3A_51 = arith.constant 0 : i32
    %dma_start3A_52 = tpu.memref_slice %arg9[%dma_start3A_50, %dma_start3A_51] : memref<4x128xi32, #tpu.memory_space<vmem>> -> memref<1x128xi32, #tpu.memory_space<vmem>>
    %dma_start3A_53 = tpu.memref_squeeze %dma_start3A_52 : memref<1x128xi32, #tpu.memory_space<vmem>> -> memref<128xi32, #tpu.memory_space<vmem>>
    %dma_start3A_54 = tpu.memref_slice %arg3[%add3A_49] : memref<16384xi32, #tpu.memory_space<hbm>> -> memref<128xi32, #tpu.memory_space<hbm>>
    %dma_start3A_55 = arith.constant 0 : i32
    %dma_start3A_56 = tpu.memref_slice %arg9[%dma_start3A_50, %dma_start3A_55] : memref<4x128xi32, #tpu.memory_space<vmem>> -> memref<1x128xi32, #tpu.memory_space<vmem>>
    %dma_start3A_57 = tpu.memref_squeeze %dma_start3A_56 : memref<1x128xi32, #tpu.memory_space<vmem>> -> memref<128xi32, #tpu.memory_space<vmem>>
    %dma_start3A_58 = tpu.memref_slice %arg3[%add3A_49] : memref<16384xi32, #tpu.memory_space<hbm>> -> memref<128xi32, #tpu.memory_space<hbm>>
    tpu.enqueue_dma source(%dma_start3A_58 : memref<128xi32, #tpu.memory_space<hbm>>) target(%dma_start3A_57 : memref<128xi32, #tpu.memory_space<vmem>>) target_semaphore(%arg19 : memref<!tpu.dma_semaphore, #tpu.memory_space<semaphore_mem>>)
    %add3A_59 = arith.constant 128 : i32
    %add3A_60 = arith.addi %mul3A_2, %add3A_59 : i32
    %dma_start3A_61 = arith.constant 1 : i32
    %dma_start3A_62 = arith.constant 0 : i32
    %dma_start3A_63 = tpu.memref_slice %arg10[%dma_start3A_61, %dma_start3A_62] : memref<4x128xi32, #tpu.memory_space<vmem>> -> memref<1x128xi32, #tpu.memory_space<vmem>>
    %dma_start3A_64 = tpu.memref_squeeze %dma_start3A_63 : memref<1x128xi32, #tpu.memory_space<vmem>> -> memref<128xi32, #tpu.memory_space<vmem>>
    %dma_start3A_65 = tpu.memref_slice %arg4[%add3A_60] : memref<16384xi32, #tpu.memory_space<hbm>> -> memref<128xi32, #tpu.memory_space<hbm>>
    %dma_start3A_66 = arith.constant 0 : i32
    %dma_start3A_67 = tpu.memref_slice %arg10[%dma_start3A_61, %dma_start3A_66] : memref<4x128xi32, #tpu.memory_space<vmem>> -> memref<1x128xi32, #tpu.memory_space<vmem>>
    %dma_start3A_68 = tpu.memref_squeeze %dma_start3A_67 : memref<1x128xi32, #tpu.memory_space<vmem>> -> memref<128xi32, #tpu.memory_space<vmem>>
    %dma_start3A_69 = tpu.memref_slice %arg4[%add3A_60] : memref<16384xi32, #tpu.memory_space<hbm>> -> memref<128xi32, #tpu.memory_space<hbm>>
    tpu.enqueue_dma source(%dma_start3A_69 : memref<128xi32, #tpu.memory_space<hbm>>) target(%dma_start3A_68 : memref<128xi32, #tpu.memory_space<vmem>>) target_semaphore(%arg19 : memref<!tpu.dma_semaphore, #tpu.memory_space<semaphore_mem>>)
    %add3A_70 = arith.constant 256 : i32
    %add3A_71 = arith.addi %mul3A_2, %add3A_70 : i32
    %dma_start3A_72 = arith.constant 2 : i32
    %dma_start3A_73 = arith.constant 0 : i32
    %dma_start3A_74 = tpu.memref_slice %arg8[%dma_start3A_72, %dma_start3A_73] : memref<4x128xi32, #tpu.memory_space<vmem>> -> memref<1x128xi32, #tpu.memory_space<vmem>>
    %dma_start3A_75 = tpu.memref_squeeze %dma_start3A_74 : memref<1x128xi32, #tpu.memory_space<vmem>> -> memref<128xi32, #tpu.memory_space<vmem>>
    %dma_start3A_76 = tpu.memref_slice %arg2[%add3A_71] : memref<16384xi32, #tpu.memory_space<hbm>> -> memref<128xi32, #tpu.memory_space<hbm>>
    %dma_start3A_77 = arith.constant 0 : i32
    %dma_start3A_78 = tpu.memref_slice %arg8[%dma_start3A_72, %dma_start3A_77] : memref<4x128xi32, #tpu.memory_space<vmem>> -> memref<1x128xi32, #tpu.memory_space<vmem>>
    %dma_start3A_79 = tpu.memref_squeeze %dma_start3A_78 : memref<1x128xi32, #tpu.memory_space<vmem>> -> memref<128xi32, #tpu.memory_space<vmem>>
    %dma_start3A_80 = tpu.memref_slice %arg2[%add3A_71] : memref<16384xi32, #tpu.memory_space<hbm>> -> memref<128xi32, #tpu.memory_space<hbm>>
    tpu.enqueue_dma source(%dma_start3A_80 : memref<128xi32, #tpu.memory_space<hbm>>) target(%dma_start3A_79 : memref<128xi32, #tpu.memory_space<vmem>>) target_semaphore(%arg19 : memref<!tpu.dma_semaphore, #tpu.memory_space<semaphore_mem>>)
    %add3A_81 = arith.constant 256 : i32
    %add3A_82 = arith.addi %mul3A_2, %add3A_81 : i32
    %dma_start3A_83 = arith.constant 2 : i32
    %dma_start3A_84 = arith.constant 0 : i32
    %dma_start3A_85 = tpu.memref_slice %arg9[%dma_start3A_83, %dma_start3A_84] : memref<4x128xi32, #tpu.memory_space<vmem>> -> memref<1x128xi32, #tpu.memory_space<vmem>>
    %dma_start3A_86 = tpu.memref_squeeze %dma_start3A_85 : memref<1x128xi32, #tpu.memory_space<vmem>> -> memref<128xi32, #tpu.memory_space<vmem>>
    %dma_start3A_87 = tpu.memref_slice %arg3[%add3A_82] : memref<16384xi32, #tpu.memory_space<hbm>> -> memref<128xi32, #tpu.memory_space<hbm>>
    %dma_start3A_88 = arith.constant 0 : i32
    %dma_start3A_89 = tpu.memref_slice %arg9[%dma_start3A_83, %dma_start3A_88] : memref<4x128xi32, #tpu.memory_space<vmem>> -> memref<1x128xi32, #tpu.memory_space<vmem>>
    %dma_start3A_90 = tpu.memref_squeeze %dma_start3A_89 : memref<1x128xi32, #tpu.memory_space<vmem>> -> memref<128xi32, #tpu.memory_space<vmem>>
    %dma_start3A_91 = tpu.memref_slice %arg3[%add3A_82] : memref<16384xi32, #tpu.memory_space<hbm>> -> memref<128xi32, #tpu.memory_space<hbm>>
    tpu.enqueue_dma source(%dma_start3A_91 : memref<128xi32, #tpu.memory_space<hbm>>) target(%dma_start3A_90 : memref<128xi32, #tpu.memory_space<vmem>>) target_semaphore(%arg19 : memref<!tpu.dma_semaphore, #tpu.memory_space<semaphore_mem>>)
    %add3A_92 = arith.constant 256 : i32
    %add3A_93 = arith.addi %mul3A_2, %add3A_92 : i32
    %dma_start3A_94 = arith.constant 2 : i32
    %dma_start3A_95 = arith.constant 0 : i32
    %dma_start3A_96 = tpu.memref_slice %arg10[%dma_start3A_94, %dma_start3A_95] : memref<4x128xi32, #tpu.memory_space<vmem>> -> memref<1x128xi32, #tpu.memory_space<vmem>>
    %dma_start3A_97 = tpu.memref_squeeze %dma_start3A_96 : memref<1x128xi32, #tpu.memory_space<vmem>> -> memref<128xi32, #tpu.memory_space<vmem>>
    %dma_start3A_98 = tpu.memref_slice %arg4[%add3A_93] : memref<16384xi32, #tpu.memory_space<hbm>> -> memref<128xi32, #tpu.memory_space<hbm>>
    %dma_start3A_99 = arith.constant 0 : i32
    %dma_start3A_100 = tpu.memref_slice %arg10[%dma_start3A_94, %dma_start3A_99] : memref<4x128xi32, #tpu.memory_space<vmem>> -> memref<1x128xi32, #tpu.memory_space<vmem>>
    %dma_start3A_101 = tpu.memref_squeeze %dma_start3A_100 : memref<1x128xi32, #tpu.memory_space<vmem>> -> memref<128xi32, #tpu.memory_space<vmem>>
    %dma_start3A_102 = tpu.memref_slice %arg4[%add3A_93] : memref<16384xi32, #tpu.memory_space<hbm>> -> memref<128xi32, #tpu.memory_space<hbm>>
    tpu.enqueue_dma source(%dma_start3A_102 : memref<128xi32, #tpu.memory_space<hbm>>) target(%dma_start3A_101 : memref<128xi32, #tpu.memory_space<vmem>>) target_semaphore(%arg19 : memref<!tpu.dma_semaphore, #tpu.memory_space<semaphore_mem>>)
    %add3A_103 = arith.constant 384 : i32
    %add3A_104 = arith.addi %mul3A_2, %add3A_103 : i32
    %dma_start3A_105 = arith.constant 3 : i32
    %dma_start3A_106 = arith.constant 0 : i32
    %dma_start3A_107 = tpu.memref_slice %arg8[%dma_start3A_105, %dma_start3A_106] : memref<4x128xi32, #tpu.memory_space<vmem>> -> memref<1x128xi32, #tpu.memory_space<vmem>>
    %dma_start3A_108 = tpu.memref_squeeze %dma_start3A_107 : memref<1x128xi32, #tpu.memory_space<vmem>> -> memref<128xi32, #tpu.memory_space<vmem>>
    %dma_start3A_109 = tpu.memref_slice %arg2[%add3A_104] : memref<16384xi32, #tpu.memory_space<hbm>> -> memref<128xi32, #tpu.memory_space<hbm>>
    %dma_start3A_110 = arith.constant 0 : i32
    %dma_start3A_111 = tpu.memref_slice %arg8[%dma_start3A_105, %dma_start3A_110] : memref<4x128xi32, #tpu.memory_space<vmem>> -> memref<1x128xi32, #tpu.memory_space<vmem>>
    %dma_start3A_112 = tpu.memref_squeeze %dma_start3A_111 : memref<1x128xi32, #tpu.memory_space<vmem>> -> memref<128xi32, #tpu.memory_space<vmem>>
    %dma_start3A_113 = tpu.memref_slice %arg2[%add3A_104] : memref<16384xi32, #tpu.memory_space<hbm>> -> memref<128xi32, #tpu.memory_space<hbm>>
    tpu.enqueue_dma source(%dma_start3A_113 : memref<128xi32, #tpu.memory_space<hbm>>) target(%dma_start3A_112 : memref<128xi32, #tpu.memory_space<vmem>>) target_semaphore(%arg19 : memref<!tpu.dma_semaphore, #tpu.memory_space<semaphore_mem>>)
    %add3A_114 = arith.constant 384 : i32
    %add3A_115 = arith.addi %mul3A_2, %add3A_114 : i32
    %dma_start3A_116 = arith.constant 3 : i32
    %dma_start3A_117 = arith.constant 0 : i32
    %dma_start3A_118 = tpu.memref_slice %arg9[%dma_start3A_116, %dma_start3A_117] : memref<4x128xi32, #tpu.memory_space<vmem>> -> memref<1x128xi32, #tpu.memory_space<vmem>>
    %dma_start3A_119 = tpu.memref_squeeze %dma_start3A_118 : memref<1x128xi32, #tpu.memory_space<vmem>> -> memref<128xi32, #tpu.memory_space<vmem>>
    %dma_start3A_120 = tpu.memref_slice %arg3[%add3A_115] : memref<16384xi32, #tpu.memory_space<hbm>> -> memref<128xi32, #tpu.memory_space<hbm>>
    %dma_start3A_121 = arith.constant 0 : i32
    %dma_start3A_122 = tpu.memref_slice %arg9[%dma_start3A_116, %dma_start3A_121] : memref<4x128xi32, #tpu.memory_space<vmem>> -> memref<1x128xi32, #tpu.memory_space<vmem>>
    %dma_start3A_123 = tpu.memref_squeeze %dma_start3A_122 : memref<1x128xi32, #tpu.memory_space<vmem>> -> memref<128xi32, #tpu.memory_space<vmem>>
    %dma_start3A_124 = tpu.memref_slice %arg3[%add3A_115] : memref<16384xi32, #tpu.memory_space<hbm>> -> memref<128xi32, #tpu.memory_space<hbm>>
    tpu.enqueue_dma source(%dma_start3A_124 : memref<128xi32, #tpu.memory_space<hbm>>) target(%dma_start3A_123 : memref<128xi32, #tpu.memory_space<vmem>>) target_semaphore(%arg19 : memref<!tpu.dma_semaphore, #tpu.memory_space<semaphore_mem>>)
    %add3A_125 = arith.constant 384 : i32
    %add3A_126 = arith.addi %mul3A_2, %add3A_125 : i32
    %dma_start3A_127 = arith.constant 3 : i32
    %dma_start3A_128 = arith.constant 0 : i32
    %dma_start3A_129 = tpu.memref_slice %arg10[%dma_start3A_127, %dma_start3A_128] : memref<4x128xi32, #tpu.memory_space<vmem>> -> memref<1x128xi32, #tpu.memory_space<vmem>>
    %dma_start3A_130 = tpu.memref_squeeze %dma_start3A_129 : memref<1x128xi32, #tpu.memory_space<vmem>> -> memref<128xi32, #tpu.memory_space<vmem>>
    %dma_start3A_131 = tpu.memref_slice %arg4[%add3A_126] : memref<16384xi32, #tpu.memory_space<hbm>> -> memref<128xi32, #tpu.memory_space<hbm>>
    %dma_start3A_132 = arith.constant 0 : i32
    %dma_start3A_133 = tpu.memref_slice %arg10[%dma_start3A_127, %dma_start3A_132] : memref<4x128xi32, #tpu.memory_space<vmem>> -> memref<1x128xi32, #tpu.memory_space<vmem>>
    %dma_start3A_134 = tpu.memref_squeeze %dma_start3A_133 : memref<1x128xi32, #tpu.memory_space<vmem>> -> memref<128xi32, #tpu.memory_space<vmem>>
    %dma_start3A_135 = tpu.memref_slice %arg4[%add3A_126] : memref<16384xi32, #tpu.memory_space<hbm>> -> memref<128xi32, #tpu.memory_space<hbm>>
    tpu.enqueue_dma source(%dma_start3A_135 : memref<128xi32, #tpu.memory_space<hbm>>) target(%dma_start3A_134 : memref<128xi32, #tpu.memory_space<vmem>>) target_semaphore(%arg19 : memref<!tpu.dma_semaphore, #tpu.memory_space<semaphore_mem>>)
    %dma_wait3A = arith.constant 0 : i32
    %dma_wait3A_136 = arith.constant 0 : i32
    %dma_wait3A_137 = tpu.memref_slice %arg8[%dma_wait3A, %dma_wait3A_136] : memref<4x128xi32, #tpu.memory_space<vmem>> -> memref<1x128xi32, #tpu.memory_space<vmem>>
    %dma_wait3A_138 = tpu.memref_squeeze %dma_wait3A_137 : memref<1x128xi32, #tpu.memory_space<vmem>> -> memref<128xi32, #tpu.memory_space<vmem>>
    %dma_wait3A_139 = tpu.memref_slice %arg2[%add3A_6] : memref<16384xi32, #tpu.memory_space<hbm>> -> memref<128xi32, #tpu.memory_space<hbm>>
    %dma_wait3A_140 = arith.constant 0 : i32
    %dma_wait3A_141 = tpu.memref_slice %arg8[%dma_wait3A, %dma_wait3A_140] : memref<4x128xi32, #tpu.memory_space<vmem>> -> memref<1x128xi32, #tpu.memory_space<vmem>>
    %dma_wait3A_142 = tpu.memref_squeeze %dma_wait3A_141 : memref<1x128xi32, #tpu.memory_space<vmem>> -> memref<128xi32, #tpu.memory_space<vmem>>
    %dma_wait3A_143 = tpu.memref_slice %arg2[%add3A_6] : memref<16384xi32, #tpu.memory_space<hbm>> -> memref<128xi32, #tpu.memory_space<hbm>>
    tpu.wait_dma2 semaphore(%arg19 : memref<!tpu.dma_semaphore, #tpu.memory_space<semaphore_mem>>) src(%dma_wait3A_143 : memref<128xi32, #tpu.memory_space<hbm>>) dst(%dma_wait3A_142 : memref<128xi32, #tpu.memory_space<vmem>>)
    %dma_wait3A_144 = arith.constant 0 : i32
    %dma_wait3A_145 = arith.constant 0 : i32
    %dma_wait3A_146 = tpu.memref_slice %arg9[%dma_wait3A_144, %dma_wait3A_145] : memref<4x128xi32, #tpu.memory_space<vmem>> -> memref<1x128xi32, #tpu.memory_space<vmem>>
    %dma_wait3A_147 = tpu.memref_squeeze %dma_wait3A_146 : memref<1x128xi32, #tpu.memory_space<vmem>> -> memref<128xi32, #tpu.memory_space<vmem>>
    %dma_wait3A_148 = tpu.memref_slice %arg3[%add3A_16] : memref<16384xi32, #tpu.memory_space<hbm>> -> memref<128xi32, #tpu.memory_space<hbm>>
    %dma_wait3A_149 = arith.constant 0 : i32
    %dma_wait3A_150 = tpu.memref_slice %arg9[%dma_wait3A_144, %dma_wait3A_149] : memref<4x128xi32, #tpu.memory_space<vmem>> -> memref<1x128xi32, #tpu.memory_space<vmem>>
    %dma_wait3A_151 = tpu.memref_squeeze %dma_wait3A_150 : memref<1x128xi32, #tpu.memory_space<vmem>> -> memref<128xi32, #tpu.memory_space<vmem>>
    %dma_wait3A_152 = tpu.memref_slice %arg3[%add3A_16] : memref<16384xi32, #tpu.memory_space<hbm>> -> memref<128xi32, #tpu.memory_space<hbm>>
    tpu.wait_dma2 semaphore(%arg19 : memref<!tpu.dma_semaphore, #tpu.memory_space<semaphore_mem>>) src(%dma_wait3A_152 : memref<128xi32, #tpu.memory_space<hbm>>) dst(%dma_wait3A_151 : memref<128xi32, #tpu.memory_space<vmem>>)
    %dma_wait3A_153 = arith.constant 0 : i32
    %dma_wait3A_154 = arith.constant 0 : i32
    %dma_wait3A_155 = tpu.memref_slice %arg10[%dma_wait3A_153, %dma_wait3A_154] : memref<4x128xi32, #tpu.memory_space<vmem>> -> memref<1x128xi32, #tpu.memory_space<vmem>>
    %dma_wait3A_156 = tpu.memref_squeeze %dma_wait3A_155 : memref<1x128xi32, #tpu.memory_space<vmem>> -> memref<128xi32, #tpu.memory_space<vmem>>
    %dma_wait3A_157 = tpu.memref_slice %arg4[%add3A_27] : memref<16384xi32, #tpu.memory_space<hbm>> -> memref<128xi32, #tpu.memory_space<hbm>>
    %dma_wait3A_158 = arith.constant 0 : i32
    %dma_wait3A_159 = tpu.memref_slice %arg10[%dma_wait3A_153, %dma_wait3A_158] : memref<4x128xi32, #tpu.memory_space<vmem>> -> memref<1x128xi32, #tpu.memory_space<vmem>>
    %dma_wait3A_160 = tpu.memref_squeeze %dma_wait3A_159 : memref<1x128xi32, #tpu.memory_space<vmem>> -> memref<128xi32, #tpu.memory_space<vmem>>
    %dma_wait3A_161 = tpu.memref_slice %arg4[%add3A_27] : memref<16384xi32, #tpu.memory_space<hbm>> -> memref<128xi32, #tpu.memory_space<hbm>>
    tpu.wait_dma2 semaphore(%arg19 : memref<!tpu.dma_semaphore, #tpu.memory_space<semaphore_mem>>) src(%dma_wait3A_161 : memref<128xi32, #tpu.memory_space<hbm>>) dst(%dma_wait3A_160 : memref<128xi32, #tpu.memory_space<vmem>>)
    %dma_wait3A_162 = arith.constant 1 : i32
    %dma_wait3A_163 = arith.constant 0 : i32
    %dma_wait3A_164 = tpu.memref_slice %arg8[%dma_wait3A_162, %dma_wait3A_163] : memref<4x128xi32, #tpu.memory_space<vmem>> -> memref<1x128xi32, #tpu.memory_space<vmem>>
    %dma_wait3A_165 = tpu.memref_squeeze %dma_wait3A_164 : memref<1x128xi32, #tpu.memory_space<vmem>> -> memref<128xi32, #tpu.memory_space<vmem>>
    %dma_wait3A_166 = tpu.memref_slice %arg2[%add3A_38] : memref<16384xi32, #tpu.memory_space<hbm>> -> memref<128xi32, #tpu.memory_space<hbm>>
    %dma_wait3A_167 = arith.constant 0 : i32
    %dma_wait3A_168 = tpu.memref_slice %arg8[%dma_wait3A_162, %dma_wait3A_167] : memref<4x128xi32, #tpu.memory_space<vmem>> -> memref<1x128xi32, #tpu.memory_space<vmem>>
    %dma_wait3A_169 = tpu.memref_squeeze %dma_wait3A_168 : memref<1x128xi32, #tpu.memory_space<vmem>> -> memref<128xi32, #tpu.memory_space<vmem>>
    %dma_wait3A_170 = tpu.memref_slice %arg2[%add3A_38] : memref<16384xi32, #tpu.memory_space<hbm>> -> memref<128xi32, #tpu.memory_space<hbm>>
    tpu.wait_dma2 semaphore(%arg19 : memref<!tpu.dma_semaphore, #tpu.memory_space<semaphore_mem>>) src(%dma_wait3A_170 : memref<128xi32, #tpu.memory_space<hbm>>) dst(%dma_wait3A_169 : memref<128xi32, #tpu.memory_space<vmem>>)
    %dma_wait3A_171 = arith.constant 1 : i32
    %dma_wait3A_172 = arith.constant 0 : i32
    %dma_wait3A_173 = tpu.memref_slice %arg9[%dma_wait3A_171, %dma_wait3A_172] : memref<4x128xi32, #tpu.memory_space<vmem>> -> memref<1x128xi32, #tpu.memory_space<vmem>>
    %dma_wait3A_174 = tpu.memref_squeeze %dma_wait3A_173 : memref<1x128xi32, #tpu.memory_space<vmem>> -> memref<128xi32, #tpu.memory_space<vmem>>
    %dma_wait3A_175 = tpu.memref_slice %arg3[%add3A_49] : memref<16384xi32, #tpu.memory_space<hbm>> -> memref<128xi32, #tpu.memory_space<hbm>>
    %dma_wait3A_176 = arith.constant 0 : i32
    %dma_wait3A_177 = tpu.memref_slice %arg9[%dma_wait3A_171, %dma_wait3A_176] : memref<4x128xi32, #tpu.memory_space<vmem>> -> memref<1x128xi32, #tpu.memory_space<vmem>>
    %dma_wait3A_178 = tpu.memref_squeeze %dma_wait3A_177 : memref<1x128xi32, #tpu.memory_space<vmem>> -> memref<128xi32, #tpu.memory_space<vmem>>
    %dma_wait3A_179 = tpu.memref_slice %arg3[%add3A_49] : memref<16384xi32, #tpu.memory_space<hbm>> -> memref<128xi32, #tpu.memory_space<hbm>>
    tpu.wait_dma2 semaphore(%arg19 : memref<!tpu.dma_semaphore, #tpu.memory_space<semaphore_mem>>) src(%dma_wait3A_179 : memref<128xi32, #tpu.memory_space<hbm>>) dst(%dma_wait3A_178 : memref<128xi32, #tpu.memory_space<vmem>>)
    %dma_wait3A_180 = arith.constant 1 : i32
    %dma_wait3A_181 = arith.constant 0 : i32
    %dma_wait3A_182 = tpu.memref_slice %arg10[%dma_wait3A_180, %dma_wait3A_181] : memref<4x128xi32, #tpu.memory_space<vmem>> -> memref<1x128xi32, #tpu.memory_space<vmem>>
    %dma_wait3A_183 = tpu.memref_squeeze %dma_wait3A_182 : memref<1x128xi32, #tpu.memory_space<vmem>> -> memref<128xi32, #tpu.memory_space<vmem>>
    %dma_wait3A_184 = tpu.memref_slice %arg4[%add3A_60] : memref<16384xi32, #tpu.memory_space<hbm>> -> memref<128xi32, #tpu.memory_space<hbm>>
    %dma_wait3A_185 = arith.constant 0 : i32
    %dma_wait3A_186 = tpu.memref_slice %arg10[%dma_wait3A_180, %dma_wait3A_185] : memref<4x128xi32, #tpu.memory_space<vmem>> -> memref<1x128xi32, #tpu.memory_space<vmem>>
    %dma_wait3A_187 = tpu.memref_squeeze %dma_wait3A_186 : memref<1x128xi32, #tpu.memory_space<vmem>> -> memref<128xi32, #tpu.memory_space<vmem>>
    %dma_wait3A_188 = tpu.memref_slice %arg4[%add3A_60] : memref<16384xi32, #tpu.memory_space<hbm>> -> memref<128xi32, #tpu.memory_space<hbm>>
    tpu.wait_dma2 semaphore(%arg19 : memref<!tpu.dma_semaphore, #tpu.memory_space<semaphore_mem>>) src(%dma_wait3A_188 : memref<128xi32, #tpu.memory_space<hbm>>) dst(%dma_wait3A_187 : memref<128xi32, #tpu.memory_space<vmem>>)
    %dma_wait3A_189 = arith.constant 2 : i32
    %dma_wait3A_190 = arith.constant 0 : i32
    %dma_wait3A_191 = tpu.memref_slice %arg8[%dma_wait3A_189, %dma_wait3A_190] : memref<4x128xi32, #tpu.memory_space<vmem>> -> memref<1x128xi32, #tpu.memory_space<vmem>>
    %dma_wait3A_192 = tpu.memref_squeeze %dma_wait3A_191 : memref<1x128xi32, #tpu.memory_space<vmem>> -> memref<128xi32, #tpu.memory_space<vmem>>
    %dma_wait3A_193 = tpu.memref_slice %arg2[%add3A_71] : memref<16384xi32, #tpu.memory_space<hbm>> -> memref<128xi32, #tpu.memory_space<hbm>>
    %dma_wait3A_194 = arith.constant 0 : i32
    %dma_wait3A_195 = tpu.memref_slice %arg8[%dma_wait3A_189, %dma_wait3A_194] : memref<4x128xi32, #tpu.memory_space<vmem>> -> memref<1x128xi32, #tpu.memory_space<vmem>>
    %dma_wait3A_196 = tpu.memref_squeeze %dma_wait3A_195 : memref<1x128xi32, #tpu.memory_space<vmem>> -> memref<128xi32, #tpu.memory_space<vmem>>
    %dma_wait3A_197 = tpu.memref_slice %arg2[%add3A_71] : memref<16384xi32, #tpu.memory_space<hbm>> -> memref<128xi32, #tpu.memory_space<hbm>>
    tpu.wait_dma2 semaphore(%arg19 : memref<!tpu.dma_semaphore, #tpu.memory_space<semaphore_mem>>) src(%dma_wait3A_197 : memref<128xi32, #tpu.memory_space<hbm>>) dst(%dma_wait3A_196 : memref<128xi32, #tpu.memory_space<vmem>>)
    %dma_wait3A_198 = arith.constant 2 : i32
    %dma_wait3A_199 = arith.constant 0 : i32
    %dma_wait3A_200 = tpu.memref_slice %arg9[%dma_wait3A_198, %dma_wait3A_199] : memref<4x128xi32, #tpu.memory_space<vmem>> -> memref<1x128xi32, #tpu.memory_space<vmem>>
    %dma_wait3A_201 = tpu.memref_squeeze %dma_wait3A_200 : memref<1x128xi32, #tpu.memory_space<vmem>> -> memref<128xi32, #tpu.memory_space<vmem>>
    %dma_wait3A_202 = tpu.memref_slice %arg3[%add3A_82] : memref<16384xi32, #tpu.memory_space<hbm>> -> memref<128xi32, #tpu.memory_space<hbm>>
    %dma_wait3A_203 = arith.constant 0 : i32
    %dma_wait3A_204 = tpu.memref_slice %arg9[%dma_wait3A_198, %dma_wait3A_203] : memref<4x128xi32, #tpu.memory_space<vmem>> -> memref<1x128xi32, #tpu.memory_space<vmem>>
    %dma_wait3A_205 = tpu.memref_squeeze %dma_wait3A_204 : memref<1x128xi32, #tpu.memory_space<vmem>> -> memref<128xi32, #tpu.memory_space<vmem>>
    %dma_wait3A_206 = tpu.memref_slice %arg3[%add3A_82] : memref<16384xi32, #tpu.memory_space<hbm>> -> memref<128xi32, #tpu.memory_space<hbm>>
    tpu.wait_dma2 semaphore(%arg19 : memref<!tpu.dma_semaphore, #tpu.memory_space<semaphore_mem>>) src(%dma_wait3A_206 : memref<128xi32, #tpu.memory_space<hbm>>) dst(%dma_wait3A_205 : memref<128xi32, #tpu.memory_space<vmem>>)
    %dma_wait3A_207 = arith.constant 2 : i32
    %dma_wait3A_208 = arith.constant 0 : i32
    %dma_wait3A_209 = tpu.memref_slice %arg10[%dma_wait3A_207, %dma_wait3A_208] : memref<4x128xi32, #tpu.memory_space<vmem>> -> memref<1x128xi32, #tpu.memory_space<vmem>>
    %dma_wait3A_210 = tpu.memref_squeeze %dma_wait3A_209 : memref<1x128xi32, #tpu.memory_space<vmem>> -> memref<128xi32, #tpu.memory_space<vmem>>
    %dma_wait3A_211 = tpu.memref_slice %arg4[%add3A_93] : memref<16384xi32, #tpu.memory_space<hbm>> -> memref<128xi32, #tpu.memory_space<hbm>>
    %dma_wait3A_212 = arith.constant 0 : i32
    %dma_wait3A_213 = tpu.memref_slice %arg10[%dma_wait3A_207, %dma_wait3A_212] : memref<4x128xi32, #tpu.memory_space<vmem>> -> memref<1x128xi32, #tpu.memory_space<vmem>>
    %dma_wait3A_214 = tpu.memref_squeeze %dma_wait3A_213 : memref<1x128xi32, #tpu.memory_space<vmem>> -> memref<128xi32, #tpu.memory_space<vmem>>
    %dma_wait3A_215 = tpu.memref_slice %arg4[%add3A_93] : memref<16384xi32, #tpu.memory_space<hbm>> -> memref<128xi32, #tpu.memory_space<hbm>>
    tpu.wait_dma2 semaphore(%arg19 : memref<!tpu.dma_semaphore, #tpu.memory_space<semaphore_mem>>) src(%dma_wait3A_215 : memref<128xi32, #tpu.memory_space<hbm>>) dst(%dma_wait3A_214 : memref<128xi32, #tpu.memory_space<vmem>>)
    %dma_wait3A_216 = arith.constant 3 : i32
    %dma_wait3A_217 = arith.constant 0 : i32
    %dma_wait3A_218 = tpu.memref_slice %arg8[%dma_wait3A_216, %dma_wait3A_217] : memref<4x128xi32, #tpu.memory_space<vmem>> -> memref<1x128xi32, #tpu.memory_space<vmem>>
    %dma_wait3A_219 = tpu.memref_squeeze %dma_wait3A_218 : memref<1x128xi32, #tpu.memory_space<vmem>> -> memref<128xi32, #tpu.memory_space<vmem>>
    %dma_wait3A_220 = tpu.memref_slice %arg2[%add3A_104] : memref<16384xi32, #tpu.memory_space<hbm>> -> memref<128xi32, #tpu.memory_space<hbm>>
    %dma_wait3A_221 = arith.constant 0 : i32
    %dma_wait3A_222 = tpu.memref_slice %arg8[%dma_wait3A_216, %dma_wait3A_221] : memref<4x128xi32, #tpu.memory_space<vmem>> -> memref<1x128xi32, #tpu.memory_space<vmem>>
    %dma_wait3A_223 = tpu.memref_squeeze %dma_wait3A_222 : memref<1x128xi32, #tpu.memory_space<vmem>> -> memref<128xi32, #tpu.memory_space<vmem>>
    %dma_wait3A_224 = tpu.memref_slice %arg2[%add3A_104] : memref<16384xi32, #tpu.memory_space<hbm>> -> memref<128xi32, #tpu.memory_space<hbm>>
    tpu.wait_dma2 semaphore(%arg19 : memref<!tpu.dma_semaphore, #tpu.memory_space<semaphore_mem>>) src(%dma_wait3A_224 : memref<128xi32, #tpu.memory_space<hbm>>) dst(%dma_wait3A_223 : memref<128xi32, #tpu.memory_space<vmem>>)
    %dma_wait3A_225 = arith.constant 3 : i32
    %dma_wait3A_226 = arith.constant 0 : i32
    %dma_wait3A_227 = tpu.memref_slice %arg9[%dma_wait3A_225, %dma_wait3A_226] : memref<4x128xi32, #tpu.memory_space<vmem>> -> memref<1x128xi32, #tpu.memory_space<vmem>>
    %dma_wait3A_228 = tpu.memref_squeeze %dma_wait3A_227 : memref<1x128xi32, #tpu.memory_space<vmem>> -> memref<128xi32, #tpu.memory_space<vmem>>
    %dma_wait3A_229 = tpu.memref_slice %arg3[%add3A_115] : memref<16384xi32, #tpu.memory_space<hbm>> -> memref<128xi32, #tpu.memory_space<hbm>>
    %dma_wait3A_230 = arith.constant 0 : i32
    %dma_wait3A_231 = tpu.memref_slice %arg9[%dma_wait3A_225, %dma_wait3A_230] : memref<4x128xi32, #tpu.memory_space<vmem>> -> memref<1x128xi32, #tpu.memory_space<vmem>>
    %dma_wait3A_232 = tpu.memref_squeeze %dma_wait3A_231 : memref<1x128xi32, #tpu.memory_space<vmem>> -> memref<128xi32, #tpu.memory_space<vmem>>
    %dma_wait3A_233 = tpu.memref_slice %arg3[%add3A_115] : memref<16384xi32, #tpu.memory_space<hbm>> -> memref<128xi32, #tpu.memory_space<hbm>>
    tpu.wait_dma2 semaphore(%arg19 : memref<!tpu.dma_semaphore, #tpu.memory_space<semaphore_mem>>) src(%dma_wait3A_233 : memref<128xi32, #tpu.memory_space<hbm>>) dst(%dma_wait3A_232 : memref<128xi32, #tpu.memory_space<vmem>>)
    %dma_wait3A_234 = arith.constant 3 : i32
    %dma_wait3A_235 = arith.constant 0 : i32
    %dma_wait3A_236 = tpu.memref_slice %arg10[%dma_wait3A_234, %dma_wait3A_235] : memref<4x128xi32, #tpu.memory_space<vmem>> -> memref<1x128xi32, #tpu.memory_space<vmem>>
    %dma_wait3A_237 = tpu.memref_squeeze %dma_wait3A_236 : memref<1x128xi32, #tpu.memory_space<vmem>> -> memref<128xi32, #tpu.memory_space<vmem>>
    %dma_wait3A_238 = tpu.memref_slice %arg4[%add3A_126] : memref<16384xi32, #tpu.memory_space<hbm>> -> memref<128xi32, #tpu.memory_space<hbm>>
    %dma_wait3A_239 = arith.constant 0 : i32
    %dma_wait3A_240 = tpu.memref_slice %arg10[%dma_wait3A_234, %dma_wait3A_239] : memref<4x128xi32, #tpu.memory_space<vmem>> -> memref<1x128xi32, #tpu.memory_space<vmem>>
    %dma_wait3A_241 = tpu.memref_squeeze %dma_wait3A_240 : memref<1x128xi32, #tpu.memory_space<vmem>> -> memref<128xi32, #tpu.memory_space<vmem>>
    %dma_wait3A_242 = tpu.memref_slice %arg4[%add3A_126] : memref<16384xi32, #tpu.memory_space<hbm>> -> memref<128xi32, #tpu.memory_space<hbm>>
    tpu.wait_dma2 semaphore(%arg19 : memref<!tpu.dma_semaphore, #tpu.memory_space<semaphore_mem>>) src(%dma_wait3A_242 : memref<128xi32, #tpu.memory_space<hbm>>) dst(%dma_wait3A_241 : memref<128xi32, #tpu.memory_space<vmem>>)
    %barrier3A = arith.constant 0 : index
    tpu.barrier barrier_id(%barrier3A)
    %dma_start3A_243 = arith.constant 0 : i32
    %dma_start3A_244 = arith.constant 0 : i32
    %dma_start3A_245 = tpu.memref_slice %arg9[%dma_start3A_243, %dma_start3A_244] : memref<4x128xi32, #tpu.memory_space<vmem>> -> memref<1x128xi32, #tpu.memory_space<vmem>>
    %dma_start3A_246 = tpu.memref_squeeze %dma_start3A_245 : memref<1x128xi32, #tpu.memory_space<vmem>> -> memref<128xi32, #tpu.memory_space<vmem>>
    %dma_start3A_247 = arith.constant 0 : i32
    %dma_start3A_248 = arith.constant 0 : i32
    %dma_start3A_249 = tpu.memref_slice %arg18[%dma_start3A_247, %dma_start3A_248] : memref<500x128xf32, #tpu.memory_space<vmem_shared>> -> memref<500x128xf32, #tpu.memory_space<vmem_shared>>
    tpu.enqueue_indirect_dma source(%dma_start3A_249 : memref<500x128xf32, #tpu.memory_space<vmem_shared>>) target(%arg11 : memref<128x128xf32, #tpu.memory_space<vmem>>) offsets(%dma_start3A_246 : memref<128xi32, #tpu.memory_space<vmem>>) semaphore(%arg20 : memref<!tpu.dma_semaphore, #tpu.memory_space<semaphore_mem>>)
    %dma_start3A_250 = arith.constant 0 : i32
    %dma_start3A_251 = arith.constant 0 : i32
    %dma_start3A_252 = tpu.memref_slice %arg10[%dma_start3A_250, %dma_start3A_251] : memref<4x128xi32, #tpu.memory_space<vmem>> -> memref<1x128xi32, #tpu.memory_space<vmem>>
    %dma_start3A_253 = tpu.memref_squeeze %dma_start3A_252 : memref<1x128xi32, #tpu.memory_space<vmem>> -> memref<128xi32, #tpu.memory_space<vmem>>
    %dma_start3A_254 = arith.constant 0 : i32
    %dma_start3A_255 = arith.constant 0 : i32
    %dma_start3A_256 = tpu.memref_slice %arg5[%dma_start3A_254, %dma_start3A_255] : memref<100000x128xf32, #tpu.memory_space<hbm>> -> memref<100000x128xf32, #tpu.memory_space<hbm>>
    tpu.enqueue_indirect_dma source(%dma_start3A_256 : memref<100000x128xf32, #tpu.memory_space<hbm>>) target(%arg14 : memref<128x128xf32, #tpu.memory_space<vmem>>) offsets(%dma_start3A_253 : memref<128xi32, #tpu.memory_space<vmem>>) semaphore(%arg22 : memref<!tpu.dma_semaphore, #tpu.memory_space<semaphore_mem>>)
    %dma_start3A_257 = arith.constant 1 : i32
    %dma_start3A_258 = arith.constant 0 : i32
    %dma_start3A_259 = tpu.memref_slice %arg9[%dma_start3A_257, %dma_start3A_258] : memref<4x128xi32, #tpu.memory_space<vmem>> -> memref<1x128xi32, #tpu.memory_space<vmem>>
    %dma_start3A_260 = tpu.memref_squeeze %dma_start3A_259 : memref<1x128xi32, #tpu.memory_space<vmem>> -> memref<128xi32, #tpu.memory_space<vmem>>
    %dma_start3A_261 = arith.constant 0 : i32
    %dma_start3A_262 = arith.constant 0 : i32
    %dma_start3A_263 = tpu.memref_slice %arg18[%dma_start3A_261, %dma_start3A_262] : memref<500x128xf32, #tpu.memory_space<vmem_shared>> -> memref<500x128xf32, #tpu.memory_space<vmem_shared>>
    tpu.enqueue_indirect_dma source(%dma_start3A_263 : memref<500x128xf32, #tpu.memory_space<vmem_shared>>) target(%arg12 : memref<128x128xf32, #tpu.memory_space<vmem>>) offsets(%dma_start3A_260 : memref<128xi32, #tpu.memory_space<vmem>>) semaphore(%arg20 : memref<!tpu.dma_semaphore, #tpu.memory_space<semaphore_mem>>)
    %dma_start3A_264 = arith.constant 1 : i32
    %dma_start3A_265 = arith.constant 0 : i32
    %dma_start3A_266 = tpu.memref_slice %arg10[%dma_start3A_264, %dma_start3A_265] : memref<4x128xi32, #tpu.memory_space<vmem>> -> memref<1x128xi32, #tpu.memory_space<vmem>>
    %dma_start3A_267 = tpu.memref_squeeze %dma_start3A_266 : memref<1x128xi32, #tpu.memory_space<vmem>> -> memref<128xi32, #tpu.memory_space<vmem>>
    %dma_start3A_268 = arith.constant 0 : i32
    %dma_start3A_269 = arith.constant 0 : i32
    %dma_start3A_270 = tpu.memref_slice %arg5[%dma_start3A_268, %dma_start3A_269] : memref<100000x128xf32, #tpu.memory_space<hbm>> -> memref<100000x128xf32, #tpu.memory_space<hbm>>
    tpu.enqueue_indirect_dma source(%dma_start3A_270 : memref<100000x128xf32, #tpu.memory_space<hbm>>) target(%arg15 : memref<128x128xf32, #tpu.memory_space<vmem>>) offsets(%dma_start3A_267 : memref<128xi32, #tpu.memory_space<vmem>>) semaphore(%arg23 : memref<!tpu.dma_semaphore, #tpu.memory_space<semaphore_mem>>)
    %dma_wait3A_271 = arith.constant 0 : i32
    %dma_wait3A_272 = arith.constant 0 : i32
    %dma_wait3A_273 = tpu.memref_slice %arg9[%dma_wait3A_271, %dma_wait3A_272] : memref<4x128xi32, #tpu.memory_space<vmem>> -> memref<1x128xi32, #tpu.memory_space<vmem>>
    %dma_wait3A_274 = tpu.memref_squeeze %dma_wait3A_273 : memref<1x128xi32, #tpu.memory_space<vmem>> -> memref<128xi32, #tpu.memory_space<vmem>>
    %dma_wait3A_275 = arith.constant 0 : i32
    %dma_wait3A_276 = arith.constant 0 : i32
    %dma_wait3A_277 = tpu.memref_slice %arg18[%dma_wait3A_275, %dma_wait3A_276] : memref<500x128xf32, #tpu.memory_space<vmem_shared>> -> memref<500x128xf32, #tpu.memory_space<vmem_shared>>
    tpu.wait_indirect_dma semaphore(%arg20 : memref<!tpu.dma_semaphore, #tpu.memory_space<semaphore_mem>>) src(%dma_wait3A_277 : memref<500x128xf32, #tpu.memory_space<vmem_shared>>) dst(%arg11 : memref<128x128xf32, #tpu.memory_space<vmem>>)
    %dma_start3A_278 = arith.constant 0 : i32
    %dma_start3A_279 = arith.constant 0 : i32
    %dma_start3A_280 = tpu.memref_slice %arg8[%dma_start3A_278, %dma_start3A_279] : memref<4x128xi32, #tpu.memory_space<vmem>> -> memref<1x128xi32, #tpu.memory_space<vmem>>
    %dma_start3A_281 = tpu.memref_squeeze %dma_start3A_280 : memref<1x128xi32, #tpu.memory_space<vmem>> -> memref<128xi32, #tpu.memory_space<vmem>>
    %dma_start3A_282 = arith.constant 0 : i32
    %dma_start3A_283 = arith.constant 0 : i32
    %dma_start3A_284 = tpu.memref_slice %arg5[%dma_start3A_282, %dma_start3A_283] : memref<100000x128xf32, #tpu.memory_space<hbm>> -> memref<100000x128xf32, #tpu.memory_space<hbm>>
    tpu.enqueue_indirect_dma source(%dma_start3A_284 : memref<100000x128xf32, #tpu.memory_space<hbm>>) target(%arg11 : memref<128x128xf32, #tpu.memory_space<vmem>>) offsets(%dma_start3A_281 : memref<128xi32, #tpu.memory_space<vmem>>) semaphore(%arg21 : memref<!tpu.dma_semaphore, #tpu.memory_space<semaphore_mem>>) {add = true}
    %dma_wait3A_285 = arith.constant 0 : i32
    %dma_wait3A_286 = arith.constant 0 : i32
    %dma_wait3A_287 = tpu.memref_slice %arg8[%dma_wait3A_285, %dma_wait3A_286] : memref<4x128xi32, #tpu.memory_space<vmem>> -> memref<1x128xi32, #tpu.memory_space<vmem>>
    %dma_wait3A_288 = tpu.memref_squeeze %dma_wait3A_287 : memref<1x128xi32, #tpu.memory_space<vmem>> -> memref<128xi32, #tpu.memory_space<vmem>>
    %dma_wait3A_289 = arith.constant 0 : i32
    %dma_wait3A_290 = arith.constant 0 : i32
    %dma_wait3A_291 = tpu.memref_slice %arg5[%dma_wait3A_289, %dma_wait3A_290] : memref<100000x128xf32, #tpu.memory_space<hbm>> -> memref<100000x128xf32, #tpu.memory_space<hbm>>
    tpu.wait_indirect_dma semaphore(%arg21 : memref<!tpu.dma_semaphore, #tpu.memory_space<semaphore_mem>>) src(%dma_wait3A_291 : memref<100000x128xf32, #tpu.memory_space<hbm>>) dst(%arg11 : memref<128x128xf32, #tpu.memory_space<vmem>>)
    %dma_wait3A_292 = arith.constant 0 : i32
    %dma_wait3A_293 = arith.constant 0 : i32
    %dma_wait3A_294 = tpu.memref_slice %arg10[%dma_wait3A_292, %dma_wait3A_293] : memref<4x128xi32, #tpu.memory_space<vmem>> -> memref<1x128xi32, #tpu.memory_space<vmem>>
    %dma_wait3A_295 = tpu.memref_squeeze %dma_wait3A_294 : memref<1x128xi32, #tpu.memory_space<vmem>> -> memref<128xi32, #tpu.memory_space<vmem>>
    %dma_wait3A_296 = arith.constant 0 : i32
    %dma_wait3A_297 = arith.constant 0 : i32
    %dma_wait3A_298 = tpu.memref_slice %arg5[%dma_wait3A_296, %dma_wait3A_297] : memref<100000x128xf32, #tpu.memory_space<hbm>> -> memref<100000x128xf32, #tpu.memory_space<hbm>>
    tpu.wait_indirect_dma semaphore(%arg22 : memref<!tpu.dma_semaphore, #tpu.memory_space<semaphore_mem>>) src(%dma_wait3A_298 : memref<100000x128xf32, #tpu.memory_space<hbm>>) dst(%arg14 : memref<128x128xf32, #tpu.memory_space<vmem>>)
    %dma_wait3A_299 = arith.constant 1 : i32
    %dma_wait3A_300 = arith.constant 0 : i32
    %dma_wait3A_301 = tpu.memref_slice %arg9[%dma_wait3A_299, %dma_wait3A_300] : memref<4x128xi32, #tpu.memory_space<vmem>> -> memref<1x128xi32, #tpu.memory_space<vmem>>
    %dma_wait3A_302 = tpu.memref_squeeze %dma_wait3A_301 : memref<1x128xi32, #tpu.memory_space<vmem>> -> memref<128xi32, #tpu.memory_space<vmem>>
    %dma_wait3A_303 = arith.constant 0 : i32
    %dma_wait3A_304 = arith.constant 0 : i32
    %dma_wait3A_305 = tpu.memref_slice %arg18[%dma_wait3A_303, %dma_wait3A_304] : memref<500x128xf32, #tpu.memory_space<vmem_shared>> -> memref<500x128xf32, #tpu.memory_space<vmem_shared>>
    tpu.wait_indirect_dma semaphore(%arg20 : memref<!tpu.dma_semaphore, #tpu.memory_space<semaphore_mem>>) src(%dma_wait3A_305 : memref<500x128xf32, #tpu.memory_space<vmem_shared>>) dst(%arg12 : memref<128x128xf32, #tpu.memory_space<vmem>>)
    %dma_start3A_306 = arith.constant 1 : i32
    %dma_start3A_307 = arith.constant 0 : i32
    %dma_start3A_308 = tpu.memref_slice %arg8[%dma_start3A_306, %dma_start3A_307] : memref<4x128xi32, #tpu.memory_space<vmem>> -> memref<1x128xi32, #tpu.memory_space<vmem>>
    %dma_start3A_309 = tpu.memref_squeeze %dma_start3A_308 : memref<1x128xi32, #tpu.memory_space<vmem>> -> memref<128xi32, #tpu.memory_space<vmem>>
    %dma_start3A_310 = arith.constant 0 : i32
    %dma_start3A_311 = arith.constant 0 : i32
    %dma_start3A_312 = tpu.memref_slice %arg5[%dma_start3A_310, %dma_start3A_311] : memref<100000x128xf32, #tpu.memory_space<hbm>> -> memref<100000x128xf32, #tpu.memory_space<hbm>>
    tpu.enqueue_indirect_dma source(%dma_start3A_312 : memref<100000x128xf32, #tpu.memory_space<hbm>>) target(%arg12 : memref<128x128xf32, #tpu.memory_space<vmem>>) offsets(%dma_start3A_309 : memref<128xi32, #tpu.memory_space<vmem>>) semaphore(%arg21 : memref<!tpu.dma_semaphore, #tpu.memory_space<semaphore_mem>>) {add = true}
    %dma_start3A_313 = arith.constant 2 : i32
    %dma_start3A_314 = arith.constant 0 : i32
    %dma_start3A_315 = tpu.memref_slice %arg9[%dma_start3A_313, %dma_start3A_314] : memref<4x128xi32, #tpu.memory_space<vmem>> -> memref<1x128xi32, #tpu.memory_space<vmem>>
    %dma_start3A_316 = tpu.memref_squeeze %dma_start3A_315 : memref<1x128xi32, #tpu.memory_space<vmem>> -> memref<128xi32, #tpu.memory_space<vmem>>
    %dma_start3A_317 = arith.constant 0 : i32
    %dma_start3A_318 = arith.constant 0 : i32
    %dma_start3A_319 = tpu.memref_slice %arg18[%dma_start3A_317, %dma_start3A_318] : memref<500x128xf32, #tpu.memory_space<vmem_shared>> -> memref<500x128xf32, #tpu.memory_space<vmem_shared>>
    tpu.enqueue_indirect_dma source(%dma_start3A_319 : memref<500x128xf32, #tpu.memory_space<vmem_shared>>) target(%arg13 : memref<128x128xf32, #tpu.memory_space<vmem>>) offsets(%dma_start3A_316 : memref<128xi32, #tpu.memory_space<vmem>>) semaphore(%arg20 : memref<!tpu.dma_semaphore, #tpu.memory_space<semaphore_mem>>)
    %dma_start3A_320 = arith.constant 2 : i32
    %dma_start3A_321 = arith.constant 0 : i32
    %dma_start3A_322 = tpu.memref_slice %arg10[%dma_start3A_320, %dma_start3A_321] : memref<4x128xi32, #tpu.memory_space<vmem>> -> memref<1x128xi32, #tpu.memory_space<vmem>>
    %dma_start3A_323 = tpu.memref_squeeze %dma_start3A_322 : memref<1x128xi32, #tpu.memory_space<vmem>> -> memref<128xi32, #tpu.memory_space<vmem>>
    %dma_start3A_324 = arith.constant 0 : i32
    %dma_start3A_325 = arith.constant 0 : i32
    %dma_start3A_326 = tpu.memref_slice %arg5[%dma_start3A_324, %dma_start3A_325] : memref<100000x128xf32, #tpu.memory_space<hbm>> -> memref<100000x128xf32, #tpu.memory_space<hbm>>
    tpu.enqueue_indirect_dma source(%dma_start3A_326 : memref<100000x128xf32, #tpu.memory_space<hbm>>) target(%arg16 : memref<128x128xf32, #tpu.memory_space<vmem>>) offsets(%dma_start3A_323 : memref<128xi32, #tpu.memory_space<vmem>>) semaphore(%arg24 : memref<!tpu.dma_semaphore, #tpu.memory_space<semaphore_mem>>)
    %broadcast_in_dim3A = arith.constant 0.000000e+00 : f32
    %broadcast_in_dim3A_327 = vector.broadcast %broadcast_in_dim3A : f32 to vector<16xf32>
    %scan3A = arith.constant 0 : i32
    %scan3A_328 = arith.constant 16 : i32
    %scan3A_329 = arith.addi %scan3A, %scan3A_328 : i32
    %scan3A_330 = arith.constant 1 : i32
    %scan3A_331 = scf.for %scan3A_441 = %scan3A to %scan3A_329 step %scan3A_330 iter_args(%scan3A_442 = %broadcast_in_dim3A_327) -> (vector<16xf32>)  : i32 {
      %xor3A = arith.constant 8 : i32
      %xor3A_443 = vector.broadcast %xor3A : i32 to vector<16xi32>
      %xor3A_444 = arith.xori %iota3A, %xor3A_443 : vector<16xi32>
      %mul3A_445 = arith.constant 8 : i32
      %mul3A_446 = arith.muli %scan3A_441, %mul3A_445 : i32
      %add3A_447 = arith.constant 0 : i32
      %add3A_448 = arith.addi %mul3A_446, %add3A_447 : i32
      %broadcast_in_dim3A_449 = arith.constant 0.000000e+00 : f32
      %broadcast_in_dim3A_450 = vector.broadcast %broadcast_in_dim3A_449 : f32 to vector<16xf32>
      %get3A = arith.index_cast %add3A_448 : i32 to index
      %get3A_451 = arith.constant 0 : index
      %get3A_452 = tpu.vector_load %arg11[%get3A, %get3A_451] {strides = array<i32>} : memref<128x128xf32, #tpu.memory_space<vmem>>, vector<16xf32>,
      %get3A_453 = arith.index_cast %add3A_448 : i32 to index
      %get3A_454 = arith.constant 0 : index
      %get3A_455 = tpu.vector_load %arg14[%get3A_453, %get3A_454] {strides = array<i32>} : memref<128x128xf32, #tpu.memory_space<vmem>>, vector<16xf32>,
      %sub3A = arith.subf %get3A_452, %get3A_455 : vector<16xf32>
      %mul3A_456 = arith.mulf %sub3A, %sub3A : vector<16xf32>
      %add3A_457 = arith.addf %broadcast_in_dim3A_450, %mul3A_456 : vector<16xf32>
      %get3A_458 = arith.index_cast %add3A_448 : i32 to index
      %get3A_459 = arith.constant 16 : index
      %get3A_460 = tpu.vector_load %arg11[%get3A_458, %get3A_459] {strides = array<i32>} : memref<128x128xf32, #tpu.memory_space<vmem>>, vector<16xf32>,
      %get3A_461 = arith.index_cast %add3A_448 : i32 to index
      %get3A_462 = arith.constant 16 : index
      %get3A_463 = tpu.vector_load %arg14[%get3A_461, %get3A_462] {strides = array<i32>} : memref<128x128xf32, #tpu.memory_space<vmem>>, vector<16xf32>,
      %sub3A_464 = arith.subf %get3A_460, %get3A_463 : vector<16xf32>
      %mul3A_465 = arith.mulf %sub3A_464, %sub3A_464 : vector<16xf32>
      %add3A_466 = arith.addf %add3A_457, %mul3A_465 : vector<16xf32>
      %get3A_467 = arith.index_cast %add3A_448 : i32 to index
      %get3A_468 = arith.constant 32 : index
      %get3A_469 = tpu.vector_load %arg11[%get3A_467, %get3A_468] {strides = array<i32>} : memref<128x128xf32, #tpu.memory_space<vmem>>, vector<16xf32>,
      %get3A_470 = arith.index_cast %add3A_448 : i32 to index
      %get3A_471 = arith.constant 32 : index
      %get3A_472 = tpu.vector_load %arg14[%get3A_470, %get3A_471] {strides = array<i32>} : memref<128x128xf32, #tpu.memory_space<vmem>>, vector<16xf32>,
      %sub3A_473 = arith.subf %get3A_469, %get3A_472 : vector<16xf32>
      %mul3A_474 = arith.mulf %sub3A_473, %sub3A_473 : vector<16xf32>
      %add3A_475 = arith.addf %add3A_466, %mul3A_474 : vector<16xf32>
      %get3A_476 = arith.index_cast %add3A_448 : i32 to index
      %get3A_477 = arith.constant 48 : index
      %get3A_478 = tpu.vector_load %arg11[%get3A_476, %get3A_477] {strides = array<i32>} : memref<128x128xf32, #tpu.memory_space<vmem>>, vector<16xf32>,
      %get3A_479 = arith.index_cast %add3A_448 : i32 to index
      %get3A_480 = arith.constant 48 : index
      %get3A_481 = tpu.vector_load %arg14[%get3A_479, %get3A_480] {strides = array<i32>} : memref<128x128xf32, #tpu.memory_space<vmem>>, vector<16xf32>,
      %sub3A_482 = arith.subf %get3A_478, %get3A_481 : vector<16xf32>
      %mul3A_483 = arith.mulf %sub3A_482, %sub3A_482 : vector<16xf32>
      %add3A_484 = arith.addf %add3A_475, %mul3A_483 : vector<16xf32>
      %get3A_485 = arith.index_cast %add3A_448 : i32 to index
      %get3A_486 = arith.constant 64 : index
      %get3A_487 = tpu.vector_load %arg11[%get3A_485, %get3A_486] {strides = array<i32>} : memref<128x128xf32, #tpu.memory_space<vmem>>, vector<16xf32>,
      %get3A_488 = arith.index_cast %add3A_448 : i32 to index
      %get3A_489 = arith.constant 64 : index
      %get3A_490 = tpu.vector_load %arg14[%get3A_488, %get3A_489] {strides = array<i32>} : memref<128x128xf32, #tpu.memory_space<vmem>>, vector<16xf32>,
      %sub3A_491 = arith.subf %get3A_487, %get3A_490 : vector<16xf32>
      %mul3A_492 = arith.mulf %sub3A_491, %sub3A_491 : vector<16xf32>
      %add3A_493 = arith.addf %add3A_484, %mul3A_492 : vector<16xf32>
      %get3A_494 = arith.index_cast %add3A_448 : i32 to index
      %get3A_495 = arith.constant 80 : index
      %get3A_496 = tpu.vector_load %arg11[%get3A_494, %get3A_495] {strides = array<i32>} : memref<128x128xf32, #tpu.memory_space<vmem>>, vector<16xf32>,
      %get3A_497 = arith.index_cast %add3A_448 : i32 to index
      %get3A_498 = arith.constant 80 : index
      %get3A_499 = tpu.vector_load %arg14[%get3A_497, %get3A_498] {strides = array<i32>} : memref<128x128xf32, #tpu.memory_space<vmem>>, vector<16xf32>,
      %sub3A_500 = arith.subf %get3A_496, %get3A_499 : vector<16xf32>
      %mul3A_501 = arith.mulf %sub3A_500, %sub3A_500 : vector<16xf32>
      %add3A_502 = arith.addf %add3A_493, %mul3A_501 : vector<16xf32>
      %get3A_503 = arith.index_cast %add3A_448 : i32 to index
      %get3A_504 = arith.constant 96 : index
      %get3A_505 = tpu.vector_load %arg11[%get3A_503, %get3A_504] {strides = array<i32>} : memref<128x128xf32, #tpu.memory_space<vmem>>, vector<16xf32>,
      %get3A_506 = arith.index_cast %add3A_448 : i32 to index
      %get3A_507 = arith.constant 96 : index
      %get3A_508 = tpu.vector_load %arg14[%get3A_506, %get3A_507] {strides = array<i32>} : memref<128x128xf32, #tpu.memory_space<vmem>>, vector<16xf32>,
      %sub3A_509 = arith.subf %get3A_505, %get3A_508 : vector<16xf32>
      %mul3A_510 = arith.mulf %sub3A_509, %sub3A_509 : vector<16xf32>
      %add3A_511 = arith.addf %add3A_502, %mul3A_510 : vector<16xf32>
      %get3A_512 = arith.index_cast %add3A_448 : i32 to index
      %get3A_513 = arith.constant 112 : index
      %get3A_514 = tpu.vector_load %arg11[%get3A_512, %get3A_513] {strides = array<i32>} : memref<128x128xf32, #tpu.memory_space<vmem>>, vector<16xf32>,
      %get3A_515 = arith.index_cast %add3A_448 : i32 to index
      %get3A_516 = arith.constant 112 : index
      %get3A_517 = tpu.vector_load %arg14[%get3A_515, %get3A_516] {strides = array<i32>} : memref<128x128xf32, #tpu.memory_space<vmem>>, vector<16xf32>,
      %sub3A_518 = arith.subf %get3A_514, %get3A_517 : vector<16xf32>
      %mul3A_519 = arith.mulf %sub3A_518, %sub3A_518 : vector<16xf32>
      %add3A_520 = arith.addf %add3A_511, %mul3A_519 : vector<16xf32>
      %lt3A = arith.constant 0 : i32
      %lt3A_521 = vector.broadcast %lt3A : i32 to vector<16xi32>
      %lt3A_522 = arith.cmpi slt, %xor3A_444, %lt3A_521 : vector<16xi32>
      %add3A_523 = arith.constant 16 : i32
      %add3A_524 = vector.broadcast %add3A_523 : i32 to vector<16xi32>
      %add3A_525 = arith.addi %xor3A_444, %add3A_524 : vector<16xi32>
      %select_n3A = arith.select %lt3A_522, %add3A_525, %xor3A_444 : vector<16xi1>, vector<16xi32>
      %reshape3A = vector.shape_cast %select_n3A : vector<16xi32> to vector<16x1xi32>
      %gather3A = vector.shape_cast %reshape3A : vector<16x1xi32> to vector<16xi32>
      %gather3A_526 = tpu.dynamic_gather %add3A_520[%gather3A] in [0] : vector<16xf32>, vector<16xi32> -> vector<16xf32>
      %add3A_527 = arith.addf %add3A_520, %gather3A_526 : vector<16xf32>
      %mul3A_528 = arith.constant 8 : i32
      %mul3A_529 = arith.muli %scan3A_441, %mul3A_528 : i32
      %add3A_530 = arith.constant 1 : i32
      %add3A_531 = arith.addi %mul3A_529, %add3A_530 : i32
      %broadcast_in_dim3A_532 = arith.constant 0.000000e+00 : f32
      %broadcast_in_dim3A_533 = vector.broadcast %broadcast_in_dim3A_532 : f32 to vector<16xf32>
      %get3A_534 = arith.index_cast %add3A_531 : i32 to index
      %get3A_535 = arith.constant 0 : index
      %get3A_536 = tpu.vector_load %arg11[%get3A_534, %get3A_535] {strides = array<i32>} : memref<128x128xf32, #tpu.memory_space<vmem>>, vector<16xf32>,
      %get3A_537 = arith.index_cast %add3A_531 : i32 to index
      %get3A_538 = arith.constant 0 : index
      %get3A_539 = tpu.vector_load %arg14[%get3A_537, %get3A_538] {strides = array<i32>} : memref<128x128xf32, #tpu.memory_space<vmem>>, vector<16xf32>,
      %sub3A_540 = arith.subf %get3A_536, %get3A_539 : vector<16xf32>
      %mul3A_541 = arith.mulf %sub3A_540, %sub3A_540 : vector<16xf32>
      %add3A_542 = arith.addf %broadcast_in_dim3A_533, %mul3A_541 : vector<16xf32>
      %get3A_543 = arith.index_cast %add3A_531 : i32 to index
      %get3A_544 = arith.constant 16 : index
      %get3A_545 = tpu.vector_load %arg11[%get3A_543, %get3A_544] {strides = array<i32>} : memref<128x128xf32, #tpu.memory_space<vmem>>, vector<16xf32>,
      %get3A_546 = arith.index_cast %add3A_531 : i32 to index
      %get3A_547 = arith.constant 16 : index
      %get3A_548 = tpu.vector_load %arg14[%get3A_546, %get3A_547] {strides = array<i32>} : memref<128x128xf32, #tpu.memory_space<vmem>>, vector<16xf32>,
      %sub3A_549 = arith.subf %get3A_545, %get3A_548 : vector<16xf32>
      %mul3A_550 = arith.mulf %sub3A_549, %sub3A_549 : vector<16xf32>
      %add3A_551 = arith.addf %add3A_542, %mul3A_550 : vector<16xf32>
      %get3A_552 = arith.index_cast %add3A_531 : i32 to index
      %get3A_553 = arith.constant 32 : index
      %get3A_554 = tpu.vector_load %arg11[%get3A_552, %get3A_553] {strides = array<i32>} : memref<128x128xf32, #tpu.memory_space<vmem>>, vector<16xf32>,
      %get3A_555 = arith.index_cast %add3A_531 : i32 to index
      %get3A_556 = arith.constant 32 : index
      %get3A_557 = tpu.vector_load %arg14[%get3A_555, %get3A_556] {strides = array<i32>} : memref<128x128xf32, #tpu.memory_space<vmem>>, vector<16xf32>,
      %sub3A_558 = arith.subf %get3A_554, %get3A_557 : vector<16xf32>
      %mul3A_559 = arith.mulf %sub3A_558, %sub3A_558 : vector<16xf32>
      %add3A_560 = arith.addf %add3A_551, %mul3A_559 : vector<16xf32>
      %get3A_561 = arith.index_cast %add3A_531 : i32 to index
      %get3A_562 = arith.constant 48 : index
      %get3A_563 = tpu.vector_load %arg11[%get3A_561, %get3A_562] {strides = array<i32>} : memref<128x128xf32, #tpu.memory_space<vmem>>, vector<16xf32>,
      %get3A_564 = arith.index_cast %add3A_531 : i32 to index
      %get3A_565 = arith.constant 48 : index
      %get3A_566 = tpu.vector_load %arg14[%get3A_564, %get3A_565] {strides = array<i32>} : memref<128x128xf32, #tpu.memory_space<vmem>>, vector<16xf32>,
      %sub3A_567 = arith.subf %get3A_563, %get3A_566 : vector<16xf32>
      %mul3A_568 = arith.mulf %sub3A_567, %sub3A_567 : vector<16xf32>
      %add3A_569 = arith.addf %add3A_560, %mul3A_568 : vector<16xf32>
      %get3A_570 = arith.index_cast %add3A_531 : i32 to index
      %get3A_571 = arith.constant 64 : index
      %get3A_572 = tpu.vector_load %arg11[%get3A_570, %get3A_571] {strides = array<i32>} : memref<128x128xf32, #tpu.memory_space<vmem>>, vector<16xf32>,
      %get3A_573 = arith.index_cast %add3A_531 : i32 to index
      %get3A_574 = arith.constant 64 : index
      %get3A_575 = tpu.vector_load %arg14[%get3A_573, %get3A_574] {strides = array<i32>} : memref<128x128xf32, #tpu.memory_space<vmem>>, vector<16xf32>,
      %sub3A_576 = arith.subf %get3A_572, %get3A_575 : vector<16xf32>
      %mul3A_577 = arith.mulf %sub3A_576, %sub3A_576 : vector<16xf32>
      %add3A_578 = arith.addf %add3A_569, %mul3A_577 : vector<16xf32>
      %get3A_579 = arith.index_cast %add3A_531 : i32 to index
      %get3A_580 = arith.constant 80 : index
      %get3A_581 = tpu.vector_load %arg11[%get3A_579, %get3A_580] {strides = array<i32>} : memref<128x128xf32, #tpu.memory_space<vmem>>, vector<16xf32>,
      %get3A_582 = arith.index_cast %add3A_531 : i32 to index
      %get3A_583 = arith.constant 80 : index
      %get3A_584 = tpu.vector_load %arg14[%get3A_582, %get3A_583] {strides = array<i32>} : memref<128x128xf32, #tpu.memory_space<vmem>>, vector<16xf32>,
      %sub3A_585 = arith.subf %get3A_581, %get3A_584 : vector<16xf32>
      %mul3A_586 = arith.mulf %sub3A_585, %sub3A_585 : vector<16xf32>
      %add3A_587 = arith.addf %add3A_578, %mul3A_586 : vector<16xf32>
      %get3A_588 = arith.index_cast %add3A_531 : i32 to index
      %get3A_589 = arith.constant 96 : index
      %get3A_590 = tpu.vector_load %arg11[%get3A_588, %get3A_589] {strides = array<i32>} : memref<128x128xf32, #tpu.memory_space<vmem>>, vector<16xf32>,
      %get3A_591 = arith.index_cast %add3A_531 : i32 to index
      %get3A_592 = arith.constant 96 : index
      %get3A_593 = tpu.vector_load %arg14[%get3A_591, %get3A_592] {strides = array<i32>} : memref<128x128xf32, #tpu.memory_space<vmem>>, vector<16xf32>,
      %sub3A_594 = arith.subf %get3A_590, %get3A_593 : vector<16xf32>
      %mul3A_595 = arith.mulf %sub3A_594, %sub3A_594 : vector<16xf32>
      %add3A_596 = arith.addf %add3A_587, %mul3A_595 : vector<16xf32>
      %get3A_597 = arith.index_cast %add3A_531 : i32 to index
      %get3A_598 = arith.constant 112 : index
      %get3A_599 = tpu.vector_load %arg11[%get3A_597, %get3A_598] {strides = array<i32>} : memref<128x128xf32, #tpu.memory_space<vmem>>, vector<16xf32>,
      %get3A_600 = arith.index_cast %add3A_531 : i32 to index
      %get3A_601 = arith.constant 112 : index
      %get3A_602 = tpu.vector_load %arg14[%get3A_600, %get3A_601] {strides = array<i32>} : memref<128x128xf32, #tpu.memory_space<vmem>>, vector<16xf32>,
      %sub3A_603 = arith.subf %get3A_599, %get3A_602 : vector<16xf32>
      %mul3A_604 = arith.mulf %sub3A_603, %sub3A_603 : vector<16xf32>
      %add3A_605 = arith.addf %add3A_596, %mul3A_604 : vector<16xf32>
      %lt3A_606 = arith.constant 0 : i32
      %lt3A_607 = vector.broadcast %lt3A_606 : i32 to vector<16xi32>
      %lt3A_608 = arith.cmpi slt, %xor3A_444, %lt3A_607 : vector<16xi32>
      %add3A_609 = arith.constant 16 : i32
      %add3A_610 = vector.broadcast %add3A_609 : i32 to vector<16xi32>
      %add3A_611 = arith.addi %xor3A_444, %add3A_610 : vector<16xi32>
      %select_n3A_612 = arith.select %lt3A_608, %add3A_611, %xor3A_444 : vector<16xi1>, vector<16xi32>
      %reshape3A_613 = vector.shape_cast %select_n3A_612 : vector<16xi32> to vector<16x1xi32>
      %gather3A_614 = vector.shape_cast %reshape3A_613 : vector<16x1xi32> to vector<16xi32>
      %gather3A_615 = tpu.dynamic_gather %add3A_605[%gather3A_614] in [0] : vector<16xf32>, vector<16xi32> -> vector<16xf32>
      %add3A_616 = arith.addf %add3A_605, %gather3A_615 : vector<16xf32>
      %mul3A_617 = arith.constant 8 : i32
      %mul3A_618 = arith.muli %scan3A_441, %mul3A_617 : i32
      %add3A_619 = arith.constant 2 : i32
      %add3A_620 = arith.addi %mul3A_618, %add3A_619 : i32
      %broadcast_in_dim3A_621 = arith.constant 0.000000e+00 : f32
      %broadcast_in_dim3A_622 = vector.broadcast %broadcast_in_dim3A_621 : f32 to vector<16xf32>
      %get3A_623 = arith.index_cast %add3A_620 : i32 to index
      %get3A_624 = arith.constant 0 : index
      %get3A_625 = tpu.vector_load %arg11[%get3A_623, %get3A_624] {strides = array<i32>} : memref<128x128xf32, #tpu.memory_space<vmem>>, vector<16xf32>,
      %get3A_626 = arith.index_cast %add3A_620 : i32 to index
      %get3A_627 = arith.constant 0 : index
      %get3A_628 = tpu.vector_load %arg14[%get3A_626, %get3A_627] {strides = array<i32>} : memref<128x128xf32, #tpu.memory_space<vmem>>, vector<16xf32>,
      %sub3A_629 = arith.subf %get3A_625, %get3A_628 : vector<16xf32>
      %mul3A_630 = arith.mulf %sub3A_629, %sub3A_629 : vector<16xf32>
      %add3A_631 = arith.addf %broadcast_in_dim3A_622, %mul3A_630 : vector<16xf32>
      %get3A_632 = arith.index_cast %add3A_620 : i32 to index
      %get3A_633 = arith.constant 16 : index
      %get3A_634 = tpu.vector_load %arg11[%get3A_632, %get3A_633] {strides = array<i32>} : memref<128x128xf32, #tpu.memory_space<vmem>>, vector<16xf32>,
      %get3A_635 = arith.index_cast %add3A_620 : i32 to index
      %get3A_636 = arith.constant 16 : index
      %get3A_637 = tpu.vector_load %arg14[%get3A_635, %get3A_636] {strides = array<i32>} : memref<128x128xf32, #tpu.memory_space<vmem>>, vector<16xf32>,
      %sub3A_638 = arith.subf %get3A_634, %get3A_637 : vector<16xf32>
      %mul3A_639 = arith.mulf %sub3A_638, %sub3A_638 : vector<16xf32>
      %add3A_640 = arith.addf %add3A_631, %mul3A_639 : vector<16xf32>
      %get3A_641 = arith.index_cast %add3A_620 : i32 to index
      %get3A_642 = arith.constant 32 : index
      %get3A_643 = tpu.vector_load %arg11[%get3A_641, %get3A_642] {strides = array<i32>} : memref<128x128xf32, #tpu.memory_space<vmem>>, vector<16xf32>,
      %get3A_644 = arith.index_cast %add3A_620 : i32 to index
      %get3A_645 = arith.constant 32 : index
      %get3A_646 = tpu.vector_load %arg14[%get3A_644, %get3A_645] {strides = array<i32>} : memref<128x128xf32, #tpu.memory_space<vmem>>, vector<16xf32>,
      %sub3A_647 = arith.subf %get3A_643, %get3A_646 : vector<16xf32>
      %mul3A_648 = arith.mulf %sub3A_647, %sub3A_647 : vector<16xf32>
      %add3A_649 = arith.addf %add3A_640, %mul3A_648 : vector<16xf32>
      %get3A_650 = arith.index_cast %add3A_620 : i32 to index
      %get3A_651 = arith.constant 48 : index
      %get3A_652 = tpu.vector_load %arg11[%get3A_650, %get3A_651] {strides = array<i32>} : memref<128x128xf32, #tpu.memory_space<vmem>>, vector<16xf32>,
      %get3A_653 = arith.index_cast %add3A_620 : i32 to index
      %get3A_654 = arith.constant 48 : index
      %get3A_655 = tpu.vector_load %arg14[%get3A_653, %get3A_654] {strides = array<i32>} : memref<128x128xf32, #tpu.memory_space<vmem>>, vector<16xf32>,
      %sub3A_656 = arith.subf %get3A_652, %get3A_655 : vector<16xf32>
      %mul3A_657 = arith.mulf %sub3A_656, %sub3A_656 : vector<16xf32>
      %add3A_658 = arith.addf %add3A_649, %mul3A_657 : vector<16xf32>
      %get3A_659 = arith.index_cast %add3A_620 : i32 to index
      %get3A_660 = arith.constant 64 : index
      %get3A_661 = tpu.vector_load %arg11[%get3A_659, %get3A_660] {strides = array<i32>} : memref<128x128xf32, #tpu.memory_space<vmem>>, vector<16xf32>,
      %get3A_662 = arith.index_cast %add3A_620 : i32 to index
      %get3A_663 = arith.constant 64 : index
      %get3A_664 = tpu.vector_load %arg14[%get3A_662, %get3A_663] {strides = array<i32>} : memref<128x128xf32, #tpu.memory_space<vmem>>, vector<16xf32>,
      %sub3A_665 = arith.subf %get3A_661, %get3A_664 : vector<16xf32>
      %mul3A_666 = arith.mulf %sub3A_665, %sub3A_665 : vector<16xf32>
      %add3A_667 = arith.addf %add3A_658, %mul3A_666 : vector<16xf32>
      %get3A_668 = arith.index_cast %add3A_620 : i32 to index
      %get3A_669 = arith.constant 80 : index
      %get3A_670 = tpu.vector_load %arg11[%get3A_668, %get3A_669] {strides = array<i32>} : memref<128x128xf32, #tpu.memory_space<vmem>>, vector<16xf32>,
      %get3A_671 = arith.index_cast %add3A_620 : i32 to index
      %get3A_672 = arith.constant 80 : index
      %get3A_673 = tpu.vector_load %arg14[%get3A_671, %get3A_672] {strides = array<i32>} : memref<128x128xf32, #tpu.memory_space<vmem>>, vector<16xf32>,
      %sub3A_674 = arith.subf %get3A_670, %get3A_673 : vector<16xf32>
      %mul3A_675 = arith.mulf %sub3A_674, %sub3A_674 : vector<16xf32>
      %add3A_676 = arith.addf %add3A_667, %mul3A_675 : vector<16xf32>
      %get3A_677 = arith.index_cast %add3A_620 : i32 to index
      %get3A_678 = arith.constant 96 : index
      %get3A_679 = tpu.vector_load %arg11[%get3A_677, %get3A_678] {strides = array<i32>} : memref<128x128xf32, #tpu.memory_space<vmem>>, vector<16xf32>,
      %get3A_680 = arith.index_cast %add3A_620 : i32 to index
      %get3A_681 = arith.constant 96 : index
      %get3A_682 = tpu.vector_load %arg14[%get3A_680, %get3A_681] {strides = array<i32>} : memref<128x128xf32, #tpu.memory_space<vmem>>, vector<16xf32>,
      %sub3A_683 = arith.subf %get3A_679, %get3A_682 : vector<16xf32>
      %mul3A_684 = arith.mulf %sub3A_683, %sub3A_683 : vector<16xf32>
      %add3A_685 = arith.addf %add3A_676, %mul3A_684 : vector<16xf32>
      %get3A_686 = arith.index_cast %add3A_620 : i32 to index
      %get3A_687 = arith.constant 112 : index
      %get3A_688 = tpu.vector_load %arg11[%get3A_686, %get3A_687] {strides = array<i32>} : memref<128x128xf32, #tpu.memory_space<vmem>>, vector<16xf32>,
      %get3A_689 = arith.index_cast %add3A_620 : i32 to index
      %get3A_690 = arith.constant 112 : index
      %get3A_691 = tpu.vector_load %arg14[%get3A_689, %get3A_690] {strides = array<i32>} : memref<128x128xf32, #tpu.memory_space<vmem>>, vector<16xf32>,
      %sub3A_692 = arith.subf %get3A_688, %get3A_691 : vector<16xf32>
      %mul3A_693 = arith.mulf %sub3A_692, %sub3A_692 : vector<16xf32>
      %add3A_694 = arith.addf %add3A_685, %mul3A_693 : vector<16xf32>
      %lt3A_695 = arith.constant 0 : i32
      %lt3A_696 = vector.broadcast %lt3A_695 : i32 to vector<16xi32>
      %lt3A_697 = arith.cmpi slt, %xor3A_444, %lt3A_696 : vector<16xi32>
      %add3A_698 = arith.constant 16 : i32
      %add3A_699 = vector.broadcast %add3A_698 : i32 to vector<16xi32>
      %add3A_700 = arith.addi %xor3A_444, %add3A_699 : vector<16xi32>
      %select_n3A_701 = arith.select %lt3A_697, %add3A_700, %xor3A_444 : vector<16xi1>, vector<16xi32>
      %reshape3A_702 = vector.shape_cast %select_n3A_701 : vector<16xi32> to vector<16x1xi32>
      %gather3A_703 = vector.shape_cast %reshape3A_702 : vector<16x1xi32> to vector<16xi32>
      %gather3A_704 = tpu.dynamic_gather %add3A_694[%gather3A_703] in [0] : vector<16xf32>, vector<16xi32> -> vector<16xf32>
      %add3A_705 = arith.addf %add3A_694, %gather3A_704 : vector<16xf32>
      %mul3A_706 = arith.constant 8 : i32
      %mul3A_707 = arith.muli %scan3A_441, %mul3A_706 : i32
      %add3A_708 = arith.constant 3 : i32
      %add3A_709 = arith.addi %mul3A_707, %add3A_708 : i32
      %broadcast_in_dim3A_710 = arith.constant 0.000000e+00 : f32
      %broadcast_in_dim3A_711 = vector.broadcast %broadcast_in_dim3A_710 : f32 to vector<16xf32>
      %get3A_712 = arith.index_cast %add3A_709 : i32 to index
      %get3A_713 = arith.constant 0 : index
      %get3A_714 = tpu.vector_load %arg11[%get3A_712, %get3A_713] {strides = array<i32>} : memref<128x128xf32, #tpu.memory_space<vmem>>, vector<16xf32>,
      %get3A_715 = arith.index_cast %add3A_709 : i32 to index
      %get3A_716 = arith.constant 0 : index
      %get3A_717 = tpu.vector_load %arg14[%get3A_715, %get3A_716] {strides = array<i32>} : memref<128x128xf32, #tpu.memory_space<vmem>>, vector<16xf32>,
      %sub3A_718 = arith.subf %get3A_714, %get3A_717 : vector<16xf32>
      %mul3A_719 = arith.mulf %sub3A_718, %sub3A_718 : vector<16xf32>
      %add3A_720 = arith.addf %broadcast_in_dim3A_711, %mul3A_719 : vector<16xf32>
      %get3A_721 = arith.index_cast %add3A_709 : i32 to index
      %get3A_722 = arith.constant 16 : index
      %get3A_723 = tpu.vector_load %arg11[%get3A_721, %get3A_722] {strides = array<i32>} : memref<128x128xf32, #tpu.memory_space<vmem>>, vector<16xf32>,
      %get3A_724 = arith.index_cast %add3A_709 : i32 to index
      %get3A_725 = arith.constant 16 : index
      %get3A_726 = tpu.vector_load %arg14[%get3A_724, %get3A_725] {strides = array<i32>} : memref<128x128xf32, #tpu.memory_space<vmem>>, vector<16xf32>,
      %sub3A_727 = arith.subf %get3A_723, %get3A_726 : vector<16xf32>
      %mul3A_728 = arith.mulf %sub3A_727, %sub3A_727 : vector<16xf32>
      %add3A_729 = arith.addf %add3A_720, %mul3A_728 : vector<16xf32>
      %get3A_730 = arith.index_cast %add3A_709 : i32 to index
      %get3A_731 = arith.constant 32 : index
      %get3A_732 = tpu.vector_load %arg11[%get3A_730, %get3A_731] {strides = array<i32>} : memref<128x128xf32, #tpu.memory_space<vmem>>, vector<16xf32>,
      %get3A_733 = arith.index_cast %add3A_709 : i32 to index
      %get3A_734 = arith.constant 32 : index
      %get3A_735 = tpu.vector_load %arg14[%get3A_733, %get3A_734] {strides = array<i32>} : memref<128x128xf32, #tpu.memory_space<vmem>>, vector<16xf32>,
      %sub3A_736 = arith.subf %get3A_732, %get3A_735 : vector<16xf32>
      %mul3A_737 = arith.mulf %sub3A_736, %sub3A_736 : vector<16xf32>
      %add3A_738 = arith.addf %add3A_729, %mul3A_737 : vector<16xf32>
      %get3A_739 = arith.index_cast %add3A_709 : i32 to index
      %get3A_740 = arith.constant 48 : index
      %get3A_741 = tpu.vector_load %arg11[%get3A_739, %get3A_740] {strides = array<i32>} : memref<128x128xf32, #tpu.memory_space<vmem>>, vector<16xf32>,
      %get3A_742 = arith.index_cast %add3A_709 : i32 to index
      %get3A_743 = arith.constant 48 : index
      %get3A_744 = tpu.vector_load %arg14[%get3A_742, %get3A_743] {strides = array<i32>} : memref<128x128xf32, #tpu.memory_space<vmem>>, vector<16xf32>,
      %sub3A_745 = arith.subf %get3A_741, %get3A_744 : vector<16xf32>
      %mul3A_746 = arith.mulf %sub3A_745, %sub3A_745 : vector<16xf32>
      %add3A_747 = arith.addf %add3A_738, %mul3A_746 : vector<16xf32>
      %get3A_748 = arith.index_cast %add3A_709 : i32 to index
      %get3A_749 = arith.constant 64 : index
      %get3A_750 = tpu.vector_load %arg11[%get3A_748, %get3A_749] {strides = array<i32>} : memref<128x128xf32, #tpu.memory_space<vmem>>, vector<16xf32>,
      %get3A_751 = arith.index_cast %add3A_709 : i32 to index
      %get3A_752 = arith.constant 64 : index
      %get3A_753 = tpu.vector_load %arg14[%get3A_751, %get3A_752] {strides = array<i32>} : memref<128x128xf32, #tpu.memory_space<vmem>>, vector<16xf32>,
      %sub3A_754 = arith.subf %get3A_750, %get3A_753 : vector<16xf32>
      %mul3A_755 = arith.mulf %sub3A_754, %sub3A_754 : vector<16xf32>
      %add3A_756 = arith.addf %add3A_747, %mul3A_755 : vector<16xf32>
      %get3A_757 = arith.index_cast %add3A_709 : i32 to index
      %get3A_758 = arith.constant 80 : index
      %get3A_759 = tpu.vector_load %arg11[%get3A_757, %get3A_758] {strides = array<i32>} : memref<128x128xf32, #tpu.memory_space<vmem>>, vector<16xf32>,
      %get3A_760 = arith.index_cast %add3A_709 : i32 to index
      %get3A_761 = arith.constant 80 : index
      %get3A_762 = tpu.vector_load %arg14[%get3A_760, %get3A_761] {strides = array<i32>} : memref<128x128xf32, #tpu.memory_space<vmem>>, vector<16xf32>,
      %sub3A_763 = arith.subf %get3A_759, %get3A_762 : vector<16xf32>
      %mul3A_764 = arith.mulf %sub3A_763, %sub3A_763 : vector<16xf32>
      %add3A_765 = arith.addf %add3A_756, %mul3A_764 : vector<16xf32>
      %get3A_766 = arith.index_cast %add3A_709 : i32 to index
      %get3A_767 = arith.constant 96 : index
      %get3A_768 = tpu.vector_load %arg11[%get3A_766, %get3A_767] {strides = array<i32>} : memref<128x128xf32, #tpu.memory_space<vmem>>, vector<16xf32>,
      %get3A_769 = arith.index_cast %add3A_709 : i32 to index
      %get3A_770 = arith.constant 96 : index
      %get3A_771 = tpu.vector_load %arg14[%get3A_769, %get3A_770] {strides = array<i32>} : memref<128x128xf32, #tpu.memory_space<vmem>>, vector<16xf32>,
      %sub3A_772 = arith.subf %get3A_768, %get3A_771 : vector<16xf32>
      %mul3A_773 = arith.mulf %sub3A_772, %sub3A_772 : vector<16xf32>
      %add3A_774 = arith.addf %add3A_765, %mul3A_773 : vector<16xf32>
      %get3A_775 = arith.index_cast %add3A_709 : i32 to index
      %get3A_776 = arith.constant 112 : index
      %get3A_777 = tpu.vector_load %arg11[%get3A_775, %get3A_776] {strides = array<i32>} : memref<128x128xf32, #tpu.memory_space<vmem>>, vector<16xf32>,
      %get3A_778 = arith.index_cast %add3A_709 : i32 to index
      %get3A_779 = arith.constant 112 : index
      %get3A_780 = tpu.vector_load %arg14[%get3A_778, %get3A_779] {strides = array<i32>} : memref<128x128xf32, #tpu.memory_space<vmem>>, vector<16xf32>,
      %sub3A_781 = arith.subf %get3A_777, %get3A_780 : vector<16xf32>
      %mul3A_782 = arith.mulf %sub3A_781, %sub3A_781 : vector<16xf32>
      %add3A_783 = arith.addf %add3A_774, %mul3A_782 : vector<16xf32>
      %lt3A_784 = arith.constant 0 : i32
      %lt3A_785 = vector.broadcast %lt3A_784 : i32 to vector<16xi32>
      %lt3A_786 = arith.cmpi slt, %xor3A_444, %lt3A_785 : vector<16xi32>
      %add3A_787 = arith.constant 16 : i32
      %add3A_788 = vector.broadcast %add3A_787 : i32 to vector<16xi32>
      %add3A_789 = arith.addi %xor3A_444, %add3A_788 : vector<16xi32>
      %select_n3A_790 = arith.select %lt3A_786, %add3A_789, %xor3A_444 : vector<16xi1>, vector<16xi32>
      %reshape3A_791 = vector.shape_cast %select_n3A_790 : vector<16xi32> to vector<16x1xi32>
      %gather3A_792 = vector.shape_cast %reshape3A_791 : vector<16x1xi32> to vector<16xi32>
      %gather3A_793 = tpu.dynamic_gather %add3A_783[%gather3A_792] in [0] : vector<16xf32>, vector<16xi32> -> vector<16xf32>
      %add3A_794 = arith.addf %add3A_783, %gather3A_793 : vector<16xf32>
      %mul3A_795 = arith.constant 8 : i32
      %mul3A_796 = arith.muli %scan3A_441, %mul3A_795 : i32
      %add3A_797 = arith.constant 4 : i32
      %add3A_798 = arith.addi %mul3A_796, %add3A_797 : i32
      %broadcast_in_dim3A_799 = arith.constant 0.000000e+00 : f32
      %broadcast_in_dim3A_800 = vector.broadcast %broadcast_in_dim3A_799 : f32 to vector<16xf32>
      %get3A_801 = arith.index_cast %add3A_798 : i32 to index
      %get3A_802 = arith.constant 0 : index
      %get3A_803 = tpu.vector_load %arg11[%get3A_801, %get3A_802] {strides = array<i32>} : memref<128x128xf32, #tpu.memory_space<vmem>>, vector<16xf32>,
      %get3A_804 = arith.index_cast %add3A_798 : i32 to index
      %get3A_805 = arith.constant 0 : index
      %get3A_806 = tpu.vector_load %arg14[%get3A_804, %get3A_805] {strides = array<i32>} : memref<128x128xf32, #tpu.memory_space<vmem>>, vector<16xf32>,
      %sub3A_807 = arith.subf %get3A_803, %get3A_806 : vector<16xf32>
      %mul3A_808 = arith.mulf %sub3A_807, %sub3A_807 : vector<16xf32>
      %add3A_809 = arith.addf %broadcast_in_dim3A_800, %mul3A_808 : vector<16xf32>
      %get3A_810 = arith.index_cast %add3A_798 : i32 to index
      %get3A_811 = arith.constant 16 : index
      %get3A_812 = tpu.vector_load %arg11[%get3A_810, %get3A_811] {strides = array<i32>} : memref<128x128xf32, #tpu.memory_space<vmem>>, vector<16xf32>,
      %get3A_813 = arith.index_cast %add3A_798 : i32 to index
      %get3A_814 = arith.constant 16 : index
      %get3A_815 = tpu.vector_load %arg14[%get3A_813, %get3A_814] {strides = array<i32>} : memref<128x128xf32, #tpu.memory_space<vmem>>, vector<16xf32>,
      %sub3A_816 = arith.subf %get3A_812, %get3A_815 : vector<16xf32>
      %mul3A_817 = arith.mulf %sub3A_816, %sub3A_816 : vector<16xf32>
      %add3A_818 = arith.addf %add3A_809, %mul3A_817 : vector<16xf32>
      %get3A_819 = arith.index_cast %add3A_798 : i32 to index
      %get3A_820 = arith.constant 32 : index
      %get3A_821 = tpu.vector_load %arg11[%get3A_819, %get3A_820] {strides = array<i32>} : memref<128x128xf32, #tpu.memory_space<vmem>>, vector<16xf32>,
      %get3A_822 = arith.index_cast %add3A_798 : i32 to index
      %get3A_823 = arith.constant 32 : index
      %get3A_824 = tpu.vector_load %arg14[%get3A_822, %get3A_823] {strides = array<i32>} : memref<128x128xf32, #tpu.memory_space<vmem>>, vector<16xf32>,
      %sub3A_825 = arith.subf %get3A_821, %get3A_824 : vector<16xf32>
      %mul3A_826 = arith.mulf %sub3A_825, %sub3A_825 : vector<16xf32>
      %add3A_827 = arith.addf %add3A_818, %mul3A_826 : vector<16xf32>
      %get3A_828 = arith.index_cast %add3A_798 : i32 to index
      %get3A_829 = arith.constant 48 : index
      %get3A_830 = tpu.vector_load %arg11[%get3A_828, %get3A_829] {strides = array<i32>} : memref<128x128xf32, #tpu.memory_space<vmem>>, vector<16xf32>,
      %get3A_831 = arith.index_cast %add3A_798 : i32 to index
      %get3A_832 = arith.constant 48 : index
      %get3A_833 = tpu.vector_load %arg14[%get3A_831, %get3A_832] {strides = array<i32>} : memref<128x128xf32, #tpu.memory_space<vmem>>, vector<16xf32>,
      %sub3A_834 = arith.subf %get3A_830, %get3A_833 : vector<16xf32>
      %mul3A_835 = arith.mulf %sub3A_834, %sub3A_834 : vector<16xf32>
      %add3A_836 = arith.addf %add3A_827, %mul3A_835 : vector<16xf32>
      %get3A_837 = arith.index_cast %add3A_798 : i32 to index
      %get3A_838 = arith.constant 64 : index
      %get3A_839 = tpu.vector_load %arg11[%get3A_837, %get3A_838] {strides = array<i32>} : memref<128x128xf32, #tpu.memory_space<vmem>>, vector<16xf32>,
      %get3A_840 = arith.index_cast %add3A_798 : i32 to index
      %get3A_841 = arith.constant 64 : index
      %get3A_842 = tpu.vector_load %arg14[%get3A_840, %get3A_841] {strides = array<i32>} : memref<128x128xf32, #tpu.memory_space<vmem>>, vector<16xf32>,
      %sub3A_843 = arith.subf %get3A_839, %get3A_842 : vector<16xf32>
      %mul3A_844 = arith.mulf %sub3A_843, %sub3A_843 : vector<16xf32>
      %add3A_845 = arith.addf %add3A_836, %mul3A_844 : vector<16xf32>
      %get3A_846 = arith.index_cast %add3A_798 : i32 to index
      %get3A_847 = arith.constant 80 : index
      %get3A_848 = tpu.vector_load %arg11[%get3A_846, %get3A_847] {strides = array<i32>} : memref<128x128xf32, #tpu.memory_space<vmem>>, vector<16xf32>,
      %get3A_849 = arith.index_cast %add3A_798 : i32 to index
      %get3A_850 = arith.constant 80 : index
      %get3A_851 = tpu.vector_load %arg14[%get3A_849, %get3A_850] {strides = array<i32>} : memref<128x128xf32, #tpu.memory_space<vmem>>, vector<16xf32>,
      %sub3A_852 = arith.subf %get3A_848, %get3A_851 : vector<16xf32>
      %mul3A_853 = arith.mulf %sub3A_852, %sub3A_852 : vector<16xf32>
      %add3A_854 = arith.addf %add3A_845, %mul3A_853 : vector<16xf32>
      %get3A_855 = arith.index_cast %add3A_798 : i32 to index
      %get3A_856 = arith.constant 96 : index
      %get3A_857 = tpu.vector_load %arg11[%get3A_855, %get3A_856] {strides = array<i32>} : memref<128x128xf32, #tpu.memory_space<vmem>>, vector<16xf32>,
      %get3A_858 = arith.index_cast %add3A_798 : i32 to index
      %get3A_859 = arith.constant 96 : index
      %get3A_860 = tpu.vector_load %arg14[%get3A_858, %get3A_859] {strides = array<i32>} : memref<128x128xf32, #tpu.memory_space<vmem>>, vector<16xf32>,
      %sub3A_861 = arith.subf %get3A_857, %get3A_860 : vector<16xf32>
      %mul3A_862 = arith.mulf %sub3A_861, %sub3A_861 : vector<16xf32>
      %add3A_863 = arith.addf %add3A_854, %mul3A_862 : vector<16xf32>
      %get3A_864 = arith.index_cast %add3A_798 : i32 to index
      %get3A_865 = arith.constant 112 : index
      %get3A_866 = tpu.vector_load %arg11[%get3A_864, %get3A_865] {strides = array<i32>} : memref<128x128xf32, #tpu.memory_space<vmem>>, vector<16xf32>,
      %get3A_867 = arith.index_cast %add3A_798 : i32 to index
      %get3A_868 = arith.constant 112 : index
      %get3A_869 = tpu.vector_load %arg14[%get3A_867, %get3A_868] {strides = array<i32>} : memref<128x128xf32, #tpu.memory_space<vmem>>, vector<16xf32>,
      %sub3A_870 = arith.subf %get3A_866, %get3A_869 : vector<16xf32>
      %mul3A_871 = arith.mulf %sub3A_870, %sub3A_870 : vector<16xf32>
      %add3A_872 = arith.addf %add3A_863, %mul3A_871 : vector<16xf32>
      %lt3A_873 = arith.constant 0 : i32
      %lt3A_874 = vector.broadcast %lt3A_873 : i32 to vector<16xi32>
      %lt3A_875 = arith.cmpi slt, %xor3A_444, %lt3A_874 : vector<16xi32>
      %add3A_876 = arith.constant 16 : i32
      %add3A_877 = vector.broadcast %add3A_876 : i32 to vector<16xi32>
      %add3A_878 = arith.addi %xor3A_444, %add3A_877 : vector<16xi32>
      %select_n3A_879 = arith.select %lt3A_875, %add3A_878, %xor3A_444 : vector<16xi1>, vector<16xi32>
      %reshape3A_880 = vector.shape_cast %select_n3A_879 : vector<16xi32> to vector<16x1xi32>
      %gather3A_881 = vector.shape_cast %reshape3A_880 : vector<16x1xi32> to vector<16xi32>
      %gather3A_882 = tpu.dynamic_gather %add3A_872[%gather3A_881] in [0] : vector<16xf32>, vector<16xi32> -> vector<16xf32>
      %add3A_883 = arith.addf %add3A_872, %gather3A_882 : vector<16xf32>
      %mul3A_884 = arith.constant 8 : i32
      %mul3A_885 = arith.muli %scan3A_441, %mul3A_884 : i32
      %add3A_886 = arith.constant 5 : i32
      %add3A_887 = arith.addi %mul3A_885, %add3A_886 : i32
      %broadcast_in_dim3A_888 = arith.constant 0.000000e+00 : f32
      %broadcast_in_dim3A_889 = vector.broadcast %broadcast_in_dim3A_888 : f32 to vector<16xf32>
      %get3A_890 = arith.index_cast %add3A_887 : i32 to index
      %get3A_891 = arith.constant 0 : index
      %get3A_892 = tpu.vector_load %arg11[%get3A_890, %get3A_891] {strides = array<i32>} : memref<128x128xf32, #tpu.memory_space<vmem>>, vector<16xf32>,
      %get3A_893 = arith.index_cast %add3A_887 : i32 to index
      %get3A_894 = arith.constant 0 : index
      %get3A_895 = tpu.vector_load %arg14[%get3A_893, %get3A_894] {strides = array<i32>} : memref<128x128xf32, #tpu.memory_space<vmem>>, vector<16xf32>,
      %sub3A_896 = arith.subf %get3A_892, %get3A_895 : vector<16xf32>
      %mul3A_897 = arith.mulf %sub3A_896, %sub3A_896 : vector<16xf32>
      %add3A_898 = arith.addf %broadcast_in_dim3A_889, %mul3A_897 : vector<16xf32>
      %get3A_899 = arith.index_cast %add3A_887 : i32 to index
      %get3A_900 = arith.constant 16 : index
      %get3A_901 = tpu.vector_load %arg11[%get3A_899, %get3A_900] {strides = array<i32>} : memref<128x128xf32, #tpu.memory_space<vmem>>, vector<16xf32>,
      %get3A_902 = arith.index_cast %add3A_887 : i32 to index
      %get3A_903 = arith.constant 16 : index
      %get3A_904 = tpu.vector_load %arg14[%get3A_902, %get3A_903] {strides = array<i32>} : memref<128x128xf32, #tpu.memory_space<vmem>>, vector<16xf32>,
      %sub3A_905 = arith.subf %get3A_901, %get3A_904 : vector<16xf32>
      %mul3A_906 = arith.mulf %sub3A_905, %sub3A_905 : vector<16xf32>
      %add3A_907 = arith.addf %add3A_898, %mul3A_906 : vector<16xf32>
      %get3A_908 = arith.index_cast %add3A_887 : i32 to index
      %get3A_909 = arith.constant 32 : index
      %get3A_910 = tpu.vector_load %arg11[%get3A_908, %get3A_909] {strides = array<i32>} : memref<128x128xf32, #tpu.memory_space<vmem>>, vector<16xf32>,
      %get3A_911 = arith.index_cast %add3A_887 : i32 to index
      %get3A_912 = arith.constant 32 : index
      %get3A_913 = tpu.vector_load %arg14[%get3A_911, %get3A_912] {strides = array<i32>} : memref<128x128xf32, #tpu.memory_space<vmem>>, vector<16xf32>,
      %sub3A_914 = arith.subf %get3A_910, %get3A_913 : vector<16xf32>
      %mul3A_915 = arith.mulf %sub3A_914, %sub3A_914 : vector<16xf32>
      %add3A_916 = arith.addf %add3A_907, %mul3A_915 : vector<16xf32>
      %get3A_917 = arith.index_cast %add3A_887 : i32 to index
      %get3A_918 = arith.constant 48 : index
      %get3A_919 = tpu.vector_load %arg11[%get3A_917, %get3A_918] {strides = array<i32>} : memref<128x128xf32, #tpu.memory_space<vmem>>, vector<16xf32>,
      %get3A_920 = arith.index_cast %add3A_887 : i32 to index
      %get3A_921 = arith.constant 48 : index
      %get3A_922 = tpu.vector_load %arg14[%get3A_920, %get3A_921] {strides = array<i32>} : memref<128x128xf32, #tpu.memory_space<vmem>>, vector<16xf32>,
      %sub3A_923 = arith.subf %get3A_919, %get3A_922 : vector<16xf32>
      %mul3A_924 = arith.mulf %sub3A_923, %sub3A_923 : vector<16xf32>
      %add3A_925 = arith.addf %add3A_916, %mul3A_924 : vector<16xf32>
      %get3A_926 = arith.index_cast %add3A_887 : i32 to index
      %get3A_927 = arith.constant 64 : index
      %get3A_928 = tpu.vector_load %arg11[%get3A_926, %get3A_927] {strides = array<i32>} : memref<128x128xf32, #tpu.memory_space<vmem>>, vector<16xf32>,
      %get3A_929 = arith.index_cast %add3A_887 : i32 to index
      %get3A_930 = arith.constant 64 : index
      %get3A_931 = tpu.vector_load %arg14[%get3A_929, %get3A_930] {strides = array<i32>} : memref<128x128xf32, #tpu.memory_space<vmem>>, vector<16xf32>,
      %sub3A_932 = arith.subf %get3A_928, %get3A_931 : vector<16xf32>
      %mul3A_933 = arith.mulf %sub3A_932, %sub3A_932 : vector<16xf32>
      %add3A_934 = arith.addf %add3A_925, %mul3A_933 : vector<16xf32>
      %get3A_935 = arith.index_cast %add3A_887 : i32 to index
      %get3A_936 = arith.constant 80 : index
      %get3A_937 = tpu.vector_load %arg11[%get3A_935, %get3A_936] {strides = array<i32>} : memref<128x128xf32, #tpu.memory_space<vmem>>, vector<16xf32>,
      %get3A_938 = arith.index_cast %add3A_887 : i32 to index
      %get3A_939 = arith.constant 80 : index
      %get3A_940 = tpu.vector_load %arg14[%get3A_938, %get3A_939] {strides = array<i32>} : memref<128x128xf32, #tpu.memory_space<vmem>>, vector<16xf32>,
      %sub3A_941 = arith.subf %get3A_937, %get3A_940 : vector<16xf32>
      %mul3A_942 = arith.mulf %sub3A_941, %sub3A_941 : vector<16xf32>
      %add3A_943 = arith.addf %add3A_934, %mul3A_942 : vector<16xf32>
      %get3A_944 = arith.index_cast %add3A_887 : i32 to index
      %get3A_945 = arith.constant 96 : index
      %get3A_946 = tpu.vector_load %arg11[%get3A_944, %get3A_945] {strides = array<i32>} : memref<128x128xf32, #tpu.memory_space<vmem>>, vector<16xf32>,
      %get3A_947 = arith.index_cast %add3A_887 : i32 to index
      %get3A_948 = arith.constant 96 : index
      %get3A_949 = tpu.vector_load %arg14[%get3A_947, %get3A_948] {strides = array<i32>} : memref<128x128xf32, #tpu.memory_space<vmem>>, vector<16xf32>,
      %sub3A_950 = arith.subf %get3A_946, %get3A_949 : vector<16xf32>
      %mul3A_951 = arith.mulf %sub3A_950, %sub3A_950 : vector<16xf32>
      %add3A_952 = arith.addf %add3A_943, %mul3A_951 : vector<16xf32>
      %get3A_953 = arith.index_cast %add3A_887 : i32 to index
      %get3A_954 = arith.constant 112 : index
      %get3A_955 = tpu.vector_load %arg11[%get3A_953, %get3A_954] {strides = array<i32>} : memref<128x128xf32, #tpu.memory_space<vmem>>, vector<16xf32>,
      %get3A_956 = arith.index_cast %add3A_887 : i32 to index
      %get3A_957 = arith.constant 112 : index
      %get3A_958 = tpu.vector_load %arg14[%get3A_956, %get3A_957] {strides = array<i32>} : memref<128x128xf32, #tpu.memory_space<vmem>>, vector<16xf32>,
      %sub3A_959 = arith.subf %get3A_955, %get3A_958 : vector<16xf32>
      %mul3A_960 = arith.mulf %sub3A_959, %sub3A_959 : vector<16xf32>
      %add3A_961 = arith.addf %add3A_952, %mul3A_960 : vector<16xf32>
      %lt3A_962 = arith.constant 0 : i32
      %lt3A_963 = vector.broadcast %lt3A_962 : i32 to vector<16xi32>
      %lt3A_964 = arith.cmpi slt, %xor3A_444, %lt3A_963 : vector<16xi32>
      %add3A_965 = arith.constant 16 : i32
      %add3A_966 = vector.broadcast %add3A_965 : i32 to vector<16xi32>
      %add3A_967 = arith.addi %xor3A_444, %add3A_966 : vector<16xi32>
      %select_n3A_968 = arith.select %lt3A_964, %add3A_967, %xor3A_444 : vector<16xi1>, vector<16xi32>
      %reshape3A_969 = vector.shape_cast %select_n3A_968 : vector<16xi32> to vector<16x1xi32>
      %gather3A_970 = vector.shape_cast %reshape3A_969 : vector<16x1xi32> to vector<16xi32>
      %gather3A_971 = tpu.dynamic_gather %add3A_961[%gather3A_970] in [0] : vector<16xf32>, vector<16xi32> -> vector<16xf32>
      %add3A_972 = arith.addf %add3A_961, %gather3A_971 : vector<16xf32>
      %mul3A_973 = arith.constant 8 : i32
      %mul3A_974 = arith.muli %scan3A_441, %mul3A_973 : i32
      %add3A_975 = arith.constant 6 : i32
      %add3A_976 = arith.addi %mul3A_974, %add3A_975 : i32
      %broadcast_in_dim3A_977 = arith.constant 0.000000e+00 : f32
      %broadcast_in_dim3A_978 = vector.broadcast %broadcast_in_dim3A_977 : f32 to vector<16xf32>
      %get3A_979 = arith.index_cast %add3A_976 : i32 to index
      %get3A_980 = arith.constant 0 : index
      %get3A_981 = tpu.vector_load %arg11[%get3A_979, %get3A_980] {strides = array<i32>} : memref<128x128xf32, #tpu.memory_space<vmem>>, vector<16xf32>,
      %get3A_982 = arith.index_cast %add3A_976 : i32 to index
      %get3A_983 = arith.constant 0 : index
      %get3A_984 = tpu.vector_load %arg14[%get3A_982, %get3A_983] {strides = array<i32>} : memref<128x128xf32, #tpu.memory_space<vmem>>, vector<16xf32>,
      %sub3A_985 = arith.subf %get3A_981, %get3A_984 : vector<16xf32>
      %mul3A_986 = arith.mulf %sub3A_985, %sub3A_985 : vector<16xf32>
      %add3A_987 = arith.addf %broadcast_in_dim3A_978, %mul3A_986 : vector<16xf32>
      %get3A_988 = arith.index_cast %add3A_976 : i32 to index
      %get3A_989 = arith.constant 16 : index
      %get3A_990 = tpu.vector_load %arg11[%get3A_988, %get3A_989] {strides = array<i32>} : memref<128x128xf32, #tpu.memory_space<vmem>>, vector<16xf32>,
      %get3A_991 = arith.index_cast %add3A_976 : i32 to index
      %get3A_992 = arith.constant 16 : index
      %get3A_993 = tpu.vector_load %arg14[%get3A_991, %get3A_992] {strides = array<i32>} : memref<128x128xf32, #tpu.memory_space<vmem>>, vector<16xf32>,
      %sub3A_994 = arith.subf %get3A_990, %get3A_993 : vector<16xf32>
      %mul3A_995 = arith.mulf %sub3A_994, %sub3A_994 : vector<16xf32>
      %add3A_996 = arith.addf %add3A_987, %mul3A_995 : vector<16xf32>
      %get3A_997 = arith.index_cast %add3A_976 : i32 to index
      %get3A_998 = arith.constant 32 : index
      %get3A_999 = tpu.vector_load %arg11[%get3A_997, %get3A_998] {strides = array<i32>} : memref<128x128xf32, #tpu.memory_space<vmem>>, vector<16xf32>,
      %get3A_1000 = arith.index_cast %add3A_976 : i32 to index
      %get3A_1001 = arith.constant 32 : index
      %get3A_1002 = tpu.vector_load %arg14[%get3A_1000, %get3A_1001] {strides = array<i32>} : memref<128x128xf32, #tpu.memory_space<vmem>>, vector<16xf32>,
      %sub3A_1003 = arith.subf %get3A_999, %get3A_1002 : vector<16xf32>
      %mul3A_1004 = arith.mulf %sub3A_1003, %sub3A_1003 : vector<16xf32>
      %add3A_1005 = arith.addf %add3A_996, %mul3A_1004 : vector<16xf32>
      %get3A_1006 = arith.index_cast %add3A_976 : i32 to index
      %get3A_1007 = arith.constant 48 : index
      %get3A_1008 = tpu.vector_load %arg11[%get3A_1006, %get3A_1007] {strides = array<i32>} : memref<128x128xf32, #tpu.memory_space<vmem>>, vector<16xf32>,
      %get3A_1009 = arith.index_cast %add3A_976 : i32 to index
      %get3A_1010 = arith.constant 48 : index
      %get3A_1011 = tpu.vector_load %arg14[%get3A_1009, %get3A_1010] {strides = array<i32>} : memref<128x128xf32, #tpu.memory_space<vmem>>, vector<16xf32>,
      %sub3A_1012 = arith.subf %get3A_1008, %get3A_1011 : vector<16xf32>
      %mul3A_1013 = arith.mulf %sub3A_1012, %sub3A_1012 : vector<16xf32>
      %add3A_1014 = arith.addf %add3A_1005, %mul3A_1013 : vector<16xf32>
      %get3A_1015 = arith.index_cast %add3A_976 : i32 to index
      %get3A_1016 = arith.constant 64 : index
      %get3A_1017 = tpu.vector_load %arg11[%get3A_1015, %get3A_1016] {strides = array<i32>} : memref<128x128xf32, #tpu.memory_space<vmem>>, vector<16xf32>,
      %get3A_1018 = arith.index_cast %add3A_976 : i32 to index
      %get3A_1019 = arith.constant 64 : index
      %get3A_1020 = tpu.vector_load %arg14[%get3A_1018, %get3A_1019] {strides = array<i32>} : memref<128x128xf32, #tpu.memory_space<vmem>>, vector<16xf32>,
      %sub3A_1021 = arith.subf %get3A_1017, %get3A_1020 : vector<16xf32>
      %mul3A_1022 = arith.mulf %sub3A_1021, %sub3A_1021 : vector<16xf32>
      %add3A_1023 = arith.addf %add3A_1014, %mul3A_1022 : vector<16xf32>
      %get3A_1024 = arith.index_cast %add3A_976 : i32 to index
      %get3A_1025 = arith.constant 80 : index
      %get3A_1026 = tpu.vector_load %arg11[%get3A_1024, %get3A_1025] {strides = array<i32>} : memref<128x128xf32, #tpu.memory_space<vmem>>, vector<16xf32>,
      %get3A_1027 = arith.index_cast %add3A_976 : i32 to index
      %get3A_1028 = arith.constant 80 : index
      %get3A_1029 = tpu.vector_load %arg14[%get3A_1027, %get3A_1028] {strides = array<i32>} : memref<128x128xf32, #tpu.memory_space<vmem>>, vector<16xf32>,
      %sub3A_1030 = arith.subf %get3A_1026, %get3A_1029 : vector<16xf32>
      %mul3A_1031 = arith.mulf %sub3A_1030, %sub3A_1030 : vector<16xf32>
      %add3A_1032 = arith.addf %add3A_1023, %mul3A_1031 : vector<16xf32>
      %get3A_1033 = arith.index_cast %add3A_976 : i32 to index
      %get3A_1034 = arith.constant 96 : index
      %get3A_1035 = tpu.vector_load %arg11[%get3A_1033, %get3A_1034] {strides = array<i32>} : memref<128x128xf32, #tpu.memory_space<vmem>>, vector<16xf32>,
      %get3A_1036 = arith.index_cast %add3A_976 : i32 to index
      %get3A_1037 = arith.constant 96 : index
      %get3A_1038 = tpu.vector_load %arg14[%get3A_1036, %get3A_1037] {strides = array<i32>} : memref<128x128xf32, #tpu.memory_space<vmem>>, vector<16xf32>,
      %sub3A_1039 = arith.subf %get3A_1035, %get3A_1038 : vector<16xf32>
      %mul3A_1040 = arith.mulf %sub3A_1039, %sub3A_1039 : vector<16xf32>
      %add3A_1041 = arith.addf %add3A_1032, %mul3A_1040 : vector<16xf32>
      %get3A_1042 = arith.index_cast %add3A_976 : i32 to index
      %get3A_1043 = arith.constant 112 : index
      %get3A_1044 = tpu.vector_load %arg11[%get3A_1042, %get3A_1043] {strides = array<i32>} : memref<128x128xf32, #tpu.memory_space<vmem>>, vector<16xf32>,
      %get3A_1045 = arith.index_cast %add3A_976 : i32 to index
      %get3A_1046 = arith.constant 112 : index
      %get3A_1047 = tpu.vector_load %arg14[%get3A_1045, %get3A_1046] {strides = array<i32>} : memref<128x128xf32, #tpu.memory_space<vmem>>, vector<16xf32>,
      %sub3A_1048 = arith.subf %get3A_1044, %get3A_1047 : vector<16xf32>
      %mul3A_1049 = arith.mulf %sub3A_1048, %sub3A_1048 : vector<16xf32>
      %add3A_1050 = arith.addf %add3A_1041, %mul3A_1049 : vector<16xf32>
      %lt3A_1051 = arith.constant 0 : i32
      %lt3A_1052 = vector.broadcast %lt3A_1051 : i32 to vector<16xi32>
      %lt3A_1053 = arith.cmpi slt, %xor3A_444, %lt3A_1052 : vector<16xi32>
      %add3A_1054 = arith.constant 16 : i32
      %add3A_1055 = vector.broadcast %add3A_1054 : i32 to vector<16xi32>
      %add3A_1056 = arith.addi %xor3A_444, %add3A_1055 : vector<16xi32>
      %select_n3A_1057 = arith.select %lt3A_1053, %add3A_1056, %xor3A_444 : vector<16xi1>, vector<16xi32>
      %reshape3A_1058 = vector.shape_cast %select_n3A_1057 : vector<16xi32> to vector<16x1xi32>
      %gather3A_1059 = vector.shape_cast %reshape3A_1058 : vector<16x1xi32> to vector<16xi32>
      %gather3A_1060 = tpu.dynamic_gather %add3A_1050[%gather3A_1059] in [0] : vector<16xf32>, vector<16xi32> -> vector<16xf32>
      %add3A_1061 = arith.addf %add3A_1050, %gather3A_1060 : vector<16xf32>
      %mul3A_1062 = arith.constant 8 : i32
      %mul3A_1063 = arith.muli %scan3A_441, %mul3A_1062 : i32
      %add3A_1064 = arith.constant 7 : i32
      %add3A_1065 = arith.addi %mul3A_1063, %add3A_1064 : i32
      %broadcast_in_dim3A_1066 = arith.constant 0.000000e+00 : f32
      %broadcast_in_dim3A_1067 = vector.broadcast %broadcast_in_dim3A_1066 : f32 to vector<16xf32>
      %get3A_1068 = arith.index_cast %add3A_1065 : i32 to index
      %get3A_1069 = arith.constant 0 : index
      %get3A_1070 = tpu.vector_load %arg11[%get3A_1068, %get3A_1069] {strides = array<i32>} : memref<128x128xf32, #tpu.memory_space<vmem>>, vector<16xf32>,
      %get3A_1071 = arith.index_cast %add3A_1065 : i32 to index
      %get3A_1072 = arith.constant 0 : index
      %get3A_1073 = tpu.vector_load %arg14[%get3A_1071, %get3A_1072] {strides = array<i32>} : memref<128x128xf32, #tpu.memory_space<vmem>>, vector<16xf32>,
      %sub3A_1074 = arith.subf %get3A_1070, %get3A_1073 : vector<16xf32>
      %mul3A_1075 = arith.mulf %sub3A_1074, %sub3A_1074 : vector<16xf32>
      %add3A_1076 = arith.addf %broadcast_in_dim3A_1067, %mul3A_1075 : vector<16xf32>
      %get3A_1077 = arith.index_cast %add3A_1065 : i32 to index
      %get3A_1078 = arith.constant 16 : index
      %get3A_1079 = tpu.vector_load %arg11[%get3A_1077, %get3A_1078] {strides = array<i32>} : memref<128x128xf32, #tpu.memory_space<vmem>>, vector<16xf32>,
      %get3A_1080 = arith.index_cast %add3A_1065 : i32 to index
      %get3A_1081 = arith.constant 16 : index
      %get3A_1082 = tpu.vector_load %arg14[%get3A_1080, %get3A_1081] {strides = array<i32>} : memref<128x128xf32, #tpu.memory_space<vmem>>, vector<16xf32>,
      %sub3A_1083 = arith.subf %get3A_1079, %get3A_1082 : vector<16xf32>
      %mul3A_1084 = arith.mulf %sub3A_1083, %sub3A_1083 : vector<16xf32>
      %add3A_1085 = arith.addf %add3A_1076, %mul3A_1084 : vector<16xf32>
      %get3A_1086 = arith.index_cast %add3A_1065 : i32 to index
      %get3A_1087 = arith.constant 32 : index
      %get3A_1088 = tpu.vector_load %arg11[%get3A_1086, %get3A_1087] {strides = array<i32>} : memref<128x128xf32, #tpu.memory_space<vmem>>, vector<16xf32>,
      %get3A_1089 = arith.index_cast %add3A_1065 : i32 to index
      %get3A_1090 = arith.constant 32 : index
      %get3A_1091 = tpu.vector_load %arg14[%get3A_1089, %get3A_1090] {strides = array<i32>} : memref<128x128xf32, #tpu.memory_space<vmem>>, vector<16xf32>,
      %sub3A_1092 = arith.subf %get3A_1088, %get3A_1091 : vector<16xf32>
      %mul3A_1093 = arith.mulf %sub3A_1092, %sub3A_1092 : vector<16xf32>
      %add3A_1094 = arith.addf %add3A_1085, %mul3A_1093 : vector<16xf32>
      %get3A_1095 = arith.index_cast %add3A_1065 : i32 to index
      %get3A_1096 = arith.constant 48 : index
      %get3A_1097 = tpu.vector_load %arg11[%get3A_1095, %get3A_1096] {strides = array<i32>} : memref<128x128xf32, #tpu.memory_space<vmem>>, vector<16xf32>,
      %get3A_1098 = arith.index_cast %add3A_1065 : i32 to index
      %get3A_1099 = arith.constant 48 : index
      %get3A_1100 = tpu.vector_load %arg14[%get3A_1098, %get3A_1099] {strides = array<i32>} : memref<128x128xf32, #tpu.memory_space<vmem>>, vector<16xf32>,
      %sub3A_1101 = arith.subf %get3A_1097, %get3A_1100 : vector<16xf32>
      %mul3A_1102 = arith.mulf %sub3A_1101, %sub3A_1101 : vector<16xf32>
      %add3A_1103 = arith.addf %add3A_1094, %mul3A_1102 : vector<16xf32>
      %get3A_1104 = arith.index_cast %add3A_1065 : i32 to index
      %get3A_1105 = arith.constant 64 : index
      %get3A_1106 = tpu.vector_load %arg11[%get3A_1104, %get3A_1105] {strides = array<i32>} : memref<128x128xf32, #tpu.memory_space<vmem>>, vector<16xf32>,
      %get3A_1107 = arith.index_cast %add3A_1065 : i32 to index
      %get3A_1108 = arith.constant 64 : index
      %get3A_1109 = tpu.vector_load %arg14[%get3A_1107, %get3A_1108] {strides = array<i32>} : memref<128x128xf32, #tpu.memory_space<vmem>>, vector<16xf32>,
      %sub3A_1110 = arith.subf %get3A_1106, %get3A_1109 : vector<16xf32>
      %mul3A_1111 = arith.mulf %sub3A_1110, %sub3A_1110 : vector<16xf32>
      %add3A_1112 = arith.addf %add3A_1103, %mul3A_1111 : vector<16xf32>
      %get3A_1113 = arith.index_cast %add3A_1065 : i32 to index
      %get3A_1114 = arith.constant 80 : index
      %get3A_1115 = tpu.vector_load %arg11[%get3A_1113, %get3A_1114] {strides = array<i32>} : memref<128x128xf32, #tpu.memory_space<vmem>>, vector<16xf32>,
      %get3A_1116 = arith.index_cast %add3A_1065 : i32 to index
      %get3A_1117 = arith.constant 80 : index
      %get3A_1118 = tpu.vector_load %arg14[%get3A_1116, %get3A_1117] {strides = array<i32>} : memref<128x128xf32, #tpu.memory_space<vmem>>, vector<16xf32>,
      %sub3A_1119 = arith.subf %get3A_1115, %get3A_1118 : vector<16xf32>
      %mul3A_1120 = arith.mulf %sub3A_1119, %sub3A_1119 : vector<16xf32>
      %add3A_1121 = arith.addf %add3A_1112, %mul3A_1120 : vector<16xf32>
      %get3A_1122 = arith.index_cast %add3A_1065 : i32 to index
      %get3A_1123 = arith.constant 96 : index
      %get3A_1124 = tpu.vector_load %arg11[%get3A_1122, %get3A_1123] {strides = array<i32>} : memref<128x128xf32, #tpu.memory_space<vmem>>, vector<16xf32>,
      %get3A_1125 = arith.index_cast %add3A_1065 : i32 to index
      %get3A_1126 = arith.constant 96 : index
      %get3A_1127 = tpu.vector_load %arg14[%get3A_1125, %get3A_1126] {strides = array<i32>} : memref<128x128xf32, #tpu.memory_space<vmem>>, vector<16xf32>,
      %sub3A_1128 = arith.subf %get3A_1124, %get3A_1127 : vector<16xf32>
      %mul3A_1129 = arith.mulf %sub3A_1128, %sub3A_1128 : vector<16xf32>
      %add3A_1130 = arith.addf %add3A_1121, %mul3A_1129 : vector<16xf32>
      %get3A_1131 = arith.index_cast %add3A_1065 : i32 to index
      %get3A_1132 = arith.constant 112 : index
      %get3A_1133 = tpu.vector_load %arg11[%get3A_1131, %get3A_1132] {strides = array<i32>} : memref<128x128xf32, #tpu.memory_space<vmem>>, vector<16xf32>,
      %get3A_1134 = arith.index_cast %add3A_1065 : i32 to index
      %get3A_1135 = arith.constant 112 : index
      %get3A_1136 = tpu.vector_load %arg14[%get3A_1134, %get3A_1135] {strides = array<i32>} : memref<128x128xf32, #tpu.memory_space<vmem>>, vector<16xf32>,
      %sub3A_1137 = arith.subf %get3A_1133, %get3A_1136 : vector<16xf32>
      %mul3A_1138 = arith.mulf %sub3A_1137, %sub3A_1137 : vector<16xf32>
      %add3A_1139 = arith.addf %add3A_1130, %mul3A_1138 : vector<16xf32>
      %lt3A_1140 = arith.constant 0 : i32
      %lt3A_1141 = vector.broadcast %lt3A_1140 : i32 to vector<16xi32>
      %lt3A_1142 = arith.cmpi slt, %xor3A_444, %lt3A_1141 : vector<16xi32>
      %add3A_1143 = arith.constant 16 : i32
      %add3A_1144 = vector.broadcast %add3A_1143 : i32 to vector<16xi32>
      %add3A_1145 = arith.addi %xor3A_444, %add3A_1144 : vector<16xi32>
      %select_n3A_1146 = arith.select %lt3A_1142, %add3A_1145, %xor3A_444 : vector<16xi1>, vector<16xi32>
      %reshape3A_1147 = vector.shape_cast %select_n3A_1146 : vector<16xi32> to vector<16x1xi32>
      %gather3A_1148 = vector.shape_cast %reshape3A_1147 : vector<16x1xi32> to vector<16xi32>
      %gather3A_1149 = tpu.dynamic_gather %add3A_1139[%gather3A_1148] in [0] : vector<16xf32>, vector<16xi32> -> vector<16xf32>
      %add3A_1150 = arith.addf %add3A_1139, %gather3A_1149 : vector<16xf32>
      %and3A = arith.constant 4 : i32
      %and3A_1151 = vector.broadcast %and3A : i32 to vector<16xi32>
      %and3A_1152 = arith.andi %iota3A, %and3A_1151 : vector<16xi32>
      %eq3A_1153 = arith.constant 0 : i32
      %eq3A_1154 = vector.broadcast %eq3A_1153 : i32 to vector<16xi32>
      %eq3A_1155 = arith.cmpi eq, %and3A_1152, %eq3A_1154 : vector<16xi32>
      %xor3A_1156 = arith.constant 4 : i32
      %xor3A_1157 = vector.broadcast %xor3A_1156 : i32 to vector<16xi32>
      %xor3A_1158 = arith.xori %iota3A, %xor3A_1157 : vector<16xi32>
      %lt3A_1159 = arith.constant 0 : i32
      %lt3A_1160 = vector.broadcast %lt3A_1159 : i32 to vector<16xi32>
      %lt3A_1161 = arith.cmpi slt, %xor3A_1158, %lt3A_1160 : vector<16xi32>
      %add3A_1162 = arith.constant 16 : i32
      %add3A_1163 = vector.broadcast %add3A_1162 : i32 to vector<16xi32>
      %add3A_1164 = arith.addi %xor3A_1158, %add3A_1163 : vector<16xi32>
      %select_n3A_1165 = arith.select %lt3A_1161, %add3A_1164, %xor3A_1158 : vector<16xi1>, vector<16xi32>
      %reshape3A_1166 = vector.shape_cast %select_n3A_1165 : vector<16xi32> to vector<16x1xi32>
      %gather3A_1167 = vector.shape_cast %reshape3A_1166 : vector<16x1xi32> to vector<16xi32>
      %gather3A_1168 = tpu.dynamic_gather %add3A_883[%gather3A_1167] in [0] : vector<16xf32>, vector<16xi32> -> vector<16xf32>
      %select_n3A_1169 = arith.select %eq3A_1155, %add3A_527, %gather3A_1168 : vector<16xi1>, vector<16xf32>
      %lt3A_1170 = arith.constant 0 : i32
      %lt3A_1171 = vector.broadcast %lt3A_1170 : i32 to vector<16xi32>
      %lt3A_1172 = arith.cmpi slt, %xor3A_1158, %lt3A_1171 : vector<16xi32>
      %add3A_1173 = arith.constant 16 : i32
      %add3A_1174 = vector.broadcast %add3A_1173 : i32 to vector<16xi32>
      %add3A_1175 = arith.addi %xor3A_1158, %add3A_1174 : vector<16xi32>
      %select_n3A_1176 = arith.select %lt3A_1172, %add3A_1175, %xor3A_1158 : vector<16xi1>, vector<16xi32>
      %reshape3A_1177 = vector.shape_cast %select_n3A_1176 : vector<16xi32> to vector<16x1xi32>
      %gather3A_1178 = vector.shape_cast %reshape3A_1177 : vector<16x1xi32> to vector<16xi32>
      %gather3A_1179 = tpu.dynamic_gather %add3A_527[%gather3A_1178] in [0] : vector<16xf32>, vector<16xi32> -> vector<16xf32>
      %select_n3A_1180 = arith.select %eq3A_1155, %gather3A_1179, %add3A_883 : vector<16xi1>, vector<16xf32>
      %add3A_1181 = arith.addf %select_n3A_1169, %select_n3A_1180 : vector<16xf32>
      %and3A_1182 = arith.constant 4 : i32
      %and3A_1183 = vector.broadcast %and3A_1182 : i32 to vector<16xi32>
      %and3A_1184 = arith.andi %iota3A, %and3A_1183 : vector<16xi32>
      %eq3A_1185 = arith.constant 0 : i32
      %eq3A_1186 = vector.broadcast %eq3A_1185 : i32 to vector<16xi32>
      %eq3A_1187 = arith.cmpi eq, %and3A_1184, %eq3A_1186 : vector<16xi32>
      %xor3A_1188 = arith.constant 4 : i32
      %xor3A_1189 = vector.broadcast %xor3A_1188 : i32 to vector<16xi32>
      %xor3A_1190 = arith.xori %iota3A, %xor3A_1189 : vector<16xi32>
      %lt3A_1191 = arith.constant 0 : i32
      %lt3A_1192 = vector.broadcast %lt3A_1191 : i32 to vector<16xi32>
      %lt3A_1193 = arith.cmpi slt, %xor3A_1190, %lt3A_1192 : vector<16xi32>
      %add3A_1194 = arith.constant 16 : i32
      %add3A_1195 = vector.broadcast %add3A_1194 : i32 to vector<16xi32>
      %add3A_1196 = arith.addi %xor3A_1190, %add3A_1195 : vector<16xi32>
      %select_n3A_1197 = arith.select %lt3A_1193, %add3A_1196, %xor3A_1190 : vector<16xi1>, vector<16xi32>
      %reshape3A_1198 = vector.shape_cast %select_n3A_1197 : vector<16xi32> to vector<16x1xi32>
      %gather3A_1199 = vector.shape_cast %reshape3A_1198 : vector<16x1xi32> to vector<16xi32>
      %gather3A_1200 = tpu.dynamic_gather %add3A_972[%gather3A_1199] in [0] : vector<16xf32>, vector<16xi32> -> vector<16xf32>
      %select_n3A_1201 = arith.select %eq3A_1187, %add3A_616, %gather3A_1200 : vector<16xi1>, vector<16xf32>
      %lt3A_1202 = arith.constant 0 : i32
      %lt3A_1203 = vector.broadcast %lt3A_1202 : i32 to vector<16xi32>
      %lt3A_1204 = arith.cmpi slt, %xor3A_1190, %lt3A_1203 : vector<16xi32>
      %add3A_1205 = arith.constant 16 : i32
      %add3A_1206 = vector.broadcast %add3A_1205 : i32 to vector<16xi32>
      %add3A_1207 = arith.addi %xor3A_1190, %add3A_1206 : vector<16xi32>
      %select_n3A_1208 = arith.select %lt3A_1204, %add3A_1207, %xor3A_1190 : vector<16xi1>, vector<16xi32>
      %reshape3A_1209 = vector.shape_cast %select_n3A_1208 : vector<16xi32> to vector<16x1xi32>
      %gather3A_1210 = vector.shape_cast %reshape3A_1209 : vector<16x1xi32> to vector<16xi32>
      %gather3A_1211 = tpu.dynamic_gather %add3A_616[%gather3A_1210] in [0] : vector<16xf32>, vector<16xi32> -> vector<16xf32>
      %select_n3A_1212 = arith.select %eq3A_1187, %gather3A_1211, %add3A_972 : vector<16xi1>, vector<16xf32>
      %add3A_1213 = arith.addf %select_n3A_1201, %select_n3A_1212 : vector<16xf32>
      %and3A_1214 = arith.constant 4 : i32
      %and3A_1215 = vector.broadcast %and3A_1214 : i32 to vector<16xi32>
      %and3A_1216 = arith.andi %iota3A, %and3A_1215 : vector<16xi32>
      %eq3A_1217 = arith.constant 0 : i32
      %eq3A_1218 = vector.broadcast %eq3A_1217 : i32 to vector<16xi32>
      %eq3A_1219 = arith.cmpi eq, %and3A_1216, %eq3A_1218 : vector<16xi32>
      %xor3A_1220 = arith.constant 4 : i32
      %xor3A_1221 = vector.broadcast %xor3A_1220 : i32 to vector<16xi32>
      %xor3A_1222 = arith.xori %iota3A, %xor3A_1221 : vector<16xi32>
      %lt3A_1223 = arith.constant 0 : i32
      %lt3A_1224 = vector.broadcast %lt3A_1223 : i32 to vector<16xi32>
      %lt3A_1225 = arith.cmpi slt, %xor3A_1222, %lt3A_1224 : vector<16xi32>
      %add3A_1226 = arith.constant 16 : i32
      %add3A_1227 = vector.broadcast %add3A_1226 : i32 to vector<16xi32>
      %add3A_1228 = arith.addi %xor3A_1222, %add3A_1227 : vector<16xi32>
      %select_n3A_1229 = arith.select %lt3A_1225, %add3A_1228, %xor3A_1222 : vector<16xi1>, vector<16xi32>
      %reshape3A_1230 = vector.shape_cast %select_n3A_1229 : vector<16xi32> to vector<16x1xi32>
      %gather3A_1231 = vector.shape_cast %reshape3A_1230 : vector<16x1xi32> to vector<16xi32>
      %gather3A_1232 = tpu.dynamic_gather %add3A_1061[%gather3A_1231] in [0] : vector<16xf32>, vector<16xi32> -> vector<16xf32>
      %select_n3A_1233 = arith.select %eq3A_1219, %add3A_705, %gather3A_1232 : vector<16xi1>, vector<16xf32>
      %lt3A_1234 = arith.constant 0 : i32
      %lt3A_1235 = vector.broadcast %lt3A_1234 : i32 to vector<16xi32>
      %lt3A_1236 = arith.cmpi slt, %xor3A_1222, %lt3A_1235 : vector<16xi32>
      %add3A_1237 = arith.constant 16 : i32
      %add3A_1238 = vector.broadcast %add3A_1237 : i32 to vector<16xi32>
      %add3A_1239 = arith.addi %xor3A_1222, %add3A_1238 : vector<16xi32>
      %select_n3A_1240 = arith.select %lt3A_1236, %add3A_1239, %xor3A_1222 : vector<16xi1>, vector<16xi32>
      %reshape3A_1241 = vector.shape_cast %select_n3A_1240 : vector<16xi32> to vector<16x1xi32>
      %gather3A_1242 = vector.shape_cast %reshape3A_1241 : vector<16x1xi32> to vector<16xi32>
      %gather3A_1243 = tpu.dynamic_gather %add3A_705[%gather3A_1242] in [0] : vector<16xf32>, vector<16xi32> -> vector<16xf32>
      %select_n3A_1244 = arith.select %eq3A_1219, %gather3A_1243, %add3A_1061 : vector<16xi1>, vector<16xf32>
      %add3A_1245 = arith.addf %select_n3A_1233, %select_n3A_1244 : vector<16xf32>
      %and3A_1246 = arith.constant 4 : i32
      %and3A_1247 = vector.broadcast %and3A_1246 : i32 to vector<16xi32>
      %and3A_1248 = arith.andi %iota3A, %and3A_1247 : vector<16xi32>
      %eq3A_1249 = arith.constant 0 : i32
      %eq3A_1250 = vector.broadcast %eq3A_1249 : i32 to vector<16xi32>
      %eq3A_1251 = arith.cmpi eq, %and3A_1248, %eq3A_1250 : vector<16xi32>
      %xor3A_1252 = arith.constant 4 : i32
      %xor3A_1253 = vector.broadcast %xor3A_1252 : i32 to vector<16xi32>
      %xor3A_1254 = arith.xori %iota3A, %xor3A_1253 : vector<16xi32>
      %lt3A_1255 = arith.constant 0 : i32
      %lt3A_1256 = vector.broadcast %lt3A_1255 : i32 to vector<16xi32>
      %lt3A_1257 = arith.cmpi slt, %xor3A_1254, %lt3A_1256 : vector<16xi32>
      %add3A_1258 = arith.constant 16 : i32
      %add3A_1259 = vector.broadcast %add3A_1258 : i32 to vector<16xi32>
      %add3A_1260 = arith.addi %xor3A_1254, %add3A_1259 : vector<16xi32>
      %select_n3A_1261 = arith.select %lt3A_1257, %add3A_1260, %xor3A_1254 : vector<16xi1>, vector<16xi32>
      %reshape3A_1262 = vector.shape_cast %select_n3A_1261 : vector<16xi32> to vector<16x1xi32>
      %gather3A_1263 = vector.shape_cast %reshape3A_1262 : vector<16x1xi32> to vector<16xi32>
      %gather3A_1264 = tpu.dynamic_gather %add3A_1150[%gather3A_1263] in [0] : vector<16xf32>, vector<16xi32> -> vector<16xf32>
      %select_n3A_1265 = arith.select %eq3A_1251, %add3A_794, %gather3A_1264 : vector<16xi1>, vector<16xf32>
      %lt3A_1266 = arith.constant 0 : i32
      %lt3A_1267 = vector.broadcast %lt3A_1266 : i32 to vector<16xi32>
      %lt3A_1268 = arith.cmpi slt, %xor3A_1254, %lt3A_1267 : vector<16xi32>
      %add3A_1269 = arith.constant 16 : i32
      %add3A_1270 = vector.broadcast %add3A_1269 : i32 to vector<16xi32>
      %add3A_1271 = arith.addi %xor3A_1254, %add3A_1270 : vector<16xi32>
      %select_n3A_1272 = arith.select %lt3A_1268, %add3A_1271, %xor3A_1254 : vector<16xi1>, vector<16xi32>
      %reshape3A_1273 = vector.shape_cast %select_n3A_1272 : vector<16xi32> to vector<16x1xi32>
      %gather3A_1274 = vector.shape_cast %reshape3A_1273 : vector<16x1xi32> to vector<16xi32>
      %gather3A_1275 = tpu.dynamic_gather %add3A_794[%gather3A_1274] in [0] : vector<16xf32>, vector<16xi32> -> vector<16xf32>
      %select_n3A_1276 = arith.select %eq3A_1251, %gather3A_1275, %add3A_1150 : vector<16xi1>, vector<16xf32>
      %add3A_1277 = arith.addf %select_n3A_1265, %select_n3A_1276 : vector<16xf32>
      %and3A_1278 = arith.constant 2 : i32
      %and3A_1279 = vector.broadcast %and3A_1278 : i32 to vector<16xi32>
      %and3A_1280 = arith.andi %iota3A, %and3A_1279 : vector<16xi32>
      %eq3A_1281 = arith.constant 0 : i32
      %eq3A_1282 = vector.broadcast %eq3A_1281 : i32 to vector<16xi32>
      %eq3A_1283 = arith.cmpi eq, %and3A_1280, %eq3A_1282 : vector<16xi32>
      %xor3A_1284 = arith.constant 2 : i32
      %xor3A_1285 = vector.broadcast %xor3A_1284 : i32 to vector<16xi32>
      %xor3A_1286 = arith.xori %iota3A, %xor3A_1285 : vector<16xi32>
      %lt3A_1287 = arith.constant 0 : i32
      %lt3A_1288 = vector.broadcast %lt3A_1287 : i32 to vector<16xi32>
      %lt3A_1289 = arith.cmpi slt, %xor3A_1286, %lt3A_1288 : vector<16xi32>
      %add3A_1290 = arith.constant 16 : i32
      %add3A_1291 = vector.broadcast %add3A_1290 : i32 to vector<16xi32>
      %add3A_1292 = arith.addi %xor3A_1286, %add3A_1291 : vector<16xi32>
      %select_n3A_1293 = arith.select %lt3A_1289, %add3A_1292, %xor3A_1286 : vector<16xi1>, vector<16xi32>
      %reshape3A_1294 = vector.shape_cast %select_n3A_1293 : vector<16xi32> to vector<16x1xi32>
      %gather3A_1295 = vector.shape_cast %reshape3A_1294 : vector<16x1xi32> to vector<16xi32>
      %gather3A_1296 = tpu.dynamic_gather %add3A_1245[%gather3A_1295] in [0] : vector<16xf32>, vector<16xi32> -> vector<16xf32>
      %select_n3A_1297 = arith.select %eq3A_1283, %add3A_1181, %gather3A_1296 : vector<16xi1>, vector<16xf32>
      %lt3A_1298 = arith.constant 0 : i32
      %lt3A_1299 = vector.broadcast %lt3A_1298 : i32 to vector<16xi32>
      %lt3A_1300 = arith.cmpi slt, %xor3A_1286, %lt3A_1299 : vector<16xi32>
      %add3A_1301 = arith.constant 16 : i32
      %add3A_1302 = vector.broadcast %add3A_1301 : i32 to vector<16xi32>
      %add3A_1303 = arith.addi %xor3A_1286, %add3A_1302 : vector<16xi32>
      %select_n3A_1304 = arith.select %lt3A_1300, %add3A_1303, %xor3A_1286 : vector<16xi1>, vector<16xi32>
      %reshape3A_1305 = vector.shape_cast %select_n3A_1304 : vector<16xi32> to vector<16x1xi32>
      %gather3A_1306 = vector.shape_cast %reshape3A_1305 : vector<16x1xi32> to vector<16xi32>
      %gather3A_1307 = tpu.dynamic_gather %add3A_1181[%gather3A_1306] in [0] : vector<16xf32>, vector<16xi32> -> vector<16xf32>
      %select_n3A_1308 = arith.select %eq3A_1283, %gather3A_1307, %add3A_1245 : vector<16xi1>, vector<16xf32>
      %add3A_1309 = arith.addf %select_n3A_1297, %select_n3A_1308 : vector<16xf32>
      %and3A_1310 = arith.constant 2 : i32
      %and3A_1311 = vector.broadcast %and3A_1310 : i32 to vector<16xi32>
      %and3A_1312 = arith.andi %iota3A, %and3A_1311 : vector<16xi32>
      %eq3A_1313 = arith.constant 0 : i32
      %eq3A_1314 = vector.broadcast %eq3A_1313 : i32 to vector<16xi32>
      %eq3A_1315 = arith.cmpi eq, %and3A_1312, %eq3A_1314 : vector<16xi32>
      %xor3A_1316 = arith.constant 2 : i32
      %xor3A_1317 = vector.broadcast %xor3A_1316 : i32 to vector<16xi32>
      %xor3A_1318 = arith.xori %iota3A, %xor3A_1317 : vector<16xi32>
      %lt3A_1319 = arith.constant 0 : i32
      %lt3A_1320 = vector.broadcast %lt3A_1319 : i32 to vector<16xi32>
      %lt3A_1321 = arith.cmpi slt, %xor3A_1318, %lt3A_1320 : vector<16xi32>
      %add3A_1322 = arith.constant 16 : i32
      %add3A_1323 = vector.broadcast %add3A_1322 : i32 to vector<16xi32>
      %add3A_1324 = arith.addi %xor3A_1318, %add3A_1323 : vector<16xi32>
      %select_n3A_1325 = arith.select %lt3A_1321, %add3A_1324, %xor3A_1318 : vector<16xi1>, vector<16xi32>
      %reshape3A_1326 = vector.shape_cast %select_n3A_1325 : vector<16xi32> to vector<16x1xi32>
      %gather3A_1327 = vector.shape_cast %reshape3A_1326 : vector<16x1xi32> to vector<16xi32>
      %gather3A_1328 = tpu.dynamic_gather %add3A_1277[%gather3A_1327] in [0] : vector<16xf32>, vector<16xi32> -> vector<16xf32>
      %select_n3A_1329 = arith.select %eq3A_1315, %add3A_1213, %gather3A_1328 : vector<16xi1>, vector<16xf32>
      %lt3A_1330 = arith.constant 0 : i32
      %lt3A_1331 = vector.broadcast %lt3A_1330 : i32 to vector<16xi32>
      %lt3A_1332 = arith.cmpi slt, %xor3A_1318, %lt3A_1331 : vector<16xi32>
      %add3A_1333 = arith.constant 16 : i32
      %add3A_1334 = vector.broadcast %add3A_1333 : i32 to vector<16xi32>
      %add3A_1335 = arith.addi %xor3A_1318, %add3A_1334 : vector<16xi32>
      %select_n3A_1336 = arith.select %lt3A_1332, %add3A_1335, %xor3A_1318 : vector<16xi1>, vector<16xi32>
      %reshape3A_1337 = vector.shape_cast %select_n3A_1336 : vector<16xi32> to vector<16x1xi32>
      %gather3A_1338 = vector.shape_cast %reshape3A_1337 : vector<16x1xi32> to vector<16xi32>
      %gather3A_1339 = tpu.dynamic_gather %add3A_1213[%gather3A_1338] in [0] : vector<16xf32>, vector<16xi32> -> vector<16xf32>
      %select_n3A_1340 = arith.select %eq3A_1315, %gather3A_1339, %add3A_1277 : vector<16xi1>, vector<16xf32>
      %add3A_1341 = arith.addf %select_n3A_1329, %select_n3A_1340 : vector<16xf32>
      %and3A_1342 = arith.constant 1 : i32
      %and3A_1343 = vector.broadcast %and3A_1342 : i32 to vector<16xi32>
      %and3A_1344 = arith.andi %iota3A, %and3A_1343 : vector<16xi32>
      %eq3A_1345 = arith.constant 0 : i32
      %eq3A_1346 = vector.broadcast %eq3A_1345 : i32 to vector<16xi32>
      %eq3A_1347 = arith.cmpi eq, %and3A_1344, %eq3A_1346 : vector<16xi32>
      %xor3A_1348 = arith.constant 1 : i32
      %xor3A_1349 = vector.broadcast %xor3A_1348 : i32 to vector<16xi32>
      %xor3A_1350 = arith.xori %iota3A, %xor3A_1349 : vector<16xi32>
      %lt3A_1351 = arith.constant 0 : i32
      %lt3A_1352 = vector.broadcast %lt3A_1351 : i32 to vector<16xi32>
      %lt3A_1353 = arith.cmpi slt, %xor3A_1350, %lt3A_1352 : vector<16xi32>
      %add3A_1354 = arith.constant 16 : i32
      %add3A_1355 = vector.broadcast %add3A_1354 : i32 to vector<16xi32>
      %add3A_1356 = arith.addi %xor3A_1350, %add3A_1355 : vector<16xi32>
      %select_n3A_1357 = arith.select %lt3A_1353, %add3A_1356, %xor3A_1350 : vector<16xi1>, vector<16xi32>
      %reshape3A_1358 = vector.shape_cast %select_n3A_1357 : vector<16xi32> to vector<16x1xi32>
      %gather3A_1359 = vector.shape_cast %reshape3A_1358 : vector<16x1xi32> to vector<16xi32>
      %gather3A_1360 = tpu.dynamic_gather %add3A_1341[%gather3A_1359] in [0] : vector<16xf32>, vector<16xi32> -> vector<16xf32>
      %select_n3A_1361 = arith.select %eq3A_1347, %add3A_1309, %gather3A_1360 : vector<16xi1>, vector<16xf32>
      %lt3A_1362 = arith.constant 0 : i32
      %lt3A_1363 = vector.broadcast %lt3A_1362 : i32 to vector<16xi32>
      %lt3A_1364 = arith.cmpi slt, %xor3A_1350, %lt3A_1363 : vector<16xi32>
      %add3A_1365 = arith.constant 16 : i32
      %add3A_1366 = vector.broadcast %add3A_1365 : i32 to vector<16xi32>
      %add3A_1367 = arith.addi %xor3A_1350, %add3A_1366 : vector<16xi32>
      %select_n3A_1368 = arith.select %lt3A_1364, %add3A_1367, %xor3A_1350 : vector<16xi1>, vector<16xi32>
      %reshape3A_1369 = vector.shape_cast %select_n3A_1368 : vector<16xi32> to vector<16x1xi32>
      %gather3A_1370 = vector.shape_cast %reshape3A_1369 : vector<16x1xi32> to vector<16xi32>
      %gather3A_1371 = tpu.dynamic_gather %add3A_1309[%gather3A_1370] in [0] : vector<16xf32>, vector<16xi32> -> vector<16xf32>
      %select_n3A_1372 = arith.select %eq3A_1347, %gather3A_1371, %add3A_1341 : vector<16xi1>, vector<16xf32>
      %add3A_1373 = arith.addf %select_n3A_1361, %select_n3A_1372 : vector<16xf32>
      %jit3A = arith.constant 2 : i32
      %eq3A_1374 = arith.constant 0 : i32
      %eq3A_1375 = arith.cmpi eq, %jit3A, %eq3A_1374 : i32
      %jit3A_1376 = arith.constant 1 : i32
      %select_n3A_1377 = arith.select %eq3A_1375, %jit3A_1376, %jit3A : i32
      %rem3A = arith.remsi %scan3A_441, %select_n3A_1377 : i32
      %ne3A = arith.constant 0 : i32
      %ne3A_1378 = arith.cmpi ne, %rem3A, %ne3A : i32
      %lt3A_1379 = arith.constant 0 : i32
      %lt3A_1380 = arith.cmpi slt, %rem3A, %lt3A_1379 : i32
      %lt3A_1381 = arith.constant 0 : i32
      %lt3A_1382 = arith.cmpi slt, %select_n3A_1377, %lt3A_1381 : i32
      %ne3A_1383 = arith.xori %lt3A_1380, %lt3A_1382 : i1
      %and3A_1384 = arith.andi %ne3A_1383, %ne3A_1378 : i1
      %add3A_1385 = arith.addi %rem3A, %select_n3A_1377 : i32
      %select_n3A_1386 = arith.select %and3A_1384, %add3A_1385, %rem3A : i32
      %eq3A_1387 = arith.constant 1 : i32
      %eq3A_1388 = arith.cmpi eq, %select_n3A_1386, %eq3A_1387 : i32
      %convert_element_type3A_1389 = arith.extui %eq3A_1388 : i1 to i32
      %cond3A_1390 = arith.constant 0 : i32
      %cond3A_1391 = arith.cmpi ne, %convert_element_type3A_1389, %cond3A_1390 : i32
      scf.if %cond3A_1391 {
        %lt3A_1392 = arith.constant 8 : i32
        %lt3A_1393 = vector.broadcast %lt3A_1392 : i32 to vector<16xi32>
        %lt3A_1394 = arith.cmpi slt, %iota3A, %lt3A_1393 : vector<16xi32>
        %select_n3A_1395 = arith.select %lt3A_1394, %scan3A_442, %add3A_1373 : vector<16xi1>, vector<16xf32>
        %bitcast3A = vector.bitcast %select_n3A_1395 : vector<16xf32> to vector<16xi32>
        %shift_right_arithmetic3A = arith.constant 1 : i32
        %shift_right_arithmetic3A_1396 = vector.broadcast %shift_right_arithmetic3A : i32 to vector<16xi32>
        %shift_right_arithmetic3A_1397 = arith.shrsi %bitcast3A, %shift_right_arithmetic3A_1396 : vector<16xi32>
        %sub3A_1398 = arith.constant 1597463007 : i32
        %sub3A_1399 = vector.broadcast %sub3A_1398 : i32 to vector<16xi32>
        %sub3A_1400 = arith.subi %sub3A_1399, %shift_right_arithmetic3A_1397 : vector<16xi32>
        %bitcast3A_1401 = vector.bitcast %sub3A_1400 : vector<16xi32> to vector<16xf32>
        %mul3A_1402 = arith.constant 5.000000e-01 : f32
        %mul3A_1403 = vector.broadcast %mul3A_1402 : f32 to vector<16xf32>
        %mul3A_1404 = arith.mulf %select_n3A_1395, %mul3A_1403 : vector<16xf32>
        %mul3A_1405 = arith.mulf %mul3A_1404, %bitcast3A_1401 : vector<16xf32>
        %mul3A_1406 = arith.mulf %mul3A_1405, %bitcast3A_1401 : vector<16xf32>
        %sub3A_1407 = arith.constant 1.500000e+00 : f32
        %sub3A_1408 = vector.broadcast %sub3A_1407 : f32 to vector<16xf32>
        %sub3A_1409 = arith.subf %sub3A_1408, %mul3A_1406 : vector<16xf32>
        %mul3A_1410 = arith.mulf %bitcast3A_1401, %sub3A_1409 : vector<16xf32>
        %mul3A_1411 = arith.mulf %mul3A_1404, %mul3A_1410 : vector<16xf32>
        %mul3A_1412 = arith.mulf %mul3A_1411, %mul3A_1410 : vector<16xf32>
        %sub3A_1413 = arith.constant 1.500000e+00 : f32
        %sub3A_1414 = vector.broadcast %sub3A_1413 : f32 to vector<16xf32>
        %sub3A_1415 = arith.subf %sub3A_1414, %mul3A_1412 : vector<16xf32>
        %mul3A_1416 = arith.mulf %mul3A_1410, %sub3A_1415 : vector<16xf32>
        %mul3A_1417 = arith.mulf %mul3A_1404, %mul3A_1416 : vector<16xf32>
        %mul3A_1418 = arith.mulf %mul3A_1417, %mul3A_1416 : vector<16xf32>
        %sub3A_1419 = arith.constant 1.500000e+00 : f32
        %sub3A_1420 = vector.broadcast %sub3A_1419 : f32 to vector<16xf32>
        %sub3A_1421 = arith.subf %sub3A_1420, %mul3A_1418 : vector<16xf32>
        %mul3A_1422 = arith.mulf %mul3A_1416, %sub3A_1421 : vector<16xf32>
        %mul3A_1423 = arith.mulf %select_n3A_1395, %mul3A_1422 : vector<16xf32>
        %jit3A_1424 = arith.constant 2 : i32
        %div3A = arith.divsi %scan3A_441, %jit3A_1424 : i32
        %sign3A = arith.constant 0 : i32
        %sign3A_1425 = arith.cmpi sgt, %scan3A_441, %sign3A : i32
        %sign3A_1426 = arith.extui %sign3A_1425 : i1 to i32
        %sign3A_1427 = arith.constant 0 : i32
        %sign3A_1428 = arith.cmpi slt, %scan3A_441, %sign3A_1427 : i32
        %sign3A_1429 = arith.extui %sign3A_1428 : i1 to i32
        %sign3A_1430 = arith.subi %sign3A_1426, %sign3A_1429 : i32
        %sign3A_1431 = arith.constant 0 : i32
        %sign3A_1432 = arith.cmpi sgt, %jit3A_1424, %sign3A_1431 : i32
        %sign3A_1433 = arith.extui %sign3A_1432 : i1 to i32
        %sign3A_1434 = arith.constant 0 : i32
        %sign3A_1435 = arith.cmpi slt, %jit3A_1424, %sign3A_1434 : i32
        %sign3A_1436 = arith.extui %sign3A_1435 : i1 to i32
        %sign3A_1437 = arith.subi %sign3A_1433, %sign3A_1436 : i32
        %ne3A_1438 = arith.cmpi ne, %sign3A_1430, %sign3A_1437 : i32
        %rem3A_1439 = arith.remsi %scan3A_441, %jit3A_1424 : i32
        %ne3A_1440 = arith.constant 0 : i32
        %ne3A_1441 = arith.cmpi ne, %rem3A_1439, %ne3A_1440 : i32
        %and3A_1442 = arith.andi %ne3A_1438, %ne3A_1441 : i1
        %sub3A_1443 = arith.constant 1 : i32
        %sub3A_1444 = arith.subi %div3A, %sub3A_1443 : i32
        %select_n3A_1445 = arith.select %and3A_1442, %sub3A_1444, %div3A : i32
        %mul3A_1446 = arith.constant 16 : i32
        %mul3A_1447 = arith.muli %select_n3A_1445, %mul3A_1446 : i32
        %add3A_1448 = arith.constant 0 : i32
        %add3A_1449 = arith.addi %add3A_1448, %mul3A_1447 : i32
        %swap3A = arith.index_cast %add3A_1449 : i32 to index
        %swap3A_1450 = tpu.vector_load %arg17[%swap3A] {strides = array<i32>} : memref<512xf32, #tpu.memory_space<vmem>>, vector<16xf32>,
        tpu.vector_store %arg17[%swap3A], %mul3A_1423 {strides = array<i32>} : memref<512xf32, #tpu.memory_space<vmem>>, vector<16xf32>,
      } else {
      }
      scf.yield %add3A_1373 : vector<16xf32>
    }
    %scan3A_332 = arith.constant 16 : i32
    %dma_wait3A_333 = arith.constant 1 : i32
    %dma_wait3A_334 = arith.constant 0 : i32
    %dma_wait3A_335 = tpu.memref_slice %arg8[%dma_wait3A_333, %dma_wait3A_334] : memref<4x128xi32, #tpu.memory_space<vmem>> -> memref<1x128xi32, #tpu.memory_space<vmem>>
    %dma_wait3A_336 = tpu.memref_squeeze %dma_wait3A_335 : memref<1x128xi32, #tpu.memory_space<vmem>> -> memref<128xi32, #tpu.memory_space<vmem>>
    %dma_wait3A_337 = arith.constant 0 : i32
    %dma_wait3A_338 = arith.constant 0 : i32
    %dma_wait3A_339 = tpu.memref_slice %arg5[%dma_wait3A_337, %dma_wait3A_338] : memref<100000x128xf32, #tpu.memory_space<hbm>> -> memref<100000x128xf32, #tpu.memory_space<hbm>>
    tpu.wait_indirect_dma semaphore(%arg21 : memref<!tpu.dma_semaphore, #tpu.memory_space<semaphore_mem>>) src(%dma_wait3A_339 : memref<100000x128xf32, #tpu.memory_space<hbm>>) dst(%arg12 : memref<128x128xf32, #tpu.memory_space<vmem>>)
    %dma_wait3A_340 = arith.constant 1 : i32
    %dma_wait3A_341 = arith.constant 0 : i32
    %dma_wait3A_342 = tpu.memref_slice %arg10[%dma_wait3A_340, %dma_wait3A_341] : memref<4x128xi32, #tpu.memory_space<vmem>> -> memref<1x128xi32, #tpu.memory_space<vmem>>
    %dma_wait3A_343 = tpu.memref_squeeze %dma_wait3A_342 : memref<1x128xi32, #tpu.memory_space<vmem>> -> memref<128xi32, #tpu.memory_space<vmem>>
    %dma_wait3A_344 = arith.constant 0 : i32
    %dma_wait3A_345 = arith.constant 0 : i32
    %dma_wait3A_346 = tpu.memref_slice %arg5[%dma_wait3A_344, %dma_wait3A_345] : memref<100000x128xf32, #tpu.memory_space<hbm>> -> memref<100000x128xf32, #tpu.memory_space<hbm>>
    tpu.wait_indirect_dma semaphore(%arg23 : memref<!tpu.dma_semaphore, #tpu.memory_space<semaphore_mem>>) src(%dma_wait3A_346 : memref<100000x128xf32, #tpu.memory_space<hbm>>) dst(%arg15 : memref<128x128xf32, #tpu.memory_space<vmem>>)
    %dma_wait3A_347 = arith.constant 2 : i32
    %dma_wait3A_348 = arith.constant 0 : i32
    %dma_wait3A_349 = tpu.memref_slice %arg9[%dma_wait3A_347, %dma_wait3A_348] : memref<4x128xi32, #tpu.memory_space<vmem>> -> memref<1x128xi32, #tpu.memory_space<vmem>>
    %dma_wait3A_350 = tpu.memref_squeeze %dma_wait3A_349 : memref<1x128xi32, #tpu.memory_space<vmem>> -> memref<128xi32, #tpu.memory_space<vmem>>
    %dma_wait3A_351 = arith.constant 0 : i32
    %dma_wait3A_352 = arith.constant 0 : i32
    %dma_wait3A_353 = tpu.memref_slice %arg18[%dma_wait3A_351, %dma_wait3A_352] : memref<500x128xf32, #tpu.memory_space<vmem_shared>> -> memref<500x128xf32, #tpu.memory_space<vmem_shared>>
    tpu.wait_indirect_dma semaphore(%arg20 : memref<!tpu.dma_semaphore, #tpu.memory_space<semaphore_mem>>) src(%dma_wait3A_353 : memref<500x128xf32, #tpu.memory_space<vmem_shared>>) dst(%arg13 : memref<128x128xf32, #tpu.memory_space<vmem>>)
    %dma_start3A_354 = arith.constant 2 : i32
    %dma_start3A_355 = arith.constant 0 : i32
    %dma_start3A_356 = tpu.memref_slice %arg8[%dma_start3A_354, %dma_start3A_355] : memref<4x128xi32, #tpu.memory_space<vmem>> -> memref<1x128xi32, #tpu.memory_space<vmem>>
    %dma_start3A_357 = tpu.memref_squeeze %dma_start3A_356 : memref<1x128xi32, #tpu.memory_space<vmem>> -> memref<128xi32, #tpu.memory_space<vmem>>
    %dma_start3A_358 = arith.constant 0 : i32
    %dma_start3A_359 = arith.constant 0 : i32
    %dma_start3A_360 = tpu.memref_slice %arg5[%dma_start3A_358, %dma_start3A_359] : memref<100000x128xf32, #tpu.memory_space<hbm>> -> memref<100000x128xf32, #tpu.memory_space<hbm>>
    tpu.enqueue_indirect_dma source(%dma_start3A_360 : memref<100000x128xf32, #tpu.memory_space<hbm>>) target(%arg13 : memref<128x128xf32, #tpu.memory_space<vmem>>) offsets(%dma_start3A_357 : memref<128xi32, #tpu.memory_space<vmem>>) semaphore(%arg21 : memref<!tpu.dma_semaphore, #tpu.memory_space<semaphore_mem>>) {add = true}
    %dma_start3A_361 = arith.constant 3 : i32
    %dma_start3A_362 = arith.constant 0 : i32
    %dma_start3A_363 = tpu.memref_slice %arg9[%dma_start3A_361, %dma_start3A_362] : memref<4x128xi32, #tpu.memory_space<vmem>> -> memref<1x128xi32, #tpu.memory_space<vmem>>
    %dma_start3A_364 = tpu.memref_squeeze %dma_start3A_363 : memref<1x128xi32, #tpu.memory_space<vmem>> -> memref<128xi32, #tpu.memory_space<vmem>>
    %dma_start3A_365 = arith.constant 0 : i32
    %dma_start3A_366 = arith.constant 0 : i32
    %dma_start3A_367 = tpu.memref_slice %arg18[%dma_start3A_365, %dma_start3A_366] : memref<500x128xf32, #tpu.memory_space<vmem_shared>> -> memref<500x128xf32, #tpu.memory_space<vmem_shared>>
    tpu.enqueue_indirect_dma source(%dma_start3A_367 : memref<500x128xf32, #tpu.memory_space<vmem_shared>>) target(%arg11 : memref<128x128xf32, #tpu.memory_space<vmem>>) offsets(%dma_start3A_364 : memref<128xi32, #tpu.memory_space<vmem>>) semaphore(%arg20 : memref<!tpu.dma_semaphore, #tpu.memory_space<semaphore_mem>>)
    %dma_start3A_368 = arith.constant 3 : i32
    %dma_start3A_369 = arith.constant 0 : i32
    %dma_start3A_370 = tpu.memref_slice %arg10[%dma_start3A_368, %dma_start3A_369] : memref<4x128xi32, #tpu.memory_space<vmem>> -> memref<1x128xi32, #tpu.memory_space<vmem>>
    %dma_start3A_371 = tpu.memref_squeeze %dma_start3A_370 : memref<1x128xi32, #tpu.memory_space<vmem>> -> memref<128xi32, #tpu.memory_space<vmem>>
    %dma_start3A_372 = arith.constant 0 : i32
    %dma_start3A_373 = arith.constant 0 : i32
    %dma_start3A_374 = tpu.memref_slice %arg5[%dma_start3A_372, %dma_start3A_373] : memref<100000x128xf32, #tpu.memory_space<hbm>> -> memref<100000x128xf32, #tpu.memory_space<hbm>>
    tpu.enqueue_indirect_dma source(%dma_start3A_374 : memref<100000x128xf32, #tpu.memory_space<hbm>>) target(%arg14 : memref<128x128xf32, #tpu.memory_space<vmem>>) offsets(%dma_start3A_371 : memref<128xi32, #tpu.memory_space<vmem>>) semaphore(%arg22 : memref<!tpu.dma_semaphore, #tpu.memory_space<semaphore_mem>>)
    %broadcast_in_dim3A_375 = arith.constant 0.000000e+00 : f32
    %broadcast_in_dim3A_376 = vector.broadcast %broadcast_in_dim3A_375 : f32 to vector<16xf32>
    %scan3A_377 = arith.constant 0 : i32
    %scan3A_378 = arith.constant 16 : i32
    %scan3A_379 = arith.addi %scan3A_377, %scan3A_378 : i32
    %scan3A_380 = arith.constant 1 : i32
    %scan3A_381 = scf.for %scan3A_441 = %scan3A_377 to %scan3A_379 step %scan3A_380 iter_args(%scan3A_442 = %broadcast_in_dim3A_376) -> (vector<16xf32>)  : i32 {
      %xor3A = arith.constant 8 : i32
      %xor3A_443 = vector.broadcast %xor3A : i32 to vector<16xi32>
      %xor3A_444 = arith.xori %iota3A, %xor3A_443 : vector<16xi32>
      %mul3A_445 = arith.constant 8 : i32
      %mul3A_446 = arith.muli %scan3A_441, %mul3A_445 : i32
      %add3A_447 = arith.constant 0 : i32
      %add3A_448 = arith.addi %mul3A_446, %add3A_447 : i32
      %broadcast_in_dim3A_449 = arith.constant 0.000000e+00 : f32
      %broadcast_in_dim3A_450 = vector.broadcast %broadcast_in_dim3A_449 : f32 to vector<16xf32>
      %get3A = arith.index_cast %add3A_448 : i32 to index
      %get3A_451 = arith.constant 0 : index
      %get3A_452 = tpu.vector_load %arg12[%get3A, %get3A_451] {strides = array<i32>} : memref<128x128xf32, #tpu.memory_space<vmem>>, vector<16xf32>,
      %get3A_453 = arith.index_cast %add3A_448 : i32 to index
      %get3A_454 = arith.constant 0 : index
      %get3A_455 = tpu.vector_load %arg15[%get3A_453, %get3A_454] {strides = array<i32>} : memref<128x128xf32, #tpu.memory_space<vmem>>, vector<16xf32>,
      %sub3A = arith.subf %get3A_452, %get3A_455 : vector<16xf32>
      %mul3A_456 = arith.mulf %sub3A, %sub3A : vector<16xf32>
      %add3A_457 = arith.addf %broadcast_in_dim3A_450, %mul3A_456 : vector<16xf32>
      %get3A_458 = arith.index_cast %add3A_448 : i32 to index
      %get3A_459 = arith.constant 16 : index
      %get3A_460 = tpu.vector_load %arg12[%get3A_458, %get3A_459] {strides = array<i32>} : memref<128x128xf32, #tpu.memory_space<vmem>>, vector<16xf32>,
      %get3A_461 = arith.index_cast %add3A_448 : i32 to index
      %get3A_462 = arith.constant 16 : index
      %get3A_463 = tpu.vector_load %arg15[%get3A_461, %get3A_462] {strides = array<i32>} : memref<128x128xf32, #tpu.memory_space<vmem>>, vector<16xf32>,
      %sub3A_464 = arith.subf %get3A_460, %get3A_463 : vector<16xf32>
      %mul3A_465 = arith.mulf %sub3A_464, %sub3A_464 : vector<16xf32>
      %add3A_466 = arith.addf %add3A_457, %mul3A_465 : vector<16xf32>
      %get3A_467 = arith.index_cast %add3A_448 : i32 to index
      %get3A_468 = arith.constant 32 : index
      %get3A_469 = tpu.vector_load %arg12[%get3A_467, %get3A_468] {strides = array<i32>} : memref<128x128xf32, #tpu.memory_space<vmem>>, vector<16xf32>,
      %get3A_470 = arith.index_cast %add3A_448 : i32 to index
      %get3A_471 = arith.constant 32 : index
      %get3A_472 = tpu.vector_load %arg15[%get3A_470, %get3A_471] {strides = array<i32>} : memref<128x128xf32, #tpu.memory_space<vmem>>, vector<16xf32>,
      %sub3A_473 = arith.subf %get3A_469, %get3A_472 : vector<16xf32>
      %mul3A_474 = arith.mulf %sub3A_473, %sub3A_473 : vector<16xf32>
      %add3A_475 = arith.addf %add3A_466, %mul3A_474 : vector<16xf32>
      %get3A_476 = arith.index_cast %add3A_448 : i32 to index
      %get3A_477 = arith.constant 48 : index
      %get3A_478 = tpu.vector_load %arg12[%get3A_476, %get3A_477] {strides = array<i32>} : memref<128x128xf32, #tpu.memory_space<vmem>>, vector<16xf32>,
      %get3A_479 = arith.index_cast %add3A_448 : i32 to index
      %get3A_480 = arith.constant 48 : index
      %get3A_481 = tpu.vector_load %arg15[%get3A_479, %get3A_480] {strides = array<i32>} : memref<128x128xf32, #tpu.memory_space<vmem>>, vector<16xf32>,
      %sub3A_482 = arith.subf %get3A_478, %get3A_481 : vector<16xf32>
      %mul3A_483 = arith.mulf %sub3A_482, %sub3A_482 : vector<16xf32>
      %add3A_484 = arith.addf %add3A_475, %mul3A_483 : vector<16xf32>
      %get3A_485 = arith.index_cast %add3A_448 : i32 to index
      %get3A_486 = arith.constant 64 : index
      %get3A_487 = tpu.vector_load %arg12[%get3A_485, %get3A_486] {strides = array<i32>} : memref<128x128xf32, #tpu.memory_space<vmem>>, vector<16xf32>,
      %get3A_488 = arith.index_cast %add3A_448 : i32 to index
      %get3A_489 = arith.constant 64 : index
      %get3A_490 = tpu.vector_load %arg15[%get3A_488, %get3A_489] {strides = array<i32>} : memref<128x128xf32, #tpu.memory_space<vmem>>, vector<16xf32>,
      %sub3A_491 = arith.subf %get3A_487, %get3A_490 : vector<16xf32>
      %mul3A_492 = arith.mulf %sub3A_491, %sub3A_491 : vector<16xf32>
      %add3A_493 = arith.addf %add3A_484, %mul3A_492 : vector<16xf32>
      %get3A_494 = arith.index_cast %add3A_448 : i32 to index
      %get3A_495 = arith.constant 80 : index
      %get3A_496 = tpu.vector_load %arg12[%get3A_494, %get3A_495] {strides = array<i32>} : memref<128x128xf32, #tpu.memory_space<vmem>>, vector<16xf32>,
      %get3A_497 = arith.index_cast %add3A_448 : i32 to index
      %get3A_498 = arith.constant 80 : index
      %get3A_499 = tpu.vector_load %arg15[%get3A_497, %get3A_498] {strides = array<i32>} : memref<128x128xf32, #tpu.memory_space<vmem>>, vector<16xf32>,
      %sub3A_500 = arith.subf %get3A_496, %get3A_499 : vector<16xf32>
      %mul3A_501 = arith.mulf %sub3A_500, %sub3A_500 : vector<16xf32>
      %add3A_502 = arith.addf %add3A_493, %mul3A_501 : vector<16xf32>
      %get3A_503 = arith.index_cast %add3A_448 : i32 to index
      %get3A_504 = arith.constant 96 : index
      %get3A_505 = tpu.vector_load %arg12[%get3A_503, %get3A_504] {strides = array<i32>} : memref<128x128xf32, #tpu.memory_space<vmem>>, vector<16xf32>,
      %get3A_506 = arith.index_cast %add3A_448 : i32 to index
      %get3A_507 = arith.constant 96 : index
      %get3A_508 = tpu.vector_load %arg15[%get3A_506, %get3A_507] {strides = array<i32>} : memref<128x128xf32, #tpu.memory_space<vmem>>, vector<16xf32>,
      %sub3A_509 = arith.subf %get3A_505, %get3A_508 : vector<16xf32>
      %mul3A_510 = arith.mulf %sub3A_509, %sub3A_509 : vector<16xf32>
      %add3A_511 = arith.addf %add3A_502, %mul3A_510 : vector<16xf32>
      %get3A_512 = arith.index_cast %add3A_448 : i32 to index
      %get3A_513 = arith.constant 112 : index
      %get3A_514 = tpu.vector_load %arg12[%get3A_512, %get3A_513] {strides = array<i32>} : memref<128x128xf32, #tpu.memory_space<vmem>>, vector<16xf32>,
      %get3A_515 = arith.index_cast %add3A_448 : i32 to index
      %get3A_516 = arith.constant 112 : index
      %get3A_517 = tpu.vector_load %arg15[%get3A_515, %get3A_516] {strides = array<i32>} : memref<128x128xf32, #tpu.memory_space<vmem>>, vector<16xf32>,
      %sub3A_518 = arith.subf %get3A_514, %get3A_517 : vector<16xf32>
      %mul3A_519 = arith.mulf %sub3A_518, %sub3A_518 : vector<16xf32>
      %add3A_520 = arith.addf %add3A_511, %mul3A_519 : vector<16xf32>
      %lt3A = arith.constant 0 : i32
      %lt3A_521 = vector.broadcast %lt3A : i32 to vector<16xi32>
      %lt3A_522 = arith.cmpi slt, %xor3A_444, %lt3A_521 : vector<16xi32>
      %add3A_523 = arith.constant 16 : i32
      %add3A_524 = vector.broadcast %add3A_523 : i32 to vector<16xi32>
      %add3A_525 = arith.addi %xor3A_444, %add3A_524 : vector<16xi32>
      %select_n3A = arith.select %lt3A_522, %add3A_525, %xor3A_444 : vector<16xi1>, vector<16xi32>
      %reshape3A = vector.shape_cast %select_n3A : vector<16xi32> to vector<16x1xi32>
      %gather3A = vector.shape_cast %reshape3A : vector<16x1xi32> to vector<16xi32>
      %gather3A_526 = tpu.dynamic_gather %add3A_520[%gather3A] in [0] : vector<16xf32>, vector<16xi32> -> vector<16xf32>
      %add3A_527 = arith.addf %add3A_520, %gather3A_526 : vector<16xf32>
      %mul3A_528 = arith.constant 8 : i32
      %mul3A_529 = arith.muli %scan3A_441, %mul3A_528 : i32
      %add3A_530 = arith.constant 1 : i32
      %add3A_531 = arith.addi %mul3A_529, %add3A_530 : i32
      %broadcast_in_dim3A_532 = arith.constant 0.000000e+00 : f32
      %broadcast_in_dim3A_533 = vector.broadcast %broadcast_in_dim3A_532 : f32 to vector<16xf32>
      %get3A_534 = arith.index_cast %add3A_531 : i32 to index
      %get3A_535 = arith.constant 0 : index
      %get3A_536 = tpu.vector_load %arg12[%get3A_534, %get3A_535] {strides = array<i32>} : memref<128x128xf32, #tpu.memory_space<vmem>>, vector<16xf32>,
      %get3A_537 = arith.index_cast %add3A_531 : i32 to index
      %get3A_538 = arith.constant 0 : index
      %get3A_539 = tpu.vector_load %arg15[%get3A_537, %get3A_538] {strides = array<i32>} : memref<128x128xf32, #tpu.memory_space<vmem>>, vector<16xf32>,
      %sub3A_540 = arith.subf %get3A_536, %get3A_539 : vector<16xf32>
      %mul3A_541 = arith.mulf %sub3A_540, %sub3A_540 : vector<16xf32>
      %add3A_542 = arith.addf %broadcast_in_dim3A_533, %mul3A_541 : vector<16xf32>
      %get3A_543 = arith.index_cast %add3A_531 : i32 to index
      %get3A_544 = arith.constant 16 : index
      %get3A_545 = tpu.vector_load %arg12[%get3A_543, %get3A_544] {strides = array<i32>} : memref<128x128xf32, #tpu.memory_space<vmem>>, vector<16xf32>,
      %get3A_546 = arith.index_cast %add3A_531 : i32 to index
      %get3A_547 = arith.constant 16 : index
      %get3A_548 = tpu.vector_load %arg15[%get3A_546, %get3A_547] {strides = array<i32>} : memref<128x128xf32, #tpu.memory_space<vmem>>, vector<16xf32>,
      %sub3A_549 = arith.subf %get3A_545, %get3A_548 : vector<16xf32>
      %mul3A_550 = arith.mulf %sub3A_549, %sub3A_549 : vector<16xf32>
      %add3A_551 = arith.addf %add3A_542, %mul3A_550 : vector<16xf32>
      %get3A_552 = arith.index_cast %add3A_531 : i32 to index
      %get3A_553 = arith.constant 32 : index
      %get3A_554 = tpu.vector_load %arg12[%get3A_552, %get3A_553] {strides = array<i32>} : memref<128x128xf32, #tpu.memory_space<vmem>>, vector<16xf32>,
      %get3A_555 = arith.index_cast %add3A_531 : i32 to index
      %get3A_556 = arith.constant 32 : index
      %get3A_557 = tpu.vector_load %arg15[%get3A_555, %get3A_556] {strides = array<i32>} : memref<128x128xf32, #tpu.memory_space<vmem>>, vector<16xf32>,
      %sub3A_558 = arith.subf %get3A_554, %get3A_557 : vector<16xf32>
      %mul3A_559 = arith.mulf %sub3A_558, %sub3A_558 : vector<16xf32>
      %add3A_560 = arith.addf %add3A_551, %mul3A_559 : vector<16xf32>
      %get3A_561 = arith.index_cast %add3A_531 : i32 to index
      %get3A_562 = arith.constant 48 : index
      %get3A_563 = tpu.vector_load %arg12[%get3A_561, %get3A_562] {strides = array<i32>} : memref<128x128xf32, #tpu.memory_space<vmem>>, vector<16xf32>,
      %get3A_564 = arith.index_cast %add3A_531 : i32 to index
      %get3A_565 = arith.constant 48 : index
      %get3A_566 = tpu.vector_load %arg15[%get3A_564, %get3A_565] {strides = array<i32>} : memref<128x128xf32, #tpu.memory_space<vmem>>, vector<16xf32>,
      %sub3A_567 = arith.subf %get3A_563, %get3A_566 : vector<16xf32>
      %mul3A_568 = arith.mulf %sub3A_567, %sub3A_567 : vector<16xf32>
      %add3A_569 = arith.addf %add3A_560, %mul3A_568 : vector<16xf32>
      %get3A_570 = arith.index_cast %add3A_531 : i32 to index
      %get3A_571 = arith.constant 64 : index
      %get3A_572 = tpu.vector_load %arg12[%get3A_570, %get3A_571] {strides = array<i32>} : memref<128x128xf32, #tpu.memory_space<vmem>>, vector<16xf32>,
      %get3A_573 = arith.index_cast %add3A_531 : i32 to index
      %get3A_574 = arith.constant 64 : index
      %get3A_575 = tpu.vector_load %arg15[%get3A_573, %get3A_574] {strides = array<i32>} : memref<128x128xf32, #tpu.memory_space<vmem>>, vector<16xf32>,
      %sub3A_576 = arith.subf %get3A_572, %get3A_575 : vector<16xf32>
      %mul3A_577 = arith.mulf %sub3A_576, %sub3A_576 : vector<16xf32>
      %add3A_578 = arith.addf %add3A_569, %mul3A_577 : vector<16xf32>
      %get3A_579 = arith.index_cast %add3A_531 : i32 to index
      %get3A_580 = arith.constant 80 : index
      %get3A_581 = tpu.vector_load %arg12[%get3A_579, %get3A_580] {strides = array<i32>} : memref<128x128xf32, #tpu.memory_space<vmem>>, vector<16xf32>,
      %get3A_582 = arith.index_cast %add3A_531 : i32 to index
      %get3A_583 = arith.constant 80 : index
      %get3A_584 = tpu.vector_load %arg15[%get3A_582, %get3A_583] {strides = array<i32>} : memref<128x128xf32, #tpu.memory_space<vmem>>, vector<16xf32>,
      %sub3A_585 = arith.subf %get3A_581, %get3A_584 : vector<16xf32>
      %mul3A_586 = arith.mulf %sub3A_585, %sub3A_585 : vector<16xf32>
      %add3A_587 = arith.addf %add3A_578, %mul3A_586 : vector<16xf32>
      %get3A_588 = arith.index_cast %add3A_531 : i32 to index
      %get3A_589 = arith.constant 96 : index
      %get3A_590 = tpu.vector_load %arg12[%get3A_588, %get3A_589] {strides = array<i32>} : memref<128x128xf32, #tpu.memory_space<vmem>>, vector<16xf32>,
      %get3A_591 = arith.index_cast %add3A_531 : i32 to index
      %get3A_592 = arith.constant 96 : index
      %get3A_593 = tpu.vector_load %arg15[%get3A_591, %get3A_592] {strides = array<i32>} : memref<128x128xf32, #tpu.memory_space<vmem>>, vector<16xf32>,
      %sub3A_594 = arith.subf %get3A_590, %get3A_593 : vector<16xf32>
      %mul3A_595 = arith.mulf %sub3A_594, %sub3A_594 : vector<16xf32>
      %add3A_596 = arith.addf %add3A_587, %mul3A_595 : vector<16xf32>
      %get3A_597 = arith.index_cast %add3A_531 : i32 to index
      %get3A_598 = arith.constant 112 : index
      %get3A_599 = tpu.vector_load %arg12[%get3A_597, %get3A_598] {strides = array<i32>} : memref<128x128xf32, #tpu.memory_space<vmem>>, vector<16xf32>,
      %get3A_600 = arith.index_cast %add3A_531 : i32 to index
      %get3A_601 = arith.constant 112 : index
      %get3A_602 = tpu.vector_load %arg15[%get3A_600, %get3A_601] {strides = array<i32>} : memref<128x128xf32, #tpu.memory_space<vmem>>, vector<16xf32>,
      %sub3A_603 = arith.subf %get3A_599, %get3A_602 : vector<16xf32>
      %mul3A_604 = arith.mulf %sub3A_603, %sub3A_603 : vector<16xf32>
      %add3A_605 = arith.addf %add3A_596, %mul3A_604 : vector<16xf32>
      %lt3A_606 = arith.constant 0 : i32
      %lt3A_607 = vector.broadcast %lt3A_606 : i32 to vector<16xi32>
      %lt3A_608 = arith.cmpi slt, %xor3A_444, %lt3A_607 : vector<16xi32>
      %add3A_609 = arith.constant 16 : i32
      %add3A_610 = vector.broadcast %add3A_609 : i32 to vector<16xi32>
      %add3A_611 = arith.addi %xor3A_444, %add3A_610 : vector<16xi32>
      %select_n3A_612 = arith.select %lt3A_608, %add3A_611, %xor3A_444 : vector<16xi1>, vector<16xi32>
      %reshape3A_613 = vector.shape_cast %select_n3A_612 : vector<16xi32> to vector<16x1xi32>
      %gather3A_614 = vector.shape_cast %reshape3A_613 : vector<16x1xi32> to vector<16xi32>
      %gather3A_615 = tpu.dynamic_gather %add3A_605[%gather3A_614] in [0] : vector<16xf32>, vector<16xi32> -> vector<16xf32>
      %add3A_616 = arith.addf %add3A_605, %gather3A_615 : vector<16xf32>
      %mul3A_617 = arith.constant 8 : i32
      %mul3A_618 = arith.muli %scan3A_441, %mul3A_617 : i32
      %add3A_619 = arith.constant 2 : i32
      %add3A_620 = arith.addi %mul3A_618, %add3A_619 : i32
      %broadcast_in_dim3A_621 = arith.constant 0.000000e+00 : f32
      %broadcast_in_dim3A_622 = vector.broadcast %broadcast_in_dim3A_621 : f32 to vector<16xf32>
      %get3A_623 = arith.index_cast %add3A_620 : i32 to index
      %get3A_624 = arith.constant 0 : index
      %get3A_625 = tpu.vector_load %arg12[%get3A_623, %get3A_624] {strides = array<i32>} : memref<128x128xf32, #tpu.memory_space<vmem>>, vector<16xf32>,
      %get3A_626 = arith.index_cast %add3A_620 : i32 to index
      %get3A_627 = arith.constant 0 : index
      %get3A_628 = tpu.vector_load %arg15[%get3A_626, %get3A_627] {strides = array<i32>} : memref<128x128xf32, #tpu.memory_space<vmem>>, vector<16xf32>,
      %sub3A_629 = arith.subf %get3A_625, %get3A_628 : vector<16xf32>
      %mul3A_630 = arith.mulf %sub3A_629, %sub3A_629 : vector<16xf32>
      %add3A_631 = arith.addf %broadcast_in_dim3A_622, %mul3A_630 : vector<16xf32>
      %get3A_632 = arith.index_cast %add3A_620 : i32 to index
      %get3A_633 = arith.constant 16 : index
      %get3A_634 = tpu.vector_load %arg12[%get3A_632, %get3A_633] {strides = array<i32>} : memref<128x128xf32, #tpu.memory_space<vmem>>, vector<16xf32>,
      %get3A_635 = arith.index_cast %add3A_620 : i32 to index
      %get3A_636 = arith.constant 16 : index
      %get3A_637 = tpu.vector_load %arg15[%get3A_635, %get3A_636] {strides = array<i32>} : memref<128x128xf32, #tpu.memory_space<vmem>>, vector<16xf32>,
      %sub3A_638 = arith.subf %get3A_634, %get3A_637 : vector<16xf32>
      %mul3A_639 = arith.mulf %sub3A_638, %sub3A_638 : vector<16xf32>
      %add3A_640 = arith.addf %add3A_631, %mul3A_639 : vector<16xf32>
      %get3A_641 = arith.index_cast %add3A_620 : i32 to index
      %get3A_642 = arith.constant 32 : index
      %get3A_643 = tpu.vector_load %arg12[%get3A_641, %get3A_642] {strides = array<i32>} : memref<128x128xf32, #tpu.memory_space<vmem>>, vector<16xf32>,
      %get3A_644 = arith.index_cast %add3A_620 : i32 to index
      %get3A_645 = arith.constant 32 : index
      %get3A_646 = tpu.vector_load %arg15[%get3A_644, %get3A_645] {strides = array<i32>} : memref<128x128xf32, #tpu.memory_space<vmem>>, vector<16xf32>,
      %sub3A_647 = arith.subf %get3A_643, %get3A_646 : vector<16xf32>
      %mul3A_648 = arith.mulf %sub3A_647, %sub3A_647 : vector<16xf32>
      %add3A_649 = arith.addf %add3A_640, %mul3A_648 : vector<16xf32>
      %get3A_650 = arith.index_cast %add3A_620 : i32 to index
      %get3A_651 = arith.constant 48 : index
      %get3A_652 = tpu.vector_load %arg12[%get3A_650, %get3A_651] {strides = array<i32>} : memref<128x128xf32, #tpu.memory_space<vmem>>, vector<16xf32>,
      %get3A_653 = arith.index_cast %add3A_620 : i32 to index
      %get3A_654 = arith.constant 48 : index
      %get3A_655 = tpu.vector_load %arg15[%get3A_653, %get3A_654] {strides = array<i32>} : memref<128x128xf32, #tpu.memory_space<vmem>>, vector<16xf32>,
      %sub3A_656 = arith.subf %get3A_652, %get3A_655 : vector<16xf32>
      %mul3A_657 = arith.mulf %sub3A_656, %sub3A_656 : vector<16xf32>
      %add3A_658 = arith.addf %add3A_649, %mul3A_657 : vector<16xf32>
      %get3A_659 = arith.index_cast %add3A_620 : i32 to index
      %get3A_660 = arith.constant 64 : index
      %get3A_661 = tpu.vector_load %arg12[%get3A_659, %get3A_660] {strides = array<i32>} : memref<128x128xf32, #tpu.memory_space<vmem>>, vector<16xf32>,
      %get3A_662 = arith.index_cast %add3A_620 : i32 to index
      %get3A_663 = arith.constant 64 : index
      %get3A_664 = tpu.vector_load %arg15[%get3A_662, %get3A_663] {strides = array<i32>} : memref<128x128xf32, #tpu.memory_space<vmem>>, vector<16xf32>,
      %sub3A_665 = arith.subf %get3A_661, %get3A_664 : vector<16xf32>
      %mul3A_666 = arith.mulf %sub3A_665, %sub3A_665 : vector<16xf32>
      %add3A_667 = arith.addf %add3A_658, %mul3A_666 : vector<16xf32>
      %get3A_668 = arith.index_cast %add3A_620 : i32 to index
      %get3A_669 = arith.constant 80 : index
      %get3A_670 = tpu.vector_load %arg12[%get3A_668, %get3A_669] {strides = array<i32>} : memref<128x128xf32, #tpu.memory_space<vmem>>, vector<16xf32>,
      %get3A_671 = arith.index_cast %add3A_620 : i32 to index
      %get3A_672 = arith.constant 80 : index
      %get3A_673 = tpu.vector_load %arg15[%get3A_671, %get3A_672] {strides = array<i32>} : memref<128x128xf32, #tpu.memory_space<vmem>>, vector<16xf32>,
      %sub3A_674 = arith.subf %get3A_670, %get3A_673 : vector<16xf32>
      %mul3A_675 = arith.mulf %sub3A_674, %sub3A_674 : vector<16xf32>
      %add3A_676 = arith.addf %add3A_667, %mul3A_675 : vector<16xf32>
      %get3A_677 = arith.index_cast %add3A_620 : i32 to index
      %get3A_678 = arith.constant 96 : index
      %get3A_679 = tpu.vector_load %arg12[%get3A_677, %get3A_678] {strides = array<i32>} : memref<128x128xf32, #tpu.memory_space<vmem>>, vector<16xf32>,
      %get3A_680 = arith.index_cast %add3A_620 : i32 to index
      %get3A_681 = arith.constant 96 : index
      %get3A_682 = tpu.vector_load %arg15[%get3A_680, %get3A_681] {strides = array<i32>} : memref<128x128xf32, #tpu.memory_space<vmem>>, vector<16xf32>,
      %sub3A_683 = arith.subf %get3A_679, %get3A_682 : vector<16xf32>
      %mul3A_684 = arith.mulf %sub3A_683, %sub3A_683 : vector<16xf32>
      %add3A_685 = arith.addf %add3A_676, %mul3A_684 : vector<16xf32>
      %get3A_686 = arith.index_cast %add3A_620 : i32 to index
      %get3A_687 = arith.constant 112 : index
      %get3A_688 = tpu.vector_load %arg12[%get3A_686, %get3A_687] {strides = array<i32>} : memref<128x128xf32, #tpu.memory_space<vmem>>, vector<16xf32>,
      %get3A_689 = arith.index_cast %add3A_620 : i32 to index
      %get3A_690 = arith.constant 112 : index
      %get3A_691 = tpu.vector_load %arg15[%get3A_689, %get3A_690] {strides = array<i32>} : memref<128x128xf32, #tpu.memory_space<vmem>>, vector<16xf32>,
      %sub3A_692 = arith.subf %get3A_688, %get3A_691 : vector<16xf32>
      %mul3A_693 = arith.mulf %sub3A_692, %sub3A_692 : vector<16xf32>
      %add3A_694 = arith.addf %add3A_685, %mul3A_693 : vector<16xf32>
      %lt3A_695 = arith.constant 0 : i32
      %lt3A_696 = vector.broadcast %lt3A_695 : i32 to vector<16xi32>
      %lt3A_697 = arith.cmpi slt, %xor3A_444, %lt3A_696 : vector<16xi32>
      %add3A_698 = arith.constant 16 : i32
      %add3A_699 = vector.broadcast %add3A_698 : i32 to vector<16xi32>
      %add3A_700 = arith.addi %xor3A_444, %add3A_699 : vector<16xi32>
      %select_n3A_701 = arith.select %lt3A_697, %add3A_700, %xor3A_444 : vector<16xi1>, vector<16xi32>
      %reshape3A_702 = vector.shape_cast %select_n3A_701 : vector<16xi32> to vector<16x1xi32>
      %gather3A_703 = vector.shape_cast %reshape3A_702 : vector<16x1xi32> to vector<16xi32>
      %gather3A_704 = tpu.dynamic_gather %add3A_694[%gather3A_703] in [0] : vector<16xf32>, vector<16xi32> -> vector<16xf32>
      %add3A_705 = arith.addf %add3A_694, %gather3A_704 : vector<16xf32>
      %mul3A_706 = arith.constant 8 : i32
      %mul3A_707 = arith.muli %scan3A_441, %mul3A_706 : i32
      %add3A_708 = arith.constant 3 : i32
      %add3A_709 = arith.addi %mul3A_707, %add3A_708 : i32
      %broadcast_in_dim3A_710 = arith.constant 0.000000e+00 : f32
      %broadcast_in_dim3A_711 = vector.broadcast %broadcast_in_dim3A_710 : f32 to vector<16xf32>
      %get3A_712 = arith.index_cast %add3A_709 : i32 to index
      %get3A_713 = arith.constant 0 : index
      %get3A_714 = tpu.vector_load %arg12[%get3A_712, %get3A_713] {strides = array<i32>} : memref<128x128xf32, #tpu.memory_space<vmem>>, vector<16xf32>,
      %get3A_715 = arith.index_cast %add3A_709 : i32 to index
      %get3A_716 = arith.constant 0 : index
      %get3A_717 = tpu.vector_load %arg15[%get3A_715, %get3A_716] {strides = array<i32>} : memref<128x128xf32, #tpu.memory_space<vmem>>, vector<16xf32>,
      %sub3A_718 = arith.subf %get3A_714, %get3A_717 : vector<16xf32>
      %mul3A_719 = arith.mulf %sub3A_718, %sub3A_718 : vector<16xf32>
      %add3A_720 = arith.addf %broadcast_in_dim3A_711, %mul3A_719 : vector<16xf32>
      %get3A_721 = arith.index_cast %add3A_709 : i32 to index
      %get3A_722 = arith.constant 16 : index
      %get3A_723 = tpu.vector_load %arg12[%get3A_721, %get3A_722] {strides = array<i32>} : memref<128x128xf32, #tpu.memory_space<vmem>>, vector<16xf32>,
      %get3A_724 = arith.index_cast %add3A_709 : i32 to index
      %get3A_725 = arith.constant 16 : index
      %get3A_726 = tpu.vector_load %arg15[%get3A_724, %get3A_725] {strides = array<i32>} : memref<128x128xf32, #tpu.memory_space<vmem>>, vector<16xf32>,
      %sub3A_727 = arith.subf %get3A_723, %get3A_726 : vector<16xf32>
      %mul3A_728 = arith.mulf %sub3A_727, %sub3A_727 : vector<16xf32>
      %add3A_729 = arith.addf %add3A_720, %mul3A_728 : vector<16xf32>
      %get3A_730 = arith.index_cast %add3A_709 : i32 to index
      %get3A_731 = arith.constant 32 : index
      %get3A_732 = tpu.vector_load %arg12[%get3A_730, %get3A_731] {strides = array<i32>} : memref<128x128xf32, #tpu.memory_space<vmem>>, vector<16xf32>,
      %get3A_733 = arith.index_cast %add3A_709 : i32 to index
      %get3A_734 = arith.constant 32 : index
      %get3A_735 = tpu.vector_load %arg15[%get3A_733, %get3A_734] {strides = array<i32>} : memref<128x128xf32, #tpu.memory_space<vmem>>, vector<16xf32>,
      %sub3A_736 = arith.subf %get3A_732, %get3A_735 : vector<16xf32>
      %mul3A_737 = arith.mulf %sub3A_736, %sub3A_736 : vector<16xf32>
      %add3A_738 = arith.addf %add3A_729, %mul3A_737 : vector<16xf32>
      %get3A_739 = arith.index_cast %add3A_709 : i32 to index
      %get3A_740 = arith.constant 48 : index
      %get3A_741 = tpu.vector_load %arg12[%get3A_739, %get3A_740] {strides = array<i32>} : memref<128x128xf32, #tpu.memory_space<vmem>>, vector<16xf32>,
      %get3A_742 = arith.index_cast %add3A_709 : i32 to index
      %get3A_743 = arith.constant 48 : index
      %get3A_744 = tpu.vector_load %arg15[%get3A_742, %get3A_743] {strides = array<i32>} : memref<128x128xf32, #tpu.memory_space<vmem>>, vector<16xf32>,
      %sub3A_745 = arith.subf %get3A_741, %get3A_744 : vector<16xf32>
      %mul3A_746 = arith.mulf %sub3A_745, %sub3A_745 : vector<16xf32>
      %add3A_747 = arith.addf %add3A_738, %mul3A_746 : vector<16xf32>
      %get3A_748 = arith.index_cast %add3A_709 : i32 to index
      %get3A_749 = arith.constant 64 : index
      %get3A_750 = tpu.vector_load %arg12[%get3A_748, %get3A_749] {strides = array<i32>} : memref<128x128xf32, #tpu.memory_space<vmem>>, vector<16xf32>,
      %get3A_751 = arith.index_cast %add3A_709 : i32 to index
      %get3A_752 = arith.constant 64 : index
      %get3A_753 = tpu.vector_load %arg15[%get3A_751, %get3A_752] {strides = array<i32>} : memref<128x128xf32, #tpu.memory_space<vmem>>, vector<16xf32>,
      %sub3A_754 = arith.subf %get3A_750, %get3A_753 : vector<16xf32>
      %mul3A_755 = arith.mulf %sub3A_754, %sub3A_754 : vector<16xf32>
      %add3A_756 = arith.addf %add3A_747, %mul3A_755 : vector<16xf32>
      %get3A_757 = arith.index_cast %add3A_709 : i32 to index
      %get3A_758 = arith.constant 80 : index
      %get3A_759 = tpu.vector_load %arg12[%get3A_757, %get3A_758] {strides = array<i32>} : memref<128x128xf32, #tpu.memory_space<vmem>>, vector<16xf32>,
      %get3A_760 = arith.index_cast %add3A_709 : i32 to index
      %get3A_761 = arith.constant 80 : index
      %get3A_762 = tpu.vector_load %arg15[%get3A_760, %get3A_761] {strides = array<i32>} : memref<128x128xf32, #tpu.memory_space<vmem>>, vector<16xf32>,
      %sub3A_763 = arith.subf %get3A_759, %get3A_762 : vector<16xf32>
      %mul3A_764 = arith.mulf %sub3A_763, %sub3A_763 : vector<16xf32>
      %add3A_765 = arith.addf %add3A_756, %mul3A_764 : vector<16xf32>
      %get3A_766 = arith.index_cast %add3A_709 : i32 to index
      %get3A_767 = arith.constant 96 : index
      %get3A_768 = tpu.vector_load %arg12[%get3A_766, %get3A_767] {strides = array<i32>} : memref<128x128xf32, #tpu.memory_space<vmem>>, vector<16xf32>,
      %get3A_769 = arith.index_cast %add3A_709 : i32 to index
      %get3A_770 = arith.constant 96 : index
      %get3A_771 = tpu.vector_load %arg15[%get3A_769, %get3A_770] {strides = array<i32>} : memref<128x128xf32, #tpu.memory_space<vmem>>, vector<16xf32>,
      %sub3A_772 = arith.subf %get3A_768, %get3A_771 : vector<16xf32>
      %mul3A_773 = arith.mulf %sub3A_772, %sub3A_772 : vector<16xf32>
      %add3A_774 = arith.addf %add3A_765, %mul3A_773 : vector<16xf32>
      %get3A_775 = arith.index_cast %add3A_709 : i32 to index
      %get3A_776 = arith.constant 112 : index
      %get3A_777 = tpu.vector_load %arg12[%get3A_775, %get3A_776] {strides = array<i32>} : memref<128x128xf32, #tpu.memory_space<vmem>>, vector<16xf32>,
      %get3A_778 = arith.index_cast %add3A_709 : i32 to index
      %get3A_779 = arith.constant 112 : index
      %get3A_780 = tpu.vector_load %arg15[%get3A_778, %get3A_779] {strides = array<i32>} : memref<128x128xf32, #tpu.memory_space<vmem>>, vector<16xf32>,
      %sub3A_781 = arith.subf %get3A_777, %get3A_780 : vector<16xf32>
      %mul3A_782 = arith.mulf %sub3A_781, %sub3A_781 : vector<16xf32>
      %add3A_783 = arith.addf %add3A_774, %mul3A_782 : vector<16xf32>
      %lt3A_784 = arith.constant 0 : i32
      %lt3A_785 = vector.broadcast %lt3A_784 : i32 to vector<16xi32>
      %lt3A_786 = arith.cmpi slt, %xor3A_444, %lt3A_785 : vector<16xi32>
      %add3A_787 = arith.constant 16 : i32
      %add3A_788 = vector.broadcast %add3A_787 : i32 to vector<16xi32>
      %add3A_789 = arith.addi %xor3A_444, %add3A_788 : vector<16xi32>
      %select_n3A_790 = arith.select %lt3A_786, %add3A_789, %xor3A_444 : vector<16xi1>, vector<16xi32>
      %reshape3A_791 = vector.shape_cast %select_n3A_790 : vector<16xi32> to vector<16x1xi32>
      %gather3A_792 = vector.shape_cast %reshape3A_791 : vector<16x1xi32> to vector<16xi32>
      %gather3A_793 = tpu.dynamic_gather %add3A_783[%gather3A_792] in [0] : vector<16xf32>, vector<16xi32> -> vector<16xf32>
      %add3A_794 = arith.addf %add3A_783, %gather3A_793 : vector<16xf32>
      %mul3A_795 = arith.constant 8 : i32
      %mul3A_796 = arith.muli %scan3A_441, %mul3A_795 : i32
      %add3A_797 = arith.constant 4 : i32
      %add3A_798 = arith.addi %mul3A_796, %add3A_797 : i32
      %broadcast_in_dim3A_799 = arith.constant 0.000000e+00 : f32
      %broadcast_in_dim3A_800 = vector.broadcast %broadcast_in_dim3A_799 : f32 to vector<16xf32>
      %get3A_801 = arith.index_cast %add3A_798 : i32 to index
      %get3A_802 = arith.constant 0 : index
      %get3A_803 = tpu.vector_load %arg12[%get3A_801, %get3A_802] {strides = array<i32>} : memref<128x128xf32, #tpu.memory_space<vmem>>, vector<16xf32>,
      %get3A_804 = arith.index_cast %add3A_798 : i32 to index
      %get3A_805 = arith.constant 0 : index
      %get3A_806 = tpu.vector_load %arg15[%get3A_804, %get3A_805] {strides = array<i32>} : memref<128x128xf32, #tpu.memory_space<vmem>>, vector<16xf32>,
      %sub3A_807 = arith.subf %get3A_803, %get3A_806 : vector<16xf32>
      %mul3A_808 = arith.mulf %sub3A_807, %sub3A_807 : vector<16xf32>
      %add3A_809 = arith.addf %broadcast_in_dim3A_800, %mul3A_808 : vector<16xf32>
      %get3A_810 = arith.index_cast %add3A_798 : i32 to index
      %get3A_811 = arith.constant 16 : index
      %get3A_812 = tpu.vector_load %arg12[%get3A_810, %get3A_811] {strides = array<i32>} : memref<128x128xf32, #tpu.memory_space<vmem>>, vector<16xf32>,
      %get3A_813 = arith.index_cast %add3A_798 : i32 to index
      %get3A_814 = arith.constant 16 : index
      %get3A_815 = tpu.vector_load %arg15[%get3A_813, %get3A_814] {strides = array<i32>} : memref<128x128xf32, #tpu.memory_space<vmem>>, vector<16xf32>,
      %sub3A_816 = arith.subf %get3A_812, %get3A_815 : vector<16xf32>
      %mul3A_817 = arith.mulf %sub3A_816, %sub3A_816 : vector<16xf32>
      %add3A_818 = arith.addf %add3A_809, %mul3A_817 : vector<16xf32>
      %get3A_819 = arith.index_cast %add3A_798 : i32 to index
      %get3A_820 = arith.constant 32 : index
      %get3A_821 = tpu.vector_load %arg12[%get3A_819, %get3A_820] {strides = array<i32>} : memref<128x128xf32, #tpu.memory_space<vmem>>, vector<16xf32>,
      %get3A_822 = arith.index_cast %add3A_798 : i32 to index
      %get3A_823 = arith.constant 32 : index
      %get3A_824 = tpu.vector_load %arg15[%get3A_822, %get3A_823] {strides = array<i32>} : memref<128x128xf32, #tpu.memory_space<vmem>>, vector<16xf32>,
      %sub3A_825 = arith.subf %get3A_821, %get3A_824 : vector<16xf32>
      %mul3A_826 = arith.mulf %sub3A_825, %sub3A_825 : vector<16xf32>
      %add3A_827 = arith.addf %add3A_818, %mul3A_826 : vector<16xf32>
      %get3A_828 = arith.index_cast %add3A_798 : i32 to index
      %get3A_829 = arith.constant 48 : index
      %get3A_830 = tpu.vector_load %arg12[%get3A_828, %get3A_829] {strides = array<i32>} : memref<128x128xf32, #tpu.memory_space<vmem>>, vector<16xf32>,
      %get3A_831 = arith.index_cast %add3A_798 : i32 to index
      %get3A_832 = arith.constant 48 : index
      %get3A_833 = tpu.vector_load %arg15[%get3A_831, %get3A_832] {strides = array<i32>} : memref<128x128xf32, #tpu.memory_space<vmem>>, vector<16xf32>,
      %sub3A_834 = arith.subf %get3A_830, %get3A_833 : vector<16xf32>
      %mul3A_835 = arith.mulf %sub3A_834, %sub3A_834 : vector<16xf32>
      %add3A_836 = arith.addf %add3A_827, %mul3A_835 : vector<16xf32>
      %get3A_837 = arith.index_cast %add3A_798 : i32 to index
      %get3A_838 = arith.constant 64 : index
      %get3A_839 = tpu.vector_load %arg12[%get3A_837, %get3A_838] {strides = array<i32>} : memref<128x128xf32, #tpu.memory_space<vmem>>, vector<16xf32>,
      %get3A_840 = arith.index_cast %add3A_798 : i32 to index
      %get3A_841 = arith.constant 64 : index
      %get3A_842 = tpu.vector_load %arg15[%get3A_840, %get3A_841] {strides = array<i32>} : memref<128x128xf32, #tpu.memory_space<vmem>>, vector<16xf32>,
      %sub3A_843 = arith.subf %get3A_839, %get3A_842 : vector<16xf32>
      %mul3A_844 = arith.mulf %sub3A_843, %sub3A_843 : vector<16xf32>
      %add3A_845 = arith.addf %add3A_836, %mul3A_844 : vector<16xf32>
      %get3A_846 = arith.index_cast %add3A_798 : i32 to index
      %get3A_847 = arith.constant 80 : index
      %get3A_848 = tpu.vector_load %arg12[%get3A_846, %get3A_847] {strides = array<i32>} : memref<128x128xf32, #tpu.memory_space<vmem>>, vector<16xf32>,
      %get3A_849 = arith.index_cast %add3A_798 : i32 to index
      %get3A_850 = arith.constant 80 : index
      %get3A_851 = tpu.vector_load %arg15[%get3A_849, %get3A_850] {strides = array<i32>} : memref<128x128xf32, #tpu.memory_space<vmem>>, vector<16xf32>,
      %sub3A_852 = arith.subf %get3A_848, %get3A_851 : vector<16xf32>
      %mul3A_853 = arith.mulf %sub3A_852, %sub3A_852 : vector<16xf32>
      %add3A_854 = arith.addf %add3A_845, %mul3A_853 : vector<16xf32>
      %get3A_855 = arith.index_cast %add3A_798 : i32 to index
      %get3A_856 = arith.constant 96 : index
      %get3A_857 = tpu.vector_load %arg12[%get3A_855, %get3A_856] {strides = array<i32>} : memref<128x128xf32, #tpu.memory_space<vmem>>, vector<16xf32>,
      %get3A_858 = arith.index_cast %add3A_798 : i32 to index
      %get3A_859 = arith.constant 96 : index
      %get3A_860 = tpu.vector_load %arg15[%get3A_858, %get3A_859] {strides = array<i32>} : memref<128x128xf32, #tpu.memory_space<vmem>>, vector<16xf32>,
      %sub3A_861 = arith.subf %get3A_857, %get3A_860 : vector<16xf32>
      %mul3A_862 = arith.mulf %sub3A_861, %sub3A_861 : vector<16xf32>
      %add3A_863 = arith.addf %add3A_854, %mul3A_862 : vector<16xf32>
      %get3A_864 = arith.index_cast %add3A_798 : i32 to index
      %get3A_865 = arith.constant 112 : index
      %get3A_866 = tpu.vector_load %arg12[%get3A_864, %get3A_865] {strides = array<i32>} : memref<128x128xf32, #tpu.memory_space<vmem>>, vector<16xf32>,
      %get3A_867 = arith.index_cast %add3A_798 : i32 to index
      %get3A_868 = arith.constant 112 : index
      %get3A_869 = tpu.vector_load %arg15[%get3A_867, %get3A_868] {strides = array<i32>} : memref<128x128xf32, #tpu.memory_space<vmem>>, vector<16xf32>,
      %sub3A_870 = arith.subf %get3A_866, %get3A_869 : vector<16xf32>
      %mul3A_871 = arith.mulf %sub3A_870, %sub3A_870 : vector<16xf32>
      %add3A_872 = arith.addf %add3A_863, %mul3A_871 : vector<16xf32>
      %lt3A_873 = arith.constant 0 : i32
      %lt3A_874 = vector.broadcast %lt3A_873 : i32 to vector<16xi32>
      %lt3A_875 = arith.cmpi slt, %xor3A_444, %lt3A_874 : vector<16xi32>
      %add3A_876 = arith.constant 16 : i32
      %add3A_877 = vector.broadcast %add3A_876 : i32 to vector<16xi32>
      %add3A_878 = arith.addi %xor3A_444, %add3A_877 : vector<16xi32>
      %select_n3A_879 = arith.select %lt3A_875, %add3A_878, %xor3A_444 : vector<16xi1>, vector<16xi32>
      %reshape3A_880 = vector.shape_cast %select_n3A_879 : vector<16xi32> to vector<16x1xi32>
      %gather3A_881 = vector.shape_cast %reshape3A_880 : vector<16x1xi32> to vector<16xi32>
      %gather3A_882 = tpu.dynamic_gather %add3A_872[%gather3A_881] in [0] : vector<16xf32>, vector<16xi32> -> vector<16xf32>
      %add3A_883 = arith.addf %add3A_872, %gather3A_882 : vector<16xf32>
      %mul3A_884 = arith.constant 8 : i32
      %mul3A_885 = arith.muli %scan3A_441, %mul3A_884 : i32
      %add3A_886 = arith.constant 5 : i32
      %add3A_887 = arith.addi %mul3A_885, %add3A_886 : i32
      %broadcast_in_dim3A_888 = arith.constant 0.000000e+00 : f32
      %broadcast_in_dim3A_889 = vector.broadcast %broadcast_in_dim3A_888 : f32 to vector<16xf32>
      %get3A_890 = arith.index_cast %add3A_887 : i32 to index
      %get3A_891 = arith.constant 0 : index
      %get3A_892 = tpu.vector_load %arg12[%get3A_890, %get3A_891] {strides = array<i32>} : memref<128x128xf32, #tpu.memory_space<vmem>>, vector<16xf32>,
      %get3A_893 = arith.index_cast %add3A_887 : i32 to index
      %get3A_894 = arith.constant 0 : index
      %get3A_895 = tpu.vector_load %arg15[%get3A_893, %get3A_894] {strides = array<i32>} : memref<128x128xf32, #tpu.memory_space<vmem>>, vector<16xf32>,
      %sub3A_896 = arith.subf %get3A_892, %get3A_895 : vector<16xf32>
      %mul3A_897 = arith.mulf %sub3A_896, %sub3A_896 : vector<16xf32>
      %add3A_898 = arith.addf %broadcast_in_dim3A_889, %mul3A_897 : vector<16xf32>
      %get3A_899 = arith.index_cast %add3A_887 : i32 to index
      %get3A_900 = arith.constant 16 : index
      %get3A_901 = tpu.vector_load %arg12[%get3A_899, %get3A_900] {strides = array<i32>} : memref<128x128xf32, #tpu.memory_space<vmem>>, vector<16xf32>,
      %get3A_902 = arith.index_cast %add3A_887 : i32 to index
      %get3A_903 = arith.constant 16 : index
      %get3A_904 = tpu.vector_load %arg15[%get3A_902, %get3A_903] {strides = array<i32>} : memref<128x128xf32, #tpu.memory_space<vmem>>, vector<16xf32>,
      %sub3A_905 = arith.subf %get3A_901, %get3A_904 : vector<16xf32>
      %mul3A_906 = arith.mulf %sub3A_905, %sub3A_905 : vector<16xf32>
      %add3A_907 = arith.addf %add3A_898, %mul3A_906 : vector<16xf32>
      %get3A_908 = arith.index_cast %add3A_887 : i32 to index
      %get3A_909 = arith.constant 32 : index
      %get3A_910 = tpu.vector_load %arg12[%get3A_908, %get3A_909] {strides = array<i32>} : memref<128x128xf32, #tpu.memory_space<vmem>>, vector<16xf32>,
      %get3A_911 = arith.index_cast %add3A_887 : i32 to index
      %get3A_912 = arith.constant 32 : index
      %get3A_913 = tpu.vector_load %arg15[%get3A_911, %get3A_912] {strides = array<i32>} : memref<128x128xf32, #tpu.memory_space<vmem>>, vector<16xf32>,
      %sub3A_914 = arith.subf %get3A_910, %get3A_913 : vector<16xf32>
      %mul3A_915 = arith.mulf %sub3A_914, %sub3A_914 : vector<16xf32>
      %add3A_916 = arith.addf %add3A_907, %mul3A_915 : vector<16xf32>
      %get3A_917 = arith.index_cast %add3A_887 : i32 to index
      %get3A_918 = arith.constant 48 : index
      %get3A_919 = tpu.vector_load %arg12[%get3A_917, %get3A_918] {strides = array<i32>} : memref<128x128xf32, #tpu.memory_space<vmem>>, vector<16xf32>,
      %get3A_920 = arith.index_cast %add3A_887 : i32 to index
      %get3A_921 = arith.constant 48 : index
      %get3A_922 = tpu.vector_load %arg15[%get3A_920, %get3A_921] {strides = array<i32>} : memref<128x128xf32, #tpu.memory_space<vmem>>, vector<16xf32>,
      %sub3A_923 = arith.subf %get3A_919, %get3A_922 : vector<16xf32>
      %mul3A_924 = arith.mulf %sub3A_923, %sub3A_923 : vector<16xf32>
      %add3A_925 = arith.addf %add3A_916, %mul3A_924 : vector<16xf32>
      %get3A_926 = arith.index_cast %add3A_887 : i32 to index
      %get3A_927 = arith.constant 64 : index
      %get3A_928 = tpu.vector_load %arg12[%get3A_926, %get3A_927] {strides = array<i32>} : memref<128x128xf32, #tpu.memory_space<vmem>>, vector<16xf32>,
      %get3A_929 = arith.index_cast %add3A_887 : i32 to index
      %get3A_930 = arith.constant 64 : index
      %get3A_931 = tpu.vector_load %arg15[%get3A_929, %get3A_930] {strides = array<i32>} : memref<128x128xf32, #tpu.memory_space<vmem>>, vector<16xf32>,
      %sub3A_932 = arith.subf %get3A_928, %get3A_931 : vector<16xf32>
      %mul3A_933 = arith.mulf %sub3A_932, %sub3A_932 : vector<16xf32>
      %add3A_934 = arith.addf %add3A_925, %mul3A_933 : vector<16xf32>
      %get3A_935 = arith.index_cast %add3A_887 : i32 to index
      %get3A_936 = arith.constant 80 : index
      %get3A_937 = tpu.vector_load %arg12[%get3A_935, %get3A_936] {strides = array<i32>} : memref<128x128xf32, #tpu.memory_space<vmem>>, vector<16xf32>,
      %get3A_938 = arith.index_cast %add3A_887 : i32 to index
      %get3A_939 = arith.constant 80 : index
      %get3A_940 = tpu.vector_load %arg15[%get3A_938, %get3A_939] {strides = array<i32>} : memref<128x128xf32, #tpu.memory_space<vmem>>, vector<16xf32>,
      %sub3A_941 = arith.subf %get3A_937, %get3A_940 : vector<16xf32>
      %mul3A_942 = arith.mulf %sub3A_941, %sub3A_941 : vector<16xf32>
      %add3A_943 = arith.addf %add3A_934, %mul3A_942 : vector<16xf32>
      %get3A_944 = arith.index_cast %add3A_887 : i32 to index
      %get3A_945 = arith.constant 96 : index
      %get3A_946 = tpu.vector_load %arg12[%get3A_944, %get3A_945] {strides = array<i32>} : memref<128x128xf32, #tpu.memory_space<vmem>>, vector<16xf32>,
      %get3A_947 = arith.index_cast %add3A_887 : i32 to index
      %get3A_948 = arith.constant 96 : index
      %get3A_949 = tpu.vector_load %arg15[%get3A_947, %get3A_948] {strides = array<i32>} : memref<128x128xf32, #tpu.memory_space<vmem>>, vector<16xf32>,
      %sub3A_950 = arith.subf %get3A_946, %get3A_949 : vector<16xf32>
      %mul3A_951 = arith.mulf %sub3A_950, %sub3A_950 : vector<16xf32>
      %add3A_952 = arith.addf %add3A_943, %mul3A_951 : vector<16xf32>
      %get3A_953 = arith.index_cast %add3A_887 : i32 to index
      %get3A_954 = arith.constant 112 : index
      %get3A_955 = tpu.vector_load %arg12[%get3A_953, %get3A_954] {strides = array<i32>} : memref<128x128xf32, #tpu.memory_space<vmem>>, vector<16xf32>,
      %get3A_956 = arith.index_cast %add3A_887 : i32 to index
      %get3A_957 = arith.constant 112 : index
      %get3A_958 = tpu.vector_load %arg15[%get3A_956, %get3A_957] {strides = array<i32>} : memref<128x128xf32, #tpu.memory_space<vmem>>, vector<16xf32>,
      %sub3A_959 = arith.subf %get3A_955, %get3A_958 : vector<16xf32>
      %mul3A_960 = arith.mulf %sub3A_959, %sub3A_959 : vector<16xf32>
      %add3A_961 = arith.addf %add3A_952, %mul3A_960 : vector<16xf32>
      %lt3A_962 = arith.constant 0 : i32
      %lt3A_963 = vector.broadcast %lt3A_962 : i32 to vector<16xi32>
      %lt3A_964 = arith.cmpi slt, %xor3A_444, %lt3A_963 : vector<16xi32>
      %add3A_965 = arith.constant 16 : i32
      %add3A_966 = vector.broadcast %add3A_965 : i32 to vector<16xi32>
      %add3A_967 = arith.addi %xor3A_444, %add3A_966 : vector<16xi32>
      %select_n3A_968 = arith.select %lt3A_964, %add3A_967, %xor3A_444 : vector<16xi1>, vector<16xi32>
      %reshape3A_969 = vector.shape_cast %select_n3A_968 : vector<16xi32> to vector<16x1xi32>
      %gather3A_970 = vector.shape_cast %reshape3A_969 : vector<16x1xi32> to vector<16xi32>
      %gather3A_971 = tpu.dynamic_gather %add3A_961[%gather3A_970] in [0] : vector<16xf32>, vector<16xi32> -> vector<16xf32>
      %add3A_972 = arith.addf %add3A_961, %gather3A_971 : vector<16xf32>
      %mul3A_973 = arith.constant 8 : i32
      %mul3A_974 = arith.muli %scan3A_441, %mul3A_973 : i32
      %add3A_975 = arith.constant 6 : i32
      %add3A_976 = arith.addi %mul3A_974, %add3A_975 : i32
      %broadcast_in_dim3A_977 = arith.constant 0.000000e+00 : f32
      %broadcast_in_dim3A_978 = vector.broadcast %broadcast_in_dim3A_977 : f32 to vector<16xf32>
      %get3A_979 = arith.index_cast %add3A_976 : i32 to index
      %get3A_980 = arith.constant 0 : index
      %get3A_981 = tpu.vector_load %arg12[%get3A_979, %get3A_980] {strides = array<i32>} : memref<128x128xf32, #tpu.memory_space<vmem>>, vector<16xf32>,
      %get3A_982 = arith.index_cast %add3A_976 : i32 to index
      %get3A_983 = arith.constant 0 : index
      %get3A_984 = tpu.vector_load %arg15[%get3A_982, %get3A_983] {strides = array<i32>} : memref<128x128xf32, #tpu.memory_space<vmem>>, vector<16xf32>,
      %sub3A_985 = arith.subf %get3A_981, %get3A_984 : vector<16xf32>
      %mul3A_986 = arith.mulf %sub3A_985, %sub3A_985 : vector<16xf32>
      %add3A_987 = arith.addf %broadcast_in_dim3A_978, %mul3A_986 : vector<16xf32>
      %get3A_988 = arith.index_cast %add3A_976 : i32 to index
      %get3A_989 = arith.constant 16 : index
      %get3A_990 = tpu.vector_load %arg12[%get3A_988, %get3A_989] {strides = array<i32>} : memref<128x128xf32, #tpu.memory_space<vmem>>, vector<16xf32>,
      %get3A_991 = arith.index_cast %add3A_976 : i32 to index
      %get3A_992 = arith.constant 16 : index
      %get3A_993 = tpu.vector_load %arg15[%get3A_991, %get3A_992] {strides = array<i32>} : memref<128x128xf32, #tpu.memory_space<vmem>>, vector<16xf32>,
      %sub3A_994 = arith.subf %get3A_990, %get3A_993 : vector<16xf32>
      %mul3A_995 = arith.mulf %sub3A_994, %sub3A_994 : vector<16xf32>
      %add3A_996 = arith.addf %add3A_987, %mul3A_995 : vector<16xf32>
      %get3A_997 = arith.index_cast %add3A_976 : i32 to index
      %get3A_998 = arith.constant 32 : index
      %get3A_999 = tpu.vector_load %arg12[%get3A_997, %get3A_998] {strides = array<i32>} : memref<128x128xf32, #tpu.memory_space<vmem>>, vector<16xf32>,
      %get3A_1000 = arith.index_cast %add3A_976 : i32 to index
      %get3A_1001 = arith.constant 32 : index
      %get3A_1002 = tpu.vector_load %arg15[%get3A_1000, %get3A_1001] {strides = array<i32>} : memref<128x128xf32, #tpu.memory_space<vmem>>, vector<16xf32>,
      %sub3A_1003 = arith.subf %get3A_999, %get3A_1002 : vector<16xf32>
      %mul3A_1004 = arith.mulf %sub3A_1003, %sub3A_1003 : vector<16xf32>
      %add3A_1005 = arith.addf %add3A_996, %mul3A_1004 : vector<16xf32>
      %get3A_1006 = arith.index_cast %add3A_976 : i32 to index
      %get3A_1007 = arith.constant 48 : index
      %get3A_1008 = tpu.vector_load %arg12[%get3A_1006, %get3A_1007] {strides = array<i32>} : memref<128x128xf32, #tpu.memory_space<vmem>>, vector<16xf32>,
      %get3A_1009 = arith.index_cast %add3A_976 : i32 to index
      %get3A_1010 = arith.constant 48 : index
      %get3A_1011 = tpu.vector_load %arg15[%get3A_1009, %get3A_1010] {strides = array<i32>} : memref<128x128xf32, #tpu.memory_space<vmem>>, vector<16xf32>,
      %sub3A_1012 = arith.subf %get3A_1008, %get3A_1011 : vector<16xf32>
      %mul3A_1013 = arith.mulf %sub3A_1012, %sub3A_1012 : vector<16xf32>
      %add3A_1014 = arith.addf %add3A_1005, %mul3A_1013 : vector<16xf32>
      %get3A_1015 = arith.index_cast %add3A_976 : i32 to index
      %get3A_1016 = arith.constant 64 : index
      %get3A_1017 = tpu.vector_load %arg12[%get3A_1015, %get3A_1016] {strides = array<i32>} : memref<128x128xf32, #tpu.memory_space<vmem>>, vector<16xf32>,
      %get3A_1018 = arith.index_cast %add3A_976 : i32 to index
      %get3A_1019 = arith.constant 64 : index
      %get3A_1020 = tpu.vector_load %arg15[%get3A_1018, %get3A_1019] {strides = array<i32>} : memref<128x128xf32, #tpu.memory_space<vmem>>, vector<16xf32>,
      %sub3A_1021 = arith.subf %get3A_1017, %get3A_1020 : vector<16xf32>
      %mul3A_1022 = arith.mulf %sub3A_1021, %sub3A_1021 : vector<16xf32>
      %add3A_1023 = arith.addf %add3A_1014, %mul3A_1022 : vector<16xf32>
      %get3A_1024 = arith.index_cast %add3A_976 : i32 to index
      %get3A_1025 = arith.constant 80 : index
      %get3A_1026 = tpu.vector_load %arg12[%get3A_1024, %get3A_1025] {strides = array<i32>} : memref<128x128xf32, #tpu.memory_space<vmem>>, vector<16xf32>,
      %get3A_1027 = arith.index_cast %add3A_976 : i32 to index
      %get3A_1028 = arith.constant 80 : index
      %get3A_1029 = tpu.vector_load %arg15[%get3A_1027, %get3A_1028] {strides = array<i32>} : memref<128x128xf32, #tpu.memory_space<vmem>>, vector<16xf32>,
      %sub3A_1030 = arith.subf %get3A_1026, %get3A_1029 : vector<16xf32>
      %mul3A_1031 = arith.mulf %sub3A_1030, %sub3A_1030 : vector<16xf32>
      %add3A_1032 = arith.addf %add3A_1023, %mul3A_1031 : vector<16xf32>
      %get3A_1033 = arith.index_cast %add3A_976 : i32 to index
      %get3A_1034 = arith.constant 96 : index
      %get3A_1035 = tpu.vector_load %arg12[%get3A_1033, %get3A_1034] {strides = array<i32>} : memref<128x128xf32, #tpu.memory_space<vmem>>, vector<16xf32>,
      %get3A_1036 = arith.index_cast %add3A_976 : i32 to index
      %get3A_1037 = arith.constant 96 : index
      %get3A_1038 = tpu.vector_load %arg15[%get3A_1036, %get3A_1037] {strides = array<i32>} : memref<128x128xf32, #tpu.memory_space<vmem>>, vector<16xf32>,
      %sub3A_1039 = arith.subf %get3A_1035, %get3A_1038 : vector<16xf32>
      %mul3A_1040 = arith.mulf %sub3A_1039, %sub3A_1039 : vector<16xf32>
      %add3A_1041 = arith.addf %add3A_1032, %mul3A_1040 : vector<16xf32>
      %get3A_1042 = arith.index_cast %add3A_976 : i32 to index
      %get3A_1043 = arith.constant 112 : index
      %get3A_1044 = tpu.vector_load %arg12[%get3A_1042, %get3A_1043] {strides = array<i32>} : memref<128x128xf32, #tpu.memory_space<vmem>>, vector<16xf32>,
      %get3A_1045 = arith.index_cast %add3A_976 : i32 to index
      %get3A_1046 = arith.constant 112 : index
      %get3A_1047 = tpu.vector_load %arg15[%get3A_1045, %get3A_1046] {strides = array<i32>} : memref<128x128xf32, #tpu.memory_space<vmem>>, vector<16xf32>,
      %sub3A_1048 = arith.subf %get3A_1044, %get3A_1047 : vector<16xf32>
      %mul3A_1049 = arith.mulf %sub3A_1048, %sub3A_1048 : vector<16xf32>
      %add3A_1050 = arith.addf %add3A_1041, %mul3A_1049 : vector<16xf32>
      %lt3A_1051 = arith.constant 0 : i32
      %lt3A_1052 = vector.broadcast %lt3A_1051 : i32 to vector<16xi32>
      %lt3A_1053 = arith.cmpi slt, %xor3A_444, %lt3A_1052 : vector<16xi32>
      %add3A_1054 = arith.constant 16 : i32
      %add3A_1055 = vector.broadcast %add3A_1054 : i32 to vector<16xi32>
      %add3A_1056 = arith.addi %xor3A_444, %add3A_1055 : vector<16xi32>
      %select_n3A_1057 = arith.select %lt3A_1053, %add3A_1056, %xor3A_444 : vector<16xi1>, vector<16xi32>
      %reshape3A_1058 = vector.shape_cast %select_n3A_1057 : vector<16xi32> to vector<16x1xi32>
      %gather3A_1059 = vector.shape_cast %reshape3A_1058 : vector<16x1xi32> to vector<16xi32>
      %gather3A_1060 = tpu.dynamic_gather %add3A_1050[%gather3A_1059] in [0] : vector<16xf32>, vector<16xi32> -> vector<16xf32>
      %add3A_1061 = arith.addf %add3A_1050, %gather3A_1060 : vector<16xf32>
      %mul3A_1062 = arith.constant 8 : i32
      %mul3A_1063 = arith.muli %scan3A_441, %mul3A_1062 : i32
      %add3A_1064 = arith.constant 7 : i32
      %add3A_1065 = arith.addi %mul3A_1063, %add3A_1064 : i32
      %broadcast_in_dim3A_1066 = arith.constant 0.000000e+00 : f32
      %broadcast_in_dim3A_1067 = vector.broadcast %broadcast_in_dim3A_1066 : f32 to vector<16xf32>
      %get3A_1068 = arith.index_cast %add3A_1065 : i32 to index
      %get3A_1069 = arith.constant 0 : index
      %get3A_1070 = tpu.vector_load %arg12[%get3A_1068, %get3A_1069] {strides = array<i32>} : memref<128x128xf32, #tpu.memory_space<vmem>>, vector<16xf32>,
      %get3A_1071 = arith.index_cast %add3A_1065 : i32 to index
      %get3A_1072 = arith.constant 0 : index
      %get3A_1073 = tpu.vector_load %arg15[%get3A_1071, %get3A_1072] {strides = array<i32>} : memref<128x128xf32, #tpu.memory_space<vmem>>, vector<16xf32>,
      %sub3A_1074 = arith.subf %get3A_1070, %get3A_1073 : vector<16xf32>
      %mul3A_1075 = arith.mulf %sub3A_1074, %sub3A_1074 : vector<16xf32>
      %add3A_1076 = arith.addf %broadcast_in_dim3A_1067, %mul3A_1075 : vector<16xf32>
      %get3A_1077 = arith.index_cast %add3A_1065 : i32 to index
      %get3A_1078 = arith.constant 16 : index
      %get3A_1079 = tpu.vector_load %arg12[%get3A_1077, %get3A_1078] {strides = array<i32>} : memref<128x128xf32, #tpu.memory_space<vmem>>, vector<16xf32>,
      %get3A_1080 = arith.index_cast %add3A_1065 : i32 to index
      %get3A_1081 = arith.constant 16 : index
      %get3A_1082 = tpu.vector_load %arg15[%get3A_1080, %get3A_1081] {strides = array<i32>} : memref<128x128xf32, #tpu.memory_space<vmem>>, vector<16xf32>,
      %sub3A_1083 = arith.subf %get3A_1079, %get3A_1082 : vector<16xf32>
      %mul3A_1084 = arith.mulf %sub3A_1083, %sub3A_1083 : vector<16xf32>
      %add3A_1085 = arith.addf %add3A_1076, %mul3A_1084 : vector<16xf32>
      %get3A_1086 = arith.index_cast %add3A_1065 : i32 to index
      %get3A_1087 = arith.constant 32 : index
      %get3A_1088 = tpu.vector_load %arg12[%get3A_1086, %get3A_1087] {strides = array<i32>} : memref<128x128xf32, #tpu.memory_space<vmem>>, vector<16xf32>,
      %get3A_1089 = arith.index_cast %add3A_1065 : i32 to index
      %get3A_1090 = arith.constant 32 : index
      %get3A_1091 = tpu.vector_load %arg15[%get3A_1089, %get3A_1090] {strides = array<i32>} : memref<128x128xf32, #tpu.memory_space<vmem>>, vector<16xf32>,
      %sub3A_1092 = arith.subf %get3A_1088, %get3A_1091 : vector<16xf32>
      %mul3A_1093 = arith.mulf %sub3A_1092, %sub3A_1092 : vector<16xf32>
      %add3A_1094 = arith.addf %add3A_1085, %mul3A_1093 : vector<16xf32>
      %get3A_1095 = arith.index_cast %add3A_1065 : i32 to index
      %get3A_1096 = arith.constant 48 : index
      %get3A_1097 = tpu.vector_load %arg12[%get3A_1095, %get3A_1096] {strides = array<i32>} : memref<128x128xf32, #tpu.memory_space<vmem>>, vector<16xf32>,
      %get3A_1098 = arith.index_cast %add3A_1065 : i32 to index
      %get3A_1099 = arith.constant 48 : index
      %get3A_1100 = tpu.vector_load %arg15[%get3A_1098, %get3A_1099] {strides = array<i32>} : memref<128x128xf32, #tpu.memory_space<vmem>>, vector<16xf32>,
      %sub3A_1101 = arith.subf %get3A_1097, %get3A_1100 : vector<16xf32>
      %mul3A_1102 = arith.mulf %sub3A_1101, %sub3A_1101 : vector<16xf32>
      %add3A_1103 = arith.addf %add3A_1094, %mul3A_1102 : vector<16xf32>
      %get3A_1104 = arith.index_cast %add3A_1065 : i32 to index
      %get3A_1105 = arith.constant 64 : index
      %get3A_1106 = tpu.vector_load %arg12[%get3A_1104, %get3A_1105] {strides = array<i32>} : memref<128x128xf32, #tpu.memory_space<vmem>>, vector<16xf32>,
      %get3A_1107 = arith.index_cast %add3A_1065 : i32 to index
      %get3A_1108 = arith.constant 64 : index
      %get3A_1109 = tpu.vector_load %arg15[%get3A_1107, %get3A_1108] {strides = array<i32>} : memref<128x128xf32, #tpu.memory_space<vmem>>, vector<16xf32>,
      %sub3A_1110 = arith.subf %get3A_1106, %get3A_1109 : vector<16xf32>
      %mul3A_1111 = arith.mulf %sub3A_1110, %sub3A_1110 : vector<16xf32>
      %add3A_1112 = arith.addf %add3A_1103, %mul3A_1111 : vector<16xf32>
      %get3A_1113 = arith.index_cast %add3A_1065 : i32 to index
      %get3A_1114 = arith.constant 80 : index
      %get3A_1115 = tpu.vector_load %arg12[%get3A_1113, %get3A_1114] {strides = array<i32>} : memref<128x128xf32, #tpu.memory_space<vmem>>, vector<16xf32>,
      %get3A_1116 = arith.index_cast %add3A_1065 : i32 to index
      %get3A_1117 = arith.constant 80 : index
      %get3A_1118 = tpu.vector_load %arg15[%get3A_1116, %get3A_1117] {strides = array<i32>} : memref<128x128xf32, #tpu.memory_space<vmem>>, vector<16xf32>,
      %sub3A_1119 = arith.subf %get3A_1115, %get3A_1118 : vector<16xf32>
      %mul3A_1120 = arith.mulf %sub3A_1119, %sub3A_1119 : vector<16xf32>
      %add3A_1121 = arith.addf %add3A_1112, %mul3A_1120 : vector<16xf32>
      %get3A_1122 = arith.index_cast %add3A_1065 : i32 to index
      %get3A_1123 = arith.constant 96 : index
      %get3A_1124 = tpu.vector_load %arg12[%get3A_1122, %get3A_1123] {strides = array<i32>} : memref<128x128xf32, #tpu.memory_space<vmem>>, vector<16xf32>,
      %get3A_1125 = arith.index_cast %add3A_1065 : i32 to index
      %get3A_1126 = arith.constant 96 : index
      %get3A_1127 = tpu.vector_load %arg15[%get3A_1125, %get3A_1126] {strides = array<i32>} : memref<128x128xf32, #tpu.memory_space<vmem>>, vector<16xf32>,
      %sub3A_1128 = arith.subf %get3A_1124, %get3A_1127 : vector<16xf32>
      %mul3A_1129 = arith.mulf %sub3A_1128, %sub3A_1128 : vector<16xf32>
      %add3A_1130 = arith.addf %add3A_1121, %mul3A_1129 : vector<16xf32>
      %get3A_1131 = arith.index_cast %add3A_1065 : i32 to index
      %get3A_1132 = arith.constant 112 : index
      %get3A_1133 = tpu.vector_load %arg12[%get3A_1131, %get3A_1132] {strides = array<i32>} : memref<128x128xf32, #tpu.memory_space<vmem>>, vector<16xf32>,
      %get3A_1134 = arith.index_cast %add3A_1065 : i32 to index
      %get3A_1135 = arith.constant 112 : index
      %get3A_1136 = tpu.vector_load %arg15[%get3A_1134, %get3A_1135] {strides = array<i32>} : memref<128x128xf32, #tpu.memory_space<vmem>>, vector<16xf32>,
      %sub3A_1137 = arith.subf %get3A_1133, %get3A_1136 : vector<16xf32>
      %mul3A_1138 = arith.mulf %sub3A_1137, %sub3A_1137 : vector<16xf32>
      %add3A_1139 = arith.addf %add3A_1130, %mul3A_1138 : vector<16xf32>
      %lt3A_1140 = arith.constant 0 : i32
      %lt3A_1141 = vector.broadcast %lt3A_1140 : i32 to vector<16xi32>
      %lt3A_1142 = arith.cmpi slt, %xor3A_444, %lt3A_1141 : vector<16xi32>
      %add3A_1143 = arith.constant 16 : i32
      %add3A_1144 = vector.broadcast %add3A_1143 : i32 to vector<16xi32>
      %add3A_1145 = arith.addi %xor3A_444, %add3A_1144 : vector<16xi32>
      %select_n3A_1146 = arith.select %lt3A_1142, %add3A_1145, %xor3A_444 : vector<16xi1>, vector<16xi32>
      %reshape3A_1147 = vector.shape_cast %select_n3A_1146 : vector<16xi32> to vector<16x1xi32>
      %gather3A_1148 = vector.shape_cast %reshape3A_1147 : vector<16x1xi32> to vector<16xi32>
      %gather3A_1149 = tpu.dynamic_gather %add3A_1139[%gather3A_1148] in [0] : vector<16xf32>, vector<16xi32> -> vector<16xf32>
      %add3A_1150 = arith.addf %add3A_1139, %gather3A_1149 : vector<16xf32>
      %and3A = arith.constant 4 : i32
      %and3A_1151 = vector.broadcast %and3A : i32 to vector<16xi32>
      %and3A_1152 = arith.andi %iota3A, %and3A_1151 : vector<16xi32>
      %eq3A_1153 = arith.constant 0 : i32
      %eq3A_1154 = vector.broadcast %eq3A_1153 : i32 to vector<16xi32>
      %eq3A_1155 = arith.cmpi eq, %and3A_1152, %eq3A_1154 : vector<16xi32>
      %xor3A_1156 = arith.constant 4 : i32
      %xor3A_1157 = vector.broadcast %xor3A_1156 : i32 to vector<16xi32>
      %xor3A_1158 = arith.xori %iota3A, %xor3A_1157 : vector<16xi32>
      %lt3A_1159 = arith.constant 0 : i32
      %lt3A_1160 = vector.broadcast %lt3A_1159 : i32 to vector<16xi32>
      %lt3A_1161 = arith.cmpi slt, %xor3A_1158, %lt3A_1160 : vector<16xi32>
      %add3A_1162 = arith.constant 16 : i32
      %add3A_1163 = vector.broadcast %add3A_1162 : i32 to vector<16xi32>
      %add3A_1164 = arith.addi %xor3A_1158, %add3A_1163 : vector<16xi32>
      %select_n3A_1165 = arith.select %lt3A_1161, %add3A_1164, %xor3A_1158 : vector<16xi1>, vector<16xi32>
      %reshape3A_1166 = vector.shape_cast %select_n3A_1165 : vector<16xi32> to vector<16x1xi32>
      %gather3A_1167 = vector.shape_cast %reshape3A_1166 : vector<16x1xi32> to vector<16xi32>
      %gather3A_1168 = tpu.dynamic_gather %add3A_883[%gather3A_1167] in [0] : vector<16xf32>, vector<16xi32> -> vector<16xf32>
      %select_n3A_1169 = arith.select %eq3A_1155, %add3A_527, %gather3A_1168 : vector<16xi1>, vector<16xf32>
      %lt3A_1170 = arith.constant 0 : i32
      %lt3A_1171 = vector.broadcast %lt3A_1170 : i32 to vector<16xi32>
      %lt3A_1172 = arith.cmpi slt, %xor3A_1158, %lt3A_1171 : vector<16xi32>
      %add3A_1173 = arith.constant 16 : i32
      %add3A_1174 = vector.broadcast %add3A_1173 : i32 to vector<16xi32>
      %add3A_1175 = arith.addi %xor3A_1158, %add3A_1174 : vector<16xi32>
      %select_n3A_1176 = arith.select %lt3A_1172, %add3A_1175, %xor3A_1158 : vector<16xi1>, vector<16xi32>
      %reshape3A_1177 = vector.shape_cast %select_n3A_1176 : vector<16xi32> to vector<16x1xi32>
      %gather3A_1178 = vector.shape_cast %reshape3A_1177 : vector<16x1xi32> to vector<16xi32>
      %gather3A_1179 = tpu.dynamic_gather %add3A_527[%gather3A_1178] in [0] : vector<16xf32>, vector<16xi32> -> vector<16xf32>
      %select_n3A_1180 = arith.select %eq3A_1155, %gather3A_1179, %add3A_883 : vector<16xi1>, vector<16xf32>
      %add3A_1181 = arith.addf %select_n3A_1169, %select_n3A_1180 : vector<16xf32>
      %and3A_1182 = arith.constant 4 : i32
      %and3A_1183 = vector.broadcast %and3A_1182 : i32 to vector<16xi32>
      %and3A_1184 = arith.andi %iota3A, %and3A_1183 : vector<16xi32>
      %eq3A_1185 = arith.constant 0 : i32
      %eq3A_1186 = vector.broadcast %eq3A_1185 : i32 to vector<16xi32>
      %eq3A_1187 = arith.cmpi eq, %and3A_1184, %eq3A_1186 : vector<16xi32>
      %xor3A_1188 = arith.constant 4 : i32
      %xor3A_1189 = vector.broadcast %xor3A_1188 : i32 to vector<16xi32>
      %xor3A_1190 = arith.xori %iota3A, %xor3A_1189 : vector<16xi32>
      %lt3A_1191 = arith.constant 0 : i32
      %lt3A_1192 = vector.broadcast %lt3A_1191 : i32 to vector<16xi32>
      %lt3A_1193 = arith.cmpi slt, %xor3A_1190, %lt3A_1192 : vector<16xi32>
      %add3A_1194 = arith.constant 16 : i32
      %add3A_1195 = vector.broadcast %add3A_1194 : i32 to vector<16xi32>
      %add3A_1196 = arith.addi %xor3A_1190, %add3A_1195 : vector<16xi32>
      %select_n3A_1197 = arith.select %lt3A_1193, %add3A_1196, %xor3A_1190 : vector<16xi1>, vector<16xi32>
      %reshape3A_1198 = vector.shape_cast %select_n3A_1197 : vector<16xi32> to vector<16x1xi32>
      %gather3A_1199 = vector.shape_cast %reshape3A_1198 : vector<16x1xi32> to vector<16xi32>
      %gather3A_1200 = tpu.dynamic_gather %add3A_972[%gather3A_1199] in [0] : vector<16xf32>, vector<16xi32> -> vector<16xf32>
      %select_n3A_1201 = arith.select %eq3A_1187, %add3A_616, %gather3A_1200 : vector<16xi1>, vector<16xf32>
      %lt3A_1202 = arith.constant 0 : i32
      %lt3A_1203 = vector.broadcast %lt3A_1202 : i32 to vector<16xi32>
      %lt3A_1204 = arith.cmpi slt, %xor3A_1190, %lt3A_1203 : vector<16xi32>
      %add3A_1205 = arith.constant 16 : i32
      %add3A_1206 = vector.broadcast %add3A_1205 : i32 to vector<16xi32>
      %add3A_1207 = arith.addi %xor3A_1190, %add3A_1206 : vector<16xi32>
      %select_n3A_1208 = arith.select %lt3A_1204, %add3A_1207, %xor3A_1190 : vector<16xi1>, vector<16xi32>
      %reshape3A_1209 = vector.shape_cast %select_n3A_1208 : vector<16xi32> to vector<16x1xi32>
      %gather3A_1210 = vector.shape_cast %reshape3A_1209 : vector<16x1xi32> to vector<16xi32>
      %gather3A_1211 = tpu.dynamic_gather %add3A_616[%gather3A_1210] in [0] : vector<16xf32>, vector<16xi32> -> vector<16xf32>
      %select_n3A_1212 = arith.select %eq3A_1187, %gather3A_1211, %add3A_972 : vector<16xi1>, vector<16xf32>
      %add3A_1213 = arith.addf %select_n3A_1201, %select_n3A_1212 : vector<16xf32>
      %and3A_1214 = arith.constant 4 : i32
      %and3A_1215 = vector.broadcast %and3A_1214 : i32 to vector<16xi32>
      %and3A_1216 = arith.andi %iota3A, %and3A_1215 : vector<16xi32>
      %eq3A_1217 = arith.constant 0 : i32
      %eq3A_1218 = vector.broadcast %eq3A_1217 : i32 to vector<16xi32>
      %eq3A_1219 = arith.cmpi eq, %and3A_1216, %eq3A_1218 : vector<16xi32>
      %xor3A_1220 = arith.constant 4 : i32
      %xor3A_1221 = vector.broadcast %xor3A_1220 : i32 to vector<16xi32>
      %xor3A_1222 = arith.xori %iota3A, %xor3A_1221 : vector<16xi32>
      %lt3A_1223 = arith.constant 0 : i32
      %lt3A_1224 = vector.broadcast %lt3A_1223 : i32 to vector<16xi32>
      %lt3A_1225 = arith.cmpi slt, %xor3A_1222, %lt3A_1224 : vector<16xi32>
      %add3A_1226 = arith.constant 16 : i32
      %add3A_1227 = vector.broadcast %add3A_1226 : i32 to vector<16xi32>
      %add3A_1228 = arith.addi %xor3A_1222, %add3A_1227 : vector<16xi32>
      %select_n3A_1229 = arith.select %lt3A_1225, %add3A_1228, %xor3A_1222 : vector<16xi1>, vector<16xi32>
      %reshape3A_1230 = vector.shape_cast %select_n3A_1229 : vector<16xi32> to vector<16x1xi32>
      %gather3A_1231 = vector.shape_cast %reshape3A_1230 : vector<16x1xi32> to vector<16xi32>
      %gather3A_1232 = tpu.dynamic_gather %add3A_1061[%gather3A_1231] in [0] : vector<16xf32>, vector<16xi32> -> vector<16xf32>
      %select_n3A_1233 = arith.select %eq3A_1219, %add3A_705, %gather3A_1232 : vector<16xi1>, vector<16xf32>
      %lt3A_1234 = arith.constant 0 : i32
      %lt3A_1235 = vector.broadcast %lt3A_1234 : i32 to vector<16xi32>
      %lt3A_1236 = arith.cmpi slt, %xor3A_1222, %lt3A_1235 : vector<16xi32>
      %add3A_1237 = arith.constant 16 : i32
      %add3A_1238 = vector.broadcast %add3A_1237 : i32 to vector<16xi32>
      %add3A_1239 = arith.addi %xor3A_1222, %add3A_1238 : vector<16xi32>
      %select_n3A_1240 = arith.select %lt3A_1236, %add3A_1239, %xor3A_1222 : vector<16xi1>, vector<16xi32>
      %reshape3A_1241 = vector.shape_cast %select_n3A_1240 : vector<16xi32> to vector<16x1xi32>
      %gather3A_1242 = vector.shape_cast %reshape3A_1241 : vector<16x1xi32> to vector<16xi32>
      %gather3A_1243 = tpu.dynamic_gather %add3A_705[%gather3A_1242] in [0] : vector<16xf32>, vector<16xi32> -> vector<16xf32>
      %select_n3A_1244 = arith.select %eq3A_1219, %gather3A_1243, %add3A_1061 : vector<16xi1>, vector<16xf32>
      %add3A_1245 = arith.addf %select_n3A_1233, %select_n3A_1244 : vector<16xf32>
      %and3A_1246 = arith.constant 4 : i32
      %and3A_1247 = vector.broadcast %and3A_1246 : i32 to vector<16xi32>
      %and3A_1248 = arith.andi %iota3A, %and3A_1247 : vector<16xi32>
      %eq3A_1249 = arith.constant 0 : i32
      %eq3A_1250 = vector.broadcast %eq3A_1249 : i32 to vector<16xi32>
      %eq3A_1251 = arith.cmpi eq, %and3A_1248, %eq3A_1250 : vector<16xi32>
      %xor3A_1252 = arith.constant 4 : i32
      %xor3A_1253 = vector.broadcast %xor3A_1252 : i32 to vector<16xi32>
      %xor3A_1254 = arith.xori %iota3A, %xor3A_1253 : vector<16xi32>
      %lt3A_1255 = arith.constant 0 : i32
      %lt3A_1256 = vector.broadcast %lt3A_1255 : i32 to vector<16xi32>
      %lt3A_1257 = arith.cmpi slt, %xor3A_1254, %lt3A_1256 : vector<16xi32>
      %add3A_1258 = arith.constant 16 : i32
      %add3A_1259 = vector.broadcast %add3A_1258 : i32 to vector<16xi32>
      %add3A_1260 = arith.addi %xor3A_1254, %add3A_1259 : vector<16xi32>
      %select_n3A_1261 = arith.select %lt3A_1257, %add3A_1260, %xor3A_1254 : vector<16xi1>, vector<16xi32>
      %reshape3A_1262 = vector.shape_cast %select_n3A_1261 : vector<16xi32> to vector<16x1xi32>
      %gather3A_1263 = vector.shape_cast %reshape3A_1262 : vector<16x1xi32> to vector<16xi32>
      %gather3A_1264 = tpu.dynamic_gather %add3A_1150[%gather3A_1263] in [0] : vector<16xf32>, vector<16xi32> -> vector<16xf32>
      %select_n3A_1265 = arith.select %eq3A_1251, %add3A_794, %gather3A_1264 : vector<16xi1>, vector<16xf32>
      %lt3A_1266 = arith.constant 0 : i32
      %lt3A_1267 = vector.broadcast %lt3A_1266 : i32 to vector<16xi32>
      %lt3A_1268 = arith.cmpi slt, %xor3A_1254, %lt3A_1267 : vector<16xi32>
      %add3A_1269 = arith.constant 16 : i32
      %add3A_1270 = vector.broadcast %add3A_1269 : i32 to vector<16xi32>
      %add3A_1271 = arith.addi %xor3A_1254, %add3A_1270 : vector<16xi32>
      %select_n3A_1272 = arith.select %lt3A_1268, %add3A_1271, %xor3A_1254 : vector<16xi1>, vector<16xi32>
      %reshape3A_1273 = vector.shape_cast %select_n3A_1272 : vector<16xi32> to vector<16x1xi32>
      %gather3A_1274 = vector.shape_cast %reshape3A_1273 : vector<16x1xi32> to vector<16xi32>
      %gather3A_1275 = tpu.dynamic_gather %add3A_794[%gather3A_1274] in [0] : vector<16xf32>, vector<16xi32> -> vector<16xf32>
      %select_n3A_1276 = arith.select %eq3A_1251, %gather3A_1275, %add3A_1150 : vector<16xi1>, vector<16xf32>
      %add3A_1277 = arith.addf %select_n3A_1265, %select_n3A_1276 : vector<16xf32>
      %and3A_1278 = arith.constant 2 : i32
      %and3A_1279 = vector.broadcast %and3A_1278 : i32 to vector<16xi32>
      %and3A_1280 = arith.andi %iota3A, %and3A_1279 : vector<16xi32>
      %eq3A_1281 = arith.constant 0 : i32
      %eq3A_1282 = vector.broadcast %eq3A_1281 : i32 to vector<16xi32>
      %eq3A_1283 = arith.cmpi eq, %and3A_1280, %eq3A_1282 : vector<16xi32>
      %xor3A_1284 = arith.constant 2 : i32
      %xor3A_1285 = vector.broadcast %xor3A_1284 : i32 to vector<16xi32>
      %xor3A_1286 = arith.xori %iota3A, %xor3A_1285 : vector<16xi32>
      %lt3A_1287 = arith.constant 0 : i32
      %lt3A_1288 = vector.broadcast %lt3A_1287 : i32 to vector<16xi32>
      %lt3A_1289 = arith.cmpi slt, %xor3A_1286, %lt3A_1288 : vector<16xi32>
      %add3A_1290 = arith.constant 16 : i32
      %add3A_1291 = vector.broadcast %add3A_1290 : i32 to vector<16xi32>
      %add3A_1292 = arith.addi %xor3A_1286, %add3A_1291 : vector<16xi32>
      %select_n3A_1293 = arith.select %lt3A_1289, %add3A_1292, %xor3A_1286 : vector<16xi1>, vector<16xi32>
      %reshape3A_1294 = vector.shape_cast %select_n3A_1293 : vector<16xi32> to vector<16x1xi32>
      %gather3A_1295 = vector.shape_cast %reshape3A_1294 : vector<16x1xi32> to vector<16xi32>
      %gather3A_1296 = tpu.dynamic_gather %add3A_1245[%gather3A_1295] in [0] : vector<16xf32>, vector<16xi32> -> vector<16xf32>
      %select_n3A_1297 = arith.select %eq3A_1283, %add3A_1181, %gather3A_1296 : vector<16xi1>, vector<16xf32>
      %lt3A_1298 = arith.constant 0 : i32
      %lt3A_1299 = vector.broadcast %lt3A_1298 : i32 to vector<16xi32>
      %lt3A_1300 = arith.cmpi slt, %xor3A_1286, %lt3A_1299 : vector<16xi32>
      %add3A_1301 = arith.constant 16 : i32
      %add3A_1302 = vector.broadcast %add3A_1301 : i32 to vector<16xi32>
      %add3A_1303 = arith.addi %xor3A_1286, %add3A_1302 : vector<16xi32>
      %select_n3A_1304 = arith.select %lt3A_1300, %add3A_1303, %xor3A_1286 : vector<16xi1>, vector<16xi32>
      %reshape3A_1305 = vector.shape_cast %select_n3A_1304 : vector<16xi32> to vector<16x1xi32>
      %gather3A_1306 = vector.shape_cast %reshape3A_1305 : vector<16x1xi32> to vector<16xi32>
      %gather3A_1307 = tpu.dynamic_gather %add3A_1181[%gather3A_1306] in [0] : vector<16xf32>, vector<16xi32> -> vector<16xf32>
      %select_n3A_1308 = arith.select %eq3A_1283, %gather3A_1307, %add3A_1245 : vector<16xi1>, vector<16xf32>
      %add3A_1309 = arith.addf %select_n3A_1297, %select_n3A_1308 : vector<16xf32>
      %and3A_1310 = arith.constant 2 : i32
      %and3A_1311 = vector.broadcast %and3A_1310 : i32 to vector<16xi32>
      %and3A_1312 = arith.andi %iota3A, %and3A_1311 : vector<16xi32>
      %eq3A_1313 = arith.constant 0 : i32
      %eq3A_1314 = vector.broadcast %eq3A_1313 : i32 to vector<16xi32>
      %eq3A_1315 = arith.cmpi eq, %and3A_1312, %eq3A_1314 : vector<16xi32>
      %xor3A_1316 = arith.constant 2 : i32
      %xor3A_1317 = vector.broadcast %xor3A_1316 : i32 to vector<16xi32>
      %xor3A_1318 = arith.xori %iota3A, %xor3A_1317 : vector<16xi32>
      %lt3A_1319 = arith.constant 0 : i32
      %lt3A_1320 = vector.broadcast %lt3A_1319 : i32 to vector<16xi32>
      %lt3A_1321 = arith.cmpi slt, %xor3A_1318, %lt3A_1320 : vector<16xi32>
      %add3A_1322 = arith.constant 16 : i32
      %add3A_1323 = vector.broadcast %add3A_1322 : i32 to vector<16xi32>
      %add3A_1324 = arith.addi %xor3A_1318, %add3A_1323 : vector<16xi32>
      %select_n3A_1325 = arith.select %lt3A_1321, %add3A_1324, %xor3A_1318 : vector<16xi1>, vector<16xi32>
      %reshape3A_1326 = vector.shape_cast %select_n3A_1325 : vector<16xi32> to vector<16x1xi32>
      %gather3A_1327 = vector.shape_cast %reshape3A_1326 : vector<16x1xi32> to vector<16xi32>
      %gather3A_1328 = tpu.dynamic_gather %add3A_1277[%gather3A_1327] in [0] : vector<16xf32>, vector<16xi32> -> vector<16xf32>
      %select_n3A_1329 = arith.select %eq3A_1315, %add3A_1213, %gather3A_1328 : vector<16xi1>, vector<16xf32>
      %lt3A_1330 = arith.constant 0 : i32
      %lt3A_1331 = vector.broadcast %lt3A_1330 : i32 to vector<16xi32>
      %lt3A_1332 = arith.cmpi slt, %xor3A_1318, %lt3A_1331 : vector<16xi32>
      %add3A_1333 = arith.constant 16 : i32
      %add3A_1334 = vector.broadcast %add3A_1333 : i32 to vector<16xi32>
      %add3A_1335 = arith.addi %xor3A_1318, %add3A_1334 : vector<16xi32>
      %select_n3A_1336 = arith.select %lt3A_1332, %add3A_1335, %xor3A_1318 : vector<16xi1>, vector<16xi32>
      %reshape3A_1337 = vector.shape_cast %select_n3A_1336 : vector<16xi32> to vector<16x1xi32>
      %gather3A_1338 = vector.shape_cast %reshape3A_1337 : vector<16x1xi32> to vector<16xi32>
      %gather3A_1339 = tpu.dynamic_gather %add3A_1213[%gather3A_1338] in [0] : vector<16xf32>, vector<16xi32> -> vector<16xf32>
      %select_n3A_1340 = arith.select %eq3A_1315, %gather3A_1339, %add3A_1277 : vector<16xi1>, vector<16xf32>
      %add3A_1341 = arith.addf %select_n3A_1329, %select_n3A_1340 : vector<16xf32>
      %and3A_1342 = arith.constant 1 : i32
      %and3A_1343 = vector.broadcast %and3A_1342 : i32 to vector<16xi32>
      %and3A_1344 = arith.andi %iota3A, %and3A_1343 : vector<16xi32>
      %eq3A_1345 = arith.constant 0 : i32
      %eq3A_1346 = vector.broadcast %eq3A_1345 : i32 to vector<16xi32>
      %eq3A_1347 = arith.cmpi eq, %and3A_1344, %eq3A_1346 : vector<16xi32>
      %xor3A_1348 = arith.constant 1 : i32
      %xor3A_1349 = vector.broadcast %xor3A_1348 : i32 to vector<16xi32>
      %xor3A_1350 = arith.xori %iota3A, %xor3A_1349 : vector<16xi32>
      %lt3A_1351 = arith.constant 0 : i32
      %lt3A_1352 = vector.broadcast %lt3A_1351 : i32 to vector<16xi32>
      %lt3A_1353 = arith.cmpi slt, %xor3A_1350, %lt3A_1352 : vector<16xi32>
      %add3A_1354 = arith.constant 16 : i32
      %add3A_1355 = vector.broadcast %add3A_1354 : i32 to vector<16xi32>
      %add3A_1356 = arith.addi %xor3A_1350, %add3A_1355 : vector<16xi32>
      %select_n3A_1357 = arith.select %lt3A_1353, %add3A_1356, %xor3A_1350 : vector<16xi1>, vector<16xi32>
      %reshape3A_1358 = vector.shape_cast %select_n3A_1357 : vector<16xi32> to vector<16x1xi32>
      %gather3A_1359 = vector.shape_cast %reshape3A_1358 : vector<16x1xi32> to vector<16xi32>
      %gather3A_1360 = tpu.dynamic_gather %add3A_1341[%gather3A_1359] in [0] : vector<16xf32>, vector<16xi32> -> vector<16xf32>
      %select_n3A_1361 = arith.select %eq3A_1347, %add3A_1309, %gather3A_1360 : vector<16xi1>, vector<16xf32>
      %lt3A_1362 = arith.constant 0 : i32
      %lt3A_1363 = vector.broadcast %lt3A_1362 : i32 to vector<16xi32>
      %lt3A_1364 = arith.cmpi slt, %xor3A_1350, %lt3A_1363 : vector<16xi32>
      %add3A_1365 = arith.constant 16 : i32
      %add3A_1366 = vector.broadcast %add3A_1365 : i32 to vector<16xi32>
      %add3A_1367 = arith.addi %xor3A_1350, %add3A_1366 : vector<16xi32>
      %select_n3A_1368 = arith.select %lt3A_1364, %add3A_1367, %xor3A_1350 : vector<16xi1>, vector<16xi32>
      %reshape3A_1369 = vector.shape_cast %select_n3A_1368 : vector<16xi32> to vector<16x1xi32>
      %gather3A_1370 = vector.shape_cast %reshape3A_1369 : vector<16x1xi32> to vector<16xi32>
      %gather3A_1371 = tpu.dynamic_gather %add3A_1309[%gather3A_1370] in [0] : vector<16xf32>, vector<16xi32> -> vector<16xf32>
      %select_n3A_1372 = arith.select %eq3A_1347, %gather3A_1371, %add3A_1341 : vector<16xi1>, vector<16xf32>
      %add3A_1373 = arith.addf %select_n3A_1361, %select_n3A_1372 : vector<16xf32>
      %jit3A = arith.constant 2 : i32
      %eq3A_1374 = arith.constant 0 : i32
      %eq3A_1375 = arith.cmpi eq, %jit3A, %eq3A_1374 : i32
      %jit3A_1376 = arith.constant 1 : i32
      %select_n3A_1377 = arith.select %eq3A_1375, %jit3A_1376, %jit3A : i32
      %rem3A = arith.remsi %scan3A_441, %select_n3A_1377 : i32
      %ne3A = arith.constant 0 : i32
      %ne3A_1378 = arith.cmpi ne, %rem3A, %ne3A : i32
      %lt3A_1379 = arith.constant 0 : i32
      %lt3A_1380 = arith.cmpi slt, %rem3A, %lt3A_1379 : i32
      %lt3A_1381 = arith.constant 0 : i32
      %lt3A_1382 = arith.cmpi slt, %select_n3A_1377, %lt3A_1381 : i32
      %ne3A_1383 = arith.xori %lt3A_1380, %lt3A_1382 : i1
      %and3A_1384 = arith.andi %ne3A_1383, %ne3A_1378 : i1
      %add3A_1385 = arith.addi %rem3A, %select_n3A_1377 : i32
      %select_n3A_1386 = arith.select %and3A_1384, %add3A_1385, %rem3A : i32
      %eq3A_1387 = arith.constant 1 : i32
      %eq3A_1388 = arith.cmpi eq, %select_n3A_1386, %eq3A_1387 : i32
      %convert_element_type3A_1389 = arith.extui %eq3A_1388 : i1 to i32
      %cond3A_1390 = arith.constant 0 : i32
      %cond3A_1391 = arith.cmpi ne, %convert_element_type3A_1389, %cond3A_1390 : i32
      scf.if %cond3A_1391 {
        %lt3A_1392 = arith.constant 8 : i32
        %lt3A_1393 = vector.broadcast %lt3A_1392 : i32 to vector<16xi32>
        %lt3A_1394 = arith.cmpi slt, %iota3A, %lt3A_1393 : vector<16xi32>
        %select_n3A_1395 = arith.select %lt3A_1394, %scan3A_442, %add3A_1373 : vector<16xi1>, vector<16xf32>
        %bitcast3A = vector.bitcast %select_n3A_1395 : vector<16xf32> to vector<16xi32>
        %shift_right_arithmetic3A = arith.constant 1 : i32
        %shift_right_arithmetic3A_1396 = vector.broadcast %shift_right_arithmetic3A : i32 to vector<16xi32>
        %shift_right_arithmetic3A_1397 = arith.shrsi %bitcast3A, %shift_right_arithmetic3A_1396 : vector<16xi32>
        %sub3A_1398 = arith.constant 1597463007 : i32
        %sub3A_1399 = vector.broadcast %sub3A_1398 : i32 to vector<16xi32>
        %sub3A_1400 = arith.subi %sub3A_1399, %shift_right_arithmetic3A_1397 : vector<16xi32>
        %bitcast3A_1401 = vector.bitcast %sub3A_1400 : vector<16xi32> to vector<16xf32>
        %mul3A_1402 = arith.constant 5.000000e-01 : f32
        %mul3A_1403 = vector.broadcast %mul3A_1402 : f32 to vector<16xf32>
        %mul3A_1404 = arith.mulf %select_n3A_1395, %mul3A_1403 : vector<16xf32>
        %mul3A_1405 = arith.mulf %mul3A_1404, %bitcast3A_1401 : vector<16xf32>
        %mul3A_1406 = arith.mulf %mul3A_1405, %bitcast3A_1401 : vector<16xf32>
        %sub3A_1407 = arith.constant 1.500000e+00 : f32
        %sub3A_1408 = vector.broadcast %sub3A_1407 : f32 to vector<16xf32>
        %sub3A_1409 = arith.subf %sub3A_1408, %mul3A_1406 : vector<16xf32>
        %mul3A_1410 = arith.mulf %bitcast3A_1401, %sub3A_1409 : vector<16xf32>
        %mul3A_1411 = arith.mulf %mul3A_1404, %mul3A_1410 : vector<16xf32>
        %mul3A_1412 = arith.mulf %mul3A_1411, %mul3A_1410 : vector<16xf32>
        %sub3A_1413 = arith.constant 1.500000e+00 : f32
        %sub3A_1414 = vector.broadcast %sub3A_1413 : f32 to vector<16xf32>
        %sub3A_1415 = arith.subf %sub3A_1414, %mul3A_1412 : vector<16xf32>
        %mul3A_1416 = arith.mulf %mul3A_1410, %sub3A_1415 : vector<16xf32>
        %mul3A_1417 = arith.mulf %mul3A_1404, %mul3A_1416 : vector<16xf32>
        %mul3A_1418 = arith.mulf %mul3A_1417, %mul3A_1416 : vector<16xf32>
        %sub3A_1419 = arith.constant 1.500000e+00 : f32
        %sub3A_1420 = vector.broadcast %sub3A_1419 : f32 to vector<16xf32>
        %sub3A_1421 = arith.subf %sub3A_1420, %mul3A_1418 : vector<16xf32>
        %mul3A_1422 = arith.mulf %mul3A_1416, %sub3A_1421 : vector<16xf32>
        %mul3A_1423 = arith.mulf %select_n3A_1395, %mul3A_1422 : vector<16xf32>
        %jit3A_1424 = arith.constant 2 : i32
        %div3A = arith.divsi %scan3A_441, %jit3A_1424 : i32
        %sign3A = arith.constant 0 : i32
        %sign3A_1425 = arith.cmpi sgt, %scan3A_441, %sign3A : i32
        %sign3A_1426 = arith.extui %sign3A_1425 : i1 to i32
        %sign3A_1427 = arith.constant 0 : i32
        %sign3A_1428 = arith.cmpi slt, %scan3A_441, %sign3A_1427 : i32
        %sign3A_1429 = arith.extui %sign3A_1428 : i1 to i32
        %sign3A_1430 = arith.subi %sign3A_1426, %sign3A_1429 : i32
        %sign3A_1431 = arith.constant 0 : i32
        %sign3A_1432 = arith.cmpi sgt, %jit3A_1424, %sign3A_1431 : i32
        %sign3A_1433 = arith.extui %sign3A_1432 : i1 to i32
        %sign3A_1434 = arith.constant 0 : i32
        %sign3A_1435 = arith.cmpi slt, %jit3A_1424, %sign3A_1434 : i32
        %sign3A_1436 = arith.extui %sign3A_1435 : i1 to i32
        %sign3A_1437 = arith.subi %sign3A_1433, %sign3A_1436 : i32
        %ne3A_1438 = arith.cmpi ne, %sign3A_1430, %sign3A_1437 : i32
        %rem3A_1439 = arith.remsi %scan3A_441, %jit3A_1424 : i32
        %ne3A_1440 = arith.constant 0 : i32
        %ne3A_1441 = arith.cmpi ne, %rem3A_1439, %ne3A_1440 : i32
        %and3A_1442 = arith.andi %ne3A_1438, %ne3A_1441 : i1
        %sub3A_1443 = arith.constant 1 : i32
        %sub3A_1444 = arith.subi %div3A, %sub3A_1443 : i32
        %select_n3A_1445 = arith.select %and3A_1442, %sub3A_1444, %div3A : i32
        %mul3A_1446 = arith.constant 16 : i32
        %mul3A_1447 = arith.muli %select_n3A_1445, %mul3A_1446 : i32
        %add3A_1448 = arith.constant 128 : i32
        %add3A_1449 = arith.addi %add3A_1448, %mul3A_1447 : i32
        %swap3A = arith.index_cast %add3A_1449 : i32 to index
        %swap3A_1450 = tpu.vector_load %arg17[%swap3A] {strides = array<i32>} : memref<512xf32, #tpu.memory_space<vmem>>, vector<16xf32>,
        tpu.vector_store %arg17[%swap3A], %mul3A_1423 {strides = array<i32>} : memref<512xf32, #tpu.memory_space<vmem>>, vector<16xf32>,
      } else {
      }
      scf.yield %add3A_1373 : vector<16xf32>
    }
    %scan3A_382 = arith.constant 16 : i32
    %dma_wait3A_383 = arith.constant 2 : i32
    %dma_wait3A_384 = arith.constant 0 : i32
    %dma_wait3A_385 = tpu.memref_slice %arg8[%dma_wait3A_383, %dma_wait3A_384] : memref<4x128xi32, #tpu.memory_space<vmem>> -> memref<1x128xi32, #tpu.memory_space<vmem>>
    %dma_wait3A_386 = tpu.memref_squeeze %dma_wait3A_385 : memref<1x128xi32, #tpu.memory_space<vmem>> -> memref<128xi32, #tpu.memory_space<vmem>>
    %dma_wait3A_387 = arith.constant 0 : i32
    %dma_wait3A_388 = arith.constant 0 : i32
    %dma_wait3A_389 = tpu.memref_slice %arg5[%dma_wait3A_387, %dma_wait3A_388] : memref<100000x128xf32, #tpu.memory_space<hbm>> -> memref<100000x128xf32, #tpu.memory_space<hbm>>
    tpu.wait_indirect_dma semaphore(%arg21 : memref<!tpu.dma_semaphore, #tpu.memory_space<semaphore_mem>>) src(%dma_wait3A_389 : memref<100000x128xf32, #tpu.memory_space<hbm>>) dst(%arg13 : memref<128x128xf32, #tpu.memory_space<vmem>>)
    %dma_wait3A_390 = arith.constant 2 : i32
    %dma_wait3A_391 = arith.constant 0 : i32
    %dma_wait3A_392 = tpu.memref_slice %arg10[%dma_wait3A_390, %dma_wait3A_391] : memref<4x128xi32, #tpu.memory_space<vmem>> -> memref<1x128xi32, #tpu.memory_space<vmem>>
    %dma_wait3A_393 = tpu.memref_squeeze %dma_wait3A_392 : memref<1x128xi32, #tpu.memory_space<vmem>> -> memref<128xi32, #tpu.memory_space<vmem>>
    %dma_wait3A_394 = arith.constant 0 : i32
    %dma_wait3A_395 = arith.constant 0 : i32
    %dma_wait3A_396 = tpu.memref_slice %arg5[%dma_wait3A_394, %dma_wait3A_395] : memref<100000x128xf32, #tpu.memory_space<hbm>> -> memref<100000x128xf32, #tpu.memory_space<hbm>>
    tpu.wait_indirect_dma semaphore(%arg24 : memref<!tpu.dma_semaphore, #tpu.memory_space<semaphore_mem>>) src(%dma_wait3A_396 : memref<100000x128xf32, #tpu.memory_space<hbm>>) dst(%arg16 : memref<128x128xf32, #tpu.memory_space<vmem>>)
    %dma_wait3A_397 = arith.constant 3 : i32
    %dma_wait3A_398 = arith.constant 0 : i32
    %dma_wait3A_399 = tpu.memref_slice %arg9[%dma_wait3A_397, %dma_wait3A_398] : memref<4x128xi32, #tpu.memory_space<vmem>> -> memref<1x128xi32, #tpu.memory_space<vmem>>
    %dma_wait3A_400 = tpu.memref_squeeze %dma_wait3A_399 : memref<1x128xi32, #tpu.memory_space<vmem>> -> memref<128xi32, #tpu.memory_space<vmem>>
    %dma_wait3A_401 = arith.constant 0 : i32
    %dma_wait3A_402 = arith.constant 0 : i32
    %dma_wait3A_403 = tpu.memref_slice %arg18[%dma_wait3A_401, %dma_wait3A_402] : memref<500x128xf32, #tpu.memory_space<vmem_shared>> -> memref<500x128xf32, #tpu.memory_space<vmem_shared>>
    tpu.wait_indirect_dma semaphore(%arg20 : memref<!tpu.dma_semaphore, #tpu.memory_space<semaphore_mem>>) src(%dma_wait3A_403 : memref<500x128xf32, #tpu.memory_space<vmem_shared>>) dst(%arg11 : memref<128x128xf32, #tpu.memory_space<vmem>>)
    %dma_start3A_404 = arith.constant 3 : i32
    %dma_start3A_405 = arith.constant 0 : i32
    %dma_start3A_406 = tpu.memref_slice %arg8[%dma_start3A_404, %dma_start3A_405] : memref<4x128xi32, #tpu.memory_space<vmem>> -> memref<1x128xi32, #tpu.memory_space<vmem>>
    %dma_start3A_407 = tpu.memref_squeeze %dma_start3A_406 : memref<1x128xi32, #tpu.memory_space<vmem>> -> memref<128xi32, #tpu.memory_space<vmem>>
    %dma_start3A_408 = arith.constant 0 : i32
    %dma_start3A_409 = arith.constant 0 : i32
    %dma_start3A_410 = tpu.memref_slice %arg5[%dma_start3A_408, %dma_start3A_409] : memref<100000x128xf32, #tpu.memory_space<hbm>> -> memref<100000x128xf32, #tpu.memory_space<hbm>>
    tpu.enqueue_indirect_dma source(%dma_start3A_410 : memref<100000x128xf32, #tpu.memory_space<hbm>>) target(%arg11 : memref<128x128xf32, #tpu.memory_space<vmem>>) offsets(%dma_start3A_407 : memref<128xi32, #tpu.memory_space<vmem>>) semaphore(%arg21 : memref<!tpu.dma_semaphore, #tpu.memory_space<semaphore_mem>>) {add = true}
    %broadcast_in_dim3A_411 = arith.constant 0.000000e+00 : f32
    %broadcast_in_dim3A_412 = vector.broadcast %broadcast_in_dim3A_411 : f32 to vector<16xf32>
    %scan3A_413 = arith.constant 0 : i32
    %scan3A_414 = arith.constant 16 : i32
    %scan3A_415 = arith.addi %scan3A_413, %scan3A_414 : i32
    %scan3A_416 = arith.constant 1 : i32
    %scan3A_417 = scf.for %scan3A_441 = %scan3A_413 to %scan3A_415 step %scan3A_416 iter_args(%scan3A_442 = %broadcast_in_dim3A_412) -> (vector<16xf32>)  : i32 {
      %xor3A = arith.constant 8 : i32
      %xor3A_443 = vector.broadcast %xor3A : i32 to vector<16xi32>
      %xor3A_444 = arith.xori %iota3A, %xor3A_443 : vector<16xi32>
      %mul3A_445 = arith.constant 8 : i32
      %mul3A_446 = arith.muli %scan3A_441, %mul3A_445 : i32
      %add3A_447 = arith.constant 0 : i32
      %add3A_448 = arith.addi %mul3A_446, %add3A_447 : i32
      %broadcast_in_dim3A_449 = arith.constant 0.000000e+00 : f32
      %broadcast_in_dim3A_450 = vector.broadcast %broadcast_in_dim3A_449 : f32 to vector<16xf32>
      %get3A = arith.index_cast %add3A_448 : i32 to index
      %get3A_451 = arith.constant 0 : index
      %get3A_452 = tpu.vector_load %arg13[%get3A, %get3A_451] {strides = array<i32>} : memref<128x128xf32, #tpu.memory_space<vmem>>, vector<16xf32>,
      %get3A_453 = arith.index_cast %add3A_448 : i32 to index
      %get3A_454 = arith.constant 0 : index
      %get3A_455 = tpu.vector_load %arg16[%get3A_453, %get3A_454] {strides = array<i32>} : memref<128x128xf32, #tpu.memory_space<vmem>>, vector<16xf32>,
      %sub3A = arith.subf %get3A_452, %get3A_455 : vector<16xf32>
      %mul3A_456 = arith.mulf %sub3A, %sub3A : vector<16xf32>
      %add3A_457 = arith.addf %broadcast_in_dim3A_450, %mul3A_456 : vector<16xf32>
      %get3A_458 = arith.index_cast %add3A_448 : i32 to index
      %get3A_459 = arith.constant 16 : index
      %get3A_460 = tpu.vector_load %arg13[%get3A_458, %get3A_459] {strides = array<i32>} : memref<128x128xf32, #tpu.memory_space<vmem>>, vector<16xf32>,
      %get3A_461 = arith.index_cast %add3A_448 : i32 to index
      %get3A_462 = arith.constant 16 : index
      %get3A_463 = tpu.vector_load %arg16[%get3A_461, %get3A_462] {strides = array<i32>} : memref<128x128xf32, #tpu.memory_space<vmem>>, vector<16xf32>,
      %sub3A_464 = arith.subf %get3A_460, %get3A_463 : vector<16xf32>
      %mul3A_465 = arith.mulf %sub3A_464, %sub3A_464 : vector<16xf32>
      %add3A_466 = arith.addf %add3A_457, %mul3A_465 : vector<16xf32>
      %get3A_467 = arith.index_cast %add3A_448 : i32 to index
      %get3A_468 = arith.constant 32 : index
      %get3A_469 = tpu.vector_load %arg13[%get3A_467, %get3A_468] {strides = array<i32>} : memref<128x128xf32, #tpu.memory_space<vmem>>, vector<16xf32>,
      %get3A_470 = arith.index_cast %add3A_448 : i32 to index
      %get3A_471 = arith.constant 32 : index
      %get3A_472 = tpu.vector_load %arg16[%get3A_470, %get3A_471] {strides = array<i32>} : memref<128x128xf32, #tpu.memory_space<vmem>>, vector<16xf32>,
      %sub3A_473 = arith.subf %get3A_469, %get3A_472 : vector<16xf32>
      %mul3A_474 = arith.mulf %sub3A_473, %sub3A_473 : vector<16xf32>
      %add3A_475 = arith.addf %add3A_466, %mul3A_474 : vector<16xf32>
      %get3A_476 = arith.index_cast %add3A_448 : i32 to index
      %get3A_477 = arith.constant 48 : index
      %get3A_478 = tpu.vector_load %arg13[%get3A_476, %get3A_477] {strides = array<i32>} : memref<128x128xf32, #tpu.memory_space<vmem>>, vector<16xf32>,
      %get3A_479 = arith.index_cast %add3A_448 : i32 to index
      %get3A_480 = arith.constant 48 : index
      %get3A_481 = tpu.vector_load %arg16[%get3A_479, %get3A_480] {strides = array<i32>} : memref<128x128xf32, #tpu.memory_space<vmem>>, vector<16xf32>,
      %sub3A_482 = arith.subf %get3A_478, %get3A_481 : vector<16xf32>
      %mul3A_483 = arith.mulf %sub3A_482, %sub3A_482 : vector<16xf32>
      %add3A_484 = arith.addf %add3A_475, %mul3A_483 : vector<16xf32>
      %get3A_485 = arith.index_cast %add3A_448 : i32 to index
      %get3A_486 = arith.constant 64 : index
      %get3A_487 = tpu.vector_load %arg13[%get3A_485, %get3A_486] {strides = array<i32>} : memref<128x128xf32, #tpu.memory_space<vmem>>, vector<16xf32>,
      %get3A_488 = arith.index_cast %add3A_448 : i32 to index
      %get3A_489 = arith.constant 64 : index
      %get3A_490 = tpu.vector_load %arg16[%get3A_488, %get3A_489] {strides = array<i32>} : memref<128x128xf32, #tpu.memory_space<vmem>>, vector<16xf32>,
      %sub3A_491 = arith.subf %get3A_487, %get3A_490 : vector<16xf32>
      %mul3A_492 = arith.mulf %sub3A_491, %sub3A_491 : vector<16xf32>
      %add3A_493 = arith.addf %add3A_484, %mul3A_492 : vector<16xf32>
      %get3A_494 = arith.index_cast %add3A_448 : i32 to index
      %get3A_495 = arith.constant 80 : index
      %get3A_496 = tpu.vector_load %arg13[%get3A_494, %get3A_495] {strides = array<i32>} : memref<128x128xf32, #tpu.memory_space<vmem>>, vector<16xf32>,
      %get3A_497 = arith.index_cast %add3A_448 : i32 to index
      %get3A_498 = arith.constant 80 : index
      %get3A_499 = tpu.vector_load %arg16[%get3A_497, %get3A_498] {strides = array<i32>} : memref<128x128xf32, #tpu.memory_space<vmem>>, vector<16xf32>,
      %sub3A_500 = arith.subf %get3A_496, %get3A_499 : vector<16xf32>
      %mul3A_501 = arith.mulf %sub3A_500, %sub3A_500 : vector<16xf32>
      %add3A_502 = arith.addf %add3A_493, %mul3A_501 : vector<16xf32>
      %get3A_503 = arith.index_cast %add3A_448 : i32 to index
      %get3A_504 = arith.constant 96 : index
      %get3A_505 = tpu.vector_load %arg13[%get3A_503, %get3A_504] {strides = array<i32>} : memref<128x128xf32, #tpu.memory_space<vmem>>, vector<16xf32>,
      %get3A_506 = arith.index_cast %add3A_448 : i32 to index
      %get3A_507 = arith.constant 96 : index
      %get3A_508 = tpu.vector_load %arg16[%get3A_506, %get3A_507] {strides = array<i32>} : memref<128x128xf32, #tpu.memory_space<vmem>>, vector<16xf32>,
      %sub3A_509 = arith.subf %get3A_505, %get3A_508 : vector<16xf32>
      %mul3A_510 = arith.mulf %sub3A_509, %sub3A_509 : vector<16xf32>
      %add3A_511 = arith.addf %add3A_502, %mul3A_510 : vector<16xf32>
      %get3A_512 = arith.index_cast %add3A_448 : i32 to index
      %get3A_513 = arith.constant 112 : index
      %get3A_514 = tpu.vector_load %arg13[%get3A_512, %get3A_513] {strides = array<i32>} : memref<128x128xf32, #tpu.memory_space<vmem>>, vector<16xf32>,
      %get3A_515 = arith.index_cast %add3A_448 : i32 to index
      %get3A_516 = arith.constant 112 : index
      %get3A_517 = tpu.vector_load %arg16[%get3A_515, %get3A_516] {strides = array<i32>} : memref<128x128xf32, #tpu.memory_space<vmem>>, vector<16xf32>,
      %sub3A_518 = arith.subf %get3A_514, %get3A_517 : vector<16xf32>
      %mul3A_519 = arith.mulf %sub3A_518, %sub3A_518 : vector<16xf32>
      %add3A_520 = arith.addf %add3A_511, %mul3A_519 : vector<16xf32>
      %lt3A = arith.constant 0 : i32
      %lt3A_521 = vector.broadcast %lt3A : i32 to vector<16xi32>
      %lt3A_522 = arith.cmpi slt, %xor3A_444, %lt3A_521 : vector<16xi32>
      %add3A_523 = arith.constant 16 : i32
      %add3A_524 = vector.broadcast %add3A_523 : i32 to vector<16xi32>
      %add3A_525 = arith.addi %xor3A_444, %add3A_524 : vector<16xi32>
      %select_n3A = arith.select %lt3A_522, %add3A_525, %xor3A_444 : vector<16xi1>, vector<16xi32>
      %reshape3A = vector.shape_cast %select_n3A : vector<16xi32> to vector<16x1xi32>
      %gather3A = vector.shape_cast %reshape3A : vector<16x1xi32> to vector<16xi32>
      %gather3A_526 = tpu.dynamic_gather %add3A_520[%gather3A] in [0] : vector<16xf32>, vector<16xi32> -> vector<16xf32>
      %add3A_527 = arith.addf %add3A_520, %gather3A_526 : vector<16xf32>
      %mul3A_528 = arith.constant 8 : i32
      %mul3A_529 = arith.muli %scan3A_441, %mul3A_528 : i32
      %add3A_530 = arith.constant 1 : i32
      %add3A_531 = arith.addi %mul3A_529, %add3A_530 : i32
      %broadcast_in_dim3A_532 = arith.constant 0.000000e+00 : f32
      %broadcast_in_dim3A_533 = vector.broadcast %broadcast_in_dim3A_532 : f32 to vector<16xf32>
      %get3A_534 = arith.index_cast %add3A_531 : i32 to index
      %get3A_535 = arith.constant 0 : index
      %get3A_536 = tpu.vector_load %arg13[%get3A_534, %get3A_535] {strides = array<i32>} : memref<128x128xf32, #tpu.memory_space<vmem>>, vector<16xf32>,
      %get3A_537 = arith.index_cast %add3A_531 : i32 to index
      %get3A_538 = arith.constant 0 : index
      %get3A_539 = tpu.vector_load %arg16[%get3A_537, %get3A_538] {strides = array<i32>} : memref<128x128xf32, #tpu.memory_space<vmem>>, vector<16xf32>,
      %sub3A_540 = arith.subf %get3A_536, %get3A_539 : vector<16xf32>
      %mul3A_541 = arith.mulf %sub3A_540, %sub3A_540 : vector<16xf32>
      %add3A_542 = arith.addf %broadcast_in_dim3A_533, %mul3A_541 : vector<16xf32>
      %get3A_543 = arith.index_cast %add3A_531 : i32 to index
      %get3A_544 = arith.constant 16 : index
      %get3A_545 = tpu.vector_load %arg13[%get3A_543, %get3A_544] {strides = array<i32>} : memref<128x128xf32, #tpu.memory_space<vmem>>, vector<16xf32>,
      %get3A_546 = arith.index_cast %add3A_531 : i32 to index
      %get3A_547 = arith.constant 16 : index
      %get3A_548 = tpu.vector_load %arg16[%get3A_546, %get3A_547] {strides = array<i32>} : memref<128x128xf32, #tpu.memory_space<vmem>>, vector<16xf32>,
      %sub3A_549 = arith.subf %get3A_545, %get3A_548 : vector<16xf32>
      %mul3A_550 = arith.mulf %sub3A_549, %sub3A_549 : vector<16xf32>
      %add3A_551 = arith.addf %add3A_542, %mul3A_550 : vector<16xf32>
      %get3A_552 = arith.index_cast %add3A_531 : i32 to index
      %get3A_553 = arith.constant 32 : index
      %get3A_554 = tpu.vector_load %arg13[%get3A_552, %get3A_553] {strides = array<i32>} : memref<128x128xf32, #tpu.memory_space<vmem>>, vector<16xf32>,
      %get3A_555 = arith.index_cast %add3A_531 : i32 to index
      %get3A_556 = arith.constant 32 : index
      %get3A_557 = tpu.vector_load %arg16[%get3A_555, %get3A_556] {strides = array<i32>} : memref<128x128xf32, #tpu.memory_space<vmem>>, vector<16xf32>,
      %sub3A_558 = arith.subf %get3A_554, %get3A_557 : vector<16xf32>
      %mul3A_559 = arith.mulf %sub3A_558, %sub3A_558 : vector<16xf32>
      %add3A_560 = arith.addf %add3A_551, %mul3A_559 : vector<16xf32>
      %get3A_561 = arith.index_cast %add3A_531 : i32 to index
      %get3A_562 = arith.constant 48 : index
      %get3A_563 = tpu.vector_load %arg13[%get3A_561, %get3A_562] {strides = array<i32>} : memref<128x128xf32, #tpu.memory_space<vmem>>, vector<16xf32>,
      %get3A_564 = arith.index_cast %add3A_531 : i32 to index
      %get3A_565 = arith.constant 48 : index
      %get3A_566 = tpu.vector_load %arg16[%get3A_564, %get3A_565] {strides = array<i32>} : memref<128x128xf32, #tpu.memory_space<vmem>>, vector<16xf32>,
      %sub3A_567 = arith.subf %get3A_563, %get3A_566 : vector<16xf32>
      %mul3A_568 = arith.mulf %sub3A_567, %sub3A_567 : vector<16xf32>
      %add3A_569 = arith.addf %add3A_560, %mul3A_568 : vector<16xf32>
      %get3A_570 = arith.index_cast %add3A_531 : i32 to index
      %get3A_571 = arith.constant 64 : index
      %get3A_572 = tpu.vector_load %arg13[%get3A_570, %get3A_571] {strides = array<i32>} : memref<128x128xf32, #tpu.memory_space<vmem>>, vector<16xf32>,
      %get3A_573 = arith.index_cast %add3A_531 : i32 to index
      %get3A_574 = arith.constant 64 : index
      %get3A_575 = tpu.vector_load %arg16[%get3A_573, %get3A_574] {strides = array<i32>} : memref<128x128xf32, #tpu.memory_space<vmem>>, vector<16xf32>,
      %sub3A_576 = arith.subf %get3A_572, %get3A_575 : vector<16xf32>
      %mul3A_577 = arith.mulf %sub3A_576, %sub3A_576 : vector<16xf32>
      %add3A_578 = arith.addf %add3A_569, %mul3A_577 : vector<16xf32>
      %get3A_579 = arith.index_cast %add3A_531 : i32 to index
      %get3A_580 = arith.constant 80 : index
      %get3A_581 = tpu.vector_load %arg13[%get3A_579, %get3A_580] {strides = array<i32>} : memref<128x128xf32, #tpu.memory_space<vmem>>, vector<16xf32>,
      %get3A_582 = arith.index_cast %add3A_531 : i32 to index
      %get3A_583 = arith.constant 80 : index
      %get3A_584 = tpu.vector_load %arg16[%get3A_582, %get3A_583] {strides = array<i32>} : memref<128x128xf32, #tpu.memory_space<vmem>>, vector<16xf32>,
      %sub3A_585 = arith.subf %get3A_581, %get3A_584 : vector<16xf32>
      %mul3A_586 = arith.mulf %sub3A_585, %sub3A_585 : vector<16xf32>
      %add3A_587 = arith.addf %add3A_578, %mul3A_586 : vector<16xf32>
      %get3A_588 = arith.index_cast %add3A_531 : i32 to index
      %get3A_589 = arith.constant 96 : index
      %get3A_590 = tpu.vector_load %arg13[%get3A_588, %get3A_589] {strides = array<i32>} : memref<128x128xf32, #tpu.memory_space<vmem>>, vector<16xf32>,
      %get3A_591 = arith.index_cast %add3A_531 : i32 to index
      %get3A_592 = arith.constant 96 : index
      %get3A_593 = tpu.vector_load %arg16[%get3A_591, %get3A_592] {strides = array<i32>} : memref<128x128xf32, #tpu.memory_space<vmem>>, vector<16xf32>,
      %sub3A_594 = arith.subf %get3A_590, %get3A_593 : vector<16xf32>
      %mul3A_595 = arith.mulf %sub3A_594, %sub3A_594 : vector<16xf32>
      %add3A_596 = arith.addf %add3A_587, %mul3A_595 : vector<16xf32>
      %get3A_597 = arith.index_cast %add3A_531 : i32 to index
      %get3A_598 = arith.constant 112 : index
      %get3A_599 = tpu.vector_load %arg13[%get3A_597, %get3A_598] {strides = array<i32>} : memref<128x128xf32, #tpu.memory_space<vmem>>, vector<16xf32>,
      %get3A_600 = arith.index_cast %add3A_531 : i32 to index
      %get3A_601 = arith.constant 112 : index
      %get3A_602 = tpu.vector_load %arg16[%get3A_600, %get3A_601] {strides = array<i32>} : memref<128x128xf32, #tpu.memory_space<vmem>>, vector<16xf32>,
      %sub3A_603 = arith.subf %get3A_599, %get3A_602 : vector<16xf32>
      %mul3A_604 = arith.mulf %sub3A_603, %sub3A_603 : vector<16xf32>
      %add3A_605 = arith.addf %add3A_596, %mul3A_604 : vector<16xf32>
      %lt3A_606 = arith.constant 0 : i32
      %lt3A_607 = vector.broadcast %lt3A_606 : i32 to vector<16xi32>
      %lt3A_608 = arith.cmpi slt, %xor3A_444, %lt3A_607 : vector<16xi32>
      %add3A_609 = arith.constant 16 : i32
      %add3A_610 = vector.broadcast %add3A_609 : i32 to vector<16xi32>
      %add3A_611 = arith.addi %xor3A_444, %add3A_610 : vector<16xi32>
      %select_n3A_612 = arith.select %lt3A_608, %add3A_611, %xor3A_444 : vector<16xi1>, vector<16xi32>
      %reshape3A_613 = vector.shape_cast %select_n3A_612 : vector<16xi32> to vector<16x1xi32>
      %gather3A_614 = vector.shape_cast %reshape3A_613 : vector<16x1xi32> to vector<16xi32>
      %gather3A_615 = tpu.dynamic_gather %add3A_605[%gather3A_614] in [0] : vector<16xf32>, vector<16xi32> -> vector<16xf32>
      %add3A_616 = arith.addf %add3A_605, %gather3A_615 : vector<16xf32>
      %mul3A_617 = arith.constant 8 : i32
      %mul3A_618 = arith.muli %scan3A_441, %mul3A_617 : i32
      %add3A_619 = arith.constant 2 : i32
      %add3A_620 = arith.addi %mul3A_618, %add3A_619 : i32
      %broadcast_in_dim3A_621 = arith.constant 0.000000e+00 : f32
      %broadcast_in_dim3A_622 = vector.broadcast %broadcast_in_dim3A_621 : f32 to vector<16xf32>
      %get3A_623 = arith.index_cast %add3A_620 : i32 to index
      %get3A_624 = arith.constant 0 : index
      %get3A_625 = tpu.vector_load %arg13[%get3A_623, %get3A_624] {strides = array<i32>} : memref<128x128xf32, #tpu.memory_space<vmem>>, vector<16xf32>,
      %get3A_626 = arith.index_cast %add3A_620 : i32 to index
      %get3A_627 = arith.constant 0 : index
      %get3A_628 = tpu.vector_load %arg16[%get3A_626, %get3A_627] {strides = array<i32>} : memref<128x128xf32, #tpu.memory_space<vmem>>, vector<16xf32>,
      %sub3A_629 = arith.subf %get3A_625, %get3A_628 : vector<16xf32>
      %mul3A_630 = arith.mulf %sub3A_629, %sub3A_629 : vector<16xf32>
      %add3A_631 = arith.addf %broadcast_in_dim3A_622, %mul3A_630 : vector<16xf32>
      %get3A_632 = arith.index_cast %add3A_620 : i32 to index
      %get3A_633 = arith.constant 16 : index
      %get3A_634 = tpu.vector_load %arg13[%get3A_632, %get3A_633] {strides = array<i32>} : memref<128x128xf32, #tpu.memory_space<vmem>>, vector<16xf32>,
      %get3A_635 = arith.index_cast %add3A_620 : i32 to index
      %get3A_636 = arith.constant 16 : index
      %get3A_637 = tpu.vector_load %arg16[%get3A_635, %get3A_636] {strides = array<i32>} : memref<128x128xf32, #tpu.memory_space<vmem>>, vector<16xf32>,
      %sub3A_638 = arith.subf %get3A_634, %get3A_637 : vector<16xf32>
      %mul3A_639 = arith.mulf %sub3A_638, %sub3A_638 : vector<16xf32>
      %add3A_640 = arith.addf %add3A_631, %mul3A_639 : vector<16xf32>
      %get3A_641 = arith.index_cast %add3A_620 : i32 to index
      %get3A_642 = arith.constant 32 : index
      %get3A_643 = tpu.vector_load %arg13[%get3A_641, %get3A_642] {strides = array<i32>} : memref<128x128xf32, #tpu.memory_space<vmem>>, vector<16xf32>,
      %get3A_644 = arith.index_cast %add3A_620 : i32 to index
      %get3A_645 = arith.constant 32 : index
      %get3A_646 = tpu.vector_load %arg16[%get3A_644, %get3A_645] {strides = array<i32>} : memref<128x128xf32, #tpu.memory_space<vmem>>, vector<16xf32>,
      %sub3A_647 = arith.subf %get3A_643, %get3A_646 : vector<16xf32>
      %mul3A_648 = arith.mulf %sub3A_647, %sub3A_647 : vector<16xf32>
      %add3A_649 = arith.addf %add3A_640, %mul3A_648 : vector<16xf32>
      %get3A_650 = arith.index_cast %add3A_620 : i32 to index
      %get3A_651 = arith.constant 48 : index
      %get3A_652 = tpu.vector_load %arg13[%get3A_650, %get3A_651] {strides = array<i32>} : memref<128x128xf32, #tpu.memory_space<vmem>>, vector<16xf32>,
      %get3A_653 = arith.index_cast %add3A_620 : i32 to index
      %get3A_654 = arith.constant 48 : index
      %get3A_655 = tpu.vector_load %arg16[%get3A_653, %get3A_654] {strides = array<i32>} : memref<128x128xf32, #tpu.memory_space<vmem>>, vector<16xf32>,
      %sub3A_656 = arith.subf %get3A_652, %get3A_655 : vector<16xf32>
      %mul3A_657 = arith.mulf %sub3A_656, %sub3A_656 : vector<16xf32>
      %add3A_658 = arith.addf %add3A_649, %mul3A_657 : vector<16xf32>
      %get3A_659 = arith.index_cast %add3A_620 : i32 to index
      %get3A_660 = arith.constant 64 : index
      %get3A_661 = tpu.vector_load %arg13[%get3A_659, %get3A_660] {strides = array<i32>} : memref<128x128xf32, #tpu.memory_space<vmem>>, vector<16xf32>,
      %get3A_662 = arith.index_cast %add3A_620 : i32 to index
      %get3A_663 = arith.constant 64 : index
      %get3A_664 = tpu.vector_load %arg16[%get3A_662, %get3A_663] {strides = array<i32>} : memref<128x128xf32, #tpu.memory_space<vmem>>, vector<16xf32>,
      %sub3A_665 = arith.subf %get3A_661, %get3A_664 : vector<16xf32>
      %mul3A_666 = arith.mulf %sub3A_665, %sub3A_665 : vector<16xf32>
      %add3A_667 = arith.addf %add3A_658, %mul3A_666 : vector<16xf32>
      %get3A_668 = arith.index_cast %add3A_620 : i32 to index
      %get3A_669 = arith.constant 80 : index
      %get3A_670 = tpu.vector_load %arg13[%get3A_668, %get3A_669] {strides = array<i32>} : memref<128x128xf32, #tpu.memory_space<vmem>>, vector<16xf32>,
      %get3A_671 = arith.index_cast %add3A_620 : i32 to index
      %get3A_672 = arith.constant 80 : index
      %get3A_673 = tpu.vector_load %arg16[%get3A_671, %get3A_672] {strides = array<i32>} : memref<128x128xf32, #tpu.memory_space<vmem>>, vector<16xf32>,
      %sub3A_674 = arith.subf %get3A_670, %get3A_673 : vector<16xf32>
      %mul3A_675 = arith.mulf %sub3A_674, %sub3A_674 : vector<16xf32>
      %add3A_676 = arith.addf %add3A_667, %mul3A_675 : vector<16xf32>
      %get3A_677 = arith.index_cast %add3A_620 : i32 to index
      %get3A_678 = arith.constant 96 : index
      %get3A_679 = tpu.vector_load %arg13[%get3A_677, %get3A_678] {strides = array<i32>} : memref<128x128xf32, #tpu.memory_space<vmem>>, vector<16xf32>,
      %get3A_680 = arith.index_cast %add3A_620 : i32 to index
      %get3A_681 = arith.constant 96 : index
      %get3A_682 = tpu.vector_load %arg16[%get3A_680, %get3A_681] {strides = array<i32>} : memref<128x128xf32, #tpu.memory_space<vmem>>, vector<16xf32>,
      %sub3A_683 = arith.subf %get3A_679, %get3A_682 : vector<16xf32>
      %mul3A_684 = arith.mulf %sub3A_683, %sub3A_683 : vector<16xf32>
      %add3A_685 = arith.addf %add3A_676, %mul3A_684 : vector<16xf32>
      %get3A_686 = arith.index_cast %add3A_620 : i32 to index
      %get3A_687 = arith.constant 112 : index
      %get3A_688 = tpu.vector_load %arg13[%get3A_686, %get3A_687] {strides = array<i32>} : memref<128x128xf32, #tpu.memory_space<vmem>>, vector<16xf32>,
      %get3A_689 = arith.index_cast %add3A_620 : i32 to index
      %get3A_690 = arith.constant 112 : index
      %get3A_691 = tpu.vector_load %arg16[%get3A_689, %get3A_690] {strides = array<i32>} : memref<128x128xf32, #tpu.memory_space<vmem>>, vector<16xf32>,
      %sub3A_692 = arith.subf %get3A_688, %get3A_691 : vector<16xf32>
      %mul3A_693 = arith.mulf %sub3A_692, %sub3A_692 : vector<16xf32>
      %add3A_694 = arith.addf %add3A_685, %mul3A_693 : vector<16xf32>
      %lt3A_695 = arith.constant 0 : i32
      %lt3A_696 = vector.broadcast %lt3A_695 : i32 to vector<16xi32>
      %lt3A_697 = arith.cmpi slt, %xor3A_444, %lt3A_696 : vector<16xi32>
      %add3A_698 = arith.constant 16 : i32
      %add3A_699 = vector.broadcast %add3A_698 : i32 to vector<16xi32>
      %add3A_700 = arith.addi %xor3A_444, %add3A_699 : vector<16xi32>
      %select_n3A_701 = arith.select %lt3A_697, %add3A_700, %xor3A_444 : vector<16xi1>, vector<16xi32>
      %reshape3A_702 = vector.shape_cast %select_n3A_701 : vector<16xi32> to vector<16x1xi32>
      %gather3A_703 = vector.shape_cast %reshape3A_702 : vector<16x1xi32> to vector<16xi32>
      %gather3A_704 = tpu.dynamic_gather %add3A_694[%gather3A_703] in [0] : vector<16xf32>, vector<16xi32> -> vector<16xf32>
      %add3A_705 = arith.addf %add3A_694, %gather3A_704 : vector<16xf32>
      %mul3A_706 = arith.constant 8 : i32
      %mul3A_707 = arith.muli %scan3A_441, %mul3A_706 : i32
      %add3A_708 = arith.constant 3 : i32
      %add3A_709 = arith.addi %mul3A_707, %add3A_708 : i32
      %broadcast_in_dim3A_710 = arith.constant 0.000000e+00 : f32
      %broadcast_in_dim3A_711 = vector.broadcast %broadcast_in_dim3A_710 : f32 to vector<16xf32>
      %get3A_712 = arith.index_cast %add3A_709 : i32 to index
      %get3A_713 = arith.constant 0 : index
      %get3A_714 = tpu.vector_load %arg13[%get3A_712, %get3A_713] {strides = array<i32>} : memref<128x128xf32, #tpu.memory_space<vmem>>, vector<16xf32>,
      %get3A_715 = arith.index_cast %add3A_709 : i32 to index
      %get3A_716 = arith.constant 0 : index
      %get3A_717 = tpu.vector_load %arg16[%get3A_715, %get3A_716] {strides = array<i32>} : memref<128x128xf32, #tpu.memory_space<vmem>>, vector<16xf32>,
      %sub3A_718 = arith.subf %get3A_714, %get3A_717 : vector<16xf32>
      %mul3A_719 = arith.mulf %sub3A_718, %sub3A_718 : vector<16xf32>
      %add3A_720 = arith.addf %broadcast_in_dim3A_711, %mul3A_719 : vector<16xf32>
      %get3A_721 = arith.index_cast %add3A_709 : i32 to index
      %get3A_722 = arith.constant 16 : index
      %get3A_723 = tpu.vector_load %arg13[%get3A_721, %get3A_722] {strides = array<i32>} : memref<128x128xf32, #tpu.memory_space<vmem>>, vector<16xf32>,
      %get3A_724 = arith.index_cast %add3A_709 : i32 to index
      %get3A_725 = arith.constant 16 : index
      %get3A_726 = tpu.vector_load %arg16[%get3A_724, %get3A_725] {strides = array<i32>} : memref<128x128xf32, #tpu.memory_space<vmem>>, vector<16xf32>,
      %sub3A_727 = arith.subf %get3A_723, %get3A_726 : vector<16xf32>
      %mul3A_728 = arith.mulf %sub3A_727, %sub3A_727 : vector<16xf32>
      %add3A_729 = arith.addf %add3A_720, %mul3A_728 : vector<16xf32>
      %get3A_730 = arith.index_cast %add3A_709 : i32 to index
      %get3A_731 = arith.constant 32 : index
      %get3A_732 = tpu.vector_load %arg13[%get3A_730, %get3A_731] {strides = array<i32>} : memref<128x128xf32, #tpu.memory_space<vmem>>, vector<16xf32>,
      %get3A_733 = arith.index_cast %add3A_709 : i32 to index
      %get3A_734 = arith.constant 32 : index
      %get3A_735 = tpu.vector_load %arg16[%get3A_733, %get3A_734] {strides = array<i32>} : memref<128x128xf32, #tpu.memory_space<vmem>>, vector<16xf32>,
      %sub3A_736 = arith.subf %get3A_732, %get3A_735 : vector<16xf32>
      %mul3A_737 = arith.mulf %sub3A_736, %sub3A_736 : vector<16xf32>
      %add3A_738 = arith.addf %add3A_729, %mul3A_737 : vector<16xf32>
      %get3A_739 = arith.index_cast %add3A_709 : i32 to index
      %get3A_740 = arith.constant 48 : index
      %get3A_741 = tpu.vector_load %arg13[%get3A_739, %get3A_740] {strides = array<i32>} : memref<128x128xf32, #tpu.memory_space<vmem>>, vector<16xf32>,
      %get3A_742 = arith.index_cast %add3A_709 : i32 to index
      %get3A_743 = arith.constant 48 : index
      %get3A_744 = tpu.vector_load %arg16[%get3A_742, %get3A_743] {strides = array<i32>} : memref<128x128xf32, #tpu.memory_space<vmem>>, vector<16xf32>,
      %sub3A_745 = arith.subf %get3A_741, %get3A_744 : vector<16xf32>
      %mul3A_746 = arith.mulf %sub3A_745, %sub3A_745 : vector<16xf32>
      %add3A_747 = arith.addf %add3A_738, %mul3A_746 : vector<16xf32>
      %get3A_748 = arith.index_cast %add3A_709 : i32 to index
      %get3A_749 = arith.constant 64 : index
      %get3A_750 = tpu.vector_load %arg13[%get3A_748, %get3A_749] {strides = array<i32>} : memref<128x128xf32, #tpu.memory_space<vmem>>, vector<16xf32>,
      %get3A_751 = arith.index_cast %add3A_709 : i32 to index
      %get3A_752 = arith.constant 64 : index
      %get3A_753 = tpu.vector_load %arg16[%get3A_751, %get3A_752] {strides = array<i32>} : memref<128x128xf32, #tpu.memory_space<vmem>>, vector<16xf32>,
      %sub3A_754 = arith.subf %get3A_750, %get3A_753 : vector<16xf32>
      %mul3A_755 = arith.mulf %sub3A_754, %sub3A_754 : vector<16xf32>
      %add3A_756 = arith.addf %add3A_747, %mul3A_755 : vector<16xf32>
      %get3A_757 = arith.index_cast %add3A_709 : i32 to index
      %get3A_758 = arith.constant 80 : index
      %get3A_759 = tpu.vector_load %arg13[%get3A_757, %get3A_758] {strides = array<i32>} : memref<128x128xf32, #tpu.memory_space<vmem>>, vector<16xf32>,
      %get3A_760 = arith.index_cast %add3A_709 : i32 to index
      %get3A_761 = arith.constant 80 : index
      %get3A_762 = tpu.vector_load %arg16[%get3A_760, %get3A_761] {strides = array<i32>} : memref<128x128xf32, #tpu.memory_space<vmem>>, vector<16xf32>,
      %sub3A_763 = arith.subf %get3A_759, %get3A_762 : vector<16xf32>
      %mul3A_764 = arith.mulf %sub3A_763, %sub3A_763 : vector<16xf32>
      %add3A_765 = arith.addf %add3A_756, %mul3A_764 : vector<16xf32>
      %get3A_766 = arith.index_cast %add3A_709 : i32 to index
      %get3A_767 = arith.constant 96 : index
      %get3A_768 = tpu.vector_load %arg13[%get3A_766, %get3A_767] {strides = array<i32>} : memref<128x128xf32, #tpu.memory_space<vmem>>, vector<16xf32>,
      %get3A_769 = arith.index_cast %add3A_709 : i32 to index
      %get3A_770 = arith.constant 96 : index
      %get3A_771 = tpu.vector_load %arg16[%get3A_769, %get3A_770] {strides = array<i32>} : memref<128x128xf32, #tpu.memory_space<vmem>>, vector<16xf32>,
      %sub3A_772 = arith.subf %get3A_768, %get3A_771 : vector<16xf32>
      %mul3A_773 = arith.mulf %sub3A_772, %sub3A_772 : vector<16xf32>
      %add3A_774 = arith.addf %add3A_765, %mul3A_773 : vector<16xf32>
      %get3A_775 = arith.index_cast %add3A_709 : i32 to index
      %get3A_776 = arith.constant 112 : index
      %get3A_777 = tpu.vector_load %arg13[%get3A_775, %get3A_776] {strides = array<i32>} : memref<128x128xf32, #tpu.memory_space<vmem>>, vector<16xf32>,
      %get3A_778 = arith.index_cast %add3A_709 : i32 to index
      %get3A_779 = arith.constant 112 : index
      %get3A_780 = tpu.vector_load %arg16[%get3A_778, %get3A_779] {strides = array<i32>} : memref<128x128xf32, #tpu.memory_space<vmem>>, vector<16xf32>,
      %sub3A_781 = arith.subf %get3A_777, %get3A_780 : vector<16xf32>
      %mul3A_782 = arith.mulf %sub3A_781, %sub3A_781 : vector<16xf32>
      %add3A_783 = arith.addf %add3A_774, %mul3A_782 : vector<16xf32>
      %lt3A_784 = arith.constant 0 : i32
      %lt3A_785 = vector.broadcast %lt3A_784 : i32 to vector<16xi32>
      %lt3A_786 = arith.cmpi slt, %xor3A_444, %lt3A_785 : vector<16xi32>
      %add3A_787 = arith.constant 16 : i32
      %add3A_788 = vector.broadcast %add3A_787 : i32 to vector<16xi32>
      %add3A_789 = arith.addi %xor3A_444, %add3A_788 : vector<16xi32>
      %select_n3A_790 = arith.select %lt3A_786, %add3A_789, %xor3A_444 : vector<16xi1>, vector<16xi32>
      %reshape3A_791 = vector.shape_cast %select_n3A_790 : vector<16xi32> to vector<16x1xi32>
      %gather3A_792 = vector.shape_cast %reshape3A_791 : vector<16x1xi32> to vector<16xi32>
      %gather3A_793 = tpu.dynamic_gather %add3A_783[%gather3A_792] in [0] : vector<16xf32>, vector<16xi32> -> vector<16xf32>
      %add3A_794 = arith.addf %add3A_783, %gather3A_793 : vector<16xf32>
      %mul3A_795 = arith.constant 8 : i32
      %mul3A_796 = arith.muli %scan3A_441, %mul3A_795 : i32
      %add3A_797 = arith.constant 4 : i32
      %add3A_798 = arith.addi %mul3A_796, %add3A_797 : i32
      %broadcast_in_dim3A_799 = arith.constant 0.000000e+00 : f32
      %broadcast_in_dim3A_800 = vector.broadcast %broadcast_in_dim3A_799 : f32 to vector<16xf32>
      %get3A_801 = arith.index_cast %add3A_798 : i32 to index
      %get3A_802 = arith.constant 0 : index
      %get3A_803 = tpu.vector_load %arg13[%get3A_801, %get3A_802] {strides = array<i32>} : memref<128x128xf32, #tpu.memory_space<vmem>>, vector<16xf32>,
      %get3A_804 = arith.index_cast %add3A_798 : i32 to index
      %get3A_805 = arith.constant 0 : index
      %get3A_806 = tpu.vector_load %arg16[%get3A_804, %get3A_805] {strides = array<i32>} : memref<128x128xf32, #tpu.memory_space<vmem>>, vector<16xf32>,
      %sub3A_807 = arith.subf %get3A_803, %get3A_806 : vector<16xf32>
      %mul3A_808 = arith.mulf %sub3A_807, %sub3A_807 : vector<16xf32>
      %add3A_809 = arith.addf %broadcast_in_dim3A_800, %mul3A_808 : vector<16xf32>
      %get3A_810 = arith.index_cast %add3A_798 : i32 to index
      %get3A_811 = arith.constant 16 : index
      %get3A_812 = tpu.vector_load %arg13[%get3A_810, %get3A_811] {strides = array<i32>} : memref<128x128xf32, #tpu.memory_space<vmem>>, vector<16xf32>,
      %get3A_813 = arith.index_cast %add3A_798 : i32 to index
      %get3A_814 = arith.constant 16 : index
      %get3A_815 = tpu.vector_load %arg16[%get3A_813, %get3A_814] {strides = array<i32>} : memref<128x128xf32, #tpu.memory_space<vmem>>, vector<16xf32>,
      %sub3A_816 = arith.subf %get3A_812, %get3A_815 : vector<16xf32>
      %mul3A_817 = arith.mulf %sub3A_816, %sub3A_816 : vector<16xf32>
      %add3A_818 = arith.addf %add3A_809, %mul3A_817 : vector<16xf32>
      %get3A_819 = arith.index_cast %add3A_798 : i32 to index
      %get3A_820 = arith.constant 32 : index
      %get3A_821 = tpu.vector_load %arg13[%get3A_819, %get3A_820] {strides = array<i32>} : memref<128x128xf32, #tpu.memory_space<vmem>>, vector<16xf32>,
      %get3A_822 = arith.index_cast %add3A_798 : i32 to index
      %get3A_823 = arith.constant 32 : index
      %get3A_824 = tpu.vector_load %arg16[%get3A_822, %get3A_823] {strides = array<i32>} : memref<128x128xf32, #tpu.memory_space<vmem>>, vector<16xf32>,
      %sub3A_825 = arith.subf %get3A_821, %get3A_824 : vector<16xf32>
      %mul3A_826 = arith.mulf %sub3A_825, %sub3A_825 : vector<16xf32>
      %add3A_827 = arith.addf %add3A_818, %mul3A_826 : vector<16xf32>
      %get3A_828 = arith.index_cast %add3A_798 : i32 to index
      %get3A_829 = arith.constant 48 : index
      %get3A_830 = tpu.vector_load %arg13[%get3A_828, %get3A_829] {strides = array<i32>} : memref<128x128xf32, #tpu.memory_space<vmem>>, vector<16xf32>,
      %get3A_831 = arith.index_cast %add3A_798 : i32 to index
      %get3A_832 = arith.constant 48 : index
      %get3A_833 = tpu.vector_load %arg16[%get3A_831, %get3A_832] {strides = array<i32>} : memref<128x128xf32, #tpu.memory_space<vmem>>, vector<16xf32>,
      %sub3A_834 = arith.subf %get3A_830, %get3A_833 : vector<16xf32>
      %mul3A_835 = arith.mulf %sub3A_834, %sub3A_834 : vector<16xf32>
      %add3A_836 = arith.addf %add3A_827, %mul3A_835 : vector<16xf32>
      %get3A_837 = arith.index_cast %add3A_798 : i32 to index
      %get3A_838 = arith.constant 64 : index
      %get3A_839 = tpu.vector_load %arg13[%get3A_837, %get3A_838] {strides = array<i32>} : memref<128x128xf32, #tpu.memory_space<vmem>>, vector<16xf32>,
      %get3A_840 = arith.index_cast %add3A_798 : i32 to index
      %get3A_841 = arith.constant 64 : index
      %get3A_842 = tpu.vector_load %arg16[%get3A_840, %get3A_841] {strides = array<i32>} : memref<128x128xf32, #tpu.memory_space<vmem>>, vector<16xf32>,
      %sub3A_843 = arith.subf %get3A_839, %get3A_842 : vector<16xf32>
      %mul3A_844 = arith.mulf %sub3A_843, %sub3A_843 : vector<16xf32>
      %add3A_845 = arith.addf %add3A_836, %mul3A_844 : vector<16xf32>
      %get3A_846 = arith.index_cast %add3A_798 : i32 to index
      %get3A_847 = arith.constant 80 : index
      %get3A_848 = tpu.vector_load %arg13[%get3A_846, %get3A_847] {strides = array<i32>} : memref<128x128xf32, #tpu.memory_space<vmem>>, vector<16xf32>,
      %get3A_849 = arith.index_cast %add3A_798 : i32 to index
      %get3A_850 = arith.constant 80 : index
      %get3A_851 = tpu.vector_load %arg16[%get3A_849, %get3A_850] {strides = array<i32>} : memref<128x128xf32, #tpu.memory_space<vmem>>, vector<16xf32>,
      %sub3A_852 = arith.subf %get3A_848, %get3A_851 : vector<16xf32>
      %mul3A_853 = arith.mulf %sub3A_852, %sub3A_852 : vector<16xf32>
      %add3A_854 = arith.addf %add3A_845, %mul3A_853 : vector<16xf32>
      %get3A_855 = arith.index_cast %add3A_798 : i32 to index
      %get3A_856 = arith.constant 96 : index
      %get3A_857 = tpu.vector_load %arg13[%get3A_855, %get3A_856] {strides = array<i32>} : memref<128x128xf32, #tpu.memory_space<vmem>>, vector<16xf32>,
      %get3A_858 = arith.index_cast %add3A_798 : i32 to index
      %get3A_859 = arith.constant 96 : index
      %get3A_860 = tpu.vector_load %arg16[%get3A_858, %get3A_859] {strides = array<i32>} : memref<128x128xf32, #tpu.memory_space<vmem>>, vector<16xf32>,
      %sub3A_861 = arith.subf %get3A_857, %get3A_860 : vector<16xf32>
      %mul3A_862 = arith.mulf %sub3A_861, %sub3A_861 : vector<16xf32>
      %add3A_863 = arith.addf %add3A_854, %mul3A_862 : vector<16xf32>
      %get3A_864 = arith.index_cast %add3A_798 : i32 to index
      %get3A_865 = arith.constant 112 : index
      %get3A_866 = tpu.vector_load %arg13[%get3A_864, %get3A_865] {strides = array<i32>} : memref<128x128xf32, #tpu.memory_space<vmem>>, vector<16xf32>,
      %get3A_867 = arith.index_cast %add3A_798 : i32 to index
      %get3A_868 = arith.constant 112 : index
      %get3A_869 = tpu.vector_load %arg16[%get3A_867, %get3A_868] {strides = array<i32>} : memref<128x128xf32, #tpu.memory_space<vmem>>, vector<16xf32>,
      %sub3A_870 = arith.subf %get3A_866, %get3A_869 : vector<16xf32>
      %mul3A_871 = arith.mulf %sub3A_870, %sub3A_870 : vector<16xf32>
      %add3A_872 = arith.addf %add3A_863, %mul3A_871 : vector<16xf32>
      %lt3A_873 = arith.constant 0 : i32
      %lt3A_874 = vector.broadcast %lt3A_873 : i32 to vector<16xi32>
      %lt3A_875 = arith.cmpi slt, %xor3A_444, %lt3A_874 : vector<16xi32>
      %add3A_876 = arith.constant 16 : i32
      %add3A_877 = vector.broadcast %add3A_876 : i32 to vector<16xi32>
      %add3A_878 = arith.addi %xor3A_444, %add3A_877 : vector<16xi32>
      %select_n3A_879 = arith.select %lt3A_875, %add3A_878, %xor3A_444 : vector<16xi1>, vector<16xi32>
      %reshape3A_880 = vector.shape_cast %select_n3A_879 : vector<16xi32> to vector<16x1xi32>
      %gather3A_881 = vector.shape_cast %reshape3A_880 : vector<16x1xi32> to vector<16xi32>
      %gather3A_882 = tpu.dynamic_gather %add3A_872[%gather3A_881] in [0] : vector<16xf32>, vector<16xi32> -> vector<16xf32>
      %add3A_883 = arith.addf %add3A_872, %gather3A_882 : vector<16xf32>
      %mul3A_884 = arith.constant 8 : i32
      %mul3A_885 = arith.muli %scan3A_441, %mul3A_884 : i32
      %add3A_886 = arith.constant 5 : i32
      %add3A_887 = arith.addi %mul3A_885, %add3A_886 : i32
      %broadcast_in_dim3A_888 = arith.constant 0.000000e+00 : f32
      %broadcast_in_dim3A_889 = vector.broadcast %broadcast_in_dim3A_888 : f32 to vector<16xf32>
      %get3A_890 = arith.index_cast %add3A_887 : i32 to index
      %get3A_891 = arith.constant 0 : index
      %get3A_892 = tpu.vector_load %arg13[%get3A_890, %get3A_891] {strides = array<i32>} : memref<128x128xf32, #tpu.memory_space<vmem>>, vector<16xf32>,
      %get3A_893 = arith.index_cast %add3A_887 : i32 to index
      %get3A_894 = arith.constant 0 : index
      %get3A_895 = tpu.vector_load %arg16[%get3A_893, %get3A_894] {strides = array<i32>} : memref<128x128xf32, #tpu.memory_space<vmem>>, vector<16xf32>,
      %sub3A_896 = arith.subf %get3A_892, %get3A_895 : vector<16xf32>
      %mul3A_897 = arith.mulf %sub3A_896, %sub3A_896 : vector<16xf32>
      %add3A_898 = arith.addf %broadcast_in_dim3A_889, %mul3A_897 : vector<16xf32>
      %get3A_899 = arith.index_cast %add3A_887 : i32 to index
      %get3A_900 = arith.constant 16 : index
      %get3A_901 = tpu.vector_load %arg13[%get3A_899, %get3A_900] {strides = array<i32>} : memref<128x128xf32, #tpu.memory_space<vmem>>, vector<16xf32>,
      %get3A_902 = arith.index_cast %add3A_887 : i32 to index
      %get3A_903 = arith.constant 16 : index
      %get3A_904 = tpu.vector_load %arg16[%get3A_902, %get3A_903] {strides = array<i32>} : memref<128x128xf32, #tpu.memory_space<vmem>>, vector<16xf32>,
      %sub3A_905 = arith.subf %get3A_901, %get3A_904 : vector<16xf32>
      %mul3A_906 = arith.mulf %sub3A_905, %sub3A_905 : vector<16xf32>
      %add3A_907 = arith.addf %add3A_898, %mul3A_906 : vector<16xf32>
      %get3A_908 = arith.index_cast %add3A_887 : i32 to index
      %get3A_909 = arith.constant 32 : index
      %get3A_910 = tpu.vector_load %arg13[%get3A_908, %get3A_909] {strides = array<i32>} : memref<128x128xf32, #tpu.memory_space<vmem>>, vector<16xf32>,
      %get3A_911 = arith.index_cast %add3A_887 : i32 to index
      %get3A_912 = arith.constant 32 : index
      %get3A_913 = tpu.vector_load %arg16[%get3A_911, %get3A_912] {strides = array<i32>} : memref<128x128xf32, #tpu.memory_space<vmem>>, vector<16xf32>,
      %sub3A_914 = arith.subf %get3A_910, %get3A_913 : vector<16xf32>
      %mul3A_915 = arith.mulf %sub3A_914, %sub3A_914 : vector<16xf32>
      %add3A_916 = arith.addf %add3A_907, %mul3A_915 : vector<16xf32>
      %get3A_917 = arith.index_cast %add3A_887 : i32 to index
      %get3A_918 = arith.constant 48 : index
      %get3A_919 = tpu.vector_load %arg13[%get3A_917, %get3A_918] {strides = array<i32>} : memref<128x128xf32, #tpu.memory_space<vmem>>, vector<16xf32>,
      %get3A_920 = arith.index_cast %add3A_887 : i32 to index
      %get3A_921 = arith.constant 48 : index
      %get3A_922 = tpu.vector_load %arg16[%get3A_920, %get3A_921] {strides = array<i32>} : memref<128x128xf32, #tpu.memory_space<vmem>>, vector<16xf32>,
      %sub3A_923 = arith.subf %get3A_919, %get3A_922 : vector<16xf32>
      %mul3A_924 = arith.mulf %sub3A_923, %sub3A_923 : vector<16xf32>
      %add3A_925 = arith.addf %add3A_916, %mul3A_924 : vector<16xf32>
      %get3A_926 = arith.index_cast %add3A_887 : i32 to index
      %get3A_927 = arith.constant 64 : index
      %get3A_928 = tpu.vector_load %arg13[%get3A_926, %get3A_927] {strides = array<i32>} : memref<128x128xf32, #tpu.memory_space<vmem>>, vector<16xf32>,
      %get3A_929 = arith.index_cast %add3A_887 : i32 to index
      %get3A_930 = arith.constant 64 : index
      %get3A_931 = tpu.vector_load %arg16[%get3A_929, %get3A_930] {strides = array<i32>} : memref<128x128xf32, #tpu.memory_space<vmem>>, vector<16xf32>,
      %sub3A_932 = arith.subf %get3A_928, %get3A_931 : vector<16xf32>
      %mul3A_933 = arith.mulf %sub3A_932, %sub3A_932 : vector<16xf32>
      %add3A_934 = arith.addf %add3A_925, %mul3A_933 : vector<16xf32>
      %get3A_935 = arith.index_cast %add3A_887 : i32 to index
      %get3A_936 = arith.constant 80 : index
      %get3A_937 = tpu.vector_load %arg13[%get3A_935, %get3A_936] {strides = array<i32>} : memref<128x128xf32, #tpu.memory_space<vmem>>, vector<16xf32>,
      %get3A_938 = arith.index_cast %add3A_887 : i32 to index
      %get3A_939 = arith.constant 80 : index
      %get3A_940 = tpu.vector_load %arg16[%get3A_938, %get3A_939] {strides = array<i32>} : memref<128x128xf32, #tpu.memory_space<vmem>>, vector<16xf32>,
      %sub3A_941 = arith.subf %get3A_937, %get3A_940 : vector<16xf32>
      %mul3A_942 = arith.mulf %sub3A_941, %sub3A_941 : vector<16xf32>
      %add3A_943 = arith.addf %add3A_934, %mul3A_942 : vector<16xf32>
      %get3A_944 = arith.index_cast %add3A_887 : i32 to index
      %get3A_945 = arith.constant 96 : index
      %get3A_946 = tpu.vector_load %arg13[%get3A_944, %get3A_945] {strides = array<i32>} : memref<128x128xf32, #tpu.memory_space<vmem>>, vector<16xf32>,
      %get3A_947 = arith.index_cast %add3A_887 : i32 to index
      %get3A_948 = arith.constant 96 : index
      %get3A_949 = tpu.vector_load %arg16[%get3A_947, %get3A_948] {strides = array<i32>} : memref<128x128xf32, #tpu.memory_space<vmem>>, vector<16xf32>,
      %sub3A_950 = arith.subf %get3A_946, %get3A_949 : vector<16xf32>
      %mul3A_951 = arith.mulf %sub3A_950, %sub3A_950 : vector<16xf32>
      %add3A_952 = arith.addf %add3A_943, %mul3A_951 : vector<16xf32>
      %get3A_953 = arith.index_cast %add3A_887 : i32 to index
      %get3A_954 = arith.constant 112 : index
      %get3A_955 = tpu.vector_load %arg13[%get3A_953, %get3A_954] {strides = array<i32>} : memref<128x128xf32, #tpu.memory_space<vmem>>, vector<16xf32>,
      %get3A_956 = arith.index_cast %add3A_887 : i32 to index
      %get3A_957 = arith.constant 112 : index
      %get3A_958 = tpu.vector_load %arg16[%get3A_956, %get3A_957] {strides = array<i32>} : memref<128x128xf32, #tpu.memory_space<vmem>>, vector<16xf32>,
      %sub3A_959 = arith.subf %get3A_955, %get3A_958 : vector<16xf32>
      %mul3A_960 = arith.mulf %sub3A_959, %sub3A_959 : vector<16xf32>
      %add3A_961 = arith.addf %add3A_952, %mul3A_960 : vector<16xf32>
      %lt3A_962 = arith.constant 0 : i32
      %lt3A_963 = vector.broadcast %lt3A_962 : i32 to vector<16xi32>
      %lt3A_964 = arith.cmpi slt, %xor3A_444, %lt3A_963 : vector<16xi32>
      %add3A_965 = arith.constant 16 : i32
      %add3A_966 = vector.broadcast %add3A_965 : i32 to vector<16xi32>
      %add3A_967 = arith.addi %xor3A_444, %add3A_966 : vector<16xi32>
      %select_n3A_968 = arith.select %lt3A_964, %add3A_967, %xor3A_444 : vector<16xi1>, vector<16xi32>
      %reshape3A_969 = vector.shape_cast %select_n3A_968 : vector<16xi32> to vector<16x1xi32>
      %gather3A_970 = vector.shape_cast %reshape3A_969 : vector<16x1xi32> to vector<16xi32>
      %gather3A_971 = tpu.dynamic_gather %add3A_961[%gather3A_970] in [0] : vector<16xf32>, vector<16xi32> -> vector<16xf32>
      %add3A_972 = arith.addf %add3A_961, %gather3A_971 : vector<16xf32>
      %mul3A_973 = arith.constant 8 : i32
      %mul3A_974 = arith.muli %scan3A_441, %mul3A_973 : i32
      %add3A_975 = arith.constant 6 : i32
      %add3A_976 = arith.addi %mul3A_974, %add3A_975 : i32
      %broadcast_in_dim3A_977 = arith.constant 0.000000e+00 : f32
      %broadcast_in_dim3A_978 = vector.broadcast %broadcast_in_dim3A_977 : f32 to vector<16xf32>
      %get3A_979 = arith.index_cast %add3A_976 : i32 to index
      %get3A_980 = arith.constant 0 : index
      %get3A_981 = tpu.vector_load %arg13[%get3A_979, %get3A_980] {strides = array<i32>} : memref<128x128xf32, #tpu.memory_space<vmem>>, vector<16xf32>,
      %get3A_982 = arith.index_cast %add3A_976 : i32 to index
      %get3A_983 = arith.constant 0 : index
      %get3A_984 = tpu.vector_load %arg16[%get3A_982, %get3A_983] {strides = array<i32>} : memref<128x128xf32, #tpu.memory_space<vmem>>, vector<16xf32>,
      %sub3A_985 = arith.subf %get3A_981, %get3A_984 : vector<16xf32>
      %mul3A_986 = arith.mulf %sub3A_985, %sub3A_985 : vector<16xf32>
      %add3A_987 = arith.addf %broadcast_in_dim3A_978, %mul3A_986 : vector<16xf32>
      %get3A_988 = arith.index_cast %add3A_976 : i32 to index
      %get3A_989 = arith.constant 16 : index
      %get3A_990 = tpu.vector_load %arg13[%get3A_988, %get3A_989] {strides = array<i32>} : memref<128x128xf32, #tpu.memory_space<vmem>>, vector<16xf32>,
      %get3A_991 = arith.index_cast %add3A_976 : i32 to index
      %get3A_992 = arith.constant 16 : index
      %get3A_993 = tpu.vector_load %arg16[%get3A_991, %get3A_992] {strides = array<i32>} : memref<128x128xf32, #tpu.memory_space<vmem>>, vector<16xf32>,
      %sub3A_994 = arith.subf %get3A_990, %get3A_993 : vector<16xf32>
      %mul3A_995 = arith.mulf %sub3A_994, %sub3A_994 : vector<16xf32>
      %add3A_996 = arith.addf %add3A_987, %mul3A_995 : vector<16xf32>
      %get3A_997 = arith.index_cast %add3A_976 : i32 to index
      %get3A_998 = arith.constant 32 : index
      %get3A_999 = tpu.vector_load %arg13[%get3A_997, %get3A_998] {strides = array<i32>} : memref<128x128xf32, #tpu.memory_space<vmem>>, vector<16xf32>,
      %get3A_1000 = arith.index_cast %add3A_976 : i32 to index
      %get3A_1001 = arith.constant 32 : index
      %get3A_1002 = tpu.vector_load %arg16[%get3A_1000, %get3A_1001] {strides = array<i32>} : memref<128x128xf32, #tpu.memory_space<vmem>>, vector<16xf32>,
      %sub3A_1003 = arith.subf %get3A_999, %get3A_1002 : vector<16xf32>
      %mul3A_1004 = arith.mulf %sub3A_1003, %sub3A_1003 : vector<16xf32>
      %add3A_1005 = arith.addf %add3A_996, %mul3A_1004 : vector<16xf32>
      %get3A_1006 = arith.index_cast %add3A_976 : i32 to index
      %get3A_1007 = arith.constant 48 : index
      %get3A_1008 = tpu.vector_load %arg13[%get3A_1006, %get3A_1007] {strides = array<i32>} : memref<128x128xf32, #tpu.memory_space<vmem>>, vector<16xf32>,
      %get3A_1009 = arith.index_cast %add3A_976 : i32 to index
      %get3A_1010 = arith.constant 48 : index
      %get3A_1011 = tpu.vector_load %arg16[%get3A_1009, %get3A_1010] {strides = array<i32>} : memref<128x128xf32, #tpu.memory_space<vmem>>, vector<16xf32>,
      %sub3A_1012 = arith.subf %get3A_1008, %get3A_1011 : vector<16xf32>
      %mul3A_1013 = arith.mulf %sub3A_1012, %sub3A_1012 : vector<16xf32>
      %add3A_1014 = arith.addf %add3A_1005, %mul3A_1013 : vector<16xf32>
      %get3A_1015 = arith.index_cast %add3A_976 : i32 to index
      %get3A_1016 = arith.constant 64 : index
      %get3A_1017 = tpu.vector_load %arg13[%get3A_1015, %get3A_1016] {strides = array<i32>} : memref<128x128xf32, #tpu.memory_space<vmem>>, vector<16xf32>,
      %get3A_1018 = arith.index_cast %add3A_976 : i32 to index
      %get3A_1019 = arith.constant 64 : index
      %get3A_1020 = tpu.vector_load %arg16[%get3A_1018, %get3A_1019] {strides = array<i32>} : memref<128x128xf32, #tpu.memory_space<vmem>>, vector<16xf32>,
      %sub3A_1021 = arith.subf %get3A_1017, %get3A_1020 : vector<16xf32>
      %mul3A_1022 = arith.mulf %sub3A_1021, %sub3A_1021 : vector<16xf32>
      %add3A_1023 = arith.addf %add3A_1014, %mul3A_1022 : vector<16xf32>
      %get3A_1024 = arith.index_cast %add3A_976 : i32 to index
      %get3A_1025 = arith.constant 80 : index
      %get3A_1026 = tpu.vector_load %arg13[%get3A_1024, %get3A_1025] {strides = array<i32>} : memref<128x128xf32, #tpu.memory_space<vmem>>, vector<16xf32>,
      %get3A_1027 = arith.index_cast %add3A_976 : i32 to index
      %get3A_1028 = arith.constant 80 : index
      %get3A_1029 = tpu.vector_load %arg16[%get3A_1027, %get3A_1028] {strides = array<i32>} : memref<128x128xf32, #tpu.memory_space<vmem>>, vector<16xf32>,
      %sub3A_1030 = arith.subf %get3A_1026, %get3A_1029 : vector<16xf32>
      %mul3A_1031 = arith.mulf %sub3A_1030, %sub3A_1030 : vector<16xf32>
      %add3A_1032 = arith.addf %add3A_1023, %mul3A_1031 : vector<16xf32>
      %get3A_1033 = arith.index_cast %add3A_976 : i32 to index
      %get3A_1034 = arith.constant 96 : index
      %get3A_1035 = tpu.vector_load %arg13[%get3A_1033, %get3A_1034] {strides = array<i32>} : memref<128x128xf32, #tpu.memory_space<vmem>>, vector<16xf32>,
      %get3A_1036 = arith.index_cast %add3A_976 : i32 to index
      %get3A_1037 = arith.constant 96 : index
      %get3A_1038 = tpu.vector_load %arg16[%get3A_1036, %get3A_1037] {strides = array<i32>} : memref<128x128xf32, #tpu.memory_space<vmem>>, vector<16xf32>,
      %sub3A_1039 = arith.subf %get3A_1035, %get3A_1038 : vector<16xf32>
      %mul3A_1040 = arith.mulf %sub3A_1039, %sub3A_1039 : vector<16xf32>
      %add3A_1041 = arith.addf %add3A_1032, %mul3A_1040 : vector<16xf32>
      %get3A_1042 = arith.index_cast %add3A_976 : i32 to index
      %get3A_1043 = arith.constant 112 : index
      %get3A_1044 = tpu.vector_load %arg13[%get3A_1042, %get3A_1043] {strides = array<i32>} : memref<128x128xf32, #tpu.memory_space<vmem>>, vector<16xf32>,
      %get3A_1045 = arith.index_cast %add3A_976 : i32 to index
      %get3A_1046 = arith.constant 112 : index
      %get3A_1047 = tpu.vector_load %arg16[%get3A_1045, %get3A_1046] {strides = array<i32>} : memref<128x128xf32, #tpu.memory_space<vmem>>, vector<16xf32>,
      %sub3A_1048 = arith.subf %get3A_1044, %get3A_1047 : vector<16xf32>
      %mul3A_1049 = arith.mulf %sub3A_1048, %sub3A_1048 : vector<16xf32>
      %add3A_1050 = arith.addf %add3A_1041, %mul3A_1049 : vector<16xf32>
      %lt3A_1051 = arith.constant 0 : i32
      %lt3A_1052 = vector.broadcast %lt3A_1051 : i32 to vector<16xi32>
      %lt3A_1053 = arith.cmpi slt, %xor3A_444, %lt3A_1052 : vector<16xi32>
      %add3A_1054 = arith.constant 16 : i32
      %add3A_1055 = vector.broadcast %add3A_1054 : i32 to vector<16xi32>
      %add3A_1056 = arith.addi %xor3A_444, %add3A_1055 : vector<16xi32>
      %select_n3A_1057 = arith.select %lt3A_1053, %add3A_1056, %xor3A_444 : vector<16xi1>, vector<16xi32>
      %reshape3A_1058 = vector.shape_cast %select_n3A_1057 : vector<16xi32> to vector<16x1xi32>
      %gather3A_1059 = vector.shape_cast %reshape3A_1058 : vector<16x1xi32> to vector<16xi32>
      %gather3A_1060 = tpu.dynamic_gather %add3A_1050[%gather3A_1059] in [0] : vector<16xf32>, vector<16xi32> -> vector<16xf32>
      %add3A_1061 = arith.addf %add3A_1050, %gather3A_1060 : vector<16xf32>
      %mul3A_1062 = arith.constant 8 : i32
      %mul3A_1063 = arith.muli %scan3A_441, %mul3A_1062 : i32
      %add3A_1064 = arith.constant 7 : i32
      %add3A_1065 = arith.addi %mul3A_1063, %add3A_1064 : i32
      %broadcast_in_dim3A_1066 = arith.constant 0.000000e+00 : f32
      %broadcast_in_dim3A_1067 = vector.broadcast %broadcast_in_dim3A_1066 : f32 to vector<16xf32>
      %get3A_1068 = arith.index_cast %add3A_1065 : i32 to index
      %get3A_1069 = arith.constant 0 : index
      %get3A_1070 = tpu.vector_load %arg13[%get3A_1068, %get3A_1069] {strides = array<i32>} : memref<128x128xf32, #tpu.memory_space<vmem>>, vector<16xf32>,
      %get3A_1071 = arith.index_cast %add3A_1065 : i32 to index
      %get3A_1072 = arith.constant 0 : index
      %get3A_1073 = tpu.vector_load %arg16[%get3A_1071, %get3A_1072] {strides = array<i32>} : memref<128x128xf32, #tpu.memory_space<vmem>>, vector<16xf32>,
      %sub3A_1074 = arith.subf %get3A_1070, %get3A_1073 : vector<16xf32>
      %mul3A_1075 = arith.mulf %sub3A_1074, %sub3A_1074 : vector<16xf32>
      %add3A_1076 = arith.addf %broadcast_in_dim3A_1067, %mul3A_1075 : vector<16xf32>
      %get3A_1077 = arith.index_cast %add3A_1065 : i32 to index
      %get3A_1078 = arith.constant 16 : index
      %get3A_1079 = tpu.vector_load %arg13[%get3A_1077, %get3A_1078] {strides = array<i32>} : memref<128x128xf32, #tpu.memory_space<vmem>>, vector<16xf32>,
      %get3A_1080 = arith.index_cast %add3A_1065 : i32 to index
      %get3A_1081 = arith.constant 16 : index
      %get3A_1082 = tpu.vector_load %arg16[%get3A_1080, %get3A_1081] {strides = array<i32>} : memref<128x128xf32, #tpu.memory_space<vmem>>, vector<16xf32>,
      %sub3A_1083 = arith.subf %get3A_1079, %get3A_1082 : vector<16xf32>
      %mul3A_1084 = arith.mulf %sub3A_1083, %sub3A_1083 : vector<16xf32>
      %add3A_1085 = arith.addf %add3A_1076, %mul3A_1084 : vector<16xf32>
      %get3A_1086 = arith.index_cast %add3A_1065 : i32 to index
      %get3A_1087 = arith.constant 32 : index
      %get3A_1088 = tpu.vector_load %arg13[%get3A_1086, %get3A_1087] {strides = array<i32>} : memref<128x128xf32, #tpu.memory_space<vmem>>, vector<16xf32>,
      %get3A_1089 = arith.index_cast %add3A_1065 : i32 to index
      %get3A_1090 = arith.constant 32 : index
      %get3A_1091 = tpu.vector_load %arg16[%get3A_1089, %get3A_1090] {strides = array<i32>} : memref<128x128xf32, #tpu.memory_space<vmem>>, vector<16xf32>,
      %sub3A_1092 = arith.subf %get3A_1088, %get3A_1091 : vector<16xf32>
      %mul3A_1093 = arith.mulf %sub3A_1092, %sub3A_1092 : vector<16xf32>
      %add3A_1094 = arith.addf %add3A_1085, %mul3A_1093 : vector<16xf32>
      %get3A_1095 = arith.index_cast %add3A_1065 : i32 to index
      %get3A_1096 = arith.constant 48 : index
      %get3A_1097 = tpu.vector_load %arg13[%get3A_1095, %get3A_1096] {strides = array<i32>} : memref<128x128xf32, #tpu.memory_space<vmem>>, vector<16xf32>,
      %get3A_1098 = arith.index_cast %add3A_1065 : i32 to index
      %get3A_1099 = arith.constant 48 : index
      %get3A_1100 = tpu.vector_load %arg16[%get3A_1098, %get3A_1099] {strides = array<i32>} : memref<128x128xf32, #tpu.memory_space<vmem>>, vector<16xf32>,
      %sub3A_1101 = arith.subf %get3A_1097, %get3A_1100 : vector<16xf32>
      %mul3A_1102 = arith.mulf %sub3A_1101, %sub3A_1101 : vector<16xf32>
      %add3A_1103 = arith.addf %add3A_1094, %mul3A_1102 : vector<16xf32>
      %get3A_1104 = arith.index_cast %add3A_1065 : i32 to index
      %get3A_1105 = arith.constant 64 : index
      %get3A_1106 = tpu.vector_load %arg13[%get3A_1104, %get3A_1105] {strides = array<i32>} : memref<128x128xf32, #tpu.memory_space<vmem>>, vector<16xf32>,
      %get3A_1107 = arith.index_cast %add3A_1065 : i32 to index
      %get3A_1108 = arith.constant 64 : index
      %get3A_1109 = tpu.vector_load %arg16[%get3A_1107, %get3A_1108] {strides = array<i32>} : memref<128x128xf32, #tpu.memory_space<vmem>>, vector<16xf32>,
      %sub3A_1110 = arith.subf %get3A_1106, %get3A_1109 : vector<16xf32>
      %mul3A_1111 = arith.mulf %sub3A_1110, %sub3A_1110 : vector<16xf32>
      %add3A_1112 = arith.addf %add3A_1103, %mul3A_1111 : vector<16xf32>
      %get3A_1113 = arith.index_cast %add3A_1065 : i32 to index
      %get3A_1114 = arith.constant 80 : index
      %get3A_1115 = tpu.vector_load %arg13[%get3A_1113, %get3A_1114] {strides = array<i32>} : memref<128x128xf32, #tpu.memory_space<vmem>>, vector<16xf32>,
      %get3A_1116 = arith.index_cast %add3A_1065 : i32 to index
      %get3A_1117 = arith.constant 80 : index
      %get3A_1118 = tpu.vector_load %arg16[%get3A_1116, %get3A_1117] {strides = array<i32>} : memref<128x128xf32, #tpu.memory_space<vmem>>, vector<16xf32>,
      %sub3A_1119 = arith.subf %get3A_1115, %get3A_1118 : vector<16xf32>
      %mul3A_1120 = arith.mulf %sub3A_1119, %sub3A_1119 : vector<16xf32>
      %add3A_1121 = arith.addf %add3A_1112, %mul3A_1120 : vector<16xf32>
      %get3A_1122 = arith.index_cast %add3A_1065 : i32 to index
      %get3A_1123 = arith.constant 96 : index
      %get3A_1124 = tpu.vector_load %arg13[%get3A_1122, %get3A_1123] {strides = array<i32>} : memref<128x128xf32, #tpu.memory_space<vmem>>, vector<16xf32>,
      %get3A_1125 = arith.index_cast %add3A_1065 : i32 to index
      %get3A_1126 = arith.constant 96 : index
      %get3A_1127 = tpu.vector_load %arg16[%get3A_1125, %get3A_1126] {strides = array<i32>} : memref<128x128xf32, #tpu.memory_space<vmem>>, vector<16xf32>,
      %sub3A_1128 = arith.subf %get3A_1124, %get3A_1127 : vector<16xf32>
      %mul3A_1129 = arith.mulf %sub3A_1128, %sub3A_1128 : vector<16xf32>
      %add3A_1130 = arith.addf %add3A_1121, %mul3A_1129 : vector<16xf32>
      %get3A_1131 = arith.index_cast %add3A_1065 : i32 to index
      %get3A_1132 = arith.constant 112 : index
      %get3A_1133 = tpu.vector_load %arg13[%get3A_1131, %get3A_1132] {strides = array<i32>} : memref<128x128xf32, #tpu.memory_space<vmem>>, vector<16xf32>,
      %get3A_1134 = arith.index_cast %add3A_1065 : i32 to index
      %get3A_1135 = arith.constant 112 : index
      %get3A_1136 = tpu.vector_load %arg16[%get3A_1134, %get3A_1135] {strides = array<i32>} : memref<128x128xf32, #tpu.memory_space<vmem>>, vector<16xf32>,
      %sub3A_1137 = arith.subf %get3A_1133, %get3A_1136 : vector<16xf32>
      %mul3A_1138 = arith.mulf %sub3A_1137, %sub3A_1137 : vector<16xf32>
      %add3A_1139 = arith.addf %add3A_1130, %mul3A_1138 : vector<16xf32>
      %lt3A_1140 = arith.constant 0 : i32
      %lt3A_1141 = vector.broadcast %lt3A_1140 : i32 to vector<16xi32>
      %lt3A_1142 = arith.cmpi slt, %xor3A_444, %lt3A_1141 : vector<16xi32>
      %add3A_1143 = arith.constant 16 : i32
      %add3A_1144 = vector.broadcast %add3A_1143 : i32 to vector<16xi32>
      %add3A_1145 = arith.addi %xor3A_444, %add3A_1144 : vector<16xi32>
      %select_n3A_1146 = arith.select %lt3A_1142, %add3A_1145, %xor3A_444 : vector<16xi1>, vector<16xi32>
      %reshape3A_1147 = vector.shape_cast %select_n3A_1146 : vector<16xi32> to vector<16x1xi32>
      %gather3A_1148 = vector.shape_cast %reshape3A_1147 : vector<16x1xi32> to vector<16xi32>
      %gather3A_1149 = tpu.dynamic_gather %add3A_1139[%gather3A_1148] in [0] : vector<16xf32>, vector<16xi32> -> vector<16xf32>
      %add3A_1150 = arith.addf %add3A_1139, %gather3A_1149 : vector<16xf32>
      %and3A = arith.constant 4 : i32
      %and3A_1151 = vector.broadcast %and3A : i32 to vector<16xi32>
      %and3A_1152 = arith.andi %iota3A, %and3A_1151 : vector<16xi32>
      %eq3A_1153 = arith.constant 0 : i32
      %eq3A_1154 = vector.broadcast %eq3A_1153 : i32 to vector<16xi32>
      %eq3A_1155 = arith.cmpi eq, %and3A_1152, %eq3A_1154 : vector<16xi32>
      %xor3A_1156 = arith.constant 4 : i32
      %xor3A_1157 = vector.broadcast %xor3A_1156 : i32 to vector<16xi32>
      %xor3A_1158 = arith.xori %iota3A, %xor3A_1157 : vector<16xi32>
      %lt3A_1159 = arith.constant 0 : i32
      %lt3A_1160 = vector.broadcast %lt3A_1159 : i32 to vector<16xi32>
      %lt3A_1161 = arith.cmpi slt, %xor3A_1158, %lt3A_1160 : vector<16xi32>
      %add3A_1162 = arith.constant 16 : i32
      %add3A_1163 = vector.broadcast %add3A_1162 : i32 to vector<16xi32>
      %add3A_1164 = arith.addi %xor3A_1158, %add3A_1163 : vector<16xi32>
      %select_n3A_1165 = arith.select %lt3A_1161, %add3A_1164, %xor3A_1158 : vector<16xi1>, vector<16xi32>
      %reshape3A_1166 = vector.shape_cast %select_n3A_1165 : vector<16xi32> to vector<16x1xi32>
      %gather3A_1167 = vector.shape_cast %reshape3A_1166 : vector<16x1xi32> to vector<16xi32>
      %gather3A_1168 = tpu.dynamic_gather %add3A_883[%gather3A_1167] in [0] : vector<16xf32>, vector<16xi32> -> vector<16xf32>
      %select_n3A_1169 = arith.select %eq3A_1155, %add3A_527, %gather3A_1168 : vector<16xi1>, vector<16xf32>
      %lt3A_1170 = arith.constant 0 : i32
      %lt3A_1171 = vector.broadcast %lt3A_1170 : i32 to vector<16xi32>
      %lt3A_1172 = arith.cmpi slt, %xor3A_1158, %lt3A_1171 : vector<16xi32>
      %add3A_1173 = arith.constant 16 : i32
      %add3A_1174 = vector.broadcast %add3A_1173 : i32 to vector<16xi32>
      %add3A_1175 = arith.addi %xor3A_1158, %add3A_1174 : vector<16xi32>
      %select_n3A_1176 = arith.select %lt3A_1172, %add3A_1175, %xor3A_1158 : vector<16xi1>, vector<16xi32>
      %reshape3A_1177 = vector.shape_cast %select_n3A_1176 : vector<16xi32> to vector<16x1xi32>
      %gather3A_1178 = vector.shape_cast %reshape3A_1177 : vector<16x1xi32> to vector<16xi32>
      %gather3A_1179 = tpu.dynamic_gather %add3A_527[%gather3A_1178] in [0] : vector<16xf32>, vector<16xi32> -> vector<16xf32>
      %select_n3A_1180 = arith.select %eq3A_1155, %gather3A_1179, %add3A_883 : vector<16xi1>, vector<16xf32>
      %add3A_1181 = arith.addf %select_n3A_1169, %select_n3A_1180 : vector<16xf32>
      %and3A_1182 = arith.constant 4 : i32
      %and3A_1183 = vector.broadcast %and3A_1182 : i32 to vector<16xi32>
      %and3A_1184 = arith.andi %iota3A, %and3A_1183 : vector<16xi32>
      %eq3A_1185 = arith.constant 0 : i32
      %eq3A_1186 = vector.broadcast %eq3A_1185 : i32 to vector<16xi32>
      %eq3A_1187 = arith.cmpi eq, %and3A_1184, %eq3A_1186 : vector<16xi32>
      %xor3A_1188 = arith.constant 4 : i32
      %xor3A_1189 = vector.broadcast %xor3A_1188 : i32 to vector<16xi32>
      %xor3A_1190 = arith.xori %iota3A, %xor3A_1189 : vector<16xi32>
      %lt3A_1191 = arith.constant 0 : i32
      %lt3A_1192 = vector.broadcast %lt3A_1191 : i32 to vector<16xi32>
      %lt3A_1193 = arith.cmpi slt, %xor3A_1190, %lt3A_1192 : vector<16xi32>
      %add3A_1194 = arith.constant 16 : i32
      %add3A_1195 = vector.broadcast %add3A_1194 : i32 to vector<16xi32>
      %add3A_1196 = arith.addi %xor3A_1190, %add3A_1195 : vector<16xi32>
      %select_n3A_1197 = arith.select %lt3A_1193, %add3A_1196, %xor3A_1190 : vector<16xi1>, vector<16xi32>
      %reshape3A_1198 = vector.shape_cast %select_n3A_1197 : vector<16xi32> to vector<16x1xi32>
      %gather3A_1199 = vector.shape_cast %reshape3A_1198 : vector<16x1xi32> to vector<16xi32>
      %gather3A_1200 = tpu.dynamic_gather %add3A_972[%gather3A_1199] in [0] : vector<16xf32>, vector<16xi32> -> vector<16xf32>
      %select_n3A_1201 = arith.select %eq3A_1187, %add3A_616, %gather3A_1200 : vector<16xi1>, vector<16xf32>
      %lt3A_1202 = arith.constant 0 : i32
      %lt3A_1203 = vector.broadcast %lt3A_1202 : i32 to vector<16xi32>
      %lt3A_1204 = arith.cmpi slt, %xor3A_1190, %lt3A_1203 : vector<16xi32>
      %add3A_1205 = arith.constant 16 : i32
      %add3A_1206 = vector.broadcast %add3A_1205 : i32 to vector<16xi32>
      %add3A_1207 = arith.addi %xor3A_1190, %add3A_1206 : vector<16xi32>
      %select_n3A_1208 = arith.select %lt3A_1204, %add3A_1207, %xor3A_1190 : vector<16xi1>, vector<16xi32>
      %reshape3A_1209 = vector.shape_cast %select_n3A_1208 : vector<16xi32> to vector<16x1xi32>
      %gather3A_1210 = vector.shape_cast %reshape3A_1209 : vector<16x1xi32> to vector<16xi32>
      %gather3A_1211 = tpu.dynamic_gather %add3A_616[%gather3A_1210] in [0] : vector<16xf32>, vector<16xi32> -> vector<16xf32>
      %select_n3A_1212 = arith.select %eq3A_1187, %gather3A_1211, %add3A_972 : vector<16xi1>, vector<16xf32>
      %add3A_1213 = arith.addf %select_n3A_1201, %select_n3A_1212 : vector<16xf32>
      %and3A_1214 = arith.constant 4 : i32
      %and3A_1215 = vector.broadcast %and3A_1214 : i32 to vector<16xi32>
      %and3A_1216 = arith.andi %iota3A, %and3A_1215 : vector<16xi32>
      %eq3A_1217 = arith.constant 0 : i32
      %eq3A_1218 = vector.broadcast %eq3A_1217 : i32 to vector<16xi32>
      %eq3A_1219 = arith.cmpi eq, %and3A_1216, %eq3A_1218 : vector<16xi32>
      %xor3A_1220 = arith.constant 4 : i32
      %xor3A_1221 = vector.broadcast %xor3A_1220 : i32 to vector<16xi32>
      %xor3A_1222 = arith.xori %iota3A, %xor3A_1221 : vector<16xi32>
      %lt3A_1223 = arith.constant 0 : i32
      %lt3A_1224 = vector.broadcast %lt3A_1223 : i32 to vector<16xi32>
      %lt3A_1225 = arith.cmpi slt, %xor3A_1222, %lt3A_1224 : vector<16xi32>
      %add3A_1226 = arith.constant 16 : i32
      %add3A_1227 = vector.broadcast %add3A_1226 : i32 to vector<16xi32>
      %add3A_1228 = arith.addi %xor3A_1222, %add3A_1227 : vector<16xi32>
      %select_n3A_1229 = arith.select %lt3A_1225, %add3A_1228, %xor3A_1222 : vector<16xi1>, vector<16xi32>
      %reshape3A_1230 = vector.shape_cast %select_n3A_1229 : vector<16xi32> to vector<16x1xi32>
      %gather3A_1231 = vector.shape_cast %reshape3A_1230 : vector<16x1xi32> to vector<16xi32>
      %gather3A_1232 = tpu.dynamic_gather %add3A_1061[%gather3A_1231] in [0] : vector<16xf32>, vector<16xi32> -> vector<16xf32>
      %select_n3A_1233 = arith.select %eq3A_1219, %add3A_705, %gather3A_1232 : vector<16xi1>, vector<16xf32>
      %lt3A_1234 = arith.constant 0 : i32
      %lt3A_1235 = vector.broadcast %lt3A_1234 : i32 to vector<16xi32>
      %lt3A_1236 = arith.cmpi slt, %xor3A_1222, %lt3A_1235 : vector<16xi32>
      %add3A_1237 = arith.constant 16 : i32
      %add3A_1238 = vector.broadcast %add3A_1237 : i32 to vector<16xi32>
      %add3A_1239 = arith.addi %xor3A_1222, %add3A_1238 : vector<16xi32>
      %select_n3A_1240 = arith.select %lt3A_1236, %add3A_1239, %xor3A_1222 : vector<16xi1>, vector<16xi32>
      %reshape3A_1241 = vector.shape_cast %select_n3A_1240 : vector<16xi32> to vector<16x1xi32>
      %gather3A_1242 = vector.shape_cast %reshape3A_1241 : vector<16x1xi32> to vector<16xi32>
      %gather3A_1243 = tpu.dynamic_gather %add3A_705[%gather3A_1242] in [0] : vector<16xf32>, vector<16xi32> -> vector<16xf32>
      %select_n3A_1244 = arith.select %eq3A_1219, %gather3A_1243, %add3A_1061 : vector<16xi1>, vector<16xf32>
      %add3A_1245 = arith.addf %select_n3A_1233, %select_n3A_1244 : vector<16xf32>
      %and3A_1246 = arith.constant 4 : i32
      %and3A_1247 = vector.broadcast %and3A_1246 : i32 to vector<16xi32>
      %and3A_1248 = arith.andi %iota3A, %and3A_1247 : vector<16xi32>
      %eq3A_1249 = arith.constant 0 : i32
      %eq3A_1250 = vector.broadcast %eq3A_1249 : i32 to vector<16xi32>
      %eq3A_1251 = arith.cmpi eq, %and3A_1248, %eq3A_1250 : vector<16xi32>
      %xor3A_1252 = arith.constant 4 : i32
      %xor3A_1253 = vector.broadcast %xor3A_1252 : i32 to vector<16xi32>
      %xor3A_1254 = arith.xori %iota3A, %xor3A_1253 : vector<16xi32>
      %lt3A_1255 = arith.constant 0 : i32
      %lt3A_1256 = vector.broadcast %lt3A_1255 : i32 to vector<16xi32>
      %lt3A_1257 = arith.cmpi slt, %xor3A_1254, %lt3A_1256 : vector<16xi32>
      %add3A_1258 = arith.constant 16 : i32
      %add3A_1259 = vector.broadcast %add3A_1258 : i32 to vector<16xi32>
      %add3A_1260 = arith.addi %xor3A_1254, %add3A_1259 : vector<16xi32>
      %select_n3A_1261 = arith.select %lt3A_1257, %add3A_1260, %xor3A_1254 : vector<16xi1>, vector<16xi32>
      %reshape3A_1262 = vector.shape_cast %select_n3A_1261 : vector<16xi32> to vector<16x1xi32>
      %gather3A_1263 = vector.shape_cast %reshape3A_1262 : vector<16x1xi32> to vector<16xi32>
      %gather3A_1264 = tpu.dynamic_gather %add3A_1150[%gather3A_1263] in [0] : vector<16xf32>, vector<16xi32> -> vector<16xf32>
      %select_n3A_1265 = arith.select %eq3A_1251, %add3A_794, %gather3A_1264 : vector<16xi1>, vector<16xf32>
      %lt3A_1266 = arith.constant 0 : i32
      %lt3A_1267 = vector.broadcast %lt3A_1266 : i32 to vector<16xi32>
      %lt3A_1268 = arith.cmpi slt, %xor3A_1254, %lt3A_1267 : vector<16xi32>
      %add3A_1269 = arith.constant 16 : i32
      %add3A_1270 = vector.broadcast %add3A_1269 : i32 to vector<16xi32>
      %add3A_1271 = arith.addi %xor3A_1254, %add3A_1270 : vector<16xi32>
      %select_n3A_1272 = arith.select %lt3A_1268, %add3A_1271, %xor3A_1254 : vector<16xi1>, vector<16xi32>
      %reshape3A_1273 = vector.shape_cast %select_n3A_1272 : vector<16xi32> to vector<16x1xi32>
      %gather3A_1274 = vector.shape_cast %reshape3A_1273 : vector<16x1xi32> to vector<16xi32>
      %gather3A_1275 = tpu.dynamic_gather %add3A_794[%gather3A_1274] in [0] : vector<16xf32>, vector<16xi32> -> vector<16xf32>
      %select_n3A_1276 = arith.select %eq3A_1251, %gather3A_1275, %add3A_1150 : vector<16xi1>, vector<16xf32>
      %add3A_1277 = arith.addf %select_n3A_1265, %select_n3A_1276 : vector<16xf32>
      %and3A_1278 = arith.constant 2 : i32
      %and3A_1279 = vector.broadcast %and3A_1278 : i32 to vector<16xi32>
      %and3A_1280 = arith.andi %iota3A, %and3A_1279 : vector<16xi32>
      %eq3A_1281 = arith.constant 0 : i32
      %eq3A_1282 = vector.broadcast %eq3A_1281 : i32 to vector<16xi32>
      %eq3A_1283 = arith.cmpi eq, %and3A_1280, %eq3A_1282 : vector<16xi32>
      %xor3A_1284 = arith.constant 2 : i32
      %xor3A_1285 = vector.broadcast %xor3A_1284 : i32 to vector<16xi32>
      %xor3A_1286 = arith.xori %iota3A, %xor3A_1285 : vector<16xi32>
      %lt3A_1287 = arith.constant 0 : i32
      %lt3A_1288 = vector.broadcast %lt3A_1287 : i32 to vector<16xi32>
      %lt3A_1289 = arith.cmpi slt, %xor3A_1286, %lt3A_1288 : vector<16xi32>
      %add3A_1290 = arith.constant 16 : i32
      %add3A_1291 = vector.broadcast %add3A_1290 : i32 to vector<16xi32>
      %add3A_1292 = arith.addi %xor3A_1286, %add3A_1291 : vector<16xi32>
      %select_n3A_1293 = arith.select %lt3A_1289, %add3A_1292, %xor3A_1286 : vector<16xi1>, vector<16xi32>
      %reshape3A_1294 = vector.shape_cast %select_n3A_1293 : vector<16xi32> to vector<16x1xi32>
      %gather3A_1295 = vector.shape_cast %reshape3A_1294 : vector<16x1xi32> to vector<16xi32>
      %gather3A_1296 = tpu.dynamic_gather %add3A_1245[%gather3A_1295] in [0] : vector<16xf32>, vector<16xi32> -> vector<16xf32>
      %select_n3A_1297 = arith.select %eq3A_1283, %add3A_1181, %gather3A_1296 : vector<16xi1>, vector<16xf32>
      %lt3A_1298 = arith.constant 0 : i32
      %lt3A_1299 = vector.broadcast %lt3A_1298 : i32 to vector<16xi32>
      %lt3A_1300 = arith.cmpi slt, %xor3A_1286, %lt3A_1299 : vector<16xi32>
      %add3A_1301 = arith.constant 16 : i32
      %add3A_1302 = vector.broadcast %add3A_1301 : i32 to vector<16xi32>
      %add3A_1303 = arith.addi %xor3A_1286, %add3A_1302 : vector<16xi32>
      %select_n3A_1304 = arith.select %lt3A_1300, %add3A_1303, %xor3A_1286 : vector<16xi1>, vector<16xi32>
      %reshape3A_1305 = vector.shape_cast %select_n3A_1304 : vector<16xi32> to vector<16x1xi32>
      %gather3A_1306 = vector.shape_cast %reshape3A_1305 : vector<16x1xi32> to vector<16xi32>
      %gather3A_1307 = tpu.dynamic_gather %add3A_1181[%gather3A_1306] in [0] : vector<16xf32>, vector<16xi32> -> vector<16xf32>
      %select_n3A_1308 = arith.select %eq3A_1283, %gather3A_1307, %add3A_1245 : vector<16xi1>, vector<16xf32>
      %add3A_1309 = arith.addf %select_n3A_1297, %select_n3A_1308 : vector<16xf32>
      %and3A_1310 = arith.constant 2 : i32
      %and3A_1311 = vector.broadcast %and3A_1310 : i32 to vector<16xi32>
      %and3A_1312 = arith.andi %iota3A, %and3A_1311 : vector<16xi32>
      %eq3A_1313 = arith.constant 0 : i32
      %eq3A_1314 = vector.broadcast %eq3A_1313 : i32 to vector<16xi32>
      %eq3A_1315 = arith.cmpi eq, %and3A_1312, %eq3A_1314 : vector<16xi32>
      %xor3A_1316 = arith.constant 2 : i32
      %xor3A_1317 = vector.broadcast %xor3A_1316 : i32 to vector<16xi32>
      %xor3A_1318 = arith.xori %iota3A, %xor3A_1317 : vector<16xi32>
      %lt3A_1319 = arith.constant 0 : i32
      %lt3A_1320 = vector.broadcast %lt3A_1319 : i32 to vector<16xi32>
      %lt3A_1321 = arith.cmpi slt, %xor3A_1318, %lt3A_1320 : vector<16xi32>
      %add3A_1322 = arith.constant 16 : i32
      %add3A_1323 = vector.broadcast %add3A_1322 : i32 to vector<16xi32>
      %add3A_1324 = arith.addi %xor3A_1318, %add3A_1323 : vector<16xi32>
      %select_n3A_1325 = arith.select %lt3A_1321, %add3A_1324, %xor3A_1318 : vector<16xi1>, vector<16xi32>
      %reshape3A_1326 = vector.shape_cast %select_n3A_1325 : vector<16xi32> to vector<16x1xi32>
      %gather3A_1327 = vector.shape_cast %reshape3A_1326 : vector<16x1xi32> to vector<16xi32>
      %gather3A_1328 = tpu.dynamic_gather %add3A_1277[%gather3A_1327] in [0] : vector<16xf32>, vector<16xi32> -> vector<16xf32>
      %select_n3A_1329 = arith.select %eq3A_1315, %add3A_1213, %gather3A_1328 : vector<16xi1>, vector<16xf32>
      %lt3A_1330 = arith.constant 0 : i32
      %lt3A_1331 = vector.broadcast %lt3A_1330 : i32 to vector<16xi32>
      %lt3A_1332 = arith.cmpi slt, %xor3A_1318, %lt3A_1331 : vector<16xi32>
      %add3A_1333 = arith.constant 16 : i32
      %add3A_1334 = vector.broadcast %add3A_1333 : i32 to vector<16xi32>
      %add3A_1335 = arith.addi %xor3A_1318, %add3A_1334 : vector<16xi32>
      %select_n3A_1336 = arith.select %lt3A_1332, %add3A_1335, %xor3A_1318 : vector<16xi1>, vector<16xi32>
      %reshape3A_1337 = vector.shape_cast %select_n3A_1336 : vector<16xi32> to vector<16x1xi32>
      %gather3A_1338 = vector.shape_cast %reshape3A_1337 : vector<16x1xi32> to vector<16xi32>
      %gather3A_1339 = tpu.dynamic_gather %add3A_1213[%gather3A_1338] in [0] : vector<16xf32>, vector<16xi32> -> vector<16xf32>
      %select_n3A_1340 = arith.select %eq3A_1315, %gather3A_1339, %add3A_1277 : vector<16xi1>, vector<16xf32>
      %add3A_1341 = arith.addf %select_n3A_1329, %select_n3A_1340 : vector<16xf32>
      %and3A_1342 = arith.constant 1 : i32
      %and3A_1343 = vector.broadcast %and3A_1342 : i32 to vector<16xi32>
      %and3A_1344 = arith.andi %iota3A, %and3A_1343 : vector<16xi32>
      %eq3A_1345 = arith.constant 0 : i32
      %eq3A_1346 = vector.broadcast %eq3A_1345 : i32 to vector<16xi32>
      %eq3A_1347 = arith.cmpi eq, %and3A_1344, %eq3A_1346 : vector<16xi32>
      %xor3A_1348 = arith.constant 1 : i32
      %xor3A_1349 = vector.broadcast %xor3A_1348 : i32 to vector<16xi32>
      %xor3A_1350 = arith.xori %iota3A, %xor3A_1349 : vector<16xi32>
      %lt3A_1351 = arith.constant 0 : i32
      %lt3A_1352 = vector.broadcast %lt3A_1351 : i32 to vector<16xi32>
      %lt3A_1353 = arith.cmpi slt, %xor3A_1350, %lt3A_1352 : vector<16xi32>
      %add3A_1354 = arith.constant 16 : i32
      %add3A_1355 = vector.broadcast %add3A_1354 : i32 to vector<16xi32>
      %add3A_1356 = arith.addi %xor3A_1350, %add3A_1355 : vector<16xi32>
      %select_n3A_1357 = arith.select %lt3A_1353, %add3A_1356, %xor3A_1350 : vector<16xi1>, vector<16xi32>
      %reshape3A_1358 = vector.shape_cast %select_n3A_1357 : vector<16xi32> to vector<16x1xi32>
      %gather3A_1359 = vector.shape_cast %reshape3A_1358 : vector<16x1xi32> to vector<16xi32>
      %gather3A_1360 = tpu.dynamic_gather %add3A_1341[%gather3A_1359] in [0] : vector<16xf32>, vector<16xi32> -> vector<16xf32>
      %select_n3A_1361 = arith.select %eq3A_1347, %add3A_1309, %gather3A_1360 : vector<16xi1>, vector<16xf32>
      %lt3A_1362 = arith.constant 0 : i32
      %lt3A_1363 = vector.broadcast %lt3A_1362 : i32 to vector<16xi32>
      %lt3A_1364 = arith.cmpi slt, %xor3A_1350, %lt3A_1363 : vector<16xi32>
      %add3A_1365 = arith.constant 16 : i32
      %add3A_1366 = vector.broadcast %add3A_1365 : i32 to vector<16xi32>
      %add3A_1367 = arith.addi %xor3A_1350, %add3A_1366 : vector<16xi32>
      %select_n3A_1368 = arith.select %lt3A_1364, %add3A_1367, %xor3A_1350 : vector<16xi1>, vector<16xi32>
      %reshape3A_1369 = vector.shape_cast %select_n3A_1368 : vector<16xi32> to vector<16x1xi32>
      %gather3A_1370 = vector.shape_cast %reshape3A_1369 : vector<16x1xi32> to vector<16xi32>
      %gather3A_1371 = tpu.dynamic_gather %add3A_1309[%gather3A_1370] in [0] : vector<16xf32>, vector<16xi32> -> vector<16xf32>
      %select_n3A_1372 = arith.select %eq3A_1347, %gather3A_1371, %add3A_1341 : vector<16xi1>, vector<16xf32>
      %add3A_1373 = arith.addf %select_n3A_1361, %select_n3A_1372 : vector<16xf32>
      %jit3A = arith.constant 2 : i32
      %eq3A_1374 = arith.constant 0 : i32
      %eq3A_1375 = arith.cmpi eq, %jit3A, %eq3A_1374 : i32
      %jit3A_1376 = arith.constant 1 : i32
      %select_n3A_1377 = arith.select %eq3A_1375, %jit3A_1376, %jit3A : i32
      %rem3A = arith.remsi %scan3A_441, %select_n3A_1377 : i32
      %ne3A = arith.constant 0 : i32
      %ne3A_1378 = arith.cmpi ne, %rem3A, %ne3A : i32
      %lt3A_1379 = arith.constant 0 : i32
      %lt3A_1380 = arith.cmpi slt, %rem3A, %lt3A_1379 : i32
      %lt3A_1381 = arith.constant 0 : i32
      %lt3A_1382 = arith.cmpi slt, %select_n3A_1377, %lt3A_1381 : i32
      %ne3A_1383 = arith.xori %lt3A_1380, %lt3A_1382 : i1
      %and3A_1384 = arith.andi %ne3A_1383, %ne3A_1378 : i1
      %add3A_1385 = arith.addi %rem3A, %select_n3A_1377 : i32
      %select_n3A_1386 = arith.select %and3A_1384, %add3A_1385, %rem3A : i32
      %eq3A_1387 = arith.constant 1 : i32
      %eq3A_1388 = arith.cmpi eq, %select_n3A_1386, %eq3A_1387 : i32
      %convert_element_type3A_1389 = arith.extui %eq3A_1388 : i1 to i32
      %cond3A_1390 = arith.constant 0 : i32
      %cond3A_1391 = arith.cmpi ne, %convert_element_type3A_1389, %cond3A_1390 : i32
      scf.if %cond3A_1391 {
        %lt3A_1392 = arith.constant 8 : i32
        %lt3A_1393 = vector.broadcast %lt3A_1392 : i32 to vector<16xi32>
        %lt3A_1394 = arith.cmpi slt, %iota3A, %lt3A_1393 : vector<16xi32>
        %select_n3A_1395 = arith.select %lt3A_1394, %scan3A_442, %add3A_1373 : vector<16xi1>, vector<16xf32>
        %bitcast3A = vector.bitcast %select_n3A_1395 : vector<16xf32> to vector<16xi32>
        %shift_right_arithmetic3A = arith.constant 1 : i32
        %shift_right_arithmetic3A_1396 = vector.broadcast %shift_right_arithmetic3A : i32 to vector<16xi32>
        %shift_right_arithmetic3A_1397 = arith.shrsi %bitcast3A, %shift_right_arithmetic3A_1396 : vector<16xi32>
        %sub3A_1398 = arith.constant 1597463007 : i32
        %sub3A_1399 = vector.broadcast %sub3A_1398 : i32 to vector<16xi32>
        %sub3A_1400 = arith.subi %sub3A_1399, %shift_right_arithmetic3A_1397 : vector<16xi32>
        %bitcast3A_1401 = vector.bitcast %sub3A_1400 : vector<16xi32> to vector<16xf32>
        %mul3A_1402 = arith.constant 5.000000e-01 : f32
        %mul3A_1403 = vector.broadcast %mul3A_1402 : f32 to vector<16xf32>
        %mul3A_1404 = arith.mulf %select_n3A_1395, %mul3A_1403 : vector<16xf32>
        %mul3A_1405 = arith.mulf %mul3A_1404, %bitcast3A_1401 : vector<16xf32>
        %mul3A_1406 = arith.mulf %mul3A_1405, %bitcast3A_1401 : vector<16xf32>
        %sub3A_1407 = arith.constant 1.500000e+00 : f32
        %sub3A_1408 = vector.broadcast %sub3A_1407 : f32 to vector<16xf32>
        %sub3A_1409 = arith.subf %sub3A_1408, %mul3A_1406 : vector<16xf32>
        %mul3A_1410 = arith.mulf %bitcast3A_1401, %sub3A_1409 : vector<16xf32>
        %mul3A_1411 = arith.mulf %mul3A_1404, %mul3A_1410 : vector<16xf32>
        %mul3A_1412 = arith.mulf %mul3A_1411, %mul3A_1410 : vector<16xf32>
        %sub3A_1413 = arith.constant 1.500000e+00 : f32
        %sub3A_1414 = vector.broadcast %sub3A_1413 : f32 to vector<16xf32>
        %sub3A_1415 = arith.subf %sub3A_1414, %mul3A_1412 : vector<16xf32>
        %mul3A_1416 = arith.mulf %mul3A_1410, %sub3A_1415 : vector<16xf32>
        %mul3A_1417 = arith.mulf %mul3A_1404, %mul3A_1416 : vector<16xf32>
        %mul3A_1418 = arith.mulf %mul3A_1417, %mul3A_1416 : vector<16xf32>
        %sub3A_1419 = arith.constant 1.500000e+00 : f32
        %sub3A_1420 = vector.broadcast %sub3A_1419 : f32 to vector<16xf32>
        %sub3A_1421 = arith.subf %sub3A_1420, %mul3A_1418 : vector<16xf32>
        %mul3A_1422 = arith.mulf %mul3A_1416, %sub3A_1421 : vector<16xf32>
        %mul3A_1423 = arith.mulf %select_n3A_1395, %mul3A_1422 : vector<16xf32>
        %jit3A_1424 = arith.constant 2 : i32
        %div3A = arith.divsi %scan3A_441, %jit3A_1424 : i32
        %sign3A = arith.constant 0 : i32
        %sign3A_1425 = arith.cmpi sgt, %scan3A_441, %sign3A : i32
        %sign3A_1426 = arith.extui %sign3A_1425 : i1 to i32
        %sign3A_1427 = arith.constant 0 : i32
        %sign3A_1428 = arith.cmpi slt, %scan3A_441, %sign3A_1427 : i32
        %sign3A_1429 = arith.extui %sign3A_1428 : i1 to i32
        %sign3A_1430 = arith.subi %sign3A_1426, %sign3A_1429 : i32
        %sign3A_1431 = arith.constant 0 : i32
        %sign3A_1432 = arith.cmpi sgt, %jit3A_1424, %sign3A_1431 : i32
        %sign3A_1433 = arith.extui %sign3A_1432 : i1 to i32
        %sign3A_1434 = arith.constant 0 : i32
        %sign3A_1435 = arith.cmpi slt, %jit3A_1424, %sign3A_1434 : i32
        %sign3A_1436 = arith.extui %sign3A_1435 : i1 to i32
        %sign3A_1437 = arith.subi %sign3A_1433, %sign3A_1436 : i32
        %ne3A_1438 = arith.cmpi ne, %sign3A_1430, %sign3A_1437 : i32
        %rem3A_1439 = arith.remsi %scan3A_441, %jit3A_1424 : i32
        %ne3A_1440 = arith.constant 0 : i32
        %ne3A_1441 = arith.cmpi ne, %rem3A_1439, %ne3A_1440 : i32
        %and3A_1442 = arith.andi %ne3A_1438, %ne3A_1441 : i1
        %sub3A_1443 = arith.constant 1 : i32
        %sub3A_1444 = arith.subi %div3A, %sub3A_1443 : i32
        %select_n3A_1445 = arith.select %and3A_1442, %sub3A_1444, %div3A : i32
        %mul3A_1446 = arith.constant 16 : i32
        %mul3A_1447 = arith.muli %select_n3A_1445, %mul3A_1446 : i32
        %add3A_1448 = arith.constant 256 : i32
        %add3A_1449 = arith.addi %add3A_1448, %mul3A_1447 : i32
        %swap3A = arith.index_cast %add3A_1449 : i32 to index
        %swap3A_1450 = tpu.vector_load %arg17[%swap3A] {strides = array<i32>} : memref<512xf32, #tpu.memory_space<vmem>>, vector<16xf32>,
        tpu.vector_store %arg17[%swap3A], %mul3A_1423 {strides = array<i32>} : memref<512xf32, #tpu.memory_space<vmem>>, vector<16xf32>,
      } else {
      }
      scf.yield %add3A_1373 : vector<16xf32>
    }
    %scan3A_418 = arith.constant 16 : i32
    %dma_wait3A_419 = arith.constant 3 : i32
    %dma_wait3A_420 = arith.constant 0 : i32
    %dma_wait3A_421 = tpu.memref_slice %arg8[%dma_wait3A_419, %dma_wait3A_420] : memref<4x128xi32, #tpu.memory_space<vmem>> -> memref<1x128xi32, #tpu.memory_space<vmem>>
    %dma_wait3A_422 = tpu.memref_squeeze %dma_wait3A_421 : memref<1x128xi32, #tpu.memory_space<vmem>> -> memref<128xi32, #tpu.memory_space<vmem>>
    %dma_wait3A_423 = arith.constant 0 : i32
    %dma_wait3A_424 = arith.constant 0 : i32
    %dma_wait3A_425 = tpu.memref_slice %arg5[%dma_wait3A_423, %dma_wait3A_424] : memref<100000x128xf32, #tpu.memory_space<hbm>> -> memref<100000x128xf32, #tpu.memory_space<hbm>>
    tpu.wait_indirect_dma semaphore(%arg21 : memref<!tpu.dma_semaphore, #tpu.memory_space<semaphore_mem>>) src(%dma_wait3A_425 : memref<100000x128xf32, #tpu.memory_space<hbm>>) dst(%arg11 : memref<128x128xf32, #tpu.memory_space<vmem>>)
    %dma_wait3A_426 = arith.constant 3 : i32
    %dma_wait3A_427 = arith.constant 0 : i32
    %dma_wait3A_428 = tpu.memref_slice %arg10[%dma_wait3A_426, %dma_wait3A_427] : memref<4x128xi32, #tpu.memory_space<vmem>> -> memref<1x128xi32, #tpu.memory_space<vmem>>
    %dma_wait3A_429 = tpu.memref_squeeze %dma_wait3A_428 : memref<1x128xi32, #tpu.memory_space<vmem>> -> memref<128xi32, #tpu.memory_space<vmem>>
    %dma_wait3A_430 = arith.constant 0 : i32
    %dma_wait3A_431 = arith.constant 0 : i32
    %dma_wait3A_432 = tpu.memref_slice %arg5[%dma_wait3A_430, %dma_wait3A_431] : memref<100000x128xf32, #tpu.memory_space<hbm>> -> memref<100000x128xf32, #tpu.memory_space<hbm>>
    tpu.wait_indirect_dma semaphore(%arg22 : memref<!tpu.dma_semaphore, #tpu.memory_space<semaphore_mem>>) src(%dma_wait3A_432 : memref<100000x128xf32, #tpu.memory_space<hbm>>) dst(%arg14 : memref<128x128xf32, #tpu.memory_space<vmem>>)
    %broadcast_in_dim3A_433 = arith.constant 0.000000e+00 : f32
    %broadcast_in_dim3A_434 = vector.broadcast %broadcast_in_dim3A_433 : f32 to vector<16xf32>
    %scan3A_435 = arith.constant 0 : i32
    %scan3A_436 = arith.constant 16 : i32
    %scan3A_437 = arith.addi %scan3A_435, %scan3A_436 : i32
    %scan3A_438 = arith.constant 1 : i32
    %scan3A_439 = scf.for %scan3A_441 = %scan3A_435 to %scan3A_437 step %scan3A_438 iter_args(%scan3A_442 = %broadcast_in_dim3A_434) -> (vector<16xf32>)  : i32 {
      %xor3A = arith.constant 8 : i32
      %xor3A_443 = vector.broadcast %xor3A : i32 to vector<16xi32>
      %xor3A_444 = arith.xori %iota3A, %xor3A_443 : vector<16xi32>
      %mul3A_445 = arith.constant 8 : i32
      %mul3A_446 = arith.muli %scan3A_441, %mul3A_445 : i32
      %add3A_447 = arith.constant 0 : i32
      %add3A_448 = arith.addi %mul3A_446, %add3A_447 : i32
      %broadcast_in_dim3A_449 = arith.constant 0.000000e+00 : f32
      %broadcast_in_dim3A_450 = vector.broadcast %broadcast_in_dim3A_449 : f32 to vector<16xf32>
      %get3A = arith.index_cast %add3A_448 : i32 to index
      %get3A_451 = arith.constant 0 : index
      %get3A_452 = tpu.vector_load %arg11[%get3A, %get3A_451] {strides = array<i32>} : memref<128x128xf32, #tpu.memory_space<vmem>>, vector<16xf32>,
      %get3A_453 = arith.index_cast %add3A_448 : i32 to index
      %get3A_454 = arith.constant 0 : index
      %get3A_455 = tpu.vector_load %arg14[%get3A_453, %get3A_454] {strides = array<i32>} : memref<128x128xf32, #tpu.memory_space<vmem>>, vector<16xf32>,
      %sub3A = arith.subf %get3A_452, %get3A_455 : vector<16xf32>
      %mul3A_456 = arith.mulf %sub3A, %sub3A : vector<16xf32>
      %add3A_457 = arith.addf %broadcast_in_dim3A_450, %mul3A_456 : vector<16xf32>
      %get3A_458 = arith.index_cast %add3A_448 : i32 to index
      %get3A_459 = arith.constant 16 : index
      %get3A_460 = tpu.vector_load %arg11[%get3A_458, %get3A_459] {strides = array<i32>} : memref<128x128xf32, #tpu.memory_space<vmem>>, vector<16xf32>,
      %get3A_461 = arith.index_cast %add3A_448 : i32 to index
      %get3A_462 = arith.constant 16 : index
      %get3A_463 = tpu.vector_load %arg14[%get3A_461, %get3A_462] {strides = array<i32>} : memref<128x128xf32, #tpu.memory_space<vmem>>, vector<16xf32>,
      %sub3A_464 = arith.subf %get3A_460, %get3A_463 : vector<16xf32>
      %mul3A_465 = arith.mulf %sub3A_464, %sub3A_464 : vector<16xf32>
      %add3A_466 = arith.addf %add3A_457, %mul3A_465 : vector<16xf32>
      %get3A_467 = arith.index_cast %add3A_448 : i32 to index
      %get3A_468 = arith.constant 32 : index
      %get3A_469 = tpu.vector_load %arg11[%get3A_467, %get3A_468] {strides = array<i32>} : memref<128x128xf32, #tpu.memory_space<vmem>>, vector<16xf32>,
      %get3A_470 = arith.index_cast %add3A_448 : i32 to index
      %get3A_471 = arith.constant 32 : index
      %get3A_472 = tpu.vector_load %arg14[%get3A_470, %get3A_471] {strides = array<i32>} : memref<128x128xf32, #tpu.memory_space<vmem>>, vector<16xf32>,
      %sub3A_473 = arith.subf %get3A_469, %get3A_472 : vector<16xf32>
      %mul3A_474 = arith.mulf %sub3A_473, %sub3A_473 : vector<16xf32>
      %add3A_475 = arith.addf %add3A_466, %mul3A_474 : vector<16xf32>
      %get3A_476 = arith.index_cast %add3A_448 : i32 to index
      %get3A_477 = arith.constant 48 : index
      %get3A_478 = tpu.vector_load %arg11[%get3A_476, %get3A_477] {strides = array<i32>} : memref<128x128xf32, #tpu.memory_space<vmem>>, vector<16xf32>,
      %get3A_479 = arith.index_cast %add3A_448 : i32 to index
      %get3A_480 = arith.constant 48 : index
      %get3A_481 = tpu.vector_load %arg14[%get3A_479, %get3A_480] {strides = array<i32>} : memref<128x128xf32, #tpu.memory_space<vmem>>, vector<16xf32>,
      %sub3A_482 = arith.subf %get3A_478, %get3A_481 : vector<16xf32>
      %mul3A_483 = arith.mulf %sub3A_482, %sub3A_482 : vector<16xf32>
      %add3A_484 = arith.addf %add3A_475, %mul3A_483 : vector<16xf32>
      %get3A_485 = arith.index_cast %add3A_448 : i32 to index
      %get3A_486 = arith.constant 64 : index
      %get3A_487 = tpu.vector_load %arg11[%get3A_485, %get3A_486] {strides = array<i32>} : memref<128x128xf32, #tpu.memory_space<vmem>>, vector<16xf32>,
      %get3A_488 = arith.index_cast %add3A_448 : i32 to index
      %get3A_489 = arith.constant 64 : index
      %get3A_490 = tpu.vector_load %arg14[%get3A_488, %get3A_489] {strides = array<i32>} : memref<128x128xf32, #tpu.memory_space<vmem>>, vector<16xf32>,
      %sub3A_491 = arith.subf %get3A_487, %get3A_490 : vector<16xf32>
      %mul3A_492 = arith.mulf %sub3A_491, %sub3A_491 : vector<16xf32>
      %add3A_493 = arith.addf %add3A_484, %mul3A_492 : vector<16xf32>
      %get3A_494 = arith.index_cast %add3A_448 : i32 to index
      %get3A_495 = arith.constant 80 : index
      %get3A_496 = tpu.vector_load %arg11[%get3A_494, %get3A_495] {strides = array<i32>} : memref<128x128xf32, #tpu.memory_space<vmem>>, vector<16xf32>,
      %get3A_497 = arith.index_cast %add3A_448 : i32 to index
      %get3A_498 = arith.constant 80 : index
      %get3A_499 = tpu.vector_load %arg14[%get3A_497, %get3A_498] {strides = array<i32>} : memref<128x128xf32, #tpu.memory_space<vmem>>, vector<16xf32>,
      %sub3A_500 = arith.subf %get3A_496, %get3A_499 : vector<16xf32>
      %mul3A_501 = arith.mulf %sub3A_500, %sub3A_500 : vector<16xf32>
      %add3A_502 = arith.addf %add3A_493, %mul3A_501 : vector<16xf32>
      %get3A_503 = arith.index_cast %add3A_448 : i32 to index
      %get3A_504 = arith.constant 96 : index
      %get3A_505 = tpu.vector_load %arg11[%get3A_503, %get3A_504] {strides = array<i32>} : memref<128x128xf32, #tpu.memory_space<vmem>>, vector<16xf32>,
      %get3A_506 = arith.index_cast %add3A_448 : i32 to index
      %get3A_507 = arith.constant 96 : index
      %get3A_508 = tpu.vector_load %arg14[%get3A_506, %get3A_507] {strides = array<i32>} : memref<128x128xf32, #tpu.memory_space<vmem>>, vector<16xf32>,
      %sub3A_509 = arith.subf %get3A_505, %get3A_508 : vector<16xf32>
      %mul3A_510 = arith.mulf %sub3A_509, %sub3A_509 : vector<16xf32>
      %add3A_511 = arith.addf %add3A_502, %mul3A_510 : vector<16xf32>
      %get3A_512 = arith.index_cast %add3A_448 : i32 to index
      %get3A_513 = arith.constant 112 : index
      %get3A_514 = tpu.vector_load %arg11[%get3A_512, %get3A_513] {strides = array<i32>} : memref<128x128xf32, #tpu.memory_space<vmem>>, vector<16xf32>,
      %get3A_515 = arith.index_cast %add3A_448 : i32 to index
      %get3A_516 = arith.constant 112 : index
      %get3A_517 = tpu.vector_load %arg14[%get3A_515, %get3A_516] {strides = array<i32>} : memref<128x128xf32, #tpu.memory_space<vmem>>, vector<16xf32>,
      %sub3A_518 = arith.subf %get3A_514, %get3A_517 : vector<16xf32>
      %mul3A_519 = arith.mulf %sub3A_518, %sub3A_518 : vector<16xf32>
      %add3A_520 = arith.addf %add3A_511, %mul3A_519 : vector<16xf32>
      %lt3A = arith.constant 0 : i32
      %lt3A_521 = vector.broadcast %lt3A : i32 to vector<16xi32>
      %lt3A_522 = arith.cmpi slt, %xor3A_444, %lt3A_521 : vector<16xi32>
      %add3A_523 = arith.constant 16 : i32
      %add3A_524 = vector.broadcast %add3A_523 : i32 to vector<16xi32>
      %add3A_525 = arith.addi %xor3A_444, %add3A_524 : vector<16xi32>
      %select_n3A = arith.select %lt3A_522, %add3A_525, %xor3A_444 : vector<16xi1>, vector<16xi32>
      %reshape3A = vector.shape_cast %select_n3A : vector<16xi32> to vector<16x1xi32>
      %gather3A = vector.shape_cast %reshape3A : vector<16x1xi32> to vector<16xi32>
      %gather3A_526 = tpu.dynamic_gather %add3A_520[%gather3A] in [0] : vector<16xf32>, vector<16xi32> -> vector<16xf32>
      %add3A_527 = arith.addf %add3A_520, %gather3A_526 : vector<16xf32>
      %mul3A_528 = arith.constant 8 : i32
      %mul3A_529 = arith.muli %scan3A_441, %mul3A_528 : i32
      %add3A_530 = arith.constant 1 : i32
      %add3A_531 = arith.addi %mul3A_529, %add3A_530 : i32
      %broadcast_in_dim3A_532 = arith.constant 0.000000e+00 : f32
      %broadcast_in_dim3A_533 = vector.broadcast %broadcast_in_dim3A_532 : f32 to vector<16xf32>
      %get3A_534 = arith.index_cast %add3A_531 : i32 to index
      %get3A_535 = arith.constant 0 : index
      %get3A_536 = tpu.vector_load %arg11[%get3A_534, %get3A_535] {strides = array<i32>} : memref<128x128xf32, #tpu.memory_space<vmem>>, vector<16xf32>,
      %get3A_537 = arith.index_cast %add3A_531 : i32 to index
      %get3A_538 = arith.constant 0 : index
      %get3A_539 = tpu.vector_load %arg14[%get3A_537, %get3A_538] {strides = array<i32>} : memref<128x128xf32, #tpu.memory_space<vmem>>, vector<16xf32>,
      %sub3A_540 = arith.subf %get3A_536, %get3A_539 : vector<16xf32>
      %mul3A_541 = arith.mulf %sub3A_540, %sub3A_540 : vector<16xf32>
      %add3A_542 = arith.addf %broadcast_in_dim3A_533, %mul3A_541 : vector<16xf32>
      %get3A_543 = arith.index_cast %add3A_531 : i32 to index
      %get3A_544 = arith.constant 16 : index
      %get3A_545 = tpu.vector_load %arg11[%get3A_543, %get3A_544] {strides = array<i32>} : memref<128x128xf32, #tpu.memory_space<vmem>>, vector<16xf32>,
      %get3A_546 = arith.index_cast %add3A_531 : i32 to index
      %get3A_547 = arith.constant 16 : index
      %get3A_548 = tpu.vector_load %arg14[%get3A_546, %get3A_547] {strides = array<i32>} : memref<128x128xf32, #tpu.memory_space<vmem>>, vector<16xf32>,
      %sub3A_549 = arith.subf %get3A_545, %get3A_548 : vector<16xf32>
      %mul3A_550 = arith.mulf %sub3A_549, %sub3A_549 : vector<16xf32>
      %add3A_551 = arith.addf %add3A_542, %mul3A_550 : vector<16xf32>
      %get3A_552 = arith.index_cast %add3A_531 : i32 to index
      %get3A_553 = arith.constant 32 : index
      %get3A_554 = tpu.vector_load %arg11[%get3A_552, %get3A_553] {strides = array<i32>} : memref<128x128xf32, #tpu.memory_space<vmem>>, vector<16xf32>,
      %get3A_555 = arith.index_cast %add3A_531 : i32 to index
      %get3A_556 = arith.constant 32 : index
      %get3A_557 = tpu.vector_load %arg14[%get3A_555, %get3A_556] {strides = array<i32>} : memref<128x128xf32, #tpu.memory_space<vmem>>, vector<16xf32>,
      %sub3A_558 = arith.subf %get3A_554, %get3A_557 : vector<16xf32>
      %mul3A_559 = arith.mulf %sub3A_558, %sub3A_558 : vector<16xf32>
      %add3A_560 = arith.addf %add3A_551, %mul3A_559 : vector<16xf32>
      %get3A_561 = arith.index_cast %add3A_531 : i32 to index
      %get3A_562 = arith.constant 48 : index
      %get3A_563 = tpu.vector_load %arg11[%get3A_561, %get3A_562] {strides = array<i32>} : memref<128x128xf32, #tpu.memory_space<vmem>>, vector<16xf32>,
      %get3A_564 = arith.index_cast %add3A_531 : i32 to index
      %get3A_565 = arith.constant 48 : index
      %get3A_566 = tpu.vector_load %arg14[%get3A_564, %get3A_565] {strides = array<i32>} : memref<128x128xf32, #tpu.memory_space<vmem>>, vector<16xf32>,
      %sub3A_567 = arith.subf %get3A_563, %get3A_566 : vector<16xf32>
      %mul3A_568 = arith.mulf %sub3A_567, %sub3A_567 : vector<16xf32>
      %add3A_569 = arith.addf %add3A_560, %mul3A_568 : vector<16xf32>
      %get3A_570 = arith.index_cast %add3A_531 : i32 to index
      %get3A_571 = arith.constant 64 : index
      %get3A_572 = tpu.vector_load %arg11[%get3A_570, %get3A_571] {strides = array<i32>} : memref<128x128xf32, #tpu.memory_space<vmem>>, vector<16xf32>,
      %get3A_573 = arith.index_cast %add3A_531 : i32 to index
      %get3A_574 = arith.constant 64 : index
      %get3A_575 = tpu.vector_load %arg14[%get3A_573, %get3A_574] {strides = array<i32>} : memref<128x128xf32, #tpu.memory_space<vmem>>, vector<16xf32>,
      %sub3A_576 = arith.subf %get3A_572, %get3A_575 : vector<16xf32>
      %mul3A_577 = arith.mulf %sub3A_576, %sub3A_576 : vector<16xf32>
      %add3A_578 = arith.addf %add3A_569, %mul3A_577 : vector<16xf32>
      %get3A_579 = arith.index_cast %add3A_531 : i32 to index
      %get3A_580 = arith.constant 80 : index
      %get3A_581 = tpu.vector_load %arg11[%get3A_579, %get3A_580] {strides = array<i32>} : memref<128x128xf32, #tpu.memory_space<vmem>>, vector<16xf32>,
      %get3A_582 = arith.index_cast %add3A_531 : i32 to index
      %get3A_583 = arith.constant 80 : index
      %get3A_584 = tpu.vector_load %arg14[%get3A_582, %get3A_583] {strides = array<i32>} : memref<128x128xf32, #tpu.memory_space<vmem>>, vector<16xf32>,
      %sub3A_585 = arith.subf %get3A_581, %get3A_584 : vector<16xf32>
      %mul3A_586 = arith.mulf %sub3A_585, %sub3A_585 : vector<16xf32>
      %add3A_587 = arith.addf %add3A_578, %mul3A_586 : vector<16xf32>
      %get3A_588 = arith.index_cast %add3A_531 : i32 to index
      %get3A_589 = arith.constant 96 : index
      %get3A_590 = tpu.vector_load %arg11[%get3A_588, %get3A_589] {strides = array<i32>} : memref<128x128xf32, #tpu.memory_space<vmem>>, vector<16xf32>,
      %get3A_591 = arith.index_cast %add3A_531 : i32 to index
      %get3A_592 = arith.constant 96 : index
      %get3A_593 = tpu.vector_load %arg14[%get3A_591, %get3A_592] {strides = array<i32>} : memref<128x128xf32, #tpu.memory_space<vmem>>, vector<16xf32>,
      %sub3A_594 = arith.subf %get3A_590, %get3A_593 : vector<16xf32>
      %mul3A_595 = arith.mulf %sub3A_594, %sub3A_594 : vector<16xf32>
      %add3A_596 = arith.addf %add3A_587, %mul3A_595 : vector<16xf32>
      %get3A_597 = arith.index_cast %add3A_531 : i32 to index
      %get3A_598 = arith.constant 112 : index
      %get3A_599 = tpu.vector_load %arg11[%get3A_597, %get3A_598] {strides = array<i32>} : memref<128x128xf32, #tpu.memory_space<vmem>>, vector<16xf32>,
      %get3A_600 = arith.index_cast %add3A_531 : i32 to index
      %get3A_601 = arith.constant 112 : index
      %get3A_602 = tpu.vector_load %arg14[%get3A_600, %get3A_601] {strides = array<i32>} : memref<128x128xf32, #tpu.memory_space<vmem>>, vector<16xf32>,
      %sub3A_603 = arith.subf %get3A_599, %get3A_602 : vector<16xf32>
      %mul3A_604 = arith.mulf %sub3A_603, %sub3A_603 : vector<16xf32>
      %add3A_605 = arith.addf %add3A_596, %mul3A_604 : vector<16xf32>
      %lt3A_606 = arith.constant 0 : i32
      %lt3A_607 = vector.broadcast %lt3A_606 : i32 to vector<16xi32>
      %lt3A_608 = arith.cmpi slt, %xor3A_444, %lt3A_607 : vector<16xi32>
      %add3A_609 = arith.constant 16 : i32
      %add3A_610 = vector.broadcast %add3A_609 : i32 to vector<16xi32>
      %add3A_611 = arith.addi %xor3A_444, %add3A_610 : vector<16xi32>
      %select_n3A_612 = arith.select %lt3A_608, %add3A_611, %xor3A_444 : vector<16xi1>, vector<16xi32>
      %reshape3A_613 = vector.shape_cast %select_n3A_612 : vector<16xi32> to vector<16x1xi32>
      %gather3A_614 = vector.shape_cast %reshape3A_613 : vector<16x1xi32> to vector<16xi32>
      %gather3A_615 = tpu.dynamic_gather %add3A_605[%gather3A_614] in [0] : vector<16xf32>, vector<16xi32> -> vector<16xf32>
      %add3A_616 = arith.addf %add3A_605, %gather3A_615 : vector<16xf32>
      %mul3A_617 = arith.constant 8 : i32
      %mul3A_618 = arith.muli %scan3A_441, %mul3A_617 : i32
      %add3A_619 = arith.constant 2 : i32
      %add3A_620 = arith.addi %mul3A_618, %add3A_619 : i32
      %broadcast_in_dim3A_621 = arith.constant 0.000000e+00 : f32
      %broadcast_in_dim3A_622 = vector.broadcast %broadcast_in_dim3A_621 : f32 to vector<16xf32>
      %get3A_623 = arith.index_cast %add3A_620 : i32 to index
      %get3A_624 = arith.constant 0 : index
      %get3A_625 = tpu.vector_load %arg11[%get3A_623, %get3A_624] {strides = array<i32>} : memref<128x128xf32, #tpu.memory_space<vmem>>, vector<16xf32>,
      %get3A_626 = arith.index_cast %add3A_620 : i32 to index
      %get3A_627 = arith.constant 0 : index
      %get3A_628 = tpu.vector_load %arg14[%get3A_626, %get3A_627] {strides = array<i32>} : memref<128x128xf32, #tpu.memory_space<vmem>>, vector<16xf32>,
      %sub3A_629 = arith.subf %get3A_625, %get3A_628 : vector<16xf32>
      %mul3A_630 = arith.mulf %sub3A_629, %sub3A_629 : vector<16xf32>
      %add3A_631 = arith.addf %broadcast_in_dim3A_622, %mul3A_630 : vector<16xf32>
      %get3A_632 = arith.index_cast %add3A_620 : i32 to index
      %get3A_633 = arith.constant 16 : index
      %get3A_634 = tpu.vector_load %arg11[%get3A_632, %get3A_633] {strides = array<i32>} : memref<128x128xf32, #tpu.memory_space<vmem>>, vector<16xf32>,
      %get3A_635 = arith.index_cast %add3A_620 : i32 to index
      %get3A_636 = arith.constant 16 : index
      %get3A_637 = tpu.vector_load %arg14[%get3A_635, %get3A_636] {strides = array<i32>} : memref<128x128xf32, #tpu.memory_space<vmem>>, vector<16xf32>,
      %sub3A_638 = arith.subf %get3A_634, %get3A_637 : vector<16xf32>
      %mul3A_639 = arith.mulf %sub3A_638, %sub3A_638 : vector<16xf32>
      %add3A_640 = arith.addf %add3A_631, %mul3A_639 : vector<16xf32>
      %get3A_641 = arith.index_cast %add3A_620 : i32 to index
      %get3A_642 = arith.constant 32 : index
      %get3A_643 = tpu.vector_load %arg11[%get3A_641, %get3A_642] {strides = array<i32>} : memref<128x128xf32, #tpu.memory_space<vmem>>, vector<16xf32>,
      %get3A_644 = arith.index_cast %add3A_620 : i32 to index
      %get3A_645 = arith.constant 32 : index
      %get3A_646 = tpu.vector_load %arg14[%get3A_644, %get3A_645] {strides = array<i32>} : memref<128x128xf32, #tpu.memory_space<vmem>>, vector<16xf32>,
      %sub3A_647 = arith.subf %get3A_643, %get3A_646 : vector<16xf32>
      %mul3A_648 = arith.mulf %sub3A_647, %sub3A_647 : vector<16xf32>
      %add3A_649 = arith.addf %add3A_640, %mul3A_648 : vector<16xf32>
      %get3A_650 = arith.index_cast %add3A_620 : i32 to index
      %get3A_651 = arith.constant 48 : index
      %get3A_652 = tpu.vector_load %arg11[%get3A_650, %get3A_651] {strides = array<i32>} : memref<128x128xf32, #tpu.memory_space<vmem>>, vector<16xf32>,
      %get3A_653 = arith.index_cast %add3A_620 : i32 to index
      %get3A_654 = arith.constant 48 : index
      %get3A_655 = tpu.vector_load %arg14[%get3A_653, %get3A_654] {strides = array<i32>} : memref<128x128xf32, #tpu.memory_space<vmem>>, vector<16xf32>,
      %sub3A_656 = arith.subf %get3A_652, %get3A_655 : vector<16xf32>
      %mul3A_657 = arith.mulf %sub3A_656, %sub3A_656 : vector<16xf32>
      %add3A_658 = arith.addf %add3A_649, %mul3A_657 : vector<16xf32>
      %get3A_659 = arith.index_cast %add3A_620 : i32 to index
      %get3A_660 = arith.constant 64 : index
      %get3A_661 = tpu.vector_load %arg11[%get3A_659, %get3A_660] {strides = array<i32>} : memref<128x128xf32, #tpu.memory_space<vmem>>, vector<16xf32>,
      %get3A_662 = arith.index_cast %add3A_620 : i32 to index
      %get3A_663 = arith.constant 64 : index
      %get3A_664 = tpu.vector_load %arg14[%get3A_662, %get3A_663] {strides = array<i32>} : memref<128x128xf32, #tpu.memory_space<vmem>>, vector<16xf32>,
      %sub3A_665 = arith.subf %get3A_661, %get3A_664 : vector<16xf32>
      %mul3A_666 = arith.mulf %sub3A_665, %sub3A_665 : vector<16xf32>
      %add3A_667 = arith.addf %add3A_658, %mul3A_666 : vector<16xf32>
      %get3A_668 = arith.index_cast %add3A_620 : i32 to index
      %get3A_669 = arith.constant 80 : index
      %get3A_670 = tpu.vector_load %arg11[%get3A_668, %get3A_669] {strides = array<i32>} : memref<128x128xf32, #tpu.memory_space<vmem>>, vector<16xf32>,
      %get3A_671 = arith.index_cast %add3A_620 : i32 to index
      %get3A_672 = arith.constant 80 : index
      %get3A_673 = tpu.vector_load %arg14[%get3A_671, %get3A_672] {strides = array<i32>} : memref<128x128xf32, #tpu.memory_space<vmem>>, vector<16xf32>,
      %sub3A_674 = arith.subf %get3A_670, %get3A_673 : vector<16xf32>
      %mul3A_675 = arith.mulf %sub3A_674, %sub3A_674 : vector<16xf32>
      %add3A_676 = arith.addf %add3A_667, %mul3A_675 : vector<16xf32>
      %get3A_677 = arith.index_cast %add3A_620 : i32 to index
      %get3A_678 = arith.constant 96 : index
      %get3A_679 = tpu.vector_load %arg11[%get3A_677, %get3A_678] {strides = array<i32>} : memref<128x128xf32, #tpu.memory_space<vmem>>, vector<16xf32>,
      %get3A_680 = arith.index_cast %add3A_620 : i32 to index
      %get3A_681 = arith.constant 96 : index
      %get3A_682 = tpu.vector_load %arg14[%get3A_680, %get3A_681] {strides = array<i32>} : memref<128x128xf32, #tpu.memory_space<vmem>>, vector<16xf32>,
      %sub3A_683 = arith.subf %get3A_679, %get3A_682 : vector<16xf32>
      %mul3A_684 = arith.mulf %sub3A_683, %sub3A_683 : vector<16xf32>
      %add3A_685 = arith.addf %add3A_676, %mul3A_684 : vector<16xf32>
      %get3A_686 = arith.index_cast %add3A_620 : i32 to index
      %get3A_687 = arith.constant 112 : index
      %get3A_688 = tpu.vector_load %arg11[%get3A_686, %get3A_687] {strides = array<i32>} : memref<128x128xf32, #tpu.memory_space<vmem>>, vector<16xf32>,
      %get3A_689 = arith.index_cast %add3A_620 : i32 to index
      %get3A_690 = arith.constant 112 : index
      %get3A_691 = tpu.vector_load %arg14[%get3A_689, %get3A_690] {strides = array<i32>} : memref<128x128xf32, #tpu.memory_space<vmem>>, vector<16xf32>,
      %sub3A_692 = arith.subf %get3A_688, %get3A_691 : vector<16xf32>
      %mul3A_693 = arith.mulf %sub3A_692, %sub3A_692 : vector<16xf32>
      %add3A_694 = arith.addf %add3A_685, %mul3A_693 : vector<16xf32>
      %lt3A_695 = arith.constant 0 : i32
      %lt3A_696 = vector.broadcast %lt3A_695 : i32 to vector<16xi32>
      %lt3A_697 = arith.cmpi slt, %xor3A_444, %lt3A_696 : vector<16xi32>
      %add3A_698 = arith.constant 16 : i32
      %add3A_699 = vector.broadcast %add3A_698 : i32 to vector<16xi32>
      %add3A_700 = arith.addi %xor3A_444, %add3A_699 : vector<16xi32>
      %select_n3A_701 = arith.select %lt3A_697, %add3A_700, %xor3A_444 : vector<16xi1>, vector<16xi32>
      %reshape3A_702 = vector.shape_cast %select_n3A_701 : vector<16xi32> to vector<16x1xi32>
      %gather3A_703 = vector.shape_cast %reshape3A_702 : vector<16x1xi32> to vector<16xi32>
      %gather3A_704 = tpu.dynamic_gather %add3A_694[%gather3A_703] in [0] : vector<16xf32>, vector<16xi32> -> vector<16xf32>
      %add3A_705 = arith.addf %add3A_694, %gather3A_704 : vector<16xf32>
      %mul3A_706 = arith.constant 8 : i32
      %mul3A_707 = arith.muli %scan3A_441, %mul3A_706 : i32
      %add3A_708 = arith.constant 3 : i32
      %add3A_709 = arith.addi %mul3A_707, %add3A_708 : i32
      %broadcast_in_dim3A_710 = arith.constant 0.000000e+00 : f32
      %broadcast_in_dim3A_711 = vector.broadcast %broadcast_in_dim3A_710 : f32 to vector<16xf32>
      %get3A_712 = arith.index_cast %add3A_709 : i32 to index
      %get3A_713 = arith.constant 0 : index
      %get3A_714 = tpu.vector_load %arg11[%get3A_712, %get3A_713] {strides = array<i32>} : memref<128x128xf32, #tpu.memory_space<vmem>>, vector<16xf32>,
      %get3A_715 = arith.index_cast %add3A_709 : i32 to index
      %get3A_716 = arith.constant 0 : index
      %get3A_717 = tpu.vector_load %arg14[%get3A_715, %get3A_716] {strides = array<i32>} : memref<128x128xf32, #tpu.memory_space<vmem>>, vector<16xf32>,
      %sub3A_718 = arith.subf %get3A_714, %get3A_717 : vector<16xf32>
      %mul3A_719 = arith.mulf %sub3A_718, %sub3A_718 : vector<16xf32>
      %add3A_720 = arith.addf %broadcast_in_dim3A_711, %mul3A_719 : vector<16xf32>
      %get3A_721 = arith.index_cast %add3A_709 : i32 to index
      %get3A_722 = arith.constant 16 : index
      %get3A_723 = tpu.vector_load %arg11[%get3A_721, %get3A_722] {strides = array<i32>} : memref<128x128xf32, #tpu.memory_space<vmem>>, vector<16xf32>,
      %get3A_724 = arith.index_cast %add3A_709 : i32 to index
      %get3A_725 = arith.constant 16 : index
      %get3A_726 = tpu.vector_load %arg14[%get3A_724, %get3A_725] {strides = array<i32>} : memref<128x128xf32, #tpu.memory_space<vmem>>, vector<16xf32>,
      %sub3A_727 = arith.subf %get3A_723, %get3A_726 : vector<16xf32>
      %mul3A_728 = arith.mulf %sub3A_727, %sub3A_727 : vector<16xf32>
      %add3A_729 = arith.addf %add3A_720, %mul3A_728 : vector<16xf32>
      %get3A_730 = arith.index_cast %add3A_709 : i32 to index
      %get3A_731 = arith.constant 32 : index
      %get3A_732 = tpu.vector_load %arg11[%get3A_730, %get3A_731] {strides = array<i32>} : memref<128x128xf32, #tpu.memory_space<vmem>>, vector<16xf32>,
      %get3A_733 = arith.index_cast %add3A_709 : i32 to index
      %get3A_734 = arith.constant 32 : index
      %get3A_735 = tpu.vector_load %arg14[%get3A_733, %get3A_734] {strides = array<i32>} : memref<128x128xf32, #tpu.memory_space<vmem>>, vector<16xf32>,
      %sub3A_736 = arith.subf %get3A_732, %get3A_735 : vector<16xf32>
      %mul3A_737 = arith.mulf %sub3A_736, %sub3A_736 : vector<16xf32>
      %add3A_738 = arith.addf %add3A_729, %mul3A_737 : vector<16xf32>
      %get3A_739 = arith.index_cast %add3A_709 : i32 to index
      %get3A_740 = arith.constant 48 : index
      %get3A_741 = tpu.vector_load %arg11[%get3A_739, %get3A_740] {strides = array<i32>} : memref<128x128xf32, #tpu.memory_space<vmem>>, vector<16xf32>,
      %get3A_742 = arith.index_cast %add3A_709 : i32 to index
      %get3A_743 = arith.constant 48 : index
      %get3A_744 = tpu.vector_load %arg14[%get3A_742, %get3A_743] {strides = array<i32>} : memref<128x128xf32, #tpu.memory_space<vmem>>, vector<16xf32>,
      %sub3A_745 = arith.subf %get3A_741, %get3A_744 : vector<16xf32>
      %mul3A_746 = arith.mulf %sub3A_745, %sub3A_745 : vector<16xf32>
      %add3A_747 = arith.addf %add3A_738, %mul3A_746 : vector<16xf32>
      %get3A_748 = arith.index_cast %add3A_709 : i32 to index
      %get3A_749 = arith.constant 64 : index
      %get3A_750 = tpu.vector_load %arg11[%get3A_748, %get3A_749] {strides = array<i32>} : memref<128x128xf32, #tpu.memory_space<vmem>>, vector<16xf32>,
      %get3A_751 = arith.index_cast %add3A_709 : i32 to index
      %get3A_752 = arith.constant 64 : index
      %get3A_753 = tpu.vector_load %arg14[%get3A_751, %get3A_752] {strides = array<i32>} : memref<128x128xf32, #tpu.memory_space<vmem>>, vector<16xf32>,
      %sub3A_754 = arith.subf %get3A_750, %get3A_753 : vector<16xf32>
      %mul3A_755 = arith.mulf %sub3A_754, %sub3A_754 : vector<16xf32>
      %add3A_756 = arith.addf %add3A_747, %mul3A_755 : vector<16xf32>
      %get3A_757 = arith.index_cast %add3A_709 : i32 to index
      %get3A_758 = arith.constant 80 : index
      %get3A_759 = tpu.vector_load %arg11[%get3A_757, %get3A_758] {strides = array<i32>} : memref<128x128xf32, #tpu.memory_space<vmem>>, vector<16xf32>,
      %get3A_760 = arith.index_cast %add3A_709 : i32 to index
      %get3A_761 = arith.constant 80 : index
      %get3A_762 = tpu.vector_load %arg14[%get3A_760, %get3A_761] {strides = array<i32>} : memref<128x128xf32, #tpu.memory_space<vmem>>, vector<16xf32>,
      %sub3A_763 = arith.subf %get3A_759, %get3A_762 : vector<16xf32>
      %mul3A_764 = arith.mulf %sub3A_763, %sub3A_763 : vector<16xf32>
      %add3A_765 = arith.addf %add3A_756, %mul3A_764 : vector<16xf32>
      %get3A_766 = arith.index_cast %add3A_709 : i32 to index
      %get3A_767 = arith.constant 96 : index
      %get3A_768 = tpu.vector_load %arg11[%get3A_766, %get3A_767] {strides = array<i32>} : memref<128x128xf32, #tpu.memory_space<vmem>>, vector<16xf32>,
      %get3A_769 = arith.index_cast %add3A_709 : i32 to index
      %get3A_770 = arith.constant 96 : index
      %get3A_771 = tpu.vector_load %arg14[%get3A_769, %get3A_770] {strides = array<i32>} : memref<128x128xf32, #tpu.memory_space<vmem>>, vector<16xf32>,
      %sub3A_772 = arith.subf %get3A_768, %get3A_771 : vector<16xf32>
      %mul3A_773 = arith.mulf %sub3A_772, %sub3A_772 : vector<16xf32>
      %add3A_774 = arith.addf %add3A_765, %mul3A_773 : vector<16xf32>
      %get3A_775 = arith.index_cast %add3A_709 : i32 to index
      %get3A_776 = arith.constant 112 : index
      %get3A_777 = tpu.vector_load %arg11[%get3A_775, %get3A_776] {strides = array<i32>} : memref<128x128xf32, #tpu.memory_space<vmem>>, vector<16xf32>,
      %get3A_778 = arith.index_cast %add3A_709 : i32 to index
      %get3A_779 = arith.constant 112 : index
      %get3A_780 = tpu.vector_load %arg14[%get3A_778, %get3A_779] {strides = array<i32>} : memref<128x128xf32, #tpu.memory_space<vmem>>, vector<16xf32>,
      %sub3A_781 = arith.subf %get3A_777, %get3A_780 : vector<16xf32>
      %mul3A_782 = arith.mulf %sub3A_781, %sub3A_781 : vector<16xf32>
      %add3A_783 = arith.addf %add3A_774, %mul3A_782 : vector<16xf32>
      %lt3A_784 = arith.constant 0 : i32
      %lt3A_785 = vector.broadcast %lt3A_784 : i32 to vector<16xi32>
      %lt3A_786 = arith.cmpi slt, %xor3A_444, %lt3A_785 : vector<16xi32>
      %add3A_787 = arith.constant 16 : i32
      %add3A_788 = vector.broadcast %add3A_787 : i32 to vector<16xi32>
      %add3A_789 = arith.addi %xor3A_444, %add3A_788 : vector<16xi32>
      %select_n3A_790 = arith.select %lt3A_786, %add3A_789, %xor3A_444 : vector<16xi1>, vector<16xi32>
      %reshape3A_791 = vector.shape_cast %select_n3A_790 : vector<16xi32> to vector<16x1xi32>
      %gather3A_792 = vector.shape_cast %reshape3A_791 : vector<16x1xi32> to vector<16xi32>
      %gather3A_793 = tpu.dynamic_gather %add3A_783[%gather3A_792] in [0] : vector<16xf32>, vector<16xi32> -> vector<16xf32>
      %add3A_794 = arith.addf %add3A_783, %gather3A_793 : vector<16xf32>
      %mul3A_795 = arith.constant 8 : i32
      %mul3A_796 = arith.muli %scan3A_441, %mul3A_795 : i32
      %add3A_797 = arith.constant 4 : i32
      %add3A_798 = arith.addi %mul3A_796, %add3A_797 : i32
      %broadcast_in_dim3A_799 = arith.constant 0.000000e+00 : f32
      %broadcast_in_dim3A_800 = vector.broadcast %broadcast_in_dim3A_799 : f32 to vector<16xf32>
      %get3A_801 = arith.index_cast %add3A_798 : i32 to index
      %get3A_802 = arith.constant 0 : index
      %get3A_803 = tpu.vector_load %arg11[%get3A_801, %get3A_802] {strides = array<i32>} : memref<128x128xf32, #tpu.memory_space<vmem>>, vector<16xf32>,
      %get3A_804 = arith.index_cast %add3A_798 : i32 to index
      %get3A_805 = arith.constant 0 : index
      %get3A_806 = tpu.vector_load %arg14[%get3A_804, %get3A_805] {strides = array<i32>} : memref<128x128xf32, #tpu.memory_space<vmem>>, vector<16xf32>,
      %sub3A_807 = arith.subf %get3A_803, %get3A_806 : vector<16xf32>
      %mul3A_808 = arith.mulf %sub3A_807, %sub3A_807 : vector<16xf32>
      %add3A_809 = arith.addf %broadcast_in_dim3A_800, %mul3A_808 : vector<16xf32>
      %get3A_810 = arith.index_cast %add3A_798 : i32 to index
      %get3A_811 = arith.constant 16 : index
      %get3A_812 = tpu.vector_load %arg11[%get3A_810, %get3A_811] {strides = array<i32>} : memref<128x128xf32, #tpu.memory_space<vmem>>, vector<16xf32>,
      %get3A_813 = arith.index_cast %add3A_798 : i32 to index
      %get3A_814 = arith.constant 16 : index
      %get3A_815 = tpu.vector_load %arg14[%get3A_813, %get3A_814] {strides = array<i32>} : memref<128x128xf32, #tpu.memory_space<vmem>>, vector<16xf32>,
      %sub3A_816 = arith.subf %get3A_812, %get3A_815 : vector<16xf32>
      %mul3A_817 = arith.mulf %sub3A_816, %sub3A_816 : vector<16xf32>
      %add3A_818 = arith.addf %add3A_809, %mul3A_817 : vector<16xf32>
      %get3A_819 = arith.index_cast %add3A_798 : i32 to index
      %get3A_820 = arith.constant 32 : index
      %get3A_821 = tpu.vector_load %arg11[%get3A_819, %get3A_820] {strides = array<i32>} : memref<128x128xf32, #tpu.memory_space<vmem>>, vector<16xf32>,
      %get3A_822 = arith.index_cast %add3A_798 : i32 to index
      %get3A_823 = arith.constant 32 : index
      %get3A_824 = tpu.vector_load %arg14[%get3A_822, %get3A_823] {strides = array<i32>} : memref<128x128xf32, #tpu.memory_space<vmem>>, vector<16xf32>,
      %sub3A_825 = arith.subf %get3A_821, %get3A_824 : vector<16xf32>
      %mul3A_826 = arith.mulf %sub3A_825, %sub3A_825 : vector<16xf32>
      %add3A_827 = arith.addf %add3A_818, %mul3A_826 : vector<16xf32>
      %get3A_828 = arith.index_cast %add3A_798 : i32 to index
      %get3A_829 = arith.constant 48 : index
      %get3A_830 = tpu.vector_load %arg11[%get3A_828, %get3A_829] {strides = array<i32>} : memref<128x128xf32, #tpu.memory_space<vmem>>, vector<16xf32>,
      %get3A_831 = arith.index_cast %add3A_798 : i32 to index
      %get3A_832 = arith.constant 48 : index
      %get3A_833 = tpu.vector_load %arg14[%get3A_831, %get3A_832] {strides = array<i32>} : memref<128x128xf32, #tpu.memory_space<vmem>>, vector<16xf32>,
      %sub3A_834 = arith.subf %get3A_830, %get3A_833 : vector<16xf32>
      %mul3A_835 = arith.mulf %sub3A_834, %sub3A_834 : vector<16xf32>
      %add3A_836 = arith.addf %add3A_827, %mul3A_835 : vector<16xf32>
      %get3A_837 = arith.index_cast %add3A_798 : i32 to index
      %get3A_838 = arith.constant 64 : index
      %get3A_839 = tpu.vector_load %arg11[%get3A_837, %get3A_838] {strides = array<i32>} : memref<128x128xf32, #tpu.memory_space<vmem>>, vector<16xf32>,
      %get3A_840 = arith.index_cast %add3A_798 : i32 to index
      %get3A_841 = arith.constant 64 : index
      %get3A_842 = tpu.vector_load %arg14[%get3A_840, %get3A_841] {strides = array<i32>} : memref<128x128xf32, #tpu.memory_space<vmem>>, vector<16xf32>,
      %sub3A_843 = arith.subf %get3A_839, %get3A_842 : vector<16xf32>
      %mul3A_844 = arith.mulf %sub3A_843, %sub3A_843 : vector<16xf32>
      %add3A_845 = arith.addf %add3A_836, %mul3A_844 : vector<16xf32>
      %get3A_846 = arith.index_cast %add3A_798 : i32 to index
      %get3A_847 = arith.constant 80 : index
      %get3A_848 = tpu.vector_load %arg11[%get3A_846, %get3A_847] {strides = array<i32>} : memref<128x128xf32, #tpu.memory_space<vmem>>, vector<16xf32>,
      %get3A_849 = arith.index_cast %add3A_798 : i32 to index
      %get3A_850 = arith.constant 80 : index
      %get3A_851 = tpu.vector_load %arg14[%get3A_849, %get3A_850] {strides = array<i32>} : memref<128x128xf32, #tpu.memory_space<vmem>>, vector<16xf32>,
      %sub3A_852 = arith.subf %get3A_848, %get3A_851 : vector<16xf32>
      %mul3A_853 = arith.mulf %sub3A_852, %sub3A_852 : vector<16xf32>
      %add3A_854 = arith.addf %add3A_845, %mul3A_853 : vector<16xf32>
      %get3A_855 = arith.index_cast %add3A_798 : i32 to index
      %get3A_856 = arith.constant 96 : index
      %get3A_857 = tpu.vector_load %arg11[%get3A_855, %get3A_856] {strides = array<i32>} : memref<128x128xf32, #tpu.memory_space<vmem>>, vector<16xf32>,
      %get3A_858 = arith.index_cast %add3A_798 : i32 to index
      %get3A_859 = arith.constant 96 : index
      %get3A_860 = tpu.vector_load %arg14[%get3A_858, %get3A_859] {strides = array<i32>} : memref<128x128xf32, #tpu.memory_space<vmem>>, vector<16xf32>,
      %sub3A_861 = arith.subf %get3A_857, %get3A_860 : vector<16xf32>
      %mul3A_862 = arith.mulf %sub3A_861, %sub3A_861 : vector<16xf32>
      %add3A_863 = arith.addf %add3A_854, %mul3A_862 : vector<16xf32>
      %get3A_864 = arith.index_cast %add3A_798 : i32 to index
      %get3A_865 = arith.constant 112 : index
      %get3A_866 = tpu.vector_load %arg11[%get3A_864, %get3A_865] {strides = array<i32>} : memref<128x128xf32, #tpu.memory_space<vmem>>, vector<16xf32>,
      %get3A_867 = arith.index_cast %add3A_798 : i32 to index
      %get3A_868 = arith.constant 112 : index
      %get3A_869 = tpu.vector_load %arg14[%get3A_867, %get3A_868] {strides = array<i32>} : memref<128x128xf32, #tpu.memory_space<vmem>>, vector<16xf32>,
      %sub3A_870 = arith.subf %get3A_866, %get3A_869 : vector<16xf32>
      %mul3A_871 = arith.mulf %sub3A_870, %sub3A_870 : vector<16xf32>
      %add3A_872 = arith.addf %add3A_863, %mul3A_871 : vector<16xf32>
      %lt3A_873 = arith.constant 0 : i32
      %lt3A_874 = vector.broadcast %lt3A_873 : i32 to vector<16xi32>
      %lt3A_875 = arith.cmpi slt, %xor3A_444, %lt3A_874 : vector<16xi32>
      %add3A_876 = arith.constant 16 : i32
      %add3A_877 = vector.broadcast %add3A_876 : i32 to vector<16xi32>
      %add3A_878 = arith.addi %xor3A_444, %add3A_877 : vector<16xi32>
      %select_n3A_879 = arith.select %lt3A_875, %add3A_878, %xor3A_444 : vector<16xi1>, vector<16xi32>
      %reshape3A_880 = vector.shape_cast %select_n3A_879 : vector<16xi32> to vector<16x1xi32>
      %gather3A_881 = vector.shape_cast %reshape3A_880 : vector<16x1xi32> to vector<16xi32>
      %gather3A_882 = tpu.dynamic_gather %add3A_872[%gather3A_881] in [0] : vector<16xf32>, vector<16xi32> -> vector<16xf32>
      %add3A_883 = arith.addf %add3A_872, %gather3A_882 : vector<16xf32>
      %mul3A_884 = arith.constant 8 : i32
      %mul3A_885 = arith.muli %scan3A_441, %mul3A_884 : i32
      %add3A_886 = arith.constant 5 : i32
      %add3A_887 = arith.addi %mul3A_885, %add3A_886 : i32
      %broadcast_in_dim3A_888 = arith.constant 0.000000e+00 : f32
      %broadcast_in_dim3A_889 = vector.broadcast %broadcast_in_dim3A_888 : f32 to vector<16xf32>
      %get3A_890 = arith.index_cast %add3A_887 : i32 to index
      %get3A_891 = arith.constant 0 : index
      %get3A_892 = tpu.vector_load %arg11[%get3A_890, %get3A_891] {strides = array<i32>} : memref<128x128xf32, #tpu.memory_space<vmem>>, vector<16xf32>,
      %get3A_893 = arith.index_cast %add3A_887 : i32 to index
      %get3A_894 = arith.constant 0 : index
      %get3A_895 = tpu.vector_load %arg14[%get3A_893, %get3A_894] {strides = array<i32>} : memref<128x128xf32, #tpu.memory_space<vmem>>, vector<16xf32>,
      %sub3A_896 = arith.subf %get3A_892, %get3A_895 : vector<16xf32>
      %mul3A_897 = arith.mulf %sub3A_896, %sub3A_896 : vector<16xf32>
      %add3A_898 = arith.addf %broadcast_in_dim3A_889, %mul3A_897 : vector<16xf32>
      %get3A_899 = arith.index_cast %add3A_887 : i32 to index
      %get3A_900 = arith.constant 16 : index
      %get3A_901 = tpu.vector_load %arg11[%get3A_899, %get3A_900] {strides = array<i32>} : memref<128x128xf32, #tpu.memory_space<vmem>>, vector<16xf32>,
      %get3A_902 = arith.index_cast %add3A_887 : i32 to index
      %get3A_903 = arith.constant 16 : index
      %get3A_904 = tpu.vector_load %arg14[%get3A_902, %get3A_903] {strides = array<i32>} : memref<128x128xf32, #tpu.memory_space<vmem>>, vector<16xf32>,
      %sub3A_905 = arith.subf %get3A_901, %get3A_904 : vector<16xf32>
      %mul3A_906 = arith.mulf %sub3A_905, %sub3A_905 : vector<16xf32>
      %add3A_907 = arith.addf %add3A_898, %mul3A_906 : vector<16xf32>
      %get3A_908 = arith.index_cast %add3A_887 : i32 to index
      %get3A_909 = arith.constant 32 : index
      %get3A_910 = tpu.vector_load %arg11[%get3A_908, %get3A_909] {strides = array<i32>} : memref<128x128xf32, #tpu.memory_space<vmem>>, vector<16xf32>,
      %get3A_911 = arith.index_cast %add3A_887 : i32 to index
      %get3A_912 = arith.constant 32 : index
      %get3A_913 = tpu.vector_load %arg14[%get3A_911, %get3A_912] {strides = array<i32>} : memref<128x128xf32, #tpu.memory_space<vmem>>, vector<16xf32>,
      %sub3A_914 = arith.subf %get3A_910, %get3A_913 : vector<16xf32>
      %mul3A_915 = arith.mulf %sub3A_914, %sub3A_914 : vector<16xf32>
      %add3A_916 = arith.addf %add3A_907, %mul3A_915 : vector<16xf32>
      %get3A_917 = arith.index_cast %add3A_887 : i32 to index
      %get3A_918 = arith.constant 48 : index
      %get3A_919 = tpu.vector_load %arg11[%get3A_917, %get3A_918] {strides = array<i32>} : memref<128x128xf32, #tpu.memory_space<vmem>>, vector<16xf32>,
      %get3A_920 = arith.index_cast %add3A_887 : i32 to index
      %get3A_921 = arith.constant 48 : index
      %get3A_922 = tpu.vector_load %arg14[%get3A_920, %get3A_921] {strides = array<i32>} : memref<128x128xf32, #tpu.memory_space<vmem>>, vector<16xf32>,
      %sub3A_923 = arith.subf %get3A_919, %get3A_922 : vector<16xf32>
      %mul3A_924 = arith.mulf %sub3A_923, %sub3A_923 : vector<16xf32>
      %add3A_925 = arith.addf %add3A_916, %mul3A_924 : vector<16xf32>
      %get3A_926 = arith.index_cast %add3A_887 : i32 to index
      %get3A_927 = arith.constant 64 : index
      %get3A_928 = tpu.vector_load %arg11[%get3A_926, %get3A_927] {strides = array<i32>} : memref<128x128xf32, #tpu.memory_space<vmem>>, vector<16xf32>,
      %get3A_929 = arith.index_cast %add3A_887 : i32 to index
      %get3A_930 = arith.constant 64 : index
      %get3A_931 = tpu.vector_load %arg14[%get3A_929, %get3A_930] {strides = array<i32>} : memref<128x128xf32, #tpu.memory_space<vmem>>, vector<16xf32>,
      %sub3A_932 = arith.subf %get3A_928, %get3A_931 : vector<16xf32>
      %mul3A_933 = arith.mulf %sub3A_932, %sub3A_932 : vector<16xf32>
      %add3A_934 = arith.addf %add3A_925, %mul3A_933 : vector<16xf32>
      %get3A_935 = arith.index_cast %add3A_887 : i32 to index
      %get3A_936 = arith.constant 80 : index
      %get3A_937 = tpu.vector_load %arg11[%get3A_935, %get3A_936] {strides = array<i32>} : memref<128x128xf32, #tpu.memory_space<vmem>>, vector<16xf32>,
      %get3A_938 = arith.index_cast %add3A_887 : i32 to index
      %get3A_939 = arith.constant 80 : index
      %get3A_940 = tpu.vector_load %arg14[%get3A_938, %get3A_939] {strides = array<i32>} : memref<128x128xf32, #tpu.memory_space<vmem>>, vector<16xf32>,
      %sub3A_941 = arith.subf %get3A_937, %get3A_940 : vector<16xf32>
      %mul3A_942 = arith.mulf %sub3A_941, %sub3A_941 : vector<16xf32>
      %add3A_943 = arith.addf %add3A_934, %mul3A_942 : vector<16xf32>
      %get3A_944 = arith.index_cast %add3A_887 : i32 to index
      %get3A_945 = arith.constant 96 : index
      %get3A_946 = tpu.vector_load %arg11[%get3A_944, %get3A_945] {strides = array<i32>} : memref<128x128xf32, #tpu.memory_space<vmem>>, vector<16xf32>,
      %get3A_947 = arith.index_cast %add3A_887 : i32 to index
      %get3A_948 = arith.constant 96 : index
      %get3A_949 = tpu.vector_load %arg14[%get3A_947, %get3A_948] {strides = array<i32>} : memref<128x128xf32, #tpu.memory_space<vmem>>, vector<16xf32>,
      %sub3A_950 = arith.subf %get3A_946, %get3A_949 : vector<16xf32>
      %mul3A_951 = arith.mulf %sub3A_950, %sub3A_950 : vector<16xf32>
      %add3A_952 = arith.addf %add3A_943, %mul3A_951 : vector<16xf32>
      %get3A_953 = arith.index_cast %add3A_887 : i32 to index
      %get3A_954 = arith.constant 112 : index
      %get3A_955 = tpu.vector_load %arg11[%get3A_953, %get3A_954] {strides = array<i32>} : memref<128x128xf32, #tpu.memory_space<vmem>>, vector<16xf32>,
      %get3A_956 = arith.index_cast %add3A_887 : i32 to index
      %get3A_957 = arith.constant 112 : index
      %get3A_958 = tpu.vector_load %arg14[%get3A_956, %get3A_957] {strides = array<i32>} : memref<128x128xf32, #tpu.memory_space<vmem>>, vector<16xf32>,
      %sub3A_959 = arith.subf %get3A_955, %get3A_958 : vector<16xf32>
      %mul3A_960 = arith.mulf %sub3A_959, %sub3A_959 : vector<16xf32>
      %add3A_961 = arith.addf %add3A_952, %mul3A_960 : vector<16xf32>
      %lt3A_962 = arith.constant 0 : i32
      %lt3A_963 = vector.broadcast %lt3A_962 : i32 to vector<16xi32>
      %lt3A_964 = arith.cmpi slt, %xor3A_444, %lt3A_963 : vector<16xi32>
      %add3A_965 = arith.constant 16 : i32
      %add3A_966 = vector.broadcast %add3A_965 : i32 to vector<16xi32>
      %add3A_967 = arith.addi %xor3A_444, %add3A_966 : vector<16xi32>
      %select_n3A_968 = arith.select %lt3A_964, %add3A_967, %xor3A_444 : vector<16xi1>, vector<16xi32>
      %reshape3A_969 = vector.shape_cast %select_n3A_968 : vector<16xi32> to vector<16x1xi32>
      %gather3A_970 = vector.shape_cast %reshape3A_969 : vector<16x1xi32> to vector<16xi32>
      %gather3A_971 = tpu.dynamic_gather %add3A_961[%gather3A_970] in [0] : vector<16xf32>, vector<16xi32> -> vector<16xf32>
      %add3A_972 = arith.addf %add3A_961, %gather3A_971 : vector<16xf32>
      %mul3A_973 = arith.constant 8 : i32
      %mul3A_974 = arith.muli %scan3A_441, %mul3A_973 : i32
      %add3A_975 = arith.constant 6 : i32
      %add3A_976 = arith.addi %mul3A_974, %add3A_975 : i32
      %broadcast_in_dim3A_977 = arith.constant 0.000000e+00 : f32
      %broadcast_in_dim3A_978 = vector.broadcast %broadcast_in_dim3A_977 : f32 to vector<16xf32>
      %get3A_979 = arith.index_cast %add3A_976 : i32 to index
      %get3A_980 = arith.constant 0 : index
      %get3A_981 = tpu.vector_load %arg11[%get3A_979, %get3A_980] {strides = array<i32>} : memref<128x128xf32, #tpu.memory_space<vmem>>, vector<16xf32>,
      %get3A_982 = arith.index_cast %add3A_976 : i32 to index
      %get3A_983 = arith.constant 0 : index
      %get3A_984 = tpu.vector_load %arg14[%get3A_982, %get3A_983] {strides = array<i32>} : memref<128x128xf32, #tpu.memory_space<vmem>>, vector<16xf32>,
      %sub3A_985 = arith.subf %get3A_981, %get3A_984 : vector<16xf32>
      %mul3A_986 = arith.mulf %sub3A_985, %sub3A_985 : vector<16xf32>
      %add3A_987 = arith.addf %broadcast_in_dim3A_978, %mul3A_986 : vector<16xf32>
      %get3A_988 = arith.index_cast %add3A_976 : i32 to index
      %get3A_989 = arith.constant 16 : index
      %get3A_990 = tpu.vector_load %arg11[%get3A_988, %get3A_989] {strides = array<i32>} : memref<128x128xf32, #tpu.memory_space<vmem>>, vector<16xf32>,
      %get3A_991 = arith.index_cast %add3A_976 : i32 to index
      %get3A_992 = arith.constant 16 : index
      %get3A_993 = tpu.vector_load %arg14[%get3A_991, %get3A_992] {strides = array<i32>} : memref<128x128xf32, #tpu.memory_space<vmem>>, vector<16xf32>,
      %sub3A_994 = arith.subf %get3A_990, %get3A_993 : vector<16xf32>
      %mul3A_995 = arith.mulf %sub3A_994, %sub3A_994 : vector<16xf32>
      %add3A_996 = arith.addf %add3A_987, %mul3A_995 : vector<16xf32>
      %get3A_997 = arith.index_cast %add3A_976 : i32 to index
      %get3A_998 = arith.constant 32 : index
      %get3A_999 = tpu.vector_load %arg11[%get3A_997, %get3A_998] {strides = array<i32>} : memref<128x128xf32, #tpu.memory_space<vmem>>, vector<16xf32>,
      %get3A_1000 = arith.index_cast %add3A_976 : i32 to index
      %get3A_1001 = arith.constant 32 : index
      %get3A_1002 = tpu.vector_load %arg14[%get3A_1000, %get3A_1001] {strides = array<i32>} : memref<128x128xf32, #tpu.memory_space<vmem>>, vector<16xf32>,
      %sub3A_1003 = arith.subf %get3A_999, %get3A_1002 : vector<16xf32>
      %mul3A_1004 = arith.mulf %sub3A_1003, %sub3A_1003 : vector<16xf32>
      %add3A_1005 = arith.addf %add3A_996, %mul3A_1004 : vector<16xf32>
      %get3A_1006 = arith.index_cast %add3A_976 : i32 to index
      %get3A_1007 = arith.constant 48 : index
      %get3A_1008 = tpu.vector_load %arg11[%get3A_1006, %get3A_1007] {strides = array<i32>} : memref<128x128xf32, #tpu.memory_space<vmem>>, vector<16xf32>,
      %get3A_1009 = arith.index_cast %add3A_976 : i32 to index
      %get3A_1010 = arith.constant 48 : index
      %get3A_1011 = tpu.vector_load %arg14[%get3A_1009, %get3A_1010] {strides = array<i32>} : memref<128x128xf32, #tpu.memory_space<vmem>>, vector<16xf32>,
      %sub3A_1012 = arith.subf %get3A_1008, %get3A_1011 : vector<16xf32>
      %mul3A_1013 = arith.mulf %sub3A_1012, %sub3A_1012 : vector<16xf32>
      %add3A_1014 = arith.addf %add3A_1005, %mul3A_1013 : vector<16xf32>
      %get3A_1015 = arith.index_cast %add3A_976 : i32 to index
      %get3A_1016 = arith.constant 64 : index
      %get3A_1017 = tpu.vector_load %arg11[%get3A_1015, %get3A_1016] {strides = array<i32>} : memref<128x128xf32, #tpu.memory_space<vmem>>, vector<16xf32>,
      %get3A_1018 = arith.index_cast %add3A_976 : i32 to index
      %get3A_1019 = arith.constant 64 : index
      %get3A_1020 = tpu.vector_load %arg14[%get3A_1018, %get3A_1019] {strides = array<i32>} : memref<128x128xf32, #tpu.memory_space<vmem>>, vector<16xf32>,
      %sub3A_1021 = arith.subf %get3A_1017, %get3A_1020 : vector<16xf32>
      %mul3A_1022 = arith.mulf %sub3A_1021, %sub3A_1021 : vector<16xf32>
      %add3A_1023 = arith.addf %add3A_1014, %mul3A_1022 : vector<16xf32>
      %get3A_1024 = arith.index_cast %add3A_976 : i32 to index
      %get3A_1025 = arith.constant 80 : index
      %get3A_1026 = tpu.vector_load %arg11[%get3A_1024, %get3A_1025] {strides = array<i32>} : memref<128x128xf32, #tpu.memory_space<vmem>>, vector<16xf32>,
      %get3A_1027 = arith.index_cast %add3A_976 : i32 to index
      %get3A_1028 = arith.constant 80 : index
      %get3A_1029 = tpu.vector_load %arg14[%get3A_1027, %get3A_1028] {strides = array<i32>} : memref<128x128xf32, #tpu.memory_space<vmem>>, vector<16xf32>,
      %sub3A_1030 = arith.subf %get3A_1026, %get3A_1029 : vector<16xf32>
      %mul3A_1031 = arith.mulf %sub3A_1030, %sub3A_1030 : vector<16xf32>
      %add3A_1032 = arith.addf %add3A_1023, %mul3A_1031 : vector<16xf32>
      %get3A_1033 = arith.index_cast %add3A_976 : i32 to index
      %get3A_1034 = arith.constant 96 : index
      %get3A_1035 = tpu.vector_load %arg11[%get3A_1033, %get3A_1034] {strides = array<i32>} : memref<128x128xf32, #tpu.memory_space<vmem>>, vector<16xf32>,
      %get3A_1036 = arith.index_cast %add3A_976 : i32 to index
      %get3A_1037 = arith.constant 96 : index
      %get3A_1038 = tpu.vector_load %arg14[%get3A_1036, %get3A_1037] {strides = array<i32>} : memref<128x128xf32, #tpu.memory_space<vmem>>, vector<16xf32>,
      %sub3A_1039 = arith.subf %get3A_1035, %get3A_1038 : vector<16xf32>
      %mul3A_1040 = arith.mulf %sub3A_1039, %sub3A_1039 : vector<16xf32>
      %add3A_1041 = arith.addf %add3A_1032, %mul3A_1040 : vector<16xf32>
      %get3A_1042 = arith.index_cast %add3A_976 : i32 to index
      %get3A_1043 = arith.constant 112 : index
      %get3A_1044 = tpu.vector_load %arg11[%get3A_1042, %get3A_1043] {strides = array<i32>} : memref<128x128xf32, #tpu.memory_space<vmem>>, vector<16xf32>,
      %get3A_1045 = arith.index_cast %add3A_976 : i32 to index
      %get3A_1046 = arith.constant 112 : index
      %get3A_1047 = tpu.vector_load %arg14[%get3A_1045, %get3A_1046] {strides = array<i32>} : memref<128x128xf32, #tpu.memory_space<vmem>>, vector<16xf32>,
      %sub3A_1048 = arith.subf %get3A_1044, %get3A_1047 : vector<16xf32>
      %mul3A_1049 = arith.mulf %sub3A_1048, %sub3A_1048 : vector<16xf32>
      %add3A_1050 = arith.addf %add3A_1041, %mul3A_1049 : vector<16xf32>
      %lt3A_1051 = arith.constant 0 : i32
      %lt3A_1052 = vector.broadcast %lt3A_1051 : i32 to vector<16xi32>
      %lt3A_1053 = arith.cmpi slt, %xor3A_444, %lt3A_1052 : vector<16xi32>
      %add3A_1054 = arith.constant 16 : i32
      %add3A_1055 = vector.broadcast %add3A_1054 : i32 to vector<16xi32>
      %add3A_1056 = arith.addi %xor3A_444, %add3A_1055 : vector<16xi32>
      %select_n3A_1057 = arith.select %lt3A_1053, %add3A_1056, %xor3A_444 : vector<16xi1>, vector<16xi32>
      %reshape3A_1058 = vector.shape_cast %select_n3A_1057 : vector<16xi32> to vector<16x1xi32>
      %gather3A_1059 = vector.shape_cast %reshape3A_1058 : vector<16x1xi32> to vector<16xi32>
      %gather3A_1060 = tpu.dynamic_gather %add3A_1050[%gather3A_1059] in [0] : vector<16xf32>, vector<16xi32> -> vector<16xf32>
      %add3A_1061 = arith.addf %add3A_1050, %gather3A_1060 : vector<16xf32>
      %mul3A_1062 = arith.constant 8 : i32
      %mul3A_1063 = arith.muli %scan3A_441, %mul3A_1062 : i32
      %add3A_1064 = arith.constant 7 : i32
      %add3A_1065 = arith.addi %mul3A_1063, %add3A_1064 : i32
      %broadcast_in_dim3A_1066 = arith.constant 0.000000e+00 : f32
      %broadcast_in_dim3A_1067 = vector.broadcast %broadcast_in_dim3A_1066 : f32 to vector<16xf32>
      %get3A_1068 = arith.index_cast %add3A_1065 : i32 to index
      %get3A_1069 = arith.constant 0 : index
      %get3A_1070 = tpu.vector_load %arg11[%get3A_1068, %get3A_1069] {strides = array<i32>} : memref<128x128xf32, #tpu.memory_space<vmem>>, vector<16xf32>,
      %get3A_1071 = arith.index_cast %add3A_1065 : i32 to index
      %get3A_1072 = arith.constant 0 : index
      %get3A_1073 = tpu.vector_load %arg14[%get3A_1071, %get3A_1072] {strides = array<i32>} : memref<128x128xf32, #tpu.memory_space<vmem>>, vector<16xf32>,
      %sub3A_1074 = arith.subf %get3A_1070, %get3A_1073 : vector<16xf32>
      %mul3A_1075 = arith.mulf %sub3A_1074, %sub3A_1074 : vector<16xf32>
      %add3A_1076 = arith.addf %broadcast_in_dim3A_1067, %mul3A_1075 : vector<16xf32>
      %get3A_1077 = arith.index_cast %add3A_1065 : i32 to index
      %get3A_1078 = arith.constant 16 : index
      %get3A_1079 = tpu.vector_load %arg11[%get3A_1077, %get3A_1078] {strides = array<i32>} : memref<128x128xf32, #tpu.memory_space<vmem>>, vector<16xf32>,
      %get3A_1080 = arith.index_cast %add3A_1065 : i32 to index
      %get3A_1081 = arith.constant 16 : index
      %get3A_1082 = tpu.vector_load %arg14[%get3A_1080, %get3A_1081] {strides = array<i32>} : memref<128x128xf32, #tpu.memory_space<vmem>>, vector<16xf32>,
      %sub3A_1083 = arith.subf %get3A_1079, %get3A_1082 : vector<16xf32>
      %mul3A_1084 = arith.mulf %sub3A_1083, %sub3A_1083 : vector<16xf32>
      %add3A_1085 = arith.addf %add3A_1076, %mul3A_1084 : vector<16xf32>
      %get3A_1086 = arith.index_cast %add3A_1065 : i32 to index
      %get3A_1087 = arith.constant 32 : index
      %get3A_1088 = tpu.vector_load %arg11[%get3A_1086, %get3A_1087] {strides = array<i32>} : memref<128x128xf32, #tpu.memory_space<vmem>>, vector<16xf32>,
      %get3A_1089 = arith.index_cast %add3A_1065 : i32 to index
      %get3A_1090 = arith.constant 32 : index
      %get3A_1091 = tpu.vector_load %arg14[%get3A_1089, %get3A_1090] {strides = array<i32>} : memref<128x128xf32, #tpu.memory_space<vmem>>, vector<16xf32>,
      %sub3A_1092 = arith.subf %get3A_1088, %get3A_1091 : vector<16xf32>
      %mul3A_1093 = arith.mulf %sub3A_1092, %sub3A_1092 : vector<16xf32>
      %add3A_1094 = arith.addf %add3A_1085, %mul3A_1093 : vector<16xf32>
      %get3A_1095 = arith.index_cast %add3A_1065 : i32 to index
      %get3A_1096 = arith.constant 48 : index
      %get3A_1097 = tpu.vector_load %arg11[%get3A_1095, %get3A_1096] {strides = array<i32>} : memref<128x128xf32, #tpu.memory_space<vmem>>, vector<16xf32>,
      %get3A_1098 = arith.index_cast %add3A_1065 : i32 to index
      %get3A_1099 = arith.constant 48 : index
      %get3A_1100 = tpu.vector_load %arg14[%get3A_1098, %get3A_1099] {strides = array<i32>} : memref<128x128xf32, #tpu.memory_space<vmem>>, vector<16xf32>,
      %sub3A_1101 = arith.subf %get3A_1097, %get3A_1100 : vector<16xf32>
      %mul3A_1102 = arith.mulf %sub3A_1101, %sub3A_1101 : vector<16xf32>
      %add3A_1103 = arith.addf %add3A_1094, %mul3A_1102 : vector<16xf32>
      %get3A_1104 = arith.index_cast %add3A_1065 : i32 to index
      %get3A_1105 = arith.constant 64 : index
      %get3A_1106 = tpu.vector_load %arg11[%get3A_1104, %get3A_1105] {strides = array<i32>} : memref<128x128xf32, #tpu.memory_space<vmem>>, vector<16xf32>,
      %get3A_1107 = arith.index_cast %add3A_1065 : i32 to index
      %get3A_1108 = arith.constant 64 : index
      %get3A_1109 = tpu.vector_load %arg14[%get3A_1107, %get3A_1108] {strides = array<i32>} : memref<128x128xf32, #tpu.memory_space<vmem>>, vector<16xf32>,
      %sub3A_1110 = arith.subf %get3A_1106, %get3A_1109 : vector<16xf32>
      %mul3A_1111 = arith.mulf %sub3A_1110, %sub3A_1110 : vector<16xf32>
      %add3A_1112 = arith.addf %add3A_1103, %mul3A_1111 : vector<16xf32>
      %get3A_1113 = arith.index_cast %add3A_1065 : i32 to index
      %get3A_1114 = arith.constant 80 : index
      %get3A_1115 = tpu.vector_load %arg11[%get3A_1113, %get3A_1114] {strides = array<i32>} : memref<128x128xf32, #tpu.memory_space<vmem>>, vector<16xf32>,
      %get3A_1116 = arith.index_cast %add3A_1065 : i32 to index
      %get3A_1117 = arith.constant 80 : index
      %get3A_1118 = tpu.vector_load %arg14[%get3A_1116, %get3A_1117] {strides = array<i32>} : memref<128x128xf32, #tpu.memory_space<vmem>>, vector<16xf32>,
      %sub3A_1119 = arith.subf %get3A_1115, %get3A_1118 : vector<16xf32>
      %mul3A_1120 = arith.mulf %sub3A_1119, %sub3A_1119 : vector<16xf32>
      %add3A_1121 = arith.addf %add3A_1112, %mul3A_1120 : vector<16xf32>
      %get3A_1122 = arith.index_cast %add3A_1065 : i32 to index
      %get3A_1123 = arith.constant 96 : index
      %get3A_1124 = tpu.vector_load %arg11[%get3A_1122, %get3A_1123] {strides = array<i32>} : memref<128x128xf32, #tpu.memory_space<vmem>>, vector<16xf32>,
      %get3A_1125 = arith.index_cast %add3A_1065 : i32 to index
      %get3A_1126 = arith.constant 96 : index
      %get3A_1127 = tpu.vector_load %arg14[%get3A_1125, %get3A_1126] {strides = array<i32>} : memref<128x128xf32, #tpu.memory_space<vmem>>, vector<16xf32>,
      %sub3A_1128 = arith.subf %get3A_1124, %get3A_1127 : vector<16xf32>
      %mul3A_1129 = arith.mulf %sub3A_1128, %sub3A_1128 : vector<16xf32>
      %add3A_1130 = arith.addf %add3A_1121, %mul3A_1129 : vector<16xf32>
      %get3A_1131 = arith.index_cast %add3A_1065 : i32 to index
      %get3A_1132 = arith.constant 112 : index
      %get3A_1133 = tpu.vector_load %arg11[%get3A_1131, %get3A_1132] {strides = array<i32>} : memref<128x128xf32, #tpu.memory_space<vmem>>, vector<16xf32>,
      %get3A_1134 = arith.index_cast %add3A_1065 : i32 to index
      %get3A_1135 = arith.constant 112 : index
      %get3A_1136 = tpu.vector_load %arg14[%get3A_1134, %get3A_1135] {strides = array<i32>} : memref<128x128xf32, #tpu.memory_space<vmem>>, vector<16xf32>,
      %sub3A_1137 = arith.subf %get3A_1133, %get3A_1136 : vector<16xf32>
      %mul3A_1138 = arith.mulf %sub3A_1137, %sub3A_1137 : vector<16xf32>
      %add3A_1139 = arith.addf %add3A_1130, %mul3A_1138 : vector<16xf32>
      %lt3A_1140 = arith.constant 0 : i32
      %lt3A_1141 = vector.broadcast %lt3A_1140 : i32 to vector<16xi32>
      %lt3A_1142 = arith.cmpi slt, %xor3A_444, %lt3A_1141 : vector<16xi32>
      %add3A_1143 = arith.constant 16 : i32
      %add3A_1144 = vector.broadcast %add3A_1143 : i32 to vector<16xi32>
      %add3A_1145 = arith.addi %xor3A_444, %add3A_1144 : vector<16xi32>
      %select_n3A_1146 = arith.select %lt3A_1142, %add3A_1145, %xor3A_444 : vector<16xi1>, vector<16xi32>
      %reshape3A_1147 = vector.shape_cast %select_n3A_1146 : vector<16xi32> to vector<16x1xi32>
      %gather3A_1148 = vector.shape_cast %reshape3A_1147 : vector<16x1xi32> to vector<16xi32>
      %gather3A_1149 = tpu.dynamic_gather %add3A_1139[%gather3A_1148] in [0] : vector<16xf32>, vector<16xi32> -> vector<16xf32>
      %add3A_1150 = arith.addf %add3A_1139, %gather3A_1149 : vector<16xf32>
      %and3A = arith.constant 4 : i32
      %and3A_1151 = vector.broadcast %and3A : i32 to vector<16xi32>
      %and3A_1152 = arith.andi %iota3A, %and3A_1151 : vector<16xi32>
      %eq3A_1153 = arith.constant 0 : i32
      %eq3A_1154 = vector.broadcast %eq3A_1153 : i32 to vector<16xi32>
      %eq3A_1155 = arith.cmpi eq, %and3A_1152, %eq3A_1154 : vector<16xi32>
      %xor3A_1156 = arith.constant 4 : i32
      %xor3A_1157 = vector.broadcast %xor3A_1156 : i32 to vector<16xi32>
      %xor3A_1158 = arith.xori %iota3A, %xor3A_1157 : vector<16xi32>
      %lt3A_1159 = arith.constant 0 : i32
      %lt3A_1160 = vector.broadcast %lt3A_1159 : i32 to vector<16xi32>
      %lt3A_1161 = arith.cmpi slt, %xor3A_1158, %lt3A_1160 : vector<16xi32>
      %add3A_1162 = arith.constant 16 : i32
      %add3A_1163 = vector.broadcast %add3A_1162 : i32 to vector<16xi32>
      %add3A_1164 = arith.addi %xor3A_1158, %add3A_1163 : vector<16xi32>
      %select_n3A_1165 = arith.select %lt3A_1161, %add3A_1164, %xor3A_1158 : vector<16xi1>, vector<16xi32>
      %reshape3A_1166 = vector.shape_cast %select_n3A_1165 : vector<16xi32> to vector<16x1xi32>
      %gather3A_1167 = vector.shape_cast %reshape3A_1166 : vector<16x1xi32> to vector<16xi32>
      %gather3A_1168 = tpu.dynamic_gather %add3A_883[%gather3A_1167] in [0] : vector<16xf32>, vector<16xi32> -> vector<16xf32>
      %select_n3A_1169 = arith.select %eq3A_1155, %add3A_527, %gather3A_1168 : vector<16xi1>, vector<16xf32>
      %lt3A_1170 = arith.constant 0 : i32
      %lt3A_1171 = vector.broadcast %lt3A_1170 : i32 to vector<16xi32>
      %lt3A_1172 = arith.cmpi slt, %xor3A_1158, %lt3A_1171 : vector<16xi32>
      %add3A_1173 = arith.constant 16 : i32
      %add3A_1174 = vector.broadcast %add3A_1173 : i32 to vector<16xi32>
      %add3A_1175 = arith.addi %xor3A_1158, %add3A_1174 : vector<16xi32>
      %select_n3A_1176 = arith.select %lt3A_1172, %add3A_1175, %xor3A_1158 : vector<16xi1>, vector<16xi32>
      %reshape3A_1177 = vector.shape_cast %select_n3A_1176 : vector<16xi32> to vector<16x1xi32>
      %gather3A_1178 = vector.shape_cast %reshape3A_1177 : vector<16x1xi32> to vector<16xi32>
      %gather3A_1179 = tpu.dynamic_gather %add3A_527[%gather3A_1178] in [0] : vector<16xf32>, vector<16xi32> -> vector<16xf32>
      %select_n3A_1180 = arith.select %eq3A_1155, %gather3A_1179, %add3A_883 : vector<16xi1>, vector<16xf32>
      %add3A_1181 = arith.addf %select_n3A_1169, %select_n3A_1180 : vector<16xf32>
      %and3A_1182 = arith.constant 4 : i32
      %and3A_1183 = vector.broadcast %and3A_1182 : i32 to vector<16xi32>
      %and3A_1184 = arith.andi %iota3A, %and3A_1183 : vector<16xi32>
      %eq3A_1185 = arith.constant 0 : i32
      %eq3A_1186 = vector.broadcast %eq3A_1185 : i32 to vector<16xi32>
      %eq3A_1187 = arith.cmpi eq, %and3A_1184, %eq3A_1186 : vector<16xi32>
      %xor3A_1188 = arith.constant 4 : i32
      %xor3A_1189 = vector.broadcast %xor3A_1188 : i32 to vector<16xi32>
      %xor3A_1190 = arith.xori %iota3A, %xor3A_1189 : vector<16xi32>
      %lt3A_1191 = arith.constant 0 : i32
      %lt3A_1192 = vector.broadcast %lt3A_1191 : i32 to vector<16xi32>
      %lt3A_1193 = arith.cmpi slt, %xor3A_1190, %lt3A_1192 : vector<16xi32>
      %add3A_1194 = arith.constant 16 : i32
      %add3A_1195 = vector.broadcast %add3A_1194 : i32 to vector<16xi32>
      %add3A_1196 = arith.addi %xor3A_1190, %add3A_1195 : vector<16xi32>
      %select_n3A_1197 = arith.select %lt3A_1193, %add3A_1196, %xor3A_1190 : vector<16xi1>, vector<16xi32>
      %reshape3A_1198 = vector.shape_cast %select_n3A_1197 : vector<16xi32> to vector<16x1xi32>
      %gather3A_1199 = vector.shape_cast %reshape3A_1198 : vector<16x1xi32> to vector<16xi32>
      %gather3A_1200 = tpu.dynamic_gather %add3A_972[%gather3A_1199] in [0] : vector<16xf32>, vector<16xi32> -> vector<16xf32>
      %select_n3A_1201 = arith.select %eq3A_1187, %add3A_616, %gather3A_1200 : vector<16xi1>, vector<16xf32>
      %lt3A_1202 = arith.constant 0 : i32
      %lt3A_1203 = vector.broadcast %lt3A_1202 : i32 to vector<16xi32>
      %lt3A_1204 = arith.cmpi slt, %xor3A_1190, %lt3A_1203 : vector<16xi32>
      %add3A_1205 = arith.constant 16 : i32
      %add3A_1206 = vector.broadcast %add3A_1205 : i32 to vector<16xi32>
      %add3A_1207 = arith.addi %xor3A_1190, %add3A_1206 : vector<16xi32>
      %select_n3A_1208 = arith.select %lt3A_1204, %add3A_1207, %xor3A_1190 : vector<16xi1>, vector<16xi32>
      %reshape3A_1209 = vector.shape_cast %select_n3A_1208 : vector<16xi32> to vector<16x1xi32>
      %gather3A_1210 = vector.shape_cast %reshape3A_1209 : vector<16x1xi32> to vector<16xi32>
      %gather3A_1211 = tpu.dynamic_gather %add3A_616[%gather3A_1210] in [0] : vector<16xf32>, vector<16xi32> -> vector<16xf32>
      %select_n3A_1212 = arith.select %eq3A_1187, %gather3A_1211, %add3A_972 : vector<16xi1>, vector<16xf32>
      %add3A_1213 = arith.addf %select_n3A_1201, %select_n3A_1212 : vector<16xf32>
      %and3A_1214 = arith.constant 4 : i32
      %and3A_1215 = vector.broadcast %and3A_1214 : i32 to vector<16xi32>
      %and3A_1216 = arith.andi %iota3A, %and3A_1215 : vector<16xi32>
      %eq3A_1217 = arith.constant 0 : i32
      %eq3A_1218 = vector.broadcast %eq3A_1217 : i32 to vector<16xi32>
      %eq3A_1219 = arith.cmpi eq, %and3A_1216, %eq3A_1218 : vector<16xi32>
      %xor3A_1220 = arith.constant 4 : i32
      %xor3A_1221 = vector.broadcast %xor3A_1220 : i32 to vector<16xi32>
      %xor3A_1222 = arith.xori %iota3A, %xor3A_1221 : vector<16xi32>
      %lt3A_1223 = arith.constant 0 : i32
      %lt3A_1224 = vector.broadcast %lt3A_1223 : i32 to vector<16xi32>
      %lt3A_1225 = arith.cmpi slt, %xor3A_1222, %lt3A_1224 : vector<16xi32>
      %add3A_1226 = arith.constant 16 : i32
      %add3A_1227 = vector.broadcast %add3A_1226 : i32 to vector<16xi32>
      %add3A_1228 = arith.addi %xor3A_1222, %add3A_1227 : vector<16xi32>
      %select_n3A_1229 = arith.select %lt3A_1225, %add3A_1228, %xor3A_1222 : vector<16xi1>, vector<16xi32>
      %reshape3A_1230 = vector.shape_cast %select_n3A_1229 : vector<16xi32> to vector<16x1xi32>
      %gather3A_1231 = vector.shape_cast %reshape3A_1230 : vector<16x1xi32> to vector<16xi32>
      %gather3A_1232 = tpu.dynamic_gather %add3A_1061[%gather3A_1231] in [0] : vector<16xf32>, vector<16xi32> -> vector<16xf32>
      %select_n3A_1233 = arith.select %eq3A_1219, %add3A_705, %gather3A_1232 : vector<16xi1>, vector<16xf32>
      %lt3A_1234 = arith.constant 0 : i32
      %lt3A_1235 = vector.broadcast %lt3A_1234 : i32 to vector<16xi32>
      %lt3A_1236 = arith.cmpi slt, %xor3A_1222, %lt3A_1235 : vector<16xi32>
      %add3A_1237 = arith.constant 16 : i32
      %add3A_1238 = vector.broadcast %add3A_1237 : i32 to vector<16xi32>
      %add3A_1239 = arith.addi %xor3A_1222, %add3A_1238 : vector<16xi32>
      %select_n3A_1240 = arith.select %lt3A_1236, %add3A_1239, %xor3A_1222 : vector<16xi1>, vector<16xi32>
      %reshape3A_1241 = vector.shape_cast %select_n3A_1240 : vector<16xi32> to vector<16x1xi32>
      %gather3A_1242 = vector.shape_cast %reshape3A_1241 : vector<16x1xi32> to vector<16xi32>
      %gather3A_1243 = tpu.dynamic_gather %add3A_705[%gather3A_1242] in [0] : vector<16xf32>, vector<16xi32> -> vector<16xf32>
      %select_n3A_1244 = arith.select %eq3A_1219, %gather3A_1243, %add3A_1061 : vector<16xi1>, vector<16xf32>
      %add3A_1245 = arith.addf %select_n3A_1233, %select_n3A_1244 : vector<16xf32>
      %and3A_1246 = arith.constant 4 : i32
      %and3A_1247 = vector.broadcast %and3A_1246 : i32 to vector<16xi32>
      %and3A_1248 = arith.andi %iota3A, %and3A_1247 : vector<16xi32>
      %eq3A_1249 = arith.constant 0 : i32
      %eq3A_1250 = vector.broadcast %eq3A_1249 : i32 to vector<16xi32>
      %eq3A_1251 = arith.cmpi eq, %and3A_1248, %eq3A_1250 : vector<16xi32>
      %xor3A_1252 = arith.constant 4 : i32
      %xor3A_1253 = vector.broadcast %xor3A_1252 : i32 to vector<16xi32>
      %xor3A_1254 = arith.xori %iota3A, %xor3A_1253 : vector<16xi32>
      %lt3A_1255 = arith.constant 0 : i32
      %lt3A_1256 = vector.broadcast %lt3A_1255 : i32 to vector<16xi32>
      %lt3A_1257 = arith.cmpi slt, %xor3A_1254, %lt3A_1256 : vector<16xi32>
      %add3A_1258 = arith.constant 16 : i32
      %add3A_1259 = vector.broadcast %add3A_1258 : i32 to vector<16xi32>
      %add3A_1260 = arith.addi %xor3A_1254, %add3A_1259 : vector<16xi32>
      %select_n3A_1261 = arith.select %lt3A_1257, %add3A_1260, %xor3A_1254 : vector<16xi1>, vector<16xi32>
      %reshape3A_1262 = vector.shape_cast %select_n3A_1261 : vector<16xi32> to vector<16x1xi32>
      %gather3A_1263 = vector.shape_cast %reshape3A_1262 : vector<16x1xi32> to vector<16xi32>
      %gather3A_1264 = tpu.dynamic_gather %add3A_1150[%gather3A_1263] in [0] : vector<16xf32>, vector<16xi32> -> vector<16xf32>
      %select_n3A_1265 = arith.select %eq3A_1251, %add3A_794, %gather3A_1264 : vector<16xi1>, vector<16xf32>
      %lt3A_1266 = arith.constant 0 : i32
      %lt3A_1267 = vector.broadcast %lt3A_1266 : i32 to vector<16xi32>
      %lt3A_1268 = arith.cmpi slt, %xor3A_1254, %lt3A_1267 : vector<16xi32>
      %add3A_1269 = arith.constant 16 : i32
      %add3A_1270 = vector.broadcast %add3A_1269 : i32 to vector<16xi32>
      %add3A_1271 = arith.addi %xor3A_1254, %add3A_1270 : vector<16xi32>
      %select_n3A_1272 = arith.select %lt3A_1268, %add3A_1271, %xor3A_1254 : vector<16xi1>, vector<16xi32>
      %reshape3A_1273 = vector.shape_cast %select_n3A_1272 : vector<16xi32> to vector<16x1xi32>
      %gather3A_1274 = vector.shape_cast %reshape3A_1273 : vector<16x1xi32> to vector<16xi32>
      %gather3A_1275 = tpu.dynamic_gather %add3A_794[%gather3A_1274] in [0] : vector<16xf32>, vector<16xi32> -> vector<16xf32>
      %select_n3A_1276 = arith.select %eq3A_1251, %gather3A_1275, %add3A_1150 : vector<16xi1>, vector<16xf32>
      %add3A_1277 = arith.addf %select_n3A_1265, %select_n3A_1276 : vector<16xf32>
      %and3A_1278 = arith.constant 2 : i32
      %and3A_1279 = vector.broadcast %and3A_1278 : i32 to vector<16xi32>
      %and3A_1280 = arith.andi %iota3A, %and3A_1279 : vector<16xi32>
      %eq3A_1281 = arith.constant 0 : i32
      %eq3A_1282 = vector.broadcast %eq3A_1281 : i32 to vector<16xi32>
      %eq3A_1283 = arith.cmpi eq, %and3A_1280, %eq3A_1282 : vector<16xi32>
      %xor3A_1284 = arith.constant 2 : i32
      %xor3A_1285 = vector.broadcast %xor3A_1284 : i32 to vector<16xi32>
      %xor3A_1286 = arith.xori %iota3A, %xor3A_1285 : vector<16xi32>
      %lt3A_1287 = arith.constant 0 : i32
      %lt3A_1288 = vector.broadcast %lt3A_1287 : i32 to vector<16xi32>
      %lt3A_1289 = arith.cmpi slt, %xor3A_1286, %lt3A_1288 : vector<16xi32>
      %add3A_1290 = arith.constant 16 : i32
      %add3A_1291 = vector.broadcast %add3A_1290 : i32 to vector<16xi32>
      %add3A_1292 = arith.addi %xor3A_1286, %add3A_1291 : vector<16xi32>
      %select_n3A_1293 = arith.select %lt3A_1289, %add3A_1292, %xor3A_1286 : vector<16xi1>, vector<16xi32>
      %reshape3A_1294 = vector.shape_cast %select_n3A_1293 : vector<16xi32> to vector<16x1xi32>
      %gather3A_1295 = vector.shape_cast %reshape3A_1294 : vector<16x1xi32> to vector<16xi32>
      %gather3A_1296 = tpu.dynamic_gather %add3A_1245[%gather3A_1295] in [0] : vector<16xf32>, vector<16xi32> -> vector<16xf32>
      %select_n3A_1297 = arith.select %eq3A_1283, %add3A_1181, %gather3A_1296 : vector<16xi1>, vector<16xf32>
      %lt3A_1298 = arith.constant 0 : i32
      %lt3A_1299 = vector.broadcast %lt3A_1298 : i32 to vector<16xi32>
      %lt3A_1300 = arith.cmpi slt, %xor3A_1286, %lt3A_1299 : vector<16xi32>
      %add3A_1301 = arith.constant 16 : i32
      %add3A_1302 = vector.broadcast %add3A_1301 : i32 to vector<16xi32>
      %add3A_1303 = arith.addi %xor3A_1286, %add3A_1302 : vector<16xi32>
      %select_n3A_1304 = arith.select %lt3A_1300, %add3A_1303, %xor3A_1286 : vector<16xi1>, vector<16xi32>
      %reshape3A_1305 = vector.shape_cast %select_n3A_1304 : vector<16xi32> to vector<16x1xi32>
      %gather3A_1306 = vector.shape_cast %reshape3A_1305 : vector<16x1xi32> to vector<16xi32>
      %gather3A_1307 = tpu.dynamic_gather %add3A_1181[%gather3A_1306] in [0] : vector<16xf32>, vector<16xi32> -> vector<16xf32>
      %select_n3A_1308 = arith.select %eq3A_1283, %gather3A_1307, %add3A_1245 : vector<16xi1>, vector<16xf32>
      %add3A_1309 = arith.addf %select_n3A_1297, %select_n3A_1308 : vector<16xf32>
      %and3A_1310 = arith.constant 2 : i32
      %and3A_1311 = vector.broadcast %and3A_1310 : i32 to vector<16xi32>
      %and3A_1312 = arith.andi %iota3A, %and3A_1311 : vector<16xi32>
      %eq3A_1313 = arith.constant 0 : i32
      %eq3A_1314 = vector.broadcast %eq3A_1313 : i32 to vector<16xi32>
      %eq3A_1315 = arith.cmpi eq, %and3A_1312, %eq3A_1314 : vector<16xi32>
      %xor3A_1316 = arith.constant 2 : i32
      %xor3A_1317 = vector.broadcast %xor3A_1316 : i32 to vector<16xi32>
      %xor3A_1318 = arith.xori %iota3A, %xor3A_1317 : vector<16xi32>
      %lt3A_1319 = arith.constant 0 : i32
      %lt3A_1320 = vector.broadcast %lt3A_1319 : i32 to vector<16xi32>
      %lt3A_1321 = arith.cmpi slt, %xor3A_1318, %lt3A_1320 : vector<16xi32>
      %add3A_1322 = arith.constant 16 : i32
      %add3A_1323 = vector.broadcast %add3A_1322 : i32 to vector<16xi32>
      %add3A_1324 = arith.addi %xor3A_1318, %add3A_1323 : vector<16xi32>
      %select_n3A_1325 = arith.select %lt3A_1321, %add3A_1324, %xor3A_1318 : vector<16xi1>, vector<16xi32>
      %reshape3A_1326 = vector.shape_cast %select_n3A_1325 : vector<16xi32> to vector<16x1xi32>
      %gather3A_1327 = vector.shape_cast %reshape3A_1326 : vector<16x1xi32> to vector<16xi32>
      %gather3A_1328 = tpu.dynamic_gather %add3A_1277[%gather3A_1327] in [0] : vector<16xf32>, vector<16xi32> -> vector<16xf32>
      %select_n3A_1329 = arith.select %eq3A_1315, %add3A_1213, %gather3A_1328 : vector<16xi1>, vector<16xf32>
      %lt3A_1330 = arith.constant 0 : i32
      %lt3A_1331 = vector.broadcast %lt3A_1330 : i32 to vector<16xi32>
      %lt3A_1332 = arith.cmpi slt, %xor3A_1318, %lt3A_1331 : vector<16xi32>
      %add3A_1333 = arith.constant 16 : i32
      %add3A_1334 = vector.broadcast %add3A_1333 : i32 to vector<16xi32>
      %add3A_1335 = arith.addi %xor3A_1318, %add3A_1334 : vector<16xi32>
      %select_n3A_1336 = arith.select %lt3A_1332, %add3A_1335, %xor3A_1318 : vector<16xi1>, vector<16xi32>
      %reshape3A_1337 = vector.shape_cast %select_n3A_1336 : vector<16xi32> to vector<16x1xi32>
      %gather3A_1338 = vector.shape_cast %reshape3A_1337 : vector<16x1xi32> to vector<16xi32>
      %gather3A_1339 = tpu.dynamic_gather %add3A_1213[%gather3A_1338] in [0] : vector<16xf32>, vector<16xi32> -> vector<16xf32>
      %select_n3A_1340 = arith.select %eq3A_1315, %gather3A_1339, %add3A_1277 : vector<16xi1>, vector<16xf32>
      %add3A_1341 = arith.addf %select_n3A_1329, %select_n3A_1340 : vector<16xf32>
      %and3A_1342 = arith.constant 1 : i32
      %and3A_1343 = vector.broadcast %and3A_1342 : i32 to vector<16xi32>
      %and3A_1344 = arith.andi %iota3A, %and3A_1343 : vector<16xi32>
      %eq3A_1345 = arith.constant 0 : i32
      %eq3A_1346 = vector.broadcast %eq3A_1345 : i32 to vector<16xi32>
      %eq3A_1347 = arith.cmpi eq, %and3A_1344, %eq3A_1346 : vector<16xi32>
      %xor3A_1348 = arith.constant 1 : i32
      %xor3A_1349 = vector.broadcast %xor3A_1348 : i32 to vector<16xi32>
      %xor3A_1350 = arith.xori %iota3A, %xor3A_1349 : vector<16xi32>
      %lt3A_1351 = arith.constant 0 : i32
      %lt3A_1352 = vector.broadcast %lt3A_1351 : i32 to vector<16xi32>
      %lt3A_1353 = arith.cmpi slt, %xor3A_1350, %lt3A_1352 : vector<16xi32>
      %add3A_1354 = arith.constant 16 : i32
      %add3A_1355 = vector.broadcast %add3A_1354 : i32 to vector<16xi32>
      %add3A_1356 = arith.addi %xor3A_1350, %add3A_1355 : vector<16xi32>
      %select_n3A_1357 = arith.select %lt3A_1353, %add3A_1356, %xor3A_1350 : vector<16xi1>, vector<16xi32>
      %reshape3A_1358 = vector.shape_cast %select_n3A_1357 : vector<16xi32> to vector<16x1xi32>
      %gather3A_1359 = vector.shape_cast %reshape3A_1358 : vector<16x1xi32> to vector<16xi32>
      %gather3A_1360 = tpu.dynamic_gather %add3A_1341[%gather3A_1359] in [0] : vector<16xf32>, vector<16xi32> -> vector<16xf32>
      %select_n3A_1361 = arith.select %eq3A_1347, %add3A_1309, %gather3A_1360 : vector<16xi1>, vector<16xf32>
      %lt3A_1362 = arith.constant 0 : i32
      %lt3A_1363 = vector.broadcast %lt3A_1362 : i32 to vector<16xi32>
      %lt3A_1364 = arith.cmpi slt, %xor3A_1350, %lt3A_1363 : vector<16xi32>
      %add3A_1365 = arith.constant 16 : i32
      %add3A_1366 = vector.broadcast %add3A_1365 : i32 to vector<16xi32>
      %add3A_1367 = arith.addi %xor3A_1350, %add3A_1366 : vector<16xi32>
      %select_n3A_1368 = arith.select %lt3A_1364, %add3A_1367, %xor3A_1350 : vector<16xi1>, vector<16xi32>
      %reshape3A_1369 = vector.shape_cast %select_n3A_1368 : vector<16xi32> to vector<16x1xi32>
      %gather3A_1370 = vector.shape_cast %reshape3A_1369 : vector<16x1xi32> to vector<16xi32>
      %gather3A_1371 = tpu.dynamic_gather %add3A_1309[%gather3A_1370] in [0] : vector<16xf32>, vector<16xi32> -> vector<16xf32>
      %select_n3A_1372 = arith.select %eq3A_1347, %gather3A_1371, %add3A_1341 : vector<16xi1>, vector<16xf32>
      %add3A_1373 = arith.addf %select_n3A_1361, %select_n3A_1372 : vector<16xf32>
      %jit3A = arith.constant 2 : i32
      %eq3A_1374 = arith.constant 0 : i32
      %eq3A_1375 = arith.cmpi eq, %jit3A, %eq3A_1374 : i32
      %jit3A_1376 = arith.constant 1 : i32
      %select_n3A_1377 = arith.select %eq3A_1375, %jit3A_1376, %jit3A : i32
      %rem3A = arith.remsi %scan3A_441, %select_n3A_1377 : i32
      %ne3A = arith.constant 0 : i32
      %ne3A_1378 = arith.cmpi ne, %rem3A, %ne3A : i32
      %lt3A_1379 = arith.constant 0 : i32
      %lt3A_1380 = arith.cmpi slt, %rem3A, %lt3A_1379 : i32
      %lt3A_1381 = arith.constant 0 : i32
      %lt3A_1382 = arith.cmpi slt, %select_n3A_1377, %lt3A_1381 : i32
      %ne3A_1383 = arith.xori %lt3A_1380, %lt3A_1382 : i1
      %and3A_1384 = arith.andi %ne3A_1383, %ne3A_1378 : i1
      %add3A_1385 = arith.addi %rem3A, %select_n3A_1377 : i32
      %select_n3A_1386 = arith.select %and3A_1384, %add3A_1385, %rem3A : i32
      %eq3A_1387 = arith.constant 1 : i32
      %eq3A_1388 = arith.cmpi eq, %select_n3A_1386, %eq3A_1387 : i32
      %convert_element_type3A_1389 = arith.extui %eq3A_1388 : i1 to i32
      %cond3A_1390 = arith.constant 0 : i32
      %cond3A_1391 = arith.cmpi ne, %convert_element_type3A_1389, %cond3A_1390 : i32
      scf.if %cond3A_1391 {
        %lt3A_1392 = arith.constant 8 : i32
        %lt3A_1393 = vector.broadcast %lt3A_1392 : i32 to vector<16xi32>
        %lt3A_1394 = arith.cmpi slt, %iota3A, %lt3A_1393 : vector<16xi32>
        %select_n3A_1395 = arith.select %lt3A_1394, %scan3A_442, %add3A_1373 : vector<16xi1>, vector<16xf32>
        %bitcast3A = vector.bitcast %select_n3A_1395 : vector<16xf32> to vector<16xi32>
        %shift_right_arithmetic3A = arith.constant 1 : i32
        %shift_right_arithmetic3A_1396 = vector.broadcast %shift_right_arithmetic3A : i32 to vector<16xi32>
        %shift_right_arithmetic3A_1397 = arith.shrsi %bitcast3A, %shift_right_arithmetic3A_1396 : vector<16xi32>
        %sub3A_1398 = arith.constant 1597463007 : i32
        %sub3A_1399 = vector.broadcast %sub3A_1398 : i32 to vector<16xi32>
        %sub3A_1400 = arith.subi %sub3A_1399, %shift_right_arithmetic3A_1397 : vector<16xi32>
        %bitcast3A_1401 = vector.bitcast %sub3A_1400 : vector<16xi32> to vector<16xf32>
        %mul3A_1402 = arith.constant 5.000000e-01 : f32
        %mul3A_1403 = vector.broadcast %mul3A_1402 : f32 to vector<16xf32>
        %mul3A_1404 = arith.mulf %select_n3A_1395, %mul3A_1403 : vector<16xf32>
        %mul3A_1405 = arith.mulf %mul3A_1404, %bitcast3A_1401 : vector<16xf32>
        %mul3A_1406 = arith.mulf %mul3A_1405, %bitcast3A_1401 : vector<16xf32>
        %sub3A_1407 = arith.constant 1.500000e+00 : f32
        %sub3A_1408 = vector.broadcast %sub3A_1407 : f32 to vector<16xf32>
        %sub3A_1409 = arith.subf %sub3A_1408, %mul3A_1406 : vector<16xf32>
        %mul3A_1410 = arith.mulf %bitcast3A_1401, %sub3A_1409 : vector<16xf32>
        %mul3A_1411 = arith.mulf %mul3A_1404, %mul3A_1410 : vector<16xf32>
        %mul3A_1412 = arith.mulf %mul3A_1411, %mul3A_1410 : vector<16xf32>
        %sub3A_1413 = arith.constant 1.500000e+00 : f32
        %sub3A_1414 = vector.broadcast %sub3A_1413 : f32 to vector<16xf32>
        %sub3A_1415 = arith.subf %sub3A_1414, %mul3A_1412 : vector<16xf32>
        %mul3A_1416 = arith.mulf %mul3A_1410, %sub3A_1415 : vector<16xf32>
        %mul3A_1417 = arith.mulf %mul3A_1404, %mul3A_1416 : vector<16xf32>
        %mul3A_1418 = arith.mulf %mul3A_1417, %mul3A_1416 : vector<16xf32>
        %sub3A_1419 = arith.constant 1.500000e+00 : f32
        %sub3A_1420 = vector.broadcast %sub3A_1419 : f32 to vector<16xf32>
        %sub3A_1421 = arith.subf %sub3A_1420, %mul3A_1418 : vector<16xf32>
        %mul3A_1422 = arith.mulf %mul3A_1416, %sub3A_1421 : vector<16xf32>
        %mul3A_1423 = arith.mulf %select_n3A_1395, %mul3A_1422 : vector<16xf32>
        %jit3A_1424 = arith.constant 2 : i32
        %div3A = arith.divsi %scan3A_441, %jit3A_1424 : i32
        %sign3A = arith.constant 0 : i32
        %sign3A_1425 = arith.cmpi sgt, %scan3A_441, %sign3A : i32
        %sign3A_1426 = arith.extui %sign3A_1425 : i1 to i32
        %sign3A_1427 = arith.constant 0 : i32
        %sign3A_1428 = arith.cmpi slt, %scan3A_441, %sign3A_1427 : i32
        %sign3A_1429 = arith.extui %sign3A_1428 : i1 to i32
        %sign3A_1430 = arith.subi %sign3A_1426, %sign3A_1429 : i32
        %sign3A_1431 = arith.constant 0 : i32
        %sign3A_1432 = arith.cmpi sgt, %jit3A_1424, %sign3A_1431 : i32
        %sign3A_1433 = arith.extui %sign3A_1432 : i1 to i32
        %sign3A_1434 = arith.constant 0 : i32
        %sign3A_1435 = arith.cmpi slt, %jit3A_1424, %sign3A_1434 : i32
        %sign3A_1436 = arith.extui %sign3A_1435 : i1 to i32
        %sign3A_1437 = arith.subi %sign3A_1433, %sign3A_1436 : i32
        %ne3A_1438 = arith.cmpi ne, %sign3A_1430, %sign3A_1437 : i32
        %rem3A_1439 = arith.remsi %scan3A_441, %jit3A_1424 : i32
        %ne3A_1440 = arith.constant 0 : i32
        %ne3A_1441 = arith.cmpi ne, %rem3A_1439, %ne3A_1440 : i32
        %and3A_1442 = arith.andi %ne3A_1438, %ne3A_1441 : i1
        %sub3A_1443 = arith.constant 1 : i32
        %sub3A_1444 = arith.subi %div3A, %sub3A_1443 : i32
        %select_n3A_1445 = arith.select %and3A_1442, %sub3A_1444, %div3A : i32
        %mul3A_1446 = arith.constant 16 : i32
        %mul3A_1447 = arith.muli %select_n3A_1445, %mul3A_1446 : i32
        %add3A_1448 = arith.constant 384 : i32
        %add3A_1449 = arith.addi %add3A_1448, %mul3A_1447 : i32
        %swap3A = arith.index_cast %add3A_1449 : i32 to index
        %swap3A_1450 = tpu.vector_load %arg17[%swap3A] {strides = array<i32>} : memref<512xf32, #tpu.memory_space<vmem>>, vector<16xf32>,
        tpu.vector_store %arg17[%swap3A], %mul3A_1423 {strides = array<i32>} : memref<512xf32, #tpu.memory_space<vmem>>, vector<16xf32>,
      } else {
      }
      scf.yield %add3A_1373 : vector<16xf32>
    }
    %scan3A_440 = arith.constant 16 : i32
    "tpu.region"() ({
      %run_scoped3A = tpu.sem_alloc : memref<!tpu.dma_semaphore, #tpu.memory_space<semaphore_mem>>
      %dma_start3A_441 = tpu.memref_slice %arg7[%mul3A_2] : memref<16384xf32, #tpu.memory_space<hbm>> -> memref<512xf32, #tpu.memory_space<hbm>>
      %dma_start3A_442 = tpu.memref_slice %arg7[%mul3A_2] : memref<16384xf32, #tpu.memory_space<hbm>> -> memref<512xf32, #tpu.memory_space<hbm>>
      tpu.enqueue_dma source(%arg17 : memref<512xf32, #tpu.memory_space<vmem>>) target(%dma_start3A_442 : memref<512xf32, #tpu.memory_space<hbm>>) target_semaphore(%run_scoped3A : memref<!tpu.dma_semaphore, #tpu.memory_space<semaphore_mem>>)
      %dma_wait3A_443 = tpu.memref_slice %arg7[%mul3A_2] : memref<16384xf32, #tpu.memory_space<hbm>> -> memref<512xf32, #tpu.memory_space<hbm>>
      %dma_wait3A_444 = tpu.memref_slice %arg7[%mul3A_2] : memref<16384xf32, #tpu.memory_space<hbm>> -> memref<512xf32, #tpu.memory_space<hbm>>
      tpu.wait_dma2 semaphore(%run_scoped3A : memref<!tpu.dma_semaphore, #tpu.memory_space<semaphore_mem>>) src(%arg17 : memref<512xf32, #tpu.memory_space<vmem>>) dst(%dma_wait3A_444 : memref<512xf32, #tpu.memory_space<hbm>>)
      tpu.yield
    }) : () -> ()
    return
  }
}

</mosaic_0001>

<sc_bundles>
// kernel: kernel.3.cloned.1.call-start
scs
__scs_entry_jumppad:
0x0: {  	(pc) =	sbr.rel $0x88, $3  }
0x1: {  	(tag) =	ssettag $0x0;
	lr =	simm.s32 $0x1  }
0x2: {  	[smem:$0x3F9C] =	sst lr;
	_ =	strace $0xD0000000  }
0x3: {  	_ = 	snop  }
0x4: {  	_ = 	snop  }
0x5: {  	_ = 	snop  }
0x6: {  	_ = 	snop  }
0x7: {  	_ = 	snop  }
__scs_overlays_trampoline_lowered:
0x8: {  	[smem:$0x3FAB] =	sst s0  }
0x9: {  	[smem:$0x3FAC] =	sst s1  }
0xa: {  	[smem:$0x3FAD] =	sst s2  }
0xb: {  	[smem:$0x3FAE] =	sst s3  }
0xc: {  	[smem:$0x3FAF] =	sst s4  }
0xd: {  	[smem:$0x3FB0] =	sst s5  }
0xe: {  	[smem:$0x3FB1] =	sst s6  }
0xf: {  	[smem:$0x3FB2] =	sst s7  }
0x10: {  	[smem:$0x3FB3] =	sst s8  }
0x11: {  	[smem:$0x3FB4] =	sst s9;
	s0 =	simm.s32 @!p0 $0x0  }
0x12: {  	s1 =	sld [smem:$0x3F9A];
	s0 =	simm.s32 @p0 $0x1  }
0x13: {  	[smem:$0x3FB5] =	sst s0;
	s0 =	simm.s32 @!p1 $0x0  }
0x14: {  	s2 =	sld [smem:$0x3F99];
	s0 =	simm.s32 @p1 $0x1  }
0x15: {  	[smem:$0x3FB6] =	sst s0;
	s0 =	simm.s32 @!p2 $0x0  }
0x16: {  	s3 =	sld [smem:$0x3FDB];
	s0 =	simm.s32 @p2 $0x1  }
0x17: {  	s4 =	simm.s32 $0x1BF5;
	[smem:$0x3FB8] =	sst s0  }
0x18: {  	s0 =	sld [smem:$0x3F9B];
	_ =	swait.ge [sflag:s4], $0x0  }
0x19: {  	s7 =	sld [smem:$0x3F9C]  }
0x1a: {  	s8 =	sadd.s32 $0xFFFFE003, lr  }
0x1b: {  	s9 =	sadd.s32 $0xFFFFFEF7, lr;
	s5 =	simm.s32 $0xFFFFFFFF;
	p2 =	slt.u32 s8, $0xFFFFF086  }
0x1c: {  	p1 =	slt.u32 s9, $0xF7A;
	s5 =	simm.s32 @!p2 $0x0  }
0x1d: {  	s5 =	simm.s32 @p1 $0x1;
	p0 =	seq.s32 s7, s2  }
0x1e: {  	s7 =	smul.u32 @!p0 $0xF7A, s2;
	p2 =	seq.s32 @!p0 s5, $0x0  }
0x1f: {  	s9 =	smul.u32 $0xF7A, s1;
	s8 =	simm.s32 @!p0 $0x1BF5;
	p2 =	por !p2, p0  }
0x20: {  	[sflag:s8] =	ssyncset.s32 @!p0 $0xFFFFF086;
	s6 =	sadd.s32 @!p0 s3, s7;
	s7 =	simm.s32 @!p0 $0x108  }
0x21: {  	s3 =	sadd.s32 s3, s9;
	s6 =	sadd.s32 @!p0 $0x88, s6;
	s7 =	simm.s32 @p2 $0x1082  }
0x22: {  	[simem:s7], [sflag:s8] =	dma.local @!p0 [hbm:s6], $0xF7A  }
0x23: {  	s9 =	sor.u32 $0xD0000000, s2;
	s6 =	simm.s32 $0x108;
	_ =	swait.ge @!p0 [sflag:s8], $0x0  }
0x24: {  	s3 =	sadd.s32 $0x88, s3;
	s6 =	simm.s32 @!p1 $0x1082;
	[sflag:s4] =	ssyncset.s32 $0xFFFFF086  }
0x25: {  	[simem:s6], [sflag:s4] =	dma.local [hbm:s3], $0xF7A  }
0x26: {  	[smem:$0x3F9C] =	sst s1;
	(tag) =	ssettag s2;
	_ =	strace s9  }
0x27: {  	s1 =	sld [smem:$0x3FAC]  }
0x28: {  	s2 =	sld [smem:$0x3FAD]  }
0x29: {  	s4 =	sld [smem:$0x3FAF]  }
0x2a: {  	p0 =	seq.s32 s5, $0x0;
	s5 =	sld [smem:$0x3FB0]  }
0x2b: {  	s6 =	sld [smem:$0x3FB1]  }
0x2c: {  	s7 =	sld [smem:$0x3FB2]  }
0x2d: {  	s3 =	simm.s32 $0x108;
	s8 =	sld [smem:$0x3FB3]  }
0x2e: {  	s3 =	simm.s32 @!p0 $0x1082;
	s9 =	sld [smem:$0x3FB4]  }
0x2f: {  	lr =	sadd.s32 s0, s3;
	s0 =	sld [smem:$0x3FAB]  }
0x30: {  	s3 =	sld [smem:$0x3FAE]  }
0x31: {  	[smem:$0x3FB7] =	sst s10  }
0x32: {  	s10 =	sld [smem:$0x3FB5];
	_ =	sdelay $0x3  }
0x33: {  	p0 =	seq.s32 s10, $0x1;
	s10 =	sld [smem:$0x3FB7];
	_ =	sdelay $0x3  }
0x34: {  	[smem:$0x3FB7] =	sst s10  }
0x35: {  	s10 =	sld [smem:$0x3FB6];
	_ =	sdelay $0x3  }
0x36: {  	p1 =	seq.s32 s10, $0x1;
	s10 =	sld [smem:$0x3FB7];
	_ =	sdelay $0x3  }
0x37: {  	[smem:$0x3FB7] =	sst s10  }
0x38: {  	s10 =	sld [smem:$0x3FB8]  }
0x39: {  	_ = 	snop;
	(pc) =	sbr.ind lr, $3  }
0x3a: {  	_ = 	snop  }
0x3b: {  	_ = 	snop  }
0x3c: {  	p2 =	seq.s32 s10, $0x1;
	s10 =	sld [smem:$0x3FB7]  }
0x3d: {  	_ =	shalt  }
0x3e: {  	_ =	shalt  }
0x3f: {  	_ =	shalt  }
0x40: {  	_ =	shalt  }
0x41: {  	_ =	shalt  }
0x42: {  	_ =	shalt  }
0x43: {  	_ =	shalt  }
0x44: {  	_ =	shalt  }
0x45: {  	_ =	shalt  }
0x46: {  	_ =	shalt  }
0x47: {  	_ =	shalt  }
0x48: {  	_ =	shalt  }
0x49: {  	_ =	shalt  }
0x4a: {  	_ =	shalt  }
0x4b: {  	_ =	shalt  }
0x4c: {  	_ =	shalt  }
0x4d: {  	_ =	shalt  }
0x4e: {  	_ =	shalt  }
0x4f: {  	_ =	shalt  }
0x50: {  	_ =	shalt  }
0x51: {  	_ =	shalt  }
0x52: {  	_ =	shalt  }
0x53: {  	_ =	shalt  }
0x54: {  	_ =	shalt  }
0x55: {  	_ =	shalt  }
0x56: {  	_ =	shalt  }
0x57: {  	_ =	shalt  }
0x58: {  	_ =	shalt  }
0x59: {  	_ =	shalt  }
0x5a: {  	_ =	shalt  }
0x5b: {  	_ =	shalt  }
0x5c: {  	_ =	shalt  }
0x5d: {  	_ =	shalt  }
0x5e: {  	_ =	shalt  }
0x5f: {  	_ =	shalt  }
0x60: {  	_ =	shalt  }
0x61: {  	_ =	shalt  }
0x62: {  	_ =	shalt  }
0x63: {  	_ =	shalt  }
0x64: {  	_ =	shalt  }
0x65: {  	_ =	shalt  }
0x66: {  	_ =	shalt  }
0x67: {  	_ =	shalt  }
0x68: {  	_ =	shalt  }
0x69: {  	_ =	shalt  }
0x6a: {  	_ =	shalt  }
0x6b: {  	_ =	shalt  }
0x6c: {  	_ =	shalt  }
0x6d: {  	_ =	shalt  }
0x6e: {  	_ =	shalt  }
0x6f: {  	_ =	shalt  }
0x70: {  	_ =	shalt  }
0x71: {  	_ =	shalt  }
0x72: {  	_ =	shalt  }
0x73: {  	_ =	shalt  }
0x74: {  	_ =	shalt  }
0x75: {  	_ =	shalt  }
0x76: {  	_ =	shalt  }
0x77: {  	_ =	shalt  }
0x78: {  	_ =	shalt  }
0x79: {  	_ =	shalt  }
0x7a: {  	_ =	shalt  }
0x7b: {  	_ =	shalt  }
0x7c: {  	_ =	shalt  }
0x7d: {  	_ =	shalt  }
0x7e: {  	_ =	shalt  }
0x7f: {  	_ =	shalt  }
0x80: {  	_ =	shalt  }
0x81: {  	_ =	shalt  }
0x82: {  	_ =	shalt  }
0x83: {  	_ =	shalt  }
0x84: {  	_ =	shalt  }
0x85: {  	_ =	shalt  }
0x86: {  	_ =	shalt  }
0x87: {  	_ =	shalt  }
.Lfunc_end0:
.L_simem_size_0:
called_computation_lowered:
.L_overlay_start_0:
0x88: {  	s2 =	sld [smem:$0x3FD9]  }
0x89: {  	s3 =	sld [smem:$0x3FFE];
	_ =	sdelay $0x1  }
0x8a: {  	s1 =	srdreg.scid  }
0x8b: {  	s0 =	sand.u32 $0x1, s1  }
0x8c: {  	s18 =	sshll.u32 s0, $0xA;
	s2 =	sadd.s32 s3, s2  }
0x8d: {  	s2 =	sadd.s32 s2, s18  }
0x8e: {  	[smem:$0x3FC3] =	sst s2  }
0x8f: {  	_ = 	snop  }
0x90: {  	s2 =	sld [smem:$0x3FC9]  }
0x91: {  	s19 =	sld [smem:$0x3FC8]  }
0x92: {  	s4 =	sld [smem:$0x3FC7]  }
0x93: {  	s5 =	sld [smem:$0x3FC6]  }
0x94: {  	s6 =	sld [smem:$0x3FC5]  }
0x95: {  	s7 =	sld [smem:$0x3FD0];
	(tm) =	ssettm $0x1  }
0x96: {  	s8 =	sld [smem:$0x3FFB];
	_ =	sdelay $0x3  }
0x97: {  	_ =	strace s8  }
0x98: {  	s8 =	sld [smem:$0x3FFC];
	_ =	sdelay $0x3  }
0x99: {  	_ =	strace s8  }
0x9a: {  	s8 =	sld [smem:$0x3FFD];
	_ =	sdelay $0x3  }
0x9b: {  	_ =	strace s8  }
0x9c: {  	_ =	strace $0x8FFFFFFF  }
0x9d: {  	s20 =	sld [smem:$0x3FDB];
	_ =	sdelay $0x1  }
0x9e: {  	s9 =	simm.s32 $_scs_section_size  }
0x9f: {  	s10 =	simm.s32 $_size__tile_overlayer_lowered;
	s11 =	simm.s32 $_tile_overlayer_lowered  }
0xa0: {  	s23 =	simm.s32 $0x1BFF;
	s22 =	sshll.u32 s11, $0x1;
	s8 =	sadd.s32 s9, s20  }
0xa1: {  	s12 =	simm.s32 $0x0;
	s21 =	sshll.u32 s10, $0x1;
	s10 =	sadd.s32 s22, s8  }
0xa2: {  	[timem:s12], [sflag:s23] =	dma.local [hbm:s10], s21  }
0xa3: {  	_ =	swait.ge [sflag:s23], s21  }
0xa4: {  	s9 =	ssub.s32 $0x0, s21;
	[sflag:s23] =	ssyncset.done $0x0  }
0xa5: {  	[sflag:s23] =	ssyncadd.s32 s9;
	_ =	sdelay $0x1  }
0xa6: {  	s24 =	simm.s32 $0x1B8B  }
0xa7: {  	_ =	swait.ge [sflag:s24], $0x1  }
0xa8: {  	[sflag:s24] =	ssyncset.done $0x0  }
0xa9: {  	s25 =	simm.s32 $0x1B8E;
	[sflag:s24] =	ssyncadd.s32 $0xFFFFFFFF  }
0xaa: {  	s26 =	simm.s32 $execute0_lowered;
	[smem:$0x3FD2] =	sst s25  }
0xab: {  	s9 =	sshll.u32 s26, $0x1;
	_ =	strace $0x80000046;
	[dreg:$0x1] =	wrdreg $0xFFFFFFFF  }
0xac: {  	s28 =	simm.s32 $_size_execute0_lowered;
	s8 =	sadd.s32 s8, s9;
	[dreg:$0x0] =	wrdreg $0x0  }
0xad: {  	s9 =	sshll.u32 s28, $0x1;
	[dreg:$0x2] =	wrdreg s8  }
0xae: {  	[dreg:$0x3] =	wrdreg s9  }
0xaf: {  	[dreg:$0x4] =	wrdreg $0xC0  }
0xb0: {  	_ =	task [dreg:s12], $0x5FFFF  }
0xb1: {  	[dreg:$0x1] =	wrdreg $0xFFFFFFFF  }
0xb2: {  	[dreg:$0x0] =	wrdreg $0x60  }
0xb3: {  	[dreg:$0x2] =	wrdreg s2  }
0xb4: {  	[dreg:$0x3] =	wrdreg s19  }
0xb5: {  	[dreg:$0x4] =	wrdreg s4  }
0xb6: {  	[dreg:$0x5] =	wrdreg s5  }
0xb7: {  	[dreg:$0x6] =	wrdreg s6  }
0xb8: {  	[dreg:$0x7] =	wrdreg s7  }
0xb9: {  	[dreg:$0x8] =	wrdreg $0x188000  }
0xba: {  	[dreg:$0x9] =	wrdreg $0x9  }
0xbb: {  	_ =	task.clear_ibuf [dreg:s12], $0xAFFFF;
	_ =	strace $0x90000046  }
0xbc: {  	s29 =	simm.s32 $0x9;
	_ =	strace $0x80000048  }
0xbd: {  	_ =	swait.ge [sflag:s29], $0x1  }
0xbe: {  	[sflag:s29] =	ssyncadd.s32 $0xFFFFFFFF  }
0xbf: {  	_ =	strace $0x90000048  }
0xc0: {  	_ =	sfence  }
0xc1: {  	s30 =	sld [smem:$0x0];
	_ =	sdelay $0x2  }
0xc2: {  	s31 =	sshll.u32 s1, $0xD;
	s1 =	sshrl.u32 s1, $0x2  }
0xc3: {  	s3 =	sand.u32 $0x4000, s31;
	s1 =	sadd.s32 s1, s30  }
0xc4: {  	s0 =	sor.u32 s3, s0;
	s1 =	sshll.u32 s1, $0x11  }
0xc5: {  	s0 =	sor.u32 s1, s0  }
0xc6: {  	s0 =	sadd.s32 $0x8F2B, s0  }
0xc7: {  	[sflag:s0] =	ssyncadd.remote.s32 $0x1  }
0xc8: {  	_ =	sfence.sel $0xFFFF  }
0xc9: {  	[dreg:$0x0] =	wrdreg $0xFFFFFFFF;
	(pc) =	sbr.abs _section_cstart, $3  }
0xca: {  	[dreg:$0x1] =	wrdreg $0xFFFFFFFF  }
0xcb: {  	_ =	task.clear_ibuf [dreg:s12], $0x2FFFF;
	_ =	strace $0x9FFFFFFF  }
0xcc: {  	(tm) =	ssettm $0x7FFFFFFF  }
0xcd: {  	_ =	shalt  }
tec
execute0_lowered:
.L_overlay_start_1:
0x0: {  	(tag) =	ssettag $0x1  }
0x1: {  	s1 =	rddreg [dreg:$0x0]  }
0x2: {  	s2 =	rddreg [dreg:$0x1]  }
0x3: {  	s5 =	rddreg [dreg:$0x2]  }
0x4: {  	s0 =	rddreg [dreg:$0x3]  }
0x5: {  	s6 =	rddreg [dreg:$0x5]  }
0x6: {  	v0 =	vimm.s32 $0xFEDCBA98;
	s3 =	rddreg [dreg:$0x6];
	s7 =	srdreg.scid;
	v1 =	vimm.s32 $0x76543210;
	v2 =	vimm.s32 $0xBA98FEDC  }
0x7: {  	s4 =	simm.s32 $0x0;
	s8 =	stileid.u32;
	v3 =	vimm.s32 $0x32107654;
	v4 =	vimm.s32 $0xDCFE98BA;
	s28 =	simm.s32 $0x500  }
0x8: {  	vm0 =	vcmask $0x2F20;
	vm1 =	vcmask $0xF00;
	s29 =	simm.s32 $0x180;
	s30 =	simm.s32 $0x380;
	s31 =	simm.s32 $0x580  }
0x9: {  	vm2 =	vcmask $0x700;
	v63 =	vimm.s32 $0xEFCDAB89;
	v5 =	vimm.s32 $0x67452301;
	s7 =	sand.u32 $0x1, s7;
	[smem:$0x7FF] =	sst s4;
	s11 =	sshll.u32 s8, $0x7  }
0xa: {  	vm3 =	vcmask $0x300;
	v0 =	vunpack.c.l.s4.s8 v0;
	v1 =	vunpack.c.l.s4.s8 v1;
	p0 =	sne.s32 s8, $0x0;
	s9 =	ssub.s32 $0x2, s7;
	s7 =	sshll.u32 s7, $0x6  }
0xb: {  	v2 =	vunpack.c.l.s4.s8 v2;
	v3 =	vunpack.c.l.s4.s8 v3;
	v4 =	vunpack.c.l.s4.s8 v4;
	s8 =	simm.s32 $0x3;
	s10 =	sshrl.u32 s9, $0x1;
	s7 =	sor.u32 s7, s11  }
0xc: {  	vm0 =	vmor vm1, vm0;
	vm1 =	vcmask $0x1710;
	v5 =	vunpack.c.l.s4.s8 v5;
	_ =	strace $0x80000047;
	s9 =	ssub.s32 s9, s10;
	s18 =	sadd.s32 s1, s7  }
0xd: {  	vm1 =	vmor vm2, vm1;
	vm2 =	vcmask $0x2720;
	v0 =	vunpack.c.0.s8.s32 v0;
	s19 =	sadd.s32 s2, s7;
	s20 =	sor.u32 $0x10, s7;
	s11 =	sadd.s32 s5, s7  }
0xe: {  	v1 =	vunpack.c.0.s8.s32 v1;
	v2 =	vunpack.c.0.s8.s32 v2;
	v3 =	vunpack.c.0.s8.s32 v3;
	s22 =	sor.u32 $0x20, s7;
	s26 =	sor.u32 $0x30, s7;
	[dreg:$0x8] =	wrdreg s18  }
0xf: {  	vm1 =	vmor vm1, vm2;
	vm2 =	vcmask $0x3730;
	s17 =	sadd.s32 s6, s7;
	s6 =	simm.s32 $0x4600;
	v0 =	vand.u32 $0xF, v0;
	[dreg:$0x9] =	wrdreg s19  }
0x10: {  	s7 =	simm.s32 $0x2;
	[dreg:$0xa] =	wrdreg s11;
	s21 =	sadd.s32 s1, s20;
	v0 =	vcombine.low v0, v1;
	v1 =	vcombine.low v3, v2;
	v3 =	vimm.s32 $0x54761032  }
0x11: {  	v5 =	vunpack.c.0.s8.s32 v5;
	vm1 =	vmor vm1, vm2;
	s12 =	sadd.s32 s2, s20;
	s10 =	sadd.s32 s5, s20;
	s23 =	sadd.s32 s1, s22;
	v3 =	vunpack.c.l.s4.s8 v3  }
0x12: {  	vm2 =	vcmask $0xB08;
	s24 =	sadd.s32 s2, s22;
	s25 =	sadd.s32 s5, s22;
	[dreg:$0xb] =	wrdreg s21;
	v2 =	vunpack.c.0.s8.s32 v4;
	v4 =	vunpack.c.l.s4.s8 v63  }
0x13: {  	s1 =	sadd.s32 s1, s26;
	s15 =	sadd.s32 s2, s26;
	vm2 =	vmor vm3, vm2;
	vm3 =	vcmask $0x1310;
	[dreg:$0xc] =	wrdreg s12;
	v3 =	vunpack.c.0.s8.s32 v3  }
0x14: {  	s16 =	sadd.s32 s5, s26;
	s18 =	smax.u32 s9, $0x1;
	[dreg:$0xd] =	wrdreg s10;
	vm2 =	vmor vm2, vm3;
	vm3 =	vcmask $0x1B18;
	v4 =	vunpack.c.0.s8.s32 v4  }
0x15: {  	s19 =	sshrl.u32 @!p0 s3, $0x3;
	s22 =	simm.s32 $0x80;
	[dreg:$0xe] =	wrdreg s23;
	vm2 =	vmor vm2, vm3;
	vm3 =	vcmask $0x2320;
	v2 =	vcombine.low v3, v2  }
0x16: {  	s2 =	simm.s32 $0x1;
	s5 =	simm.s32 $0xC600;
	[dreg:$0xf] =	wrdreg s24;
	vm2 =	vmor vm2, vm3;
	vm3 =	vcmask $0x2B28;
	v3 =	vcombine.low v5, v4  }
0x17: {  	s20 =	simm.s32 $0x4;
	s9 =	simm.s32 $0x5;
	[dreg:$0x10] =	wrdreg s25;
	vm2 =	vmor vm2, vm3;
	vm3 =	vcmask $0x3330;
	v10 =	vand.u32 $0xF, v2  }
0x18: {  	s11 =	simm.s32 $0x7;
	[dreg:$0x11] =	wrdreg s1;
	s1 =	simm.s32 $0x600;
	vm2 =	vmor vm2, vm3;
	vm3 =	vcmask $0x3B38;
	v7 =	vand.u32 $0xF, v3;
	[tilespmem:$0x1FFE0] =	vst v10  }
0x19: {  	s21 =	simm.s32 $0x8600;
	s10 =	simm.s32 $0x6;
	s23 =	simm.s32 $0x0;
	v1 =	vand.u32 $0xF, v1;
	vm2 =	vmor vm2, vm3;
	[tilespmem:$0x1FFF0] =	vst v7  }
.LBB2_1:
0x1a: {  	s12 =	simm.s32 @!p0 $0x1C07;
	s13 =	rddreg [dreg:$0x4]  }
0x1b: {  	[spmem:s19], [sflag:s12] =	dma.local @!p0 [hbm:s13], $0x1F40  }
0x1c: {  	s12 =	simm.s32 @!p0 $0x7  }
0x1d: {  	_ =	swait.ge @!p0 [sflag:s12], $0x1F40  }
0x1e: {  	[sflag:s12] =	ssyncset.done @!p0 $0x0  }
0x1f: {  	s24 =	rddreg [dreg:$0x8];
	[sflag:s12] =	ssyncadd.s32 @!p0 $0xFFFFE0C0  }
0x20: {  	[tilespmem:s4], [sflag:$0x1] =	stream.linear.gather [hbm4b:s24+s4], $0x80, $0x38;
	[tilespmem:$0x197A0] =	vst v63  }
0x21: {  	s13 =	simm.s32 $0x200;
	s25 =	rddreg [dreg:$0x9]  }
0x22: {  	[tilespmem:s13], [sflag:$0x1] =	stream.linear.gather [hbm4b:s25+s4], $0x80, $0x38;
	[tilespmem:$0x197A0] =	vst v63  }
0x23: {  	s14 =	simm.s32 $0x400;
	s26 =	rddreg [dreg:$0xa]  }
0x24: {  	[tilespmem:s14], [sflag:$0x1] =	stream.linear.gather [hbm4b:s26+s4], $0x80, $0x38;
	[tilespmem:$0x197A0] =	vst v63  }
0x25: {  	s24 =	rddreg [dreg:$0xb]  }
0x26: {  	[tilespmem:s22], [sflag:$0x1] =	stream.linear.gather [hbm4b:s24+s4], $0x80, $0x38;
	[tilespmem:$0x197A0] =	vst v63  }
0x27: {  	s25 =	rddreg [dreg:$0xc];
	s24 =	simm.s32 $0x280  }
0x28: {  	[tilespmem:s24], [sflag:$0x1] =	stream.linear.gather [hbm4b:s25+s4], $0x80, $0x38;
	[tilespmem:$0x197A0] =	vst v63  }
0x29: {  	s26 =	rddreg [dreg:$0xd];
	s25 =	simm.s32 $0x480  }
0x2a: {  	[tilespmem:s25], [sflag:$0x1] =	stream.linear.gather [hbm4b:s26+s4], $0x80, $0x38;
	[tilespmem:$0x197A0] =	vst v63  }
0x2b: {  	s12 =	rddreg [dreg:$0xe];
	s26 =	simm.s32 $0x100  }
0x2c: {  	[tilespmem:s26], [sflag:$0x1] =	stream.linear.gather [hbm4b:s12+s4], $0x80, $0x38;
	[tilespmem:$0x197A0] =	vst v63  }
0x2d: {  	s12 =	rddreg [dreg:$0xf];
	s26 =	simm.s32 $0x300  }
0x2e: {  	[tilespmem:s26], [sflag:$0x1] =	stream.linear.gather [hbm4b:s12+s4], $0x80, $0x38;
	[tilespmem:$0x197A0] =	vst v63  }
0x2f: {  	s12 =	rddreg [dreg:$0x10]  }
0x30: {  	[tilespmem:s28], [sflag:$0x1] =	stream.linear.gather [hbm4b:s12+s4], $0x80, $0x38;
	[tilespmem:$0x197A0] =	vst v63  }
0x31: {  	s12 =	rddreg [dreg:$0x11]  }
0x32: {  	[tilespmem:s29], [sflag:$0x1] =	stream.linear.gather [hbm4b:s12+s4], $0x80, $0x38;
	[tilespmem:$0x197A0] =	vst v63  }
0x33: {  	_ = 	snop  }
0x34: {  	[tilespmem:s30], [sflag:$0x1] =	stream.linear.gather [hbm4b:s15+s4], $0x80, $0x38;
	[tilespmem:$0x197A0] =	vst v63  }
0x35: {  	_ = 	snop  }
0x36: {  	[tilespmem:s31], [sflag:$0x1] =	stream.linear.gather [hbm4b:s16+s4], $0x80, $0x38;
	[tilespmem:$0x197A0] =	vst v63  }
0x37: {  	_ =	swait.ge [sflag:s2], $0x80  }
0x38: {  	[sflag:s2] =	ssyncset.done $0x0  }
0x39: {  	[sflag:s2] =	ssyncadd.s32 $0xFFFFFF80  }
0x3a: {  	_ =	swait.ge [sflag:s2], $0x80  }
0x3b: {  	[sflag:s2] =	ssyncset.done $0x0  }
0x3c: {  	[sflag:s2] =	ssyncadd.s32 $0xFFFFFF80  }
0x3d: {  	_ =	swait.ge [sflag:s2], $0x80  }
0x3e: {  	[sflag:s2] =	ssyncset.done $0x0  }
0x3f: {  	[sflag:s2] =	ssyncadd.s32 $0xFFFFFF80  }
0x40: {  	_ =	swait.ge [sflag:s2], $0x80  }
0x41: {  	[sflag:s2] =	ssyncset.done $0x0  }
0x42: {  	[sflag:s2] =	ssyncadd.s32 $0xFFFFFF80  }
0x43: {  	_ =	swait.ge [sflag:s2], $0x80  }
0x44: {  	[sflag:s2] =	ssyncset.done $0x0  }
0x45: {  	[sflag:s2] =	ssyncadd.s32 $0xFFFFFF80  }
0x46: {  	_ =	swait.ge [sflag:s2], $0x80  }
0x47: {  	[sflag:s2] =	ssyncset.done $0x0  }
0x48: {  	[sflag:s2] =	ssyncadd.s32 $0xFFFFFF80  }
0x49: {  	_ =	swait.ge [sflag:s2], $0x80  }
0x4a: {  	[sflag:s2] =	ssyncset.done $0x0  }
0x4b: {  	[sflag:s2] =	ssyncadd.s32 $0xFFFFFF80  }
0x4c: {  	_ =	swait.ge [sflag:s2], $0x80  }
0x4d: {  	[sflag:s2] =	ssyncset.done $0x0  }
0x4e: {  	[sflag:s2] =	ssyncadd.s32 $0xFFFFFF80  }
0x4f: {  	_ =	swait.ge [sflag:s2], $0x80  }
0x50: {  	[sflag:s2] =	ssyncset.done $0x0  }
0x51: {  	[sflag:s2] =	ssyncadd.s32 $0xFFFFFF80  }
0x52: {  	_ =	swait.ge [sflag:s2], $0x80  }
0x53: {  	[sflag:s2] =	ssyncset.done $0x0  }
0x54: {  	[sflag:s2] =	ssyncadd.s32 $0xFFFFFF80  }
0x55: {  	_ =	swait.ge [sflag:s2], $0x80  }
0x56: {  	[sflag:s2] =	ssyncset.done $0x0  }
0x57: {  	[sflag:s2] =	ssyncadd.s32 $0xFFFFFF80  }
0x58: {  	_ =	swait.ge [sflag:s2], $0x80  }
0x59: {  	[sflag:s2] =	ssyncset.done $0x0  }
0x5a: {  	[sflag:s2] =	ssyncadd.s32 $0xFFFFFF80  }
0x5b: {  	[bflag:$0x0] =	sbarrier.arrive $0xFFFF  }
0x5c: {  	[tilespmem:s1], [sflag:$0x2] =	stream.indirect.gather [spmem:s3], $0x80, s13, s22, $0xb8;
	[tilespmem:$0x197A0] =	vst v63  }
0x5d: {  	_ = 	snop  }
0x5e: {  	[tilespmem:s5], [sflag:$0x4] =	stream.indirect.gather [hbm4b:s0+s22], $0x80, s14, s22, $0xb8;
	[tilespmem:$0x197A0] =	vst v63  }
0x5f: {  	_ = 	snop  }
0x60: {  	[tilespmem:s6], [sflag:$0x2] =	stream.indirect.gather [spmem:s3], $0x80, s24, s22, $0xb8;
	[tilespmem:$0x197A0] =	vst v63  }
0x61: {  	s24 =	simm.s32 $0x10600  }
0x62: {  	[tilespmem:s24], [sflag:$0x5] =	stream.indirect.gather [hbm4b:s0+s22], $0x80, s25, s22, $0xb8;
	[tilespmem:$0x197A0] =	vst v63  }
0x63: {  	_ =	swait.ge [sflag:s7], $0x4000  }
0x64: {  	[sflag:s7] =	ssyncset.done $0x0  }
0x65: {  	[sflag:s7] =	ssyncadd.s32 $0xFFFFC000  }
0x66: {  	[tilespmem:s1], [sflag:$0x3] =	stream.indirect.gather.add.f32 [hbm:s0], $0x80, s4, s22, $0xb8;
	[tilespmem:$0x197A0] =	vst v63  }
0x67: {  	_ =	swait.ge [sflag:s8], $0x4000  }
0x68: {  	[sflag:s8] =	ssyncset.done $0x0  }
0x69: {  	[sflag:s8] =	ssyncadd.s32 $0xFFFFC000  }
0x6a: {  	_ =	swait.ge [sflag:s20], $0x4000  }
0x6b: {  	[sflag:s20] =	ssyncset.done $0x0  }
0x6c: {  	[sflag:s20] =	ssyncadd.s32 $0xFFFFC000  }
0x6d: {  	_ =	swait.ge [sflag:s7], $0x4000  }
0x6e: {  	[sflag:s7] =	ssyncset.done $0x0  }
0x6f: {  	[sflag:s7] =	ssyncadd.s32 $0xFFFFC000  }
0x70: {  	[tilespmem:s6], [sflag:$0x3] =	stream.indirect.gather.add.f32 [hbm:s0], $0x80, s22, s22, $0xb8;
	[tilespmem:$0x197A0] =	vst v63  }
0x71: {  	s12 =	simm.s32 $0xC800;
	s13 =	simm.s32 $0x0  }
0x72: {  	[tilespmem:s21], [sflag:$0x2] =	stream.indirect.gather [spmem:s3], $0x80, s26, s22, $0xb8;
	[tilespmem:$0x197A0] =	vst v63  }
0x73: {  	s24 =	simm.s32 $0x800;
	s25 =	simm.s32 $0x0;
	s26 =	simm.s32 $0x14600  }
0x74: {  	v2 =	vimm.f32 $0.0e+00;
	[tilespmem:s26], [sflag:$0x6] =	stream.indirect.gather [hbm4b:s0+s22], $0x80, s28, s22, $0xb8;
	[tilespmem:$0x197A0] =	vst v63  }
.LBB2_2:
0x75: {  	v5 =	vld [tilespmem:s24+$0xFFFFFE00]  }
0x76: {  	v6 =	vld [tilespmem:s12+$0xFFFFFE00]  }
0x77: {  	v9 =	vld [tilespmem:s24+$0xFFFFFE10]  }
0x78: {  	v10 =	vld [tilespmem:s12+$0xFFFFFE10]  }
0x79: {  	v11 =	vld [tilespmem:s24+$0xFFFFFE20]  }
0x7a: {  	v12 =	vld [tilespmem:s12+$0xFFFFFE20]  }
0x7b: {  	v13 =	vld [tilespmem:s24+$0xFFFFFE30]  }
0x7c: {  	v14 =	vld [tilespmem:s12+$0xFFFFFE30]  }
0x7d: {  	v15 =	vld [tilespmem:s24+$0xFFFFFE40]  }
0x7e: {  	v16 =	vld [tilespmem:s12+$0xFFFFFE40]  }
0x7f: {  	v17 =	vld [tilespmem:s24+$0xFFFFFE50]  }
0x80: {  	v18 =	vld [tilespmem:s12+$0xFFFFFE50]  }
0x81: {  	v19 =	vld [tilespmem:s24+$0xFFFFFE60]  }
0x82: {  	v20 =	vld [tilespmem:s12+$0xFFFFFE60]  }
0x83: {  	v21 =	vld [tilespmem:s24+$0xFFFFFE70]  }
0x84: {  	v22 =	vld [tilespmem:s12+$0xFFFFFE70]  }
0x85: {  	v23 =	vld [tilespmem:s24+$0xFFFFFE80]  }
0x86: {  	v24 =	vld [tilespmem:s12+$0xFFFFFE80]  }
0x87: {  	v25 =	vld [tilespmem:s24+$0xFFFFFE90]  }
0x88: {  	v26 =	vld [tilespmem:s12+$0xFFFFFE90]  }
0x89: {  	v27 =	vld [tilespmem:s24+$0xFFFFFEA0]  }
0x8a: {  	v28 =	vld [tilespmem:s12+$0xFFFFFEA0]  }
0x8b: {  	v29 =	vld [tilespmem:s24+$0xFFFFFEB0]  }
0x8c: {  	v30 =	vld [tilespmem:s12+$0xFFFFFEB0]  }
0x8d: {  	v31 =	vld [tilespmem:s24+$0xFFFFFEC0]  }
0x8e: {  	v32 =	vld [tilespmem:s12+$0xFFFFFEC0]  }
0x8f: {  	v33 =	vld [tilespmem:s24+$0xFFFFFED0]  }
0x90: {  	v34 =	vld [tilespmem:s12+$0xFFFFFED0]  }
0x91: {  	v35 =	vld [tilespmem:s24+$0xFFFFFEE0]  }
0x92: {  	v36 =	vld [tilespmem:s12+$0xFFFFFEE0]  }
0x93: {  	v37 =	vld [tilespmem:s24+$0xFFFFFEF0]  }
0x94: {  	v38 =	vld [tilespmem:s12+$0xFFFFFEF0]  }
0x95: {  	v39 =	vld [tilespmem:s24+$0xFFFFFF00]  }
0x96: {  	v40 =	vld [tilespmem:s12+$0xFFFFFF00]  }
0x97: {  	v41 =	vld [tilespmem:s24+$0xFFFFFF10]  }
0x98: {  	v42 =	vld [tilespmem:s12+$0xFFFFFF10]  }
0x99: {  	v43 =	vld [tilespmem:s24+$0xFFFFFF20]  }
0x9a: {  	v44 =	vld [tilespmem:s12+$0xFFFFFF20]  }
0x9b: {  	v45 =	vld [tilespmem:s24+$0xFFFFFF30]  }
0x9c: {  	v46 =	vld [tilespmem:s12+$0xFFFFFF30]  }
0x9d: {  	v47 =	vld [tilespmem:s24+$0xFFFFFF40]  }
0x9e: {  	v48 =	vld [tilespmem:s12+$0xFFFFFF40]  }
0x9f: {  	v49 =	vld [tilespmem:s24+$0xFFFFFF50]  }
0xa0: {  	v50 =	vld [tilespmem:s12+$0xFFFFFF50]  }
0xa1: {  	v51 =	vld [tilespmem:s24+$0xFFFFFF60]  }
0xa2: {  	v52 =	vld [tilespmem:s12+$0xFFFFFF60]  }
0xa3: {  	[tilespmem:$0x1FFD0] =	vst v2;
	v2 =	vld [tilespmem:s24+$0xFFFFFF70]  }
0xa4: {  	v8 =	vld [tilespmem:s12+$0xFFFFFF70]  }
0xa5: {  	v53 =	vld [tilespmem:s24+$0xFFFFFF80]  }
0xa6: {  	v54 =	vld [tilespmem:s12+$0xFFFFFF80]  }
0xa7: {  	v55 =	vld [tilespmem:s24+$0xFFFFFF90]  }
0xa8: {  	v56 =	vld [tilespmem:s12+$0xFFFFFF90]  }
0xa9: {  	v57 =	vld [tilespmem:s24+$0xFFFFFFA0]  }
0xaa: {  	v58 =	vld [tilespmem:s12+$0xFFFFFFA0]  }
0xab: {  	v59 =	vld [tilespmem:s24+$0xFFFFFFB0]  }
0xac: {  	v60 =	vld [tilespmem:s12+$0xFFFFFFB0]  }
0xad: {  	v61 =	vld [tilespmem:s24+$0xFFFFFFC0]  }
0xae: {  	v62 =	vld [tilespmem:s12+$0xFFFFFFC0]  }
0xaf: {  	v63 =	vld [tilespmem:s24+$0xFFFFFFD0]  }
0xb0: {  	v3 =	vld [tilespmem:s12+$0xFFFFFFD0]  }
0xb1: {  	v7 =	vld [tilespmem:s24+$0xFFFFFFE0]  }
0xb2: {  	v4 =	vld [tilespmem:s12+$0xFFFFFFE0]  }
0xb3: {  	v5 =	vsub.f32 v5, v6;
	v6 =	vsub.f32 v9, v10;
	v9 =	vld [tilespmem:s24+$0xFFFFFFF0]  }
0xb4: {  	v10 =	vld [tilespmem:s12+$0xFFFFFFF0]  }
0xb5: {  	v11 =	vsub.f32 v11, v12;
	v12 =	vld [tilespmem:s24+$0x0]  }
0xb6: {  	[tilespmem:$0x1FFC0] =	vst v2;
	v2 =	vld [tilespmem:s12+$0x0]  }
0xb7: {  	v40 =	vsub.f32 v39, v40;
	v39 =	vld [tilespmem:s12+$0xB0]  }
0xb8: {  	v44 =	vsub.f32 v43, v44;
	v53 =	vsub.f32 v53, v54;
	v43 =	vld [tilespmem:s24+$0xD0]  }
0xb9: {  	v54 =	vsub.f32 v55, v56;
	v56 =	vsub.f32 v45, v46;
	v45 =	vld [tilespmem:s24+$0xE0]  }
0xba: {  	v31 =	vsub.f32 v31, v32;
	v46 =	vld [tilespmem:s12+$0xE0]  }
0xbb: {  	v32 =	vsub.f32 v33, v34;
	v42 =	vsub.f32 v41, v42;
	v41 =	vld [tilespmem:s12+$0xF0]  }
0xbc: {  	v28 =	vsub.f32 v27, v28;
	v4 =	vsub.f32 v7, v4;
	v7 =	vld [tilespmem:s12+$0x100];
	v5 =	vmul.f32 v5, v5  }
0xbd: {  	v35 =	vsub.f32 v35, v36;
	v34 =	vmul.f32 v32, v32;
	v32 =	vmul.f32 v42, v42;
	v42 =	vld [tilespmem:s12+$0xC0]  }
0xbe: {  	v6 =	vmul.f32 v6, v6;
	v55 =	vmul.f32 v44, v44;
	v44 =	vld [tilespmem:s12+$0xD0]  }
0xbf: {  	v27 =	vmul.f32 v28, v28;
	v28 =	vsub.f32 v29, v30;
	v36 =	vmul.f32 v35, v35;
	v35 =	vld [tilespmem:s24+$0x100]  }
0xc0: {  	v5 =	vadd.f32 v6, v5;
	v6 =	vmul.f32 v11, v11;
	v11 =	vsub.f32 v13, v14;
	v13 =	vld [tilespmem:s24+$0x10]  }
0xc1: {  	v14 =	vld [tilespmem:s12+$0x10]  }
0xc2: {  	v30 =	vmul.f32 v28, v28;
	v28 =	vmul.f32 v40, v40;
	v40 =	vld [tilespmem:s24+$0xC0]  }
0xc3: {  	v2 =	vsub.f32 v12, v2;
	v12 =	vld [tilespmem:s24+$0x170]  }
0xc4: {  	v5 =	vadd.f32 v6, v5;
	v6 =	vmul.f32 v11, v11;
	v11 =	vsub.f32 v15, v16;
	v15 =	vld [tilespmem:s24+$0x20]  }
0xc5: {  	v16 =	vld [tilespmem:s12+$0x20]  }
0xc6: {  	v28 =	vadd.f32 v32, v28;
	v32 =	vld [tilespmem:s12+$0x110]  }
0xc7: {  	v5 =	vadd.f32 v6, v5;
	v6 =	vmul.f32 v11, v11;
	v11 =	vsub.f32 v17, v18;
	v17 =	vld [tilespmem:s24+$0x30]  }
0xc8: {  	v18 =	vsub.f32 v23, v24;
	v24 =	vld [tilespmem:s12+$0x30]  }
0xc9: {  	v23 =	vsub.f32 v25, v26;
	v25 =	vld [tilespmem:s12+$0x40]  }
0xca: {  	v26 =	vsub.f32 v21, v22;
	v21 =	vld [tilespmem:s24+$0x50]  }
0xcb: {  	v57 =	vsub.f32 v57, v58;
	v22 =	vld [tilespmem:s12+$0x70]  }
0xcc: {  	v5 =	vadd.f32 v6, v5;
	v6 =	vmul.f32 v11, v11;
	v11 =	vsub.f32 v19, v20;
	v19 =	vld [tilespmem:s24+$0x40]  }
0xcd: {  	v3 =	vsub.f32 v63, v3;
	v18 =	vmul.f32 v18, v18;
	v20 =	vmul.f32 v23, v23;
	v23 =	vld [tilespmem:s12+$0x50]  }
0xce: {  	v58 =	vmul.f32 v56, v56;
	v28 =	vadd.f32 v55, v28;
	v29 =	vmul.f32 v26, v26;
	v26 =	vld [tilespmem:s12+$0x60]  }
0xcf: {  	v5 =	vadd.f32 v6, v5;
	v6 =	vmul.f32 v11, v11;
	v18 =	vadd.f32 v20, v18;
	v11 =	vld [tilespmem:s24+$0x60]  }
0xd0: {  	v3 =	vmul.f32 v3, v3;
	v55 =	vsub.f32 v59, v60;
	v59 =	vsub.f32 v61, v62;
	v20 =	vld [tilespmem:s12+$0x90]  }
0xd1: {  	v4 =	vmul.f32 v4, v4;
	v7 =	vsub.f32 v35, v7;
	v18 =	vadd.f32 v27, v18;
	v27 =	vld [tilespmem:s24+$0x70]  }
0xd2: {  	v62 =	vmul.f32 v59, v59;
	v5 =	vadd.f32 v6, v5;
	v59 =	vsub.f32 v19, v25;
	v19 =	vld [tilespmem:s24+$0x150]  }
0xd3: {  	v2 =	vmul.f32 v2, v2;
	v61 =	vsub.f32 v51, v52;
	v28 =	vadd.f32 v58, v28;
	v25 =	vld [tilespmem:s12+$0x150]  }
0xd4: {  	v5 =	vadd.f32 v29, v5;
	v6 =	vadd.f32 v30, v18;
	v18 =	vmul.f32 v31, v31;
	v29 =	vld [tilespmem:s24+$0x80]  }
0xd5: {  	v7 =	vmul.f32 v7, v7;
	v52 =	vsub.f32 v15, v16;
	v30 =	vld [tilespmem:s12+$0x80];
	v11 =	vsub.f32 v11, v26  }
0xd6: {  	v31 =	vld [tilespmem:s24+$0x90];
	v33 =	vperm.xlane v5, v0;
	v6 =	vadd.f32 v18, v6;
	v18 =	vsub.f32 v37, v38  }
0xd7: {  	v37 =	vmul.f32 v53, v53;
	v38 =	vmul.f32 v54, v54;
	v53 =	vsub.f32 v47, v48;
	v47 =	vld [tilespmem:s24+$0xF0]  }
0xd8: {  	v54 =	vmul.f32 v57, v57;
	v57 =	vsub.f32 v49, v50;
	v48 =	vld [tilespmem:$0x1FFC0];
	v49 =	vsub.f32 v13, v14  }
0xd9: {  	v58 =	vmul.f32 v55, v55;
	v13 =	vld [tilespmem:s24+$0x120];
	v50 =	vsub.f32 v9, v10;
	v6 =	vadd.f32 v34, v6  }
0xda: {  	v9 =	vld [tilespmem:s12+$0x120];
	v5 =	vadd.f32 v5, v33;
	v37 =	vadd.f32 v38, v37;
	v56 =	vmul.f32 v53, v53  }
0xdb: {  	v14 =	vld [tilespmem:s24+$0x130];
	v51 =	vmul.f32 v49, v49;
	v53 =	vsub.f32 v29, v30;
	v6 =	vadd.f32 v36, v6  }
0xdc: {  	v63 =	vmul.f32 v61, v61;
	v33 =	vld [tilespmem:s24+$0xA0];
	v37 =	vadd.f32 v54, v37;
	v28 =	vadd.f32 v56, v28  }
0xdd: {  	v55 =	vmul.f32 v52, v52;
	v34 =	vld [tilespmem:s12+$0xA0];
	v54 =	vsub.f32 v31, v20;
	v2 =	vadd.f32 v51, v2  }
0xde: {  	v60 =	vmul.f32 v57, v57;
	v49 =	vld [tilespmem:s12+$0x1A0];
	v56 =	vsub.f32 v17, v24;
	v31 =	vsub.f32 v40, v42  }
0xdf: {  	v18 =	vmul.f32 v18, v18;
	v29 =	vld [tilespmem:s12+$0x140];
	v8 =	vsub.f32 v48, v8;
	v9 =	vsub.f32 v13, v9  }
0xe0: {  	v36 =	vld [tilespmem:s24+$0xB0];
	v15 =	vmul.f32 v53, v53;
	v37 =	vadd.f32 v58, v37;
	v28 =	vadd.f32 v60, v28  }
0xe1: {  	v20 =	vld [tilespmem:s12+$0x130];
	v6 =	vadd.f32 v18, v6;
	v16 =	vmul.f32 v54, v54;
	v2 =	vadd.f32 v55, v2  }
0xe2: {  	v17 =	vld [tilespmem:s24+$0x140];
	v58 =	vmul.f32 v56, v56;
	v57 =	vsub.f32 v33, v34;
	v37 =	vadd.f32 v62, v37  }
0xe3: {  	v38 =	vmul.f32 v11, v11;
	v40 =	vld [tilespmem:s12+$0x180];
	v18 =	vadd.f32 v63, v28;
	v15 =	vadd.f32 v16, v15  }
0xe4: {  	v54 =	vld [tilespmem:s24+$0x1C0];
	v34 =	vmul.f32 v31, v31;
	v2 =	vadd.f32 v58, v2;
	v63 =	vsub.f32 v21, v23  }
0xe5: {  	v55 =	vld [tilespmem:s12+$0x1C0];
	v8 =	vmul.f32 v8, v8;
	v61 =	vsub.f32 v36, v39;
	v36 =	vsub.f32 v43, v44  }
0xe6: {  	v28 =	vld [tilespmem:s24+$0x110];
	v62 =	vmul.f32 v59, v59;
	v39 =	vsub.f32 v27, v22;
	v43 =	vsub.f32 v45, v46  }
0xe7: {  	v58 =	vld [tilespmem:s12+$0x170];
	v60 =	vmul.f32 v57, v57;
	v14 =	vsub.f32 v14, v20;
	v27 =	vsub.f32 v19, v25  }
0xe8: {  	v9 =	vmul.f32 v9, v9;
	v44 =	vld [tilespmem:s24+$0x190];
	v3 =	vadd.f32 v3, v37;
	v2 =	vadd.f32 v62, v2  }
0xe9: {  	v45 =	vld [tilespmem:s12+$0x190];
	v33 =	vmul.f32 v63, v63;
	v8 =	vadd.f32 v8, v18;
	v15 =	vadd.f32 v60, v15  }
0xea: {  	v37 =	vld [tilespmem:s24+$0x180];
	v30 =	vmul.f32 v61, v61;
	v42 =	vmul.f32 v36, v36;
	v60 =	vsub.f32 v17, v29  }
0xeb: {  	v24 =	vld [tilespmem:s12+$0x160];
	v11 =	vmul.f32 v39, v39;
	v13 =	vsub.f32 v54, v55;
	v3 =	vadd.f32 v4, v3  }
0xec: {  	v48 =	vld [tilespmem:s24+$0x1A0];
	v46 =	vmul.f32 v43, v43;
	v2 =	vadd.f32 v33, v2;
	v15 =	vadd.f32 v30, v15  }
0xed: {  	v51 =	vld [tilespmem:s24+$0x1B0];
	v59 =	vmul.f32 v14, v14;
	v52 =	vsub.f32 v28, v32;
	v32 =	vsub.f32 v47, v41  }
0xee: {  	v53 =	vld [tilespmem:s12+$0x1B0];
	v4 =	vmul.f32 v50, v50;
	v12 =	vsub.f32 v12, v58;
	v15 =	vadd.f32 v34, v15  }
0xef: {  	v56 =	vld [tilespmem:s24+$0x1D0];
	v39 =	vperm.xlane v6, v0;
	v10 =	vsub.f32 v44, v45;
	v22 =	vsub.f32 v37, v40  }
0xf0: {  	v21 =	vld [tilespmem:s24+$0x160];
	v3 =	vadd.f32 v4, v3;
	v16 =	vmul.f32 v52, v52;
	v15 =	vadd.f32 v42, v15  }
0xf1: {  	v57 =	vld [tilespmem:s12+$0x1D0];
	v4 =	vsub.f32 v48, v49;
	v10 =	vmul.f32 v10, v10;
	v22 =	vmul.f32 v22, v22  }
0xf2: {  	v63 =	vld [tilespmem:s12+$0x1E0];
	v33 =	vmul.f32 v27, v27;
	v7 =	vadd.f32 v16, v7;
	v50 =	vadd.f32 v46, v15  }
0xf3: {  	v61 =	vld [tilespmem:s24+$0x1E0];
	v4 =	vmul.f32 v4, v4;
	v10 =	vadd.f32 v10, v22;
	v15 =	vsub.f32 v51, v53  }
0xf4: {  	v31 =	vld [tilespmem:s12+$0x1F0];
	v26 =	vmul.f32 v60, v60;
	v6 =	vadd.f32 v6, v39;
	v2 =	vadd.f32 v38, v2  }
0xf5: {  	v28 =	vld [tilespmem:s24+$0x1F0];
	v7 =	vadd.f32 v9, v7;
	v4 =	vadd.f32 v4, v10;
	v62 =	vmul.f32 v15, v15  }
0xf6: {  	v29 =	vmul.f32 v13, v13;
	v30 =	vsub.f32 v56, v57;
	v34 =	vsub.f32 v21, v24  }
0xf7: {  	v48 =	vperm.xlane v5, v1;
	v7 =	vadd.f32 v59, v7;
	v4 =	vadd.f32 v62, v4  }
0xf8: {  	v40 =	vmul.f32 v32, v32;
	v12 =	vmul.f32 v12, v12;
	v36 =	vsub.f32 v61, v63  }
0xf9: {  	v35 =	vmul.f32 v30, v30;
	v7 =	vadd.f32 v26, v7;
	v4 =	vadd.f32 v29, v4  }
0xfa: {  	v2 =	vadd.f32 v11, v2;
	v37 =	vmul.f32 v34, v34;
	v38 =	vsub.f32 v28, v31  }
0xfb: {  	v9 =	vmul.f32 v36, v36;
	v7 =	vadd.f32 v33, v7;
	v4 =	vadd.f32 v35, v4  }
0xfc: {  	v43 =	vperm.xlane v3, v0;
	v42 =	vperm.xlane v8, v0;
	v10 =	vadd.f32 v40, v50  }
0xfd: {  	v13 =	vmul.f32 v38, v38;
	v7 =	vadd.f32 v37, v7;
	v4 =	vadd.f32 v9, v4  }
0xfe: {  	v41 =	vperm.xlane v2, v0;
	v3 =	vadd.f32 v3, v43;
	v8 =	vadd.f32 v8, v42  }
0xff: {  	v44 =	vperm.xlane v10, v0;
	v7 =	vadd.f32 v12, v7;
	v4 =	vadd.f32 v13, v4  }
0x100: {  	v2 =	vadd.f32 v2, v41;
	v54 =	vperm.xlane v3, v1;
	v50 =	vperm.xlane v6, v1  }
0x101: {  	v9 =	vadd.f32 v10, v44;
	v45 =	vperm.xlane v7, v0;
	v46 =	vperm.xlane v4, v0  }
0x102: {  	v52 =	vperm.xlane v8, v1;
	v47 =	vperm.xlane v2, v1  }
0x103: {  	v49 =	vperm.xlane v9, v1;
	v7 =	vadd.f32 v7, v45;
	v4 =	vadd.f32 v4, v46  }
0x104: {  	v55 =	vld [tilespmem:$0x1FFE0];
	v2 =	vsel vm0, v48, v2;
	v5 =	vsel vm0, v5, v47;
	v9 =	vsel vm0, v50, v9  }
0x105: {  	v6 =	vsel vm0, v6, v49;
	v51 =	vperm.xlane v7, v1;
	v53 =	vperm.xlane v4, v1  }
0x106: {  	v2 =	vadd.f32 v2, v5;
	v6 =	vadd.f32 v9, v6;
	v7 =	vsel vm0, v52, v7  }
0x107: {  	v5 =	vsel vm0, v8, v51;
	v4 =	vsel vm0, v54, v4;
	v3 =	vsel vm0, v3, v53  }
0x108: {  	v5 =	vadd.f32 v7, v5;
	v3 =	vadd.f32 v4, v3  }
0x109: {  	v57 =	vperm.xlane v2, v55;
	v9 =	vperm.xlane v6, v55  }
0x10a: {  	v60 =	vld [tilespmem:$0x1FFF0];
	v56 =	vperm.xlane v5, v55;
	v58 =	vperm.xlane v3, v55  }
0x10b: {  	v59 =	vsel vm1, v57, v5  }
0x10c: {  	v2 =	vsel vm1, v2, v56;
	v3 =	vsel vm1, v9, v3;
	v61 =	vsel vm1, v6, v58  }
0x10d: {  	v2 =	vadd.f32 v59, v2;
	v3 =	vadd.f32 v3, v61;
	_ =	sdelay $0x1  }
0x10e: {  	v63 =	vperm.xlane v2, v60;
	v62 =	vperm.xlane v3, v60;
	_ =	sdelay $0x1  }
0x10f: {  	v3 =	vsel vm2, v63, v3;
	v2 =	vsel vm2, v2, v62  }
0x110: {  	v2 =	vadd.f32 v3, v2;
	v3 =	vld [tilespmem:$0x1FFD0];
	_ =	sdelay $0x1  }
0x111: {  	s14 =	sand.u32 $0x1, s25  }
0x112: {  	p1 =	seq.s32 s14, $0x0  }
0x113: {  	vm3 =	vmmov @!p1 $0xff  }
0x114: {  	v3 =	vsel @!p1 vm3, v3, v2  }
0x115: {  	v4 =	vshra.s32 @!p1 v3, $0x1;
	v5 =	vmul.f32 @!p1 $5.000000000e-01, v3  }
0x116: {  	v4 =	vsub.s32 @!p1 $0x5F3759DF, v4  }
0x117: {  	v6 =	vmul.f32 @!p1 v4, v5;
	_ =	sdelay $0x1  }
0x118: {  	v6 =	vmul.f32 @!p1 v4, v6;
	_ =	sdelay $0x1  }
0x119: {  	v6 =	vsub.f32 @!p1 $1.500000000e+00, v6;
	_ =	sdelay $0x1  }
0x11a: {  	v4 =	vmul.f32 @!p1 v4, v6;
	_ =	sdelay $0x1  }
0x11b: {  	v6 =	vmul.f32 @!p1 v4, v5;
	_ =	sdelay $0x1  }
0x11c: {  	v6 =	vmul.f32 @!p1 v6, v4;
	_ =	sdelay $0x1  }
0x11d: {  	v6 =	vsub.f32 @!p1 $1.500000000e+00, v6;
	_ =	sdelay $0x1  }
0x11e: {  	v4 =	vmul.f32 @!p1 v6, v4;
	_ =	sdelay $0x1  }
0x11f: {  	v5 =	vmul.f32 @!p1 v4, v5;
	_ =	sdelay $0x1  }
0x120: {  	v5 =	vmul.f32 @!p1 v5, v4;
	_ =	sdelay $0x1  }
0x121: {  	s25 =	sadd.s32 $0x1, s25;
	v5 =	vsub.f32 @!p1 $1.500000000e+00, v5  }
0x122: {  	p2 =	sne.s32 s25, $0x10  }
.Ltmp0:
0x123: {  	v4 =	vmul.f32 @!p1 v5, v4;
	(pc) =	sbr.rel @p2 .LBB2_2-.Ltmp0, $4  }
0x124: {  	_ = 	snop  }
0x125: {  	s14 =	sand.u32 @!p1 $0x1C0, s13;
	v3 =	vmul.f32 @!p1 v4, v3  }
0x126: {  	s14 =	sshrl.u32 @!p1 s14, $0x2  }
0x127: {  	s13 =	sadd.s32 $0x20, s13;
	s12 =	sadd.s32 $0x400, s12;
	s24 =	sadd.s32 $0x400, s24;
	[tilespmem:s14+$0x18600] =	vst @!p1 v3  }
0x128: {  	_ =	swait.ge [sflag:s8], $0x4000  }
0x129: {  	[sflag:s8] =	ssyncset.done $0x0  }
0x12a: {  	[sflag:s8] =	ssyncadd.s32 $0xFFFFC000  }
0x12b: {  	_ =	swait.ge [sflag:s9], $0x4000  }
0x12c: {  	[sflag:s9] =	ssyncset.done $0x0  }
0x12d: {  	[sflag:s9] =	ssyncadd.s32 $0xFFFFC000  }
0x12e: {  	_ =	swait.ge [sflag:s7], $0x4000  }
0x12f: {  	[sflag:s7] =	ssyncset.done $0x0  }
0x130: {  	s12 =	simm.s32 $0x100;
	[sflag:s7] =	ssyncadd.s32 $0xFFFFC000  }
0x131: {  	[tilespmem:s21], [sflag:$0x3] =	stream.indirect.gather.add.f32 [hbm:s0], $0x80, s12, s22, $0xb8;
	[tilespmem:$0x197A0] =	vst v63  }
0x132: {  	s24 =	simm.s32 $0x0  }
0x133: {  	[tilespmem:s1], [sflag:$0x2] =	stream.indirect.gather [spmem:s3], $0x80, s30, s22, $0xb8;
	[tilespmem:$0x197A0] =	vst v63  }
0x134: {  	s13 =	simm.s32 $0x10800;
	s25 =	simm.s32 $0x0;
	s12 =	simm.s32 $0x4800  }
0x135: {  	v2 =	vimm.f32 $0.0e+00;
	[tilespmem:s5], [sflag:$0x4] =	stream.indirect.gather [hbm4b:s0+s22], $0x80, s31, s22, $0xb8;
	[tilespmem:$0x197A0] =	vst v63  }
.LBB2_4:
0x136: {  	[tilespmem:$0x1FFB0] =	vst v2;
	v2 =	vld [tilespmem:s12+$0xFFFFFE00]  }
0x137: {  	v3 =	vld [tilespmem:s13+$0xFFFFFE00]  }
0x138: {  	v5 =	vld [tilespmem:s12+$0xFFFFFE10]  }
0x139: {  	v6 =	vld [tilespmem:s13+$0xFFFFFE10]  }
0x13a: {  	v9 =	vld [tilespmem:s12+$0xFFFFFE20]  }
0x13b: {  	v10 =	vld [tilespmem:s13+$0xFFFFFE20]  }
0x13c: {  	v11 =	vld [tilespmem:s12+$0xFFFFFE30]  }
0x13d: {  	v12 =	vld [tilespmem:s13+$0xFFFFFE30]  }
0x13e: {  	v13 =	vld [tilespmem:s12+$0xFFFFFE40]  }
0x13f: {  	v14 =	vld [tilespmem:s13+$0xFFFFFE40]  }
0x140: {  	v15 =	vld [tilespmem:s12+$0xFFFFFE50]  }
0x141: {  	v16 =	vld [tilespmem:s13+$0xFFFFFE50]  }
0x142: {  	v17 =	vld [tilespmem:s12+$0xFFFFFE60]  }
0x143: {  	v18 =	vld [tilespmem:s13+$0xFFFFFE60]  }
0x144: {  	v19 =	vld [tilespmem:s12+$0xFFFFFE70]  }
0x145: {  	v20 =	vld [tilespmem:s13+$0xFFFFFE70]  }
0x146: {  	v21 =	vld [tilespmem:s12+$0xFFFFFE80]  }
0x147: {  	v22 =	vld [tilespmem:s13+$0xFFFFFE80]  }
0x148: {  	v23 =	vld [tilespmem:s12+$0xFFFFFE90]  }
0x149: {  	v24 =	vld [tilespmem:s13+$0xFFFFFE90]  }
0x14a: {  	v25 =	vld [tilespmem:s12+$0xFFFFFEA0]  }
0x14b: {  	v26 =	vld [tilespmem:s13+$0xFFFFFEA0]  }
0x14c: {  	v27 =	vld [tilespmem:s12+$0xFFFFFEB0]  }
0x14d: {  	v28 =	vld [tilespmem:s13+$0xFFFFFEB0]  }
0x14e: {  	v29 =	vld [tilespmem:s12+$0xFFFFFEC0]  }
0x14f: {  	v30 =	vld [tilespmem:s13+$0xFFFFFEC0]  }
0x150: {  	v31 =	vld [tilespmem:s12+$0xFFFFFED0]  }
0x151: {  	v32 =	vld [tilespmem:s13+$0xFFFFFED0]  }
0x152: {  	v33 =	vld [tilespmem:s12+$0xFFFFFEE0]  }
0x153: {  	v34 =	vld [tilespmem:s13+$0xFFFFFEE0]  }
0x154: {  	v35 =	vld [tilespmem:s12+$0xFFFFFEF0]  }
0x155: {  	v36 =	vld [tilespmem:s13+$0xFFFFFEF0]  }
0x156: {  	v37 =	vld [tilespmem:s12+$0xFFFFFF00]  }
0x157: {  	v38 =	vld [tilespmem:s13+$0xFFFFFF00]  }
0x158: {  	v39 =	vld [tilespmem:s12+$0xFFFFFF10]  }
0x159: {  	v40 =	vld [tilespmem:s13+$0xFFFFFF10]  }
0x15a: {  	v41 =	vld [tilespmem:s12+$0xFFFFFF20]  }
0x15b: {  	v42 =	vld [tilespmem:s13+$0xFFFFFF20]  }
0x15c: {  	v43 =	vld [tilespmem:s12+$0xFFFFFF30]  }
0x15d: {  	v44 =	vld [tilespmem:s13+$0xFFFFFF30]  }
0x15e: {  	v45 =	vld [tilespmem:s12+$0xFFFFFF40]  }
0x15f: {  	v46 =	vld [tilespmem:s13+$0xFFFFFF40]  }
0x160: {  	v47 =	vld [tilespmem:s12+$0xFFFFFF50]  }
0x161: {  	v48 =	vld [tilespmem:s13+$0xFFFFFF50]  }
0x162: {  	v49 =	vld [tilespmem:s12+$0xFFFFFF60]  }
0x163: {  	v50 =	vld [tilespmem:s13+$0xFFFFFF60]  }
0x164: {  	v4 =	vld [tilespmem:s12+$0xFFFFFF70]  }
0x165: {  	v8 =	vld [tilespmem:s13+$0xFFFFFF70]  }
0x166: {  	v51 =	vld [tilespmem:s12+$0xFFFFFF80]  }
0x167: {  	v52 =	vld [tilespmem:s13+$0xFFFFFF80]  }
0x168: {  	v53 =	vld [tilespmem:s12+$0xFFFFFF90]  }
0x169: {  	v54 =	vld [tilespmem:s13+$0xFFFFFF90]  }
0x16a: {  	v55 =	vld [tilespmem:s12+$0xFFFFFFA0]  }
0x16b: {  	v56 =	vld [tilespmem:s13+$0xFFFFFFA0]  }
0x16c: {  	v57 =	vld [tilespmem:s12+$0xFFFFFFB0]  }
0x16d: {  	v58 =	vld [tilespmem:s13+$0xFFFFFFB0]  }
0x16e: {  	v59 =	vld [tilespmem:s12+$0xFFFFFFC0]  }
0x16f: {  	v60 =	vld [tilespmem:s13+$0xFFFFFFC0]  }
0x170: {  	v61 =	vld [tilespmem:s12+$0xFFFFFFD0]  }
0x171: {  	v62 =	vld [tilespmem:s13+$0xFFFFFFD0]  }
0x172: {  	v63 =	vld [tilespmem:s12+$0xFFFFFFE0]  }
0x173: {  	v7 =	vld [tilespmem:s12+$0xFFFFFFF0]  }
0x174: {  	[tilespmem:$0x1FFA0] =	vst v4;
	v4 =	vld [tilespmem:s13+$0xFFFFFFE0]  }
0x175: {  	v2 =	vsub.f32 v2, v3;
	v3 =	vsub.f32 v5, v6;
	v5 =	vld [tilespmem:s13+$0xFFFFFFF0]  }
0x176: {  	v6 =	vsub.f32 v9, v10;
	v9 =	vld [tilespmem:s12+$0x0]  }
0x177: {  	v10 =	vld [tilespmem:s13+$0x0]  }
0x178: {  	v24 =	vsub.f32 v23, v24;
	v23 =	vld [tilespmem:s13+$0x40]  }
0x179: {  	v25 =	vsub.f32 v25, v26;
	v26 =	vsub.f32 v19, v20;
	v19 =	vld [tilespmem:s12+$0x50]  }
0x17a: {  	v20 =	vld [tilespmem:s13+$0x60]  }
0x17b: {  	v38 =	vsub.f32 v37, v38;
	v37 =	vld [tilespmem:s13+$0xB0]  }
0x17c: {  	v42 =	vsub.f32 v41, v42;
	v51 =	vsub.f32 v51, v52;
	v41 =	vld [tilespmem:s12+$0xD0]  }
0x17d: {  	v52 =	vsub.f32 v53, v54;
	v54 =	vsub.f32 v43, v44;
	v43 =	vld [tilespmem:s12+$0xE0]  }
0x17e: {  	v29 =	vsub.f32 v29, v30;
	v44 =	vld [tilespmem:s13+$0xE0]  }
0x17f: {  	v31 =	vsub.f32 v31, v32;
	v40 =	vsub.f32 v39, v40;
	v39 =	vld [tilespmem:s13+$0x100]  }
0x180: {  	v30 =	vmul.f32 v29, v29;
	v29 =	vld [tilespmem:s12+$0x90]  }
0x181: {  	v33 =	vsub.f32 v33, v34;
	v2 =	vmul.f32 v2, v2;
	v32 =	vmul.f32 v31, v31;
	v31 =	vld [tilespmem:s12+$0xA0]  }
0x182: {  	v3 =	vmul.f32 v3, v3;
	v53 =	vmul.f32 v42, v42;
	v42 =	vld [tilespmem:s13+$0xD0]  }
0x183: {  	v34 =	vmul.f32 v33, v33;
	v33 =	vld [tilespmem:s12+$0x100]  }
0x184: {  	v2 =	vadd.f32 v3, v2;
	v3 =	vmul.f32 v6, v6;
	v6 =	vsub.f32 v11, v12;
	v11 =	vld [tilespmem:s12+$0x10]  }
0x185: {  	v12 =	vld [tilespmem:s13+$0x10];
	v5 =	vsub.f32 v7, v5  }
0x186: {  	v7 =	vld [tilespmem:s13+$0x120];
	v2 =	vadd.f32 v3, v2;
	v3 =	vmul.f32 v6, v6;
	v6 =	vsub.f32 v13, v14  }
0x187: {  	v13 =	vld [tilespmem:s12+$0x20]  }
0x188: {  	v14 =	vld [tilespmem:s13+$0x20];
	v2 =	vadd.f32 v3, v2;
	v3 =	vmul.f32 v6, v6  }
0x189: {  	v6 =	vsub.f32 v15, v16;
	v15 =	vld [tilespmem:s12+$0x30];
	v16 =	vsub.f32 v21, v22  }
0x18a: {  	v24 =	vmul.f32 v24, v24;
	v22 =	vld [tilespmem:s13+$0x30];
	v2 =	vadd.f32 v3, v2  }
0x18b: {  	v21 =	vld [tilespmem:s13+$0x50];
	v3 =	vmul.f32 v6, v6;
	v6 =	vsub.f32 v17, v18;
	v16 =	vmul.f32 v16, v16  }
0x18c: {  	v17 =	vld [tilespmem:s12+$0x40];
	v18 =	vmul.f32 v25, v25  }
0x18d: {  	v25 =	vld [tilespmem:s13+$0x70];
	v2 =	vadd.f32 v3, v2;
	v3 =	vmul.f32 v6, v6;
	v16 =	vadd.f32 v24, v16  }
0x18e: {  	v28 =	vsub.f32 v27, v28;
	v24 =	vld [tilespmem:s12+$0x60]  }
0x18f: {  	v2 =	vadd.f32 v3, v2;
	v3 =	vmul.f32 v26, v26;
	v27 =	vadd.f32 v18, v16;
	v18 =	vld [tilespmem:s13+$0x90]  }
0x190: {  	v16 =	vsub.f32 v35, v36;
	v35 =	vmul.f32 v51, v51;
	v51 =	vsub.f32 v45, v46;
	v45 =	vld [tilespmem:s12+$0xF0]  }
0x191: {  	v28 =	vmul.f32 v28, v28;
	v46 =	vld [tilespmem:s13+$0xF0]  }
0x192: {  	v55 =	vsub.f32 v55, v56;
	v2 =	vadd.f32 v3, v2;
	v3 =	vld [tilespmem:s12+$0x70]  }
0x193: {  	v56 =	vmul.f32 v54, v54;
	v4 =	vsub.f32 v63, v4;
	v6 =	vadd.f32 v28, v27;
	v27 =	vld [tilespmem:s12+$0x80]  }
0x194: {  	v9 =	vsub.f32 v9, v10;
	v36 =	vmul.f32 v52, v52;
	v52 =	vmul.f32 v55, v55;
	v28 =	vld [tilespmem:s13+$0x80]  }
0x195: {  	v55 =	vsub.f32 v47, v48;
	v48 =	vsub.f32 v61, v62;
	v54 =	vmul.f32 v51, v51;
	v51 =	vld [tilespmem:$0x1FFA0]  }
0x196: {  	v26 =	vperm.xlane v2, v0;
	v6 =	vadd.f32 v30, v6;
	v30 =	vmul.f32 v40, v40;
	v40 =	vld [tilespmem:s13+$0xC0]  }
0x197: {  	v4 =	vmul.f32 v4, v4;
	v18 =	vsub.f32 v29, v18;
	v29 =	vsub.f32 v19, v21;
	v19 =	vld [tilespmem:s12+$0x160]  }
0x198: {  	v2 =	vadd.f32 v2, v26;
	v6 =	vadd.f32 v32, v6;
	v32 =	vld [tilespmem:s13+$0xA0];
	v26 =	vmul.f32 v38, v38  }
0x199: {  	v9 =	vmul.f32 v9, v9;
	v47 =	vsub.f32 v43, v44;
	v35 =	vadd.f32 v36, v35;
	v38 =	vld [tilespmem:s12+$0xC0]  }
0x19a: {  	v5 =	vmul.f32 v5, v5;
	v8 =	vsub.f32 v51, v8;
	v51 =	vld [tilespmem:s12+$0x1A0];
	v26 =	vadd.f32 v30, v26  }
0x19b: {  	v16 =	vmul.f32 v16, v16;
	v35 =	vadd.f32 v52, v35;
	v3 =	vsub.f32 v3, v25;
	v25 =	vld [tilespmem:s12+$0x1E0]  }
0x19c: {  	v18 =	vmul.f32 v18, v18;
	v6 =	vadd.f32 v34, v6;
	v34 =	vld [tilespmem:s12+$0xB0];
	v26 =	vadd.f32 v53, v26  }
0x19d: {  	v53 =	vsub.f32 v57, v58;
	v58 =	vmul.f32 v55, v55;
	v55 =	vsub.f32 v27, v28;
	v27 =	vld [tilespmem:s13+$0x130]  }
0x19e: {  	v8 =	vmul.f32 v8, v8;
	v3 =	vmul.f32 v3, v3;
	v57 =	vsub.f32 v59, v60;
	v28 =	vld [tilespmem:s13+$0x140]  }
0x19f: {  	v59 =	vsub.f32 v49, v50;
	v50 =	vmul.f32 v48, v48;
	v6 =	vadd.f32 v16, v6;
	v48 =	vld [tilespmem:s12+$0x190]  }
0x1a0: {  	v26 =	vadd.f32 v56, v26;
	v56 =	vmul.f32 v53, v53;
	v53 =	vsub.f32 v11, v12;
	v11 =	vld [tilespmem:s12+$0x120]  }
0x1a1: {  	v60 =	vmul.f32 v57, v57;
	v57 =	vsub.f32 v15, v22;
	v15 =	vld [tilespmem:s12+$0x140];
	v62 =	vsub.f32 v34, v37  }
0x1a2: {  	v49 =	vmul.f32 v59, v59;
	v22 =	vld [tilespmem:s13+$0x160];
	v34 =	vsub.f32 v24, v20;
	v37 =	vsub.f32 v41, v42  }
0x1a3: {  	v41 =	vld [tilespmem:s13+$0x180];
	v26 =	vadd.f32 v54, v26;
	v35 =	vadd.f32 v56, v35;
	v10 =	vmul.f32 v53, v53  }
0x1a4: {  	v54 =	vsub.f32 v13, v14;
	v13 =	vld [tilespmem:s12+$0x130];
	v14 =	vmul.f32 v55, v55;
	v55 =	vsub.f32 v33, v39  }
0x1a5: {  	v59 =	vmul.f32 v57, v57;
	v57 =	vld [tilespmem:s13+$0x1B0];
	v26 =	vadd.f32 v58, v26;
	v35 =	vadd.f32 v60, v35  }
0x1a6: {  	v30 =	vmul.f32 v62, v62;
	v9 =	vadd.f32 v10, v9;
	v60 =	vsub.f32 v17, v23;
	v17 =	vld [tilespmem:s12+$0x150]  }
0x1a7: {  	v42 =	vmul.f32 v37, v37;
	v58 =	vsub.f32 v31, v32;
	v14 =	vadd.f32 v18, v14;
	v23 =	vld [tilespmem:s13+$0x150]  }
0x1a8: {  	v31 =	vsub.f32 v38, v40;
	v38 =	vld [tilespmem:s12+$0x180];
	v40 =	vmul.f32 v34, v34;
	v34 =	vsub.f32 v45, v46  }
0x1a9: {  	v56 =	vmul.f32 v54, v54;
	v54 =	vld [tilespmem:s12+$0x1B0];
	v7 =	vsub.f32 v11, v7;
	v15 =	vsub.f32 v15, v28  }
0x1aa: {  	v32 =	vmul.f32 v29, v29;
	v16 =	vadd.f32 v49, v26;
	v26 =	vld [tilespmem:s12+$0x110];
	v52 =	vadd.f32 v50, v35  }
0x1ab: {  	v35 =	vld [tilespmem:s13+$0x110];
	v9 =	vadd.f32 v56, v9;
	v61 =	vmul.f32 v58, v58;
	v63 =	vmul.f32 v60, v60  }
0x1ac: {  	v36 =	vmul.f32 v31, v31;
	v49 =	vld [tilespmem:s13+$0x190];
	v13 =	vsub.f32 v13, v27;
	v4 =	vadd.f32 v4, v52  }
0x1ad: {  	v50 =	vmul.f32 v47, v47;
	v58 =	vld [tilespmem:s12+$0x1C0];
	v9 =	vadd.f32 v59, v9;
	v14 =	vadd.f32 v61, v14  }
0x1ae: {  	v60 =	vld [tilespmem:s12+$0x1D0];
	v43 =	vmul.f32 v34, v34;
	v8 =	vadd.f32 v8, v16;
	v12 =	vsub.f32 v38, v41  }
0x1af: {  	v7 =	vmul.f32 v7, v7;
	v52 =	vld [tilespmem:s13+$0x1A0];
	v62 =	vsub.f32 v54, v57;
	v29 =	vsub.f32 v17, v23  }
0x1b0: {  	v27 =	vld [tilespmem:s13+$0x1E0];
	v28 =	vmul.f32 v15, v15;
	v9 =	vadd.f32 v63, v9;
	v14 =	vadd.f32 v30, v14  }
0x1b1: {  	v16 =	vmul.f32 v55, v55;
	v59 =	vld [tilespmem:s13+$0x1C0];
	v4 =	vadd.f32 v5, v4;
	v56 =	vsub.f32 v26, v35  }
0x1b2: {  	v61 =	vld [tilespmem:s13+$0x1D0];
	v45 =	vperm.xlane v8, v0;
	v10 =	vsub.f32 v48, v49;
	v9 =	vadd.f32 v32, v9  }
0x1b3: {  	v20 =	vld [tilespmem:s12+$0x170];
	v12 =	vmul.f32 v12, v12;
	v14 =	vadd.f32 v36, v14;
	v36 =	vsub.f32 v19, v22  }
0x1b4: {  	v33 =	vld [tilespmem:s13+$0x1F0];
	v18 =	vmul.f32 v56, v56;
	v10 =	vmul.f32 v10, v10;
	v5 =	vsub.f32 v51, v52  }
0x1b5: {  	v13 =	vmul.f32 v13, v13;
	v63 =	vld [tilespmem:s13+$0x170];
	v38 =	vsub.f32 v25, v27;
	v8 =	vadd.f32 v8, v45  }
0x1b6: {  	v30 =	vld [tilespmem:s12+$0x1F0];
	v16 =	vadd.f32 v18, v16;
	v10 =	vadd.f32 v10, v12;
	v5 =	vmul.f32 v5, v5  }
0x1b7: {  	v26 =	vmul.f32 v62, v62;
	v11 =	vsub.f32 v58, v59;
	v32 =	vsub.f32 v60, v61  }
0x1b8: {  	v35 =	vmul.f32 v29, v29;
	v7 =	vadd.f32 v7, v16;
	v5 =	vadd.f32 v5, v10  }
0x1b9: {  	v46 =	vperm.xlane v4, v0;
	v9 =	vadd.f32 v40, v9;
	v14 =	vadd.f32 v42, v14  }
0x1ba: {  	v31 =	vmul.f32 v11, v11;
	v7 =	vadd.f32 v13, v7;
	v5 =	vadd.f32 v26, v5  }
0x1bb: {  	v51 =	vperm.xlane v2, v1;
	v39 =	vsub.f32 v20, v63;
	v41 =	vsub.f32 v30, v33  }
0x1bc: {  	v37 =	vmul.f32 v32, v32;
	v7 =	vadd.f32 v28, v7;
	v5 =	vadd.f32 v31, v5  }
0x1bd: {  	v40 =	vmul.f32 v36, v36;
	v3 =	vadd.f32 v3, v9;
	v53 =	vadd.f32 v50, v14  }
0x1be: {  	v11 =	vmul.f32 v38, v38;
	v7 =	vadd.f32 v35, v7;
	v5 =	vadd.f32 v37, v5  }
0x1bf: {  	v12 =	vmul.f32 v39, v39;
	v44 =	vperm.xlane v3, v0;
	v9 =	vadd.f32 v43, v53  }
0x1c0: {  	v13 =	vmul.f32 v41, v41;
	v7 =	vadd.f32 v40, v7;
	v5 =	vadd.f32 v11, v5  }
0x1c1: {  	v42 =	vperm.xlane v6, v0;
	v4 =	vadd.f32 v4, v46;
	v3 =	vadd.f32 v3, v44  }
0x1c2: {  	v47 =	vperm.xlane v9, v0;
	v7 =	vadd.f32 v12, v7;
	v5 =	vadd.f32 v13, v5  }
0x1c3: {  	v54 =	vperm.xlane v8, v1;
	v6 =	vadd.f32 v6, v42;
	v50 =	vperm.xlane v3, v1  }
0x1c4: {  	v9 =	vadd.f32 v9, v47;
	v48 =	vperm.xlane v7, v0;
	v49 =	vperm.xlane v5, v0  }
0x1c5: {  	v53 =	vperm.xlane v6, v1;
	v3 =	vsel vm0, v51, v3;
	v2 =	vsel vm0, v2, v50  }
0x1c6: {  	v52 =	vperm.xlane v9, v1;
	v7 =	vadd.f32 v7, v48;
	v5 =	vadd.f32 v5, v49  }
0x1c7: {  	v57 =	vld [tilespmem:$0x1FFE0];
	v56 =	vperm.xlane v4, v1;
	v9 =	vsel vm0, v53, v9;
	v2 =	vadd.f32 v3, v2  }
0x1c8: {  	v6 =	vsel vm0, v6, v52;
	v3 =	vperm.xlane v7, v1;
	v55 =	vperm.xlane v5, v1  }
0x1c9: {  	v6 =	vadd.f32 v9, v6;
	v7 =	vsel vm0, v54, v7  }
0x1ca: {  	v5 =	vsel vm0, v56, v5;
	v3 =	vsel vm0, v8, v3;
	v4 =	vsel vm0, v4, v55  }
0x1cb: {  	v3 =	vadd.f32 v7, v3;
	v4 =	vadd.f32 v5, v4  }
0x1cc: {  	v59 =	vperm.xlane v2, v57;
	v9 =	vperm.xlane v6, v57  }
0x1cd: {  	v61 =	vld [tilespmem:$0x1FFF0];
	v58 =	vperm.xlane v3, v57;
	v60 =	vperm.xlane v4, v57  }
0x1ce: {  	v3 =	vsel vm1, v59, v3  }
0x1cf: {  	v4 =	vsel vm1, v9, v4;
	v2 =	vsel vm1, v2, v58;
	v62 =	vsel vm1, v6, v60  }
0x1d0: {  	v2 =	vadd.f32 v3, v2;
	v3 =	vadd.f32 v4, v62;
	_ =	sdelay $0x1  }
0x1d1: {  	v4 =	vperm.xlane v3, v61;
	v63 =	vperm.xlane v2, v61;
	_ =	sdelay $0x1  }
0x1d2: {  	v2 =	vsel vm2, v2, v4;
	v3 =	vsel vm2, v63, v3  }
0x1d3: {  	v2 =	vadd.f32 v3, v2;
	v3 =	vld [tilespmem:$0x1FFB0];
	_ =	sdelay $0x1  }
0x1d4: {  	s14 =	sand.u32 $0x1, s25  }
0x1d5: {  	p1 =	seq.s32 s14, $0x0  }
0x1d6: {  	vm3 =	vmmov @!p1 $0xff  }
0x1d7: {  	v3 =	vsel @!p1 vm3, v3, v2  }
0x1d8: {  	v4 =	vshra.s32 @!p1 v3, $0x1;
	v5 =	vmul.f32 @!p1 $5.000000000e-01, v3  }
0x1d9: {  	v4 =	vsub.s32 @!p1 $0x5F3759DF, v4  }
0x1da: {  	v6 =	vmul.f32 @!p1 v4, v5;
	_ =	sdelay $0x1  }
0x1db: {  	v6 =	vmul.f32 @!p1 v4, v6;
	_ =	sdelay $0x1  }
0x1dc: {  	v6 =	vsub.f32 @!p1 $1.500000000e+00, v6;
	_ =	sdelay $0x1  }
0x1dd: {  	v4 =	vmul.f32 @!p1 v4, v6;
	_ =	sdelay $0x1  }
0x1de: {  	v6 =	vmul.f32 @!p1 v4, v5;
	_ =	sdelay $0x1  }
0x1df: {  	v6 =	vmul.f32 @!p1 v6, v4;
	_ =	sdelay $0x1  }
0x1e0: {  	v6 =	vsub.f32 @!p1 $1.500000000e+00, v6;
	_ =	sdelay $0x1  }
0x1e1: {  	v4 =	vmul.f32 @!p1 v6, v4;
	_ =	sdelay $0x1  }
0x1e2: {  	v5 =	vmul.f32 @!p1 v4, v5;
	_ =	sdelay $0x1  }
0x1e3: {  	v5 =	vmul.f32 @!p1 v5, v4;
	_ =	sdelay $0x1  }
0x1e4: {  	s25 =	sadd.s32 $0x1, s25;
	v5 =	vsub.f32 @!p1 $1.500000000e+00, v5  }
0x1e5: {  	p2 =	sne.s32 s25, $0x10  }
.Ltmp1:
0x1e6: {  	v4 =	vmul.f32 @!p1 v5, v4;
	(pc) =	sbr.rel @p2 .LBB2_4-.Ltmp1, $4  }
0x1e7: {  	_ = 	snop  }
0x1e8: {  	v3 =	vmul.f32 @!p1 v4, v3  }
0x1e9: {  	s14 =	sand.u32 @!p1 $0x70, s24  }
0x1ea: {  	s24 =	sadd.s32 $0x8, s24;
	s12 =	sadd.s32 $0x400, s12;
	s13 =	sadd.s32 $0x400, s13;
	[tilespmem:s14+$0x18680] =	vst @!p1 v3  }
0x1eb: {  	_ =	swait.ge [sflag:s8], $0x4000  }
0x1ec: {  	[sflag:s8] =	ssyncset.done $0x0  }
0x1ed: {  	[sflag:s8] =	ssyncadd.s32 $0xFFFFC000  }
0x1ee: {  	_ =	swait.ge [sflag:s10], $0x4000  }
0x1ef: {  	[sflag:s10] =	ssyncset.done $0x0  }
0x1f0: {  	[sflag:s10] =	ssyncadd.s32 $0xFFFFC000  }
0x1f1: {  	_ =	swait.ge [sflag:s7], $0x4000  }
0x1f2: {  	s24 =	simm.s32 $0x0;
	s12 =	simm.s32 $0x8800;
	[sflag:s7] =	ssyncset.done $0x0  }
0x1f3: {  	s13 =	simm.s32 $0x14800;
	s25 =	simm.s32 $0x0;
	[sflag:s7] =	ssyncadd.s32 $0xFFFFC000  }
0x1f4: {  	v2 =	vimm.f32 $0.0e+00;
	[tilespmem:s1], [sflag:$0x3] =	stream.indirect.gather.add.f32 [hbm:s0], $0x80, s29, s22, $0xb8;
	[tilespmem:$0x197A0] =	vst v63  }
.LBB2_6:
0x1f5: {  	[tilespmem:$0x1FF90] =	vst v2;
	v2 =	vld [tilespmem:s12+$0xFFFFFE00]  }
0x1f6: {  	v3 =	vld [tilespmem:s13+$0xFFFFFE00]  }
0x1f7: {  	v5 =	vld [tilespmem:s12+$0xFFFFFE10]  }
0x1f8: {  	v6 =	vld [tilespmem:s13+$0xFFFFFE10]  }
0x1f9: {  	v9 =	vld [tilespmem:s12+$0xFFFFFE20]  }
0x1fa: {  	v10 =	vld [tilespmem:s13+$0xFFFFFE20]  }
0x1fb: {  	v11 =	vld [tilespmem:s12+$0xFFFFFE30]  }
0x1fc: {  	v12 =	vld [tilespmem:s13+$0xFFFFFE30]  }
0x1fd: {  	v13 =	vld [tilespmem:s12+$0xFFFFFE40]  }
0x1fe: {  	v14 =	vld [tilespmem:s13+$0xFFFFFE40]  }
0x1ff: {  	v15 =	vld [tilespmem:s12+$0xFFFFFE50]  }
0x200: {  	v16 =	vld [tilespmem:s13+$0xFFFFFE50]  }
0x201: {  	v17 =	vld [tilespmem:s12+$0xFFFFFE60]  }
0x202: {  	v18 =	vld [tilespmem:s13+$0xFFFFFE60]  }
0x203: {  	v19 =	vld [tilespmem:s12+$0xFFFFFE70]  }
0x204: {  	v20 =	vld [tilespmem:s13+$0xFFFFFE70]  }
0x205: {  	v21 =	vld [tilespmem:s12+$0xFFFFFE80]  }
0x206: {  	v22 =	vld [tilespmem:s13+$0xFFFFFE80]  }
0x207: {  	v23 =	vld [tilespmem:s12+$0xFFFFFE90]  }
0x208: {  	v24 =	vld [tilespmem:s13+$0xFFFFFE90]  }
0x209: {  	v25 =	vld [tilespmem:s12+$0xFFFFFEA0]  }
0x20a: {  	v26 =	vld [tilespmem:s13+$0xFFFFFEA0]  }
0x20b: {  	v27 =	vld [tilespmem:s12+$0xFFFFFEB0]  }
0x20c: {  	v28 =	vld [tilespmem:s13+$0xFFFFFEB0]  }
0x20d: {  	v29 =	vld [tilespmem:s12+$0xFFFFFEC0]  }
0x20e: {  	v30 =	vld [tilespmem:s13+$0xFFFFFEC0]  }
0x20f: {  	v31 =	vld [tilespmem:s12+$0xFFFFFED0]  }
0x210: {  	v32 =	vld [tilespmem:s13+$0xFFFFFED0]  }
0x211: {  	v33 =	vld [tilespmem:s12+$0xFFFFFEE0]  }
0x212: {  	v34 =	vld [tilespmem:s13+$0xFFFFFEE0]  }
0x213: {  	v35 =	vld [tilespmem:s12+$0xFFFFFEF0]  }
0x214: {  	v36 =	vld [tilespmem:s13+$0xFFFFFEF0]  }
0x215: {  	v37 =	vld [tilespmem:s12+$0xFFFFFF00]  }
0x216: {  	v38 =	vld [tilespmem:s13+$0xFFFFFF00]  }
0x217: {  	v39 =	vld [tilespmem:s12+$0xFFFFFF10]  }
0x218: {  	v40 =	vld [tilespmem:s13+$0xFFFFFF10]  }
0x219: {  	v41 =	vld [tilespmem:s12+$0xFFFFFF20]  }
0x21a: {  	v42 =	vld [tilespmem:s13+$0xFFFFFF20]  }
0x21b: {  	v43 =	vld [tilespmem:s12+$0xFFFFFF30]  }
0x21c: {  	v44 =	vld [tilespmem:s13+$0xFFFFFF30]  }
0x21d: {  	v45 =	vld [tilespmem:s12+$0xFFFFFF40]  }
0x21e: {  	v46 =	vld [tilespmem:s13+$0xFFFFFF40]  }
0x21f: {  	v47 =	vld [tilespmem:s12+$0xFFFFFF50]  }
0x220: {  	v48 =	vld [tilespmem:s13+$0xFFFFFF50]  }
0x221: {  	v49 =	vld [tilespmem:s12+$0xFFFFFF60]  }
0x222: {  	v50 =	vld [tilespmem:s13+$0xFFFFFF60]  }
0x223: {  	v4 =	vld [tilespmem:s12+$0xFFFFFF70]  }
0x224: {  	v8 =	vld [tilespmem:s13+$0xFFFFFF70]  }
0x225: {  	v51 =	vld [tilespmem:s12+$0xFFFFFF80]  }
0x226: {  	v52 =	vld [tilespmem:s13+$0xFFFFFF80]  }
0x227: {  	v53 =	vld [tilespmem:s12+$0xFFFFFF90]  }
0x228: {  	v54 =	vld [tilespmem:s13+$0xFFFFFF90]  }
0x229: {  	v55 =	vld [tilespmem:s12+$0xFFFFFFA0]  }
0x22a: {  	v56 =	vld [tilespmem:s13+$0xFFFFFFA0]  }
0x22b: {  	v57 =	vld [tilespmem:s12+$0xFFFFFFB0]  }
0x22c: {  	v58 =	vld [tilespmem:s13+$0xFFFFFFB0]  }
0x22d: {  	v59 =	vld [tilespmem:s12+$0xFFFFFFC0]  }
0x22e: {  	v60 =	vld [tilespmem:s13+$0xFFFFFFC0]  }
0x22f: {  	v61 =	vld [tilespmem:s12+$0xFFFFFFD0]  }
0x230: {  	v62 =	vld [tilespmem:s13+$0xFFFFFFD0]  }
0x231: {  	v63 =	vld [tilespmem:s12+$0xFFFFFFE0]  }
0x232: {  	v7 =	vld [tilespmem:s12+$0xFFFFFFF0]  }
0x233: {  	[tilespmem:$0x1FF80] =	vst v4;
	v4 =	vld [tilespmem:s13+$0xFFFFFFE0]  }
0x234: {  	v2 =	vsub.f32 v2, v3;
	v3 =	vsub.f32 v5, v6;
	v5 =	vld [tilespmem:s13+$0xFFFFFFF0]  }
0x235: {  	v6 =	vsub.f32 v9, v10;
	v9 =	vld [tilespmem:s12+$0x0]  }
0x236: {  	v10 =	vld [tilespmem:s13+$0x0]  }
0x237: {  	v24 =	vsub.f32 v23, v24;
	v23 =	vld [tilespmem:s13+$0x40]  }
0x238: {  	v25 =	vsub.f32 v25, v26;
	v26 =	vsub.f32 v19, v20;
	v19 =	vld [tilespmem:s12+$0x50]  }
0x239: {  	v20 =	vld [tilespmem:s13+$0x60]  }
0x23a: {  	v38 =	vsub.f32 v37, v38;
	v37 =	vld [tilespmem:s13+$0xB0]  }
0x23b: {  	v42 =	vsub.f32 v41, v42;
	v51 =	vsub.f32 v51, v52;
	v41 =	vld [tilespmem:s12+$0xD0]  }
0x23c: {  	v52 =	vsub.f32 v53, v54;
	v54 =	vsub.f32 v43, v44;
	v43 =	vld [tilespmem:s12+$0xE0]  }
0x23d: {  	v29 =	vsub.f32 v29, v30;
	v44 =	vld [tilespmem:s13+$0xE0]  }
0x23e: {  	v31 =	vsub.f32 v31, v32;
	v40 =	vsub.f32 v39, v40;
	v39 =	vld [tilespmem:s13+$0x100]  }
0x23f: {  	v30 =	vmul.f32 v29, v29;
	v29 =	vld [tilespmem:s12+$0x90]  }
0x240: {  	v33 =	vsub.f32 v33, v34;
	v2 =	vmul.f32 v2, v2;
	v32 =	vmul.f32 v31, v31;
	v31 =	vld [tilespmem:s12+$0xA0]  }
0x241: {  	v3 =	vmul.f32 v3, v3;
	v53 =	vmul.f32 v42, v42;
	v42 =	vld [tilespmem:s13+$0xD0]  }
0x242: {  	v34 =	vmul.f32 v33, v33;
	v33 =	vld [tilespmem:s12+$0x100]  }
0x243: {  	v2 =	vadd.f32 v3, v2;
	v3 =	vmul.f32 v6, v6;
	v6 =	vsub.f32 v11, v12;
	v11 =	vld [tilespmem:s12+$0x10]  }
0x244: {  	v12 =	vld [tilespmem:s13+$0x10];
	v5 =	vsub.f32 v7, v5  }
0x245: {  	v7 =	vld [tilespmem:s13+$0x120];
	v2 =	vadd.f32 v3, v2;
	v3 =	vmul.f32 v6, v6;
	v6 =	vsub.f32 v13, v14  }
0x246: {  	v13 =	vld [tilespmem:s12+$0x20]  }
0x247: {  	v14 =	vld [tilespmem:s13+$0x20];
	v2 =	vadd.f32 v3, v2;
	v3 =	vmul.f32 v6, v6  }
0x248: {  	v6 =	vsub.f32 v15, v16;
	v15 =	vld [tilespmem:s12+$0x30];
	v16 =	vsub.f32 v21, v22  }
0x249: {  	v24 =	vmul.f32 v24, v24;
	v22 =	vld [tilespmem:s13+$0x30];
	v2 =	vadd.f32 v3, v2  }
0x24a: {  	v21 =	vld [tilespmem:s13+$0x50];
	v3 =	vmul.f32 v6, v6;
	v6 =	vsub.f32 v17, v18;
	v16 =	vmul.f32 v16, v16  }
0x24b: {  	v17 =	vld [tilespmem:s12+$0x40];
	v18 =	vmul.f32 v25, v25  }
0x24c: {  	v25 =	vld [tilespmem:s13+$0x70];
	v2 =	vadd.f32 v3, v2;
	v3 =	vmul.f32 v6, v6;
	v16 =	vadd.f32 v24, v16  }
0x24d: {  	v28 =	vsub.f32 v27, v28;
	v24 =	vld [tilespmem:s12+$0x60]  }
0x24e: {  	v2 =	vadd.f32 v3, v2;
	v3 =	vmul.f32 v26, v26;
	v27 =	vadd.f32 v18, v16;
	v18 =	vld [tilespmem:s13+$0x90]  }
0x24f: {  	v16 =	vsub.f32 v35, v36;
	v35 =	vmul.f32 v51, v51;
	v51 =	vsub.f32 v45, v46;
	v45 =	vld [tilespmem:s12+$0xF0]  }
0x250: {  	v28 =	vmul.f32 v28, v28;
	v46 =	vld [tilespmem:s13+$0xF0]  }
0x251: {  	v55 =	vsub.f32 v55, v56;
	v2 =	vadd.f32 v3, v2;
	v3 =	vld [tilespmem:s12+$0x70]  }
0x252: {  	v56 =	vmul.f32 v54, v54;
	v4 =	vsub.f32 v63, v4;
	v6 =	vadd.f32 v28, v27;
	v27 =	vld [tilespmem:s12+$0x80]  }
0x253: {  	v9 =	vsub.f32 v9, v10;
	v36 =	vmul.f32 v52, v52;
	v52 =	vmul.f32 v55, v55;
	v28 =	vld [tilespmem:s13+$0x80]  }
0x254: {  	v55 =	vsub.f32 v47, v48;
	v48 =	vsub.f32 v61, v62;
	v54 =	vmul.f32 v51, v51;
	v51 =	vld [tilespmem:$0x1FF80]  }
0x255: {  	v26 =	vperm.xlane v2, v0;
	v6 =	vadd.f32 v30, v6;
	v30 =	vmul.f32 v40, v40;
	v40 =	vld [tilespmem:s13+$0xC0]  }
0x256: {  	v4 =	vmul.f32 v4, v4;
	v18 =	vsub.f32 v29, v18;
	v29 =	vsub.f32 v19, v21;
	v19 =	vld [tilespmem:s12+$0x160]  }
0x257: {  	v2 =	vadd.f32 v2, v26;
	v6 =	vadd.f32 v32, v6;
	v32 =	vld [tilespmem:s13+$0xA0];
	v26 =	vmul.f32 v38, v38  }
0x258: {  	v9 =	vmul.f32 v9, v9;
	v47 =	vsub.f32 v43, v44;
	v35 =	vadd.f32 v36, v35;
	v38 =	vld [tilespmem:s12+$0xC0]  }
0x259: {  	v5 =	vmul.f32 v5, v5;
	v8 =	vsub.f32 v51, v8;
	v51 =	vld [tilespmem:s12+$0x1A0];
	v26 =	vadd.f32 v30, v26  }
0x25a: {  	v16 =	vmul.f32 v16, v16;
	v35 =	vadd.f32 v52, v35;
	v3 =	vsub.f32 v3, v25;
	v25 =	vld [tilespmem:s12+$0x1E0]  }
0x25b: {  	v18 =	vmul.f32 v18, v18;
	v6 =	vadd.f32 v34, v6;
	v34 =	vld [tilespmem:s12+$0xB0];
	v26 =	vadd.f32 v53, v26  }
0x25c: {  	v53 =	vsub.f32 v57, v58;
	v58 =	vmul.f32 v55, v55;
	v55 =	vsub.f32 v27, v28;
	v27 =	vld [tilespmem:s13+$0x130]  }
0x25d: {  	v8 =	vmul.f32 v8, v8;
	v3 =	vmul.f32 v3, v3;
	v57 =	vsub.f32 v59, v60;
	v28 =	vld [tilespmem:s13+$0x140]  }
0x25e: {  	v59 =	vsub.f32 v49, v50;
	v50 =	vmul.f32 v48, v48;
	v6 =	vadd.f32 v16, v6;
	v48 =	vld [tilespmem:s12+$0x190]  }
0x25f: {  	v26 =	vadd.f32 v56, v26;
	v56 =	vmul.f32 v53, v53;
	v53 =	vsub.f32 v11, v12;
	v11 =	vld [tilespmem:s12+$0x120]  }
0x260: {  	v60 =	vmul.f32 v57, v57;
	v57 =	vsub.f32 v15, v22;
	v15 =	vld [tilespmem:s12+$0x140];
	v62 =	vsub.f32 v34, v37  }
0x261: {  	v49 =	vmul.f32 v59, v59;
	v22 =	vld [tilespmem:s13+$0x160];
	v34 =	vsub.f32 v24, v20;
	v37 =	vsub.f32 v41, v42  }
0x262: {  	v41 =	vld [tilespmem:s13+$0x180];
	v26 =	vadd.f32 v54, v26;
	v35 =	vadd.f32 v56, v35;
	v10 =	vmul.f32 v53, v53  }
0x263: {  	v54 =	vsub.f32 v13, v14;
	v13 =	vld [tilespmem:s12+$0x130];
	v14 =	vmul.f32 v55, v55;
	v55 =	vsub.f32 v33, v39  }
0x264: {  	v59 =	vmul.f32 v57, v57;
	v57 =	vld [tilespmem:s13+$0x1B0];
	v26 =	vadd.f32 v58, v26;
	v35 =	vadd.f32 v60, v35  }
0x265: {  	v30 =	vmul.f32 v62, v62;
	v9 =	vadd.f32 v10, v9;
	v60 =	vsub.f32 v17, v23;
	v17 =	vld [tilespmem:s12+$0x150]  }
0x266: {  	v42 =	vmul.f32 v37, v37;
	v58 =	vsub.f32 v31, v32;
	v14 =	vadd.f32 v18, v14;
	v23 =	vld [tilespmem:s13+$0x150]  }
0x267: {  	v31 =	vsub.f32 v38, v40;
	v38 =	vld [tilespmem:s12+$0x180];
	v40 =	vmul.f32 v34, v34;
	v34 =	vsub.f32 v45, v46  }
0x268: {  	v56 =	vmul.f32 v54, v54;
	v54 =	vld [tilespmem:s12+$0x1B0];
	v7 =	vsub.f32 v11, v7;
	v15 =	vsub.f32 v15, v28  }
0x269: {  	v32 =	vmul.f32 v29, v29;
	v16 =	vadd.f32 v49, v26;
	v26 =	vld [tilespmem:s12+$0x110];
	v52 =	vadd.f32 v50, v35  }
0x26a: {  	v35 =	vld [tilespmem:s13+$0x110];
	v9 =	vadd.f32 v56, v9;
	v61 =	vmul.f32 v58, v58;
	v63 =	vmul.f32 v60, v60  }
0x26b: {  	v36 =	vmul.f32 v31, v31;
	v49 =	vld [tilespmem:s13+$0x190];
	v13 =	vsub.f32 v13, v27;
	v4 =	vadd.f32 v4, v52  }
0x26c: {  	v50 =	vmul.f32 v47, v47;
	v58 =	vld [tilespmem:s12+$0x1C0];
	v9 =	vadd.f32 v59, v9;
	v14 =	vadd.f32 v61, v14  }
0x26d: {  	v60 =	vld [tilespmem:s12+$0x1D0];
	v43 =	vmul.f32 v34, v34;
	v8 =	vadd.f32 v8, v16;
	v12 =	vsub.f32 v38, v41  }
0x26e: {  	v7 =	vmul.f32 v7, v7;
	v52 =	vld [tilespmem:s13+$0x1A0];
	v62 =	vsub.f32 v54, v57;
	v29 =	vsub.f32 v17, v23  }
0x26f: {  	v27 =	vld [tilespmem:s13+$0x1E0];
	v28 =	vmul.f32 v15, v15;
	v9 =	vadd.f32 v63, v9;
	v14 =	vadd.f32 v30, v14  }
0x270: {  	v16 =	vmul.f32 v55, v55;
	v59 =	vld [tilespmem:s13+$0x1C0];
	v4 =	vadd.f32 v5, v4;
	v56 =	vsub.f32 v26, v35  }
0x271: {  	v61 =	vld [tilespmem:s13+$0x1D0];
	v45 =	vperm.xlane v8, v0;
	v10 =	vsub.f32 v48, v49;
	v9 =	vadd.f32 v32, v9  }
0x272: {  	v20 =	vld [tilespmem:s12+$0x170];
	v12 =	vmul.f32 v12, v12;
	v14 =	vadd.f32 v36, v14;
	v36 =	vsub.f32 v19, v22  }
0x273: {  	v33 =	vld [tilespmem:s13+$0x1F0];
	v18 =	vmul.f32 v56, v56;
	v10 =	vmul.f32 v10, v10;
	v5 =	vsub.f32 v51, v52  }
0x274: {  	v13 =	vmul.f32 v13, v13;
	v63 =	vld [tilespmem:s13+$0x170];
	v38 =	vsub.f32 v25, v27;
	v8 =	vadd.f32 v8, v45  }
0x275: {  	v30 =	vld [tilespmem:s12+$0x1F0];
	v16 =	vadd.f32 v18, v16;
	v10 =	vadd.f32 v10, v12;
	v5 =	vmul.f32 v5, v5  }
0x276: {  	v26 =	vmul.f32 v62, v62;
	v11 =	vsub.f32 v58, v59;
	v32 =	vsub.f32 v60, v61  }
0x277: {  	v35 =	vmul.f32 v29, v29;
	v7 =	vadd.f32 v7, v16;
	v5 =	vadd.f32 v5, v10  }
0x278: {  	v46 =	vperm.xlane v4, v0;
	v9 =	vadd.f32 v40, v9;
	v14 =	vadd.f32 v42, v14  }
0x279: {  	v31 =	vmul.f32 v11, v11;
	v7 =	vadd.f32 v13, v7;
	v5 =	vadd.f32 v26, v5  }
0x27a: {  	v51 =	vperm.xlane v2, v1;
	v39 =	vsub.f32 v20, v63;
	v41 =	vsub.f32 v30, v33  }
0x27b: {  	v37 =	vmul.f32 v32, v32;
	v7 =	vadd.f32 v28, v7;
	v5 =	vadd.f32 v31, v5  }
0x27c: {  	v40 =	vmul.f32 v36, v36;
	v3 =	vadd.f32 v3, v9;
	v53 =	vadd.f32 v50, v14  }
0x27d: {  	v11 =	vmul.f32 v38, v38;
	v7 =	vadd.f32 v35, v7;
	v5 =	vadd.f32 v37, v5  }
0x27e: {  	v12 =	vmul.f32 v39, v39;
	v44 =	vperm.xlane v3, v0;
	v9 =	vadd.f32 v43, v53  }
0x27f: {  	v13 =	vmul.f32 v41, v41;
	v7 =	vadd.f32 v40, v7;
	v5 =	vadd.f32 v11, v5  }
0x280: {  	v42 =	vperm.xlane v6, v0;
	v4 =	vadd.f32 v4, v46;
	v3 =	vadd.f32 v3, v44  }
0x281: {  	v47 =	vperm.xlane v9, v0;
	v7 =	vadd.f32 v12, v7;
	v5 =	vadd.f32 v13, v5  }
0x282: {  	v54 =	vperm.xlane v8, v1;
	v6 =	vadd.f32 v6, v42;
	v50 =	vperm.xlane v3, v1  }
0x283: {  	v9 =	vadd.f32 v9, v47;
	v48 =	vperm.xlane v7, v0;
	v49 =	vperm.xlane v5, v0  }
0x284: {  	v53 =	vperm.xlane v6, v1;
	v3 =	vsel vm0, v51, v3;
	v2 =	vsel vm0, v2, v50  }
0x285: {  	v52 =	vperm.xlane v9, v1;
	v7 =	vadd.f32 v7, v48;
	v5 =	vadd.f32 v5, v49  }
0x286: {  	v57 =	vld [tilespmem:$0x1FFE0];
	v56 =	vperm.xlane v4, v1;
	v9 =	vsel vm0, v53, v9;
	v2 =	vadd.f32 v3, v2  }
0x287: {  	v6 =	vsel vm0, v6, v52;
	v3 =	vperm.xlane v7, v1;
	v55 =	vperm.xlane v5, v1  }
0x288: {  	v6 =	vadd.f32 v9, v6;
	v7 =	vsel vm0, v54, v7  }
0x289: {  	v5 =	vsel vm0, v56, v5;
	v3 =	vsel vm0, v8, v3;
	v4 =	vsel vm0, v4, v55  }
0x28a: {  	v3 =	vadd.f32 v7, v3;
	v4 =	vadd.f32 v5, v4  }
0x28b: {  	v59 =	vperm.xlane v2, v57;
	v9 =	vperm.xlane v6, v57  }
0x28c: {  	v61 =	vld [tilespmem:$0x1FFF0];
	v58 =	vperm.xlane v3, v57;
	v60 =	vperm.xlane v4, v57  }
0x28d: {  	v3 =	vsel vm1, v59, v3  }
0x28e: {  	v4 =	vsel vm1, v9, v4;
	v2 =	vsel vm1, v2, v58;
	v62 =	vsel vm1, v6, v60  }
0x28f: {  	v2 =	vadd.f32 v3, v2;
	v3 =	vadd.f32 v4, v62;
	_ =	sdelay $0x1  }
0x290: {  	v4 =	vperm.xlane v3, v61;
	v63 =	vperm.xlane v2, v61;
	_ =	sdelay $0x1  }
0x291: {  	v2 =	vsel vm2, v2, v4;
	v3 =	vsel vm2, v63, v3  }
0x292: {  	v2 =	vadd.f32 v3, v2;
	v3 =	vld [tilespmem:$0x1FF90];
	_ =	sdelay $0x1  }
0x293: {  	s14 =	sand.u32 $0x1, s25  }
0x294: {  	p1 =	seq.s32 s14, $0x0  }
0x295: {  	vm3 =	vmmov @!p1 $0xff  }
0x296: {  	v3 =	vsel @!p1 vm3, v3, v2  }
0x297: {  	v4 =	vshra.s32 @!p1 v3, $0x1;
	v5 =	vmul.f32 @!p1 $5.000000000e-01, v3  }
0x298: {  	v4 =	vsub.s32 @!p1 $0x5F3759DF, v4  }
0x299: {  	v6 =	vmul.f32 @!p1 v4, v5;
	_ =	sdelay $0x1  }
0x29a: {  	v6 =	vmul.f32 @!p1 v4, v6;
	_ =	sdelay $0x1  }
0x29b: {  	v6 =	vsub.f32 @!p1 $1.500000000e+00, v6;
	_ =	sdelay $0x1  }
0x29c: {  	v4 =	vmul.f32 @!p1 v4, v6;
	_ =	sdelay $0x1  }
0x29d: {  	v6 =	vmul.f32 @!p1 v4, v5;
	_ =	sdelay $0x1  }
0x29e: {  	v6 =	vmul.f32 @!p1 v6, v4;
	_ =	sdelay $0x1  }
0x29f: {  	v6 =	vsub.f32 @!p1 $1.500000000e+00, v6;
	_ =	sdelay $0x1  }
0x2a0: {  	v4 =	vmul.f32 @!p1 v6, v4;
	_ =	sdelay $0x1  }
0x2a1: {  	v5 =	vmul.f32 @!p1 v4, v5;
	_ =	sdelay $0x1  }
0x2a2: {  	v5 =	vmul.f32 @!p1 v5, v4;
	_ =	sdelay $0x1  }
0x2a3: {  	s25 =	sadd.s32 $0x1, s25;
	v5 =	vsub.f32 @!p1 $1.500000000e+00, v5  }
0x2a4: {  	p2 =	sne.s32 s25, $0x10  }
.Ltmp2:
0x2a5: {  	v4 =	vmul.f32 @!p1 v5, v4;
	(pc) =	sbr.rel @p2 .LBB2_6-.Ltmp2, $4  }
0x2a6: {  	_ = 	snop  }
0x2a7: {  	v3 =	vmul.f32 @!p1 v4, v3  }
0x2a8: {  	s14 =	sand.u32 @!p1 $0x70, s24  }
0x2a9: {  	s24 =	sadd.s32 $0x8, s24;
	s12 =	sadd.s32 $0x400, s12;
	s13 =	sadd.s32 $0x400, s13;
	[tilespmem:s14+$0x18700] =	vst @!p1 v3  }
0x2aa: {  	_ =	swait.ge [sflag:s8], $0x4000  }
0x2ab: {  	[sflag:s8] =	ssyncset.done $0x0  }
0x2ac: {  	[sflag:s8] =	ssyncadd.s32 $0xFFFFC000  }
0x2ad: {  	_ =	swait.ge [sflag:s20], $0x4000  }
0x2ae: {  	s24 =	simm.s32 $0x0;
	s12 =	simm.s32 $0x800;
	[sflag:s20] =	ssyncset.done $0x0  }
0x2af: {  	v2 =	vimm.f32 $0.0e+00;
	s13 =	simm.s32 $0xC800;
	s25 =	simm.s32 $0x0;
	[sflag:s20] =	ssyncadd.s32 $0xFFFFC000  }
.LBB2_8:
0x2b0: {  	[tilespmem:$0x1FF70] =	vst v2;
	v2 =	vld [tilespmem:s12+$0xFFFFFE00]  }
0x2b1: {  	v3 =	vld [tilespmem:s13+$0xFFFFFE00]  }
0x2b2: {  	v5 =	vld [tilespmem:s12+$0xFFFFFE10]  }
0x2b3: {  	v6 =	vld [tilespmem:s13+$0xFFFFFE10]  }
0x2b4: {  	v9 =	vld [tilespmem:s12+$0xFFFFFE20]  }
0x2b5: {  	v10 =	vld [tilespmem:s13+$0xFFFFFE20]  }
0x2b6: {  	v11 =	vld [tilespmem:s12+$0xFFFFFE30]  }
0x2b7: {  	v12 =	vld [tilespmem:s13+$0xFFFFFE30]  }
0x2b8: {  	v13 =	vld [tilespmem:s12+$0xFFFFFE40]  }
0x2b9: {  	v14 =	vld [tilespmem:s13+$0xFFFFFE40]  }
0x2ba: {  	v15 =	vld [tilespmem:s12+$0xFFFFFE50]  }
0x2bb: {  	v16 =	vld [tilespmem:s13+$0xFFFFFE50]  }
0x2bc: {  	v17 =	vld [tilespmem:s12+$0xFFFFFE60]  }
0x2bd: {  	v18 =	vld [tilespmem:s13+$0xFFFFFE60]  }
0x2be: {  	v19 =	vld [tilespmem:s12+$0xFFFFFE70]  }
0x2bf: {  	v20 =	vld [tilespmem:s13+$0xFFFFFE70]  }
0x2c0: {  	v21 =	vld [tilespmem:s12+$0xFFFFFE80]  }
0x2c1: {  	v22 =	vld [tilespmem:s13+$0xFFFFFE80]  }
0x2c2: {  	v23 =	vld [tilespmem:s12+$0xFFFFFE90]  }
0x2c3: {  	v24 =	vld [tilespmem:s13+$0xFFFFFE90]  }
0x2c4: {  	v25 =	vld [tilespmem:s12+$0xFFFFFEA0]  }
0x2c5: {  	v26 =	vld [tilespmem:s13+$0xFFFFFEA0]  }
0x2c6: {  	v27 =	vld [tilespmem:s12+$0xFFFFFEB0]  }
0x2c7: {  	v28 =	vld [tilespmem:s13+$0xFFFFFEB0]  }
0x2c8: {  	v29 =	vld [tilespmem:s12+$0xFFFFFEC0]  }
0x2c9: {  	v30 =	vld [tilespmem:s13+$0xFFFFFEC0]  }
0x2ca: {  	v31 =	vld [tilespmem:s12+$0xFFFFFED0]  }
0x2cb: {  	v32 =	vld [tilespmem:s13+$0xFFFFFED0]  }
0x2cc: {  	v33 =	vld [tilespmem:s12+$0xFFFFFEE0]  }
0x2cd: {  	v34 =	vld [tilespmem:s13+$0xFFFFFEE0]  }
0x2ce: {  	v35 =	vld [tilespmem:s12+$0xFFFFFEF0]  }
0x2cf: {  	v36 =	vld [tilespmem:s13+$0xFFFFFEF0]  }
0x2d0: {  	v37 =	vld [tilespmem:s12+$0xFFFFFF00]  }
0x2d1: {  	v38 =	vld [tilespmem:s13+$0xFFFFFF00]  }
0x2d2: {  	v39 =	vld [tilespmem:s12+$0xFFFFFF10]  }
0x2d3: {  	v40 =	vld [tilespmem:s13+$0xFFFFFF10]  }
0x2d4: {  	v41 =	vld [tilespmem:s12+$0xFFFFFF20]  }
0x2d5: {  	v42 =	vld [tilespmem:s13+$0xFFFFFF20]  }
0x2d6: {  	v43 =	vld [tilespmem:s12+$0xFFFFFF30]  }
0x2d7: {  	v44 =	vld [tilespmem:s13+$0xFFFFFF30]  }
0x2d8: {  	v45 =	vld [tilespmem:s12+$0xFFFFFF40]  }
0x2d9: {  	v46 =	vld [tilespmem:s13+$0xFFFFFF40]  }
0x2da: {  	v47 =	vld [tilespmem:s12+$0xFFFFFF50]  }
0x2db: {  	v48 =	vld [tilespmem:s13+$0xFFFFFF50]  }
0x2dc: {  	v49 =	vld [tilespmem:s12+$0xFFFFFF60]  }
0x2dd: {  	v50 =	vld [tilespmem:s13+$0xFFFFFF60]  }
0x2de: {  	v4 =	vld [tilespmem:s12+$0xFFFFFF70]  }
0x2df: {  	v8 =	vld [tilespmem:s13+$0xFFFFFF70]  }
0x2e0: {  	v51 =	vld [tilespmem:s12+$0xFFFFFF80]  }
0x2e1: {  	v52 =	vld [tilespmem:s13+$0xFFFFFF80]  }
0x2e2: {  	v53 =	vld [tilespmem:s12+$0xFFFFFF90]  }
0x2e3: {  	v54 =	vld [tilespmem:s13+$0xFFFFFF90]  }
0x2e4: {  	v55 =	vld [tilespmem:s12+$0xFFFFFFA0]  }
0x2e5: {  	v56 =	vld [tilespmem:s13+$0xFFFFFFA0]  }
0x2e6: {  	v57 =	vld [tilespmem:s12+$0xFFFFFFB0]  }
0x2e7: {  	v58 =	vld [tilespmem:s13+$0xFFFFFFB0]  }
0x2e8: {  	v59 =	vld [tilespmem:s12+$0xFFFFFFC0]  }
0x2e9: {  	v60 =	vld [tilespmem:s13+$0xFFFFFFC0]  }
0x2ea: {  	v61 =	vld [tilespmem:s12+$0xFFFFFFD0]  }
0x2eb: {  	v62 =	vld [tilespmem:s13+$0xFFFFFFD0]  }
0x2ec: {  	v63 =	vld [tilespmem:s12+$0xFFFFFFE0]  }
0x2ed: {  	v7 =	vld [tilespmem:s12+$0xFFFFFFF0]  }
0x2ee: {  	[tilespmem:$0x1FF60] =	vst v4;
	v4 =	vld [tilespmem:s13+$0xFFFFFFE0]  }
0x2ef: {  	v2 =	vsub.f32 v2, v3;
	v3 =	vsub.f32 v5, v6;
	v5 =	vld [tilespmem:s13+$0xFFFFFFF0]  }
0x2f0: {  	v6 =	vsub.f32 v9, v10;
	v9 =	vld [tilespmem:s12+$0x0]  }
0x2f1: {  	v10 =	vld [tilespmem:s13+$0x0]  }
0x2f2: {  	v24 =	vsub.f32 v23, v24;
	v23 =	vld [tilespmem:s13+$0x40]  }
0x2f3: {  	v25 =	vsub.f32 v25, v26;
	v26 =	vsub.f32 v19, v20;
	v19 =	vld [tilespmem:s12+$0x50]  }
0x2f4: {  	v20 =	vld [tilespmem:s13+$0x60]  }
0x2f5: {  	v38 =	vsub.f32 v37, v38;
	v37 =	vld [tilespmem:s13+$0xB0]  }
0x2f6: {  	v42 =	vsub.f32 v41, v42;
	v51 =	vsub.f32 v51, v52;
	v41 =	vld [tilespmem:s12+$0xD0]  }
0x2f7: {  	v52 =	vsub.f32 v53, v54;
	v54 =	vsub.f32 v43, v44;
	v43 =	vld [tilespmem:s12+$0xE0]  }
0x2f8: {  	v29 =	vsub.f32 v29, v30;
	v44 =	vld [tilespmem:s13+$0xE0]  }
0x2f9: {  	v31 =	vsub.f32 v31, v32;
	v40 =	vsub.f32 v39, v40;
	v39 =	vld [tilespmem:s13+$0x100]  }
0x2fa: {  	v30 =	vmul.f32 v29, v29;
	v29 =	vld [tilespmem:s12+$0x90]  }
0x2fb: {  	v33 =	vsub.f32 v33, v34;
	v2 =	vmul.f32 v2, v2;
	v32 =	vmul.f32 v31, v31;
	v31 =	vld [tilespmem:s12+$0xA0]  }
0x2fc: {  	v3 =	vmul.f32 v3, v3;
	v53 =	vmul.f32 v42, v42;
	v42 =	vld [tilespmem:s13+$0xD0]  }
0x2fd: {  	v34 =	vmul.f32 v33, v33;
	v33 =	vld [tilespmem:s12+$0x100]  }
0x2fe: {  	v2 =	vadd.f32 v3, v2;
	v3 =	vmul.f32 v6, v6;
	v6 =	vsub.f32 v11, v12;
	v11 =	vld [tilespmem:s12+$0x10]  }
0x2ff: {  	v12 =	vld [tilespmem:s13+$0x10];
	v5 =	vsub.f32 v7, v5  }
0x300: {  	v7 =	vld [tilespmem:s13+$0x120];
	v2 =	vadd.f32 v3, v2;
	v3 =	vmul.f32 v6, v6;
	v6 =	vsub.f32 v13, v14  }
0x301: {  	v13 =	vld [tilespmem:s12+$0x20]  }
0x302: {  	v14 =	vld [tilespmem:s13+$0x20];
	v2 =	vadd.f32 v3, v2;
	v3 =	vmul.f32 v6, v6  }
0x303: {  	v6 =	vsub.f32 v15, v16;
	v15 =	vld [tilespmem:s12+$0x30];
	v16 =	vsub.f32 v21, v22  }
0x304: {  	v24 =	vmul.f32 v24, v24;
	v22 =	vld [tilespmem:s13+$0x30];
	v2 =	vadd.f32 v3, v2  }
0x305: {  	v21 =	vld [tilespmem:s13+$0x50];
	v3 =	vmul.f32 v6, v6;
	v6 =	vsub.f32 v17, v18;
	v16 =	vmul.f32 v16, v16  }
0x306: {  	v17 =	vld [tilespmem:s12+$0x40];
	v18 =	vmul.f32 v25, v25  }
0x307: {  	v25 =	vld [tilespmem:s13+$0x70];
	v2 =	vadd.f32 v3, v2;
	v3 =	vmul.f32 v6, v6;
	v16 =	vadd.f32 v24, v16  }
0x308: {  	v28 =	vsub.f32 v27, v28;
	v24 =	vld [tilespmem:s12+$0x60]  }
0x309: {  	v2 =	vadd.f32 v3, v2;
	v3 =	vmul.f32 v26, v26;
	v27 =	vadd.f32 v18, v16;
	v18 =	vld [tilespmem:s13+$0x90]  }
0x30a: {  	v16 =	vsub.f32 v35, v36;
	v35 =	vmul.f32 v51, v51;
	v51 =	vsub.f32 v45, v46;
	v45 =	vld [tilespmem:s12+$0xF0]  }
0x30b: {  	v28 =	vmul.f32 v28, v28;
	v46 =	vld [tilespmem:s13+$0xF0]  }
0x30c: {  	v55 =	vsub.f32 v55, v56;
	v2 =	vadd.f32 v3, v2;
	v3 =	vld [tilespmem:s12+$0x70]  }
0x30d: {  	v56 =	vmul.f32 v54, v54;
	v4 =	vsub.f32 v63, v4;
	v6 =	vadd.f32 v28, v27;
	v27 =	vld [tilespmem:s12+$0x80]  }
0x30e: {  	v9 =	vsub.f32 v9, v10;
	v36 =	vmul.f32 v52, v52;
	v52 =	vmul.f32 v55, v55;
	v28 =	vld [tilespmem:s13+$0x80]  }
0x30f: {  	v55 =	vsub.f32 v47, v48;
	v48 =	vsub.f32 v61, v62;
	v54 =	vmul.f32 v51, v51;
	v51 =	vld [tilespmem:$0x1FF60]  }
0x310: {  	v26 =	vperm.xlane v2, v0;
	v6 =	vadd.f32 v30, v6;
	v30 =	vmul.f32 v40, v40;
	v40 =	vld [tilespmem:s13+$0xC0]  }
0x311: {  	v4 =	vmul.f32 v4, v4;
	v18 =	vsub.f32 v29, v18;
	v29 =	vsub.f32 v19, v21;
	v19 =	vld [tilespmem:s12+$0x160]  }
0x312: {  	v2 =	vadd.f32 v2, v26;
	v6 =	vadd.f32 v32, v6;
	v32 =	vld [tilespmem:s13+$0xA0];
	v26 =	vmul.f32 v38, v38  }
0x313: {  	v9 =	vmul.f32 v9, v9;
	v47 =	vsub.f32 v43, v44;
	v35 =	vadd.f32 v36, v35;
	v38 =	vld [tilespmem:s12+$0xC0]  }
0x314: {  	v5 =	vmul.f32 v5, v5;
	v8 =	vsub.f32 v51, v8;
	v51 =	vld [tilespmem:s12+$0x1A0];
	v26 =	vadd.f32 v30, v26  }
0x315: {  	v16 =	vmul.f32 v16, v16;
	v35 =	vadd.f32 v52, v35;
	v3 =	vsub.f32 v3, v25;
	v25 =	vld [tilespmem:s12+$0x1E0]  }
0x316: {  	v18 =	vmul.f32 v18, v18;
	v6 =	vadd.f32 v34, v6;
	v34 =	vld [tilespmem:s12+$0xB0];
	v26 =	vadd.f32 v53, v26  }
0x317: {  	v53 =	vsub.f32 v57, v58;
	v58 =	vmul.f32 v55, v55;
	v55 =	vsub.f32 v27, v28;
	v27 =	vld [tilespmem:s13+$0x130]  }
0x318: {  	v8 =	vmul.f32 v8, v8;
	v3 =	vmul.f32 v3, v3;
	v57 =	vsub.f32 v59, v60;
	v28 =	vld [tilespmem:s13+$0x140]  }
0x319: {  	v59 =	vsub.f32 v49, v50;
	v50 =	vmul.f32 v48, v48;
	v6 =	vadd.f32 v16, v6;
	v48 =	vld [tilespmem:s12+$0x190]  }
0x31a: {  	v26 =	vadd.f32 v56, v26;
	v56 =	vmul.f32 v53, v53;
	v53 =	vsub.f32 v11, v12;
	v11 =	vld [tilespmem:s12+$0x120]  }
0x31b: {  	v60 =	vmul.f32 v57, v57;
	v57 =	vsub.f32 v15, v22;
	v15 =	vld [tilespmem:s12+$0x140];
	v62 =	vsub.f32 v34, v37  }
0x31c: {  	v49 =	vmul.f32 v59, v59;
	v22 =	vld [tilespmem:s13+$0x160];
	v34 =	vsub.f32 v24, v20;
	v37 =	vsub.f32 v41, v42  }
0x31d: {  	v41 =	vld [tilespmem:s13+$0x180];
	v26 =	vadd.f32 v54, v26;
	v35 =	vadd.f32 v56, v35;
	v10 =	vmul.f32 v53, v53  }
0x31e: {  	v54 =	vsub.f32 v13, v14;
	v13 =	vld [tilespmem:s12+$0x130];
	v14 =	vmul.f32 v55, v55;
	v55 =	vsub.f32 v33, v39  }
0x31f: {  	v59 =	vmul.f32 v57, v57;
	v57 =	vld [tilespmem:s13+$0x1B0];
	v26 =	vadd.f32 v58, v26;
	v35 =	vadd.f32 v60, v35  }
0x320: {  	v30 =	vmul.f32 v62, v62;
	v9 =	vadd.f32 v10, v9;
	v60 =	vsub.f32 v17, v23;
	v17 =	vld [tilespmem:s12+$0x150]  }
0x321: {  	v42 =	vmul.f32 v37, v37;
	v58 =	vsub.f32 v31, v32;
	v14 =	vadd.f32 v18, v14;
	v23 =	vld [tilespmem:s13+$0x150]  }
0x322: {  	v31 =	vsub.f32 v38, v40;
	v38 =	vld [tilespmem:s12+$0x180];
	v40 =	vmul.f32 v34, v34;
	v34 =	vsub.f32 v45, v46  }
0x323: {  	v56 =	vmul.f32 v54, v54;
	v54 =	vld [tilespmem:s12+$0x1B0];
	v7 =	vsub.f32 v11, v7;
	v15 =	vsub.f32 v15, v28  }
0x324: {  	v32 =	vmul.f32 v29, v29;
	v16 =	vadd.f32 v49, v26;
	v26 =	vld [tilespmem:s12+$0x110];
	v52 =	vadd.f32 v50, v35  }
0x325: {  	v35 =	vld [tilespmem:s13+$0x110];
	v9 =	vadd.f32 v56, v9;
	v61 =	vmul.f32 v58, v58;
	v63 =	vmul.f32 v60, v60  }
0x326: {  	v36 =	vmul.f32 v31, v31;
	v49 =	vld [tilespmem:s13+$0x190];
	v13 =	vsub.f32 v13, v27;
	v4 =	vadd.f32 v4, v52  }
0x327: {  	v50 =	vmul.f32 v47, v47;
	v58 =	vld [tilespmem:s12+$0x1C0];
	v9 =	vadd.f32 v59, v9;
	v14 =	vadd.f32 v61, v14  }
0x328: {  	v60 =	vld [tilespmem:s12+$0x1D0];
	v43 =	vmul.f32 v34, v34;
	v8 =	vadd.f32 v8, v16;
	v12 =	vsub.f32 v38, v41  }
0x329: {  	v7 =	vmul.f32 v7, v7;
	v52 =	vld [tilespmem:s13+$0x1A0];
	v62 =	vsub.f32 v54, v57;
	v29 =	vsub.f32 v17, v23  }
0x32a: {  	v27 =	vld [tilespmem:s13+$0x1E0];
	v28 =	vmul.f32 v15, v15;
	v9 =	vadd.f32 v63, v9;
	v14 =	vadd.f32 v30, v14  }
0x32b: {  	v16 =	vmul.f32 v55, v55;
	v59 =	vld [tilespmem:s13+$0x1C0];
	v4 =	vadd.f32 v5, v4;
	v56 =	vsub.f32 v26, v35  }
0x32c: {  	v61 =	vld [tilespmem:s13+$0x1D0];
	v45 =	vperm.xlane v8, v0;
	v10 =	vsub.f32 v48, v49;
	v9 =	vadd.f32 v32, v9  }
0x32d: {  	v20 =	vld [tilespmem:s12+$0x170];
	v12 =	vmul.f32 v12, v12;
	v14 =	vadd.f32 v36, v14;
	v36 =	vsub.f32 v19, v22  }
0x32e: {  	v33 =	vld [tilespmem:s13+$0x1F0];
	v18 =	vmul.f32 v56, v56;
	v10 =	vmul.f32 v10, v10;
	v5 =	vsub.f32 v51, v52  }
0x32f: {  	v13 =	vmul.f32 v13, v13;
	v63 =	vld [tilespmem:s13+$0x170];
	v38 =	vsub.f32 v25, v27;
	v8 =	vadd.f32 v8, v45  }
0x330: {  	v30 =	vld [tilespmem:s12+$0x1F0];
	v16 =	vadd.f32 v18, v16;
	v10 =	vadd.f32 v10, v12;
	v5 =	vmul.f32 v5, v5  }
0x331: {  	v26 =	vmul.f32 v62, v62;
	v11 =	vsub.f32 v58, v59;
	v32 =	vsub.f32 v60, v61  }
0x332: {  	v35 =	vmul.f32 v29, v29;
	v7 =	vadd.f32 v7, v16;
	v5 =	vadd.f32 v5, v10  }
0x333: {  	v46 =	vperm.xlane v4, v0;
	v9 =	vadd.f32 v40, v9;
	v14 =	vadd.f32 v42, v14  }
0x334: {  	v31 =	vmul.f32 v11, v11;
	v7 =	vadd.f32 v13, v7;
	v5 =	vadd.f32 v26, v5  }
0x335: {  	v51 =	vperm.xlane v2, v1;
	v39 =	vsub.f32 v20, v63;
	v41 =	vsub.f32 v30, v33  }
0x336: {  	v37 =	vmul.f32 v32, v32;
	v7 =	vadd.f32 v28, v7;
	v5 =	vadd.f32 v31, v5  }
0x337: {  	v40 =	vmul.f32 v36, v36;
	v3 =	vadd.f32 v3, v9;
	v53 =	vadd.f32 v50, v14  }
0x338: {  	v11 =	vmul.f32 v38, v38;
	v7 =	vadd.f32 v35, v7;
	v5 =	vadd.f32 v37, v5  }
0x339: {  	v12 =	vmul.f32 v39, v39;
	v44 =	vperm.xlane v3, v0;
	v9 =	vadd.f32 v43, v53  }
0x33a: {  	v13 =	vmul.f32 v41, v41;
	v7 =	vadd.f32 v40, v7;
	v5 =	vadd.f32 v11, v5  }
0x33b: {  	v42 =	vperm.xlane v6, v0;
	v4 =	vadd.f32 v4, v46;
	v3 =	vadd.f32 v3, v44  }
0x33c: {  	v47 =	vperm.xlane v9, v0;
	v7 =	vadd.f32 v12, v7;
	v5 =	vadd.f32 v13, v5  }
0x33d: {  	v54 =	vperm.xlane v8, v1;
	v6 =	vadd.f32 v6, v42;
	v50 =	vperm.xlane v3, v1  }
0x33e: {  	v9 =	vadd.f32 v9, v47;
	v48 =	vperm.xlane v7, v0;
	v49 =	vperm.xlane v5, v0  }
0x33f: {  	v53 =	vperm.xlane v6, v1;
	v3 =	vsel vm0, v51, v3;
	v2 =	vsel vm0, v2, v50  }
0x340: {  	v52 =	vperm.xlane v9, v1;
	v7 =	vadd.f32 v7, v48;
	v5 =	vadd.f32 v5, v49  }
0x341: {  	v57 =	vld [tilespmem:$0x1FFE0];
	v56 =	vperm.xlane v4, v1;
	v9 =	vsel vm0, v53, v9;
	v2 =	vadd.f32 v3, v2  }
0x342: {  	v6 =	vsel vm0, v6, v52;
	v3 =	vperm.xlane v7, v1;
	v55 =	vperm.xlane v5, v1  }
0x343: {  	v6 =	vadd.f32 v9, v6;
	v7 =	vsel vm0, v54, v7  }
0x344: {  	v5 =	vsel vm0, v56, v5;
	v3 =	vsel vm0, v8, v3;
	v4 =	vsel vm0, v4, v55  }
0x345: {  	v3 =	vadd.f32 v7, v3;
	v4 =	vadd.f32 v5, v4  }
0x346: {  	v59 =	vperm.xlane v2, v57;
	v9 =	vperm.xlane v6, v57  }
0x347: {  	v61 =	vld [tilespmem:$0x1FFF0];
	v58 =	vperm.xlane v3, v57;
	v60 =	vperm.xlane v4, v57  }
0x348: {  	v3 =	vsel vm1, v59, v3  }
0x349: {  	v4 =	vsel vm1, v9, v4;
	v2 =	vsel vm1, v2, v58;
	v62 =	vsel vm1, v6, v60  }
0x34a: {  	v2 =	vadd.f32 v3, v2;
	v3 =	vadd.f32 v4, v62;
	_ =	sdelay $0x1  }
0x34b: {  	v4 =	vperm.xlane v3, v61;
	v63 =	vperm.xlane v2, v61;
	_ =	sdelay $0x1  }
0x34c: {  	v2 =	vsel vm2, v2, v4;
	v3 =	vsel vm2, v63, v3  }
0x34d: {  	v2 =	vadd.f32 v3, v2;
	v3 =	vld [tilespmem:$0x1FF70];
	_ =	sdelay $0x1  }
0x34e: {  	s14 =	sand.u32 $0x1, s25  }
0x34f: {  	p1 =	seq.s32 s14, $0x0  }
0x350: {  	vm3 =	vmmov @!p1 $0xff  }
0x351: {  	v3 =	vsel @!p1 vm3, v3, v2  }
0x352: {  	v4 =	vshra.s32 @!p1 v3, $0x1;
	v5 =	vmul.f32 @!p1 $5.000000000e-01, v3  }
0x353: {  	v4 =	vsub.s32 @!p1 $0x5F3759DF, v4  }
0x354: {  	v6 =	vmul.f32 @!p1 v4, v5;
	_ =	sdelay $0x1  }
0x355: {  	v6 =	vmul.f32 @!p1 v4, v6;
	_ =	sdelay $0x1  }
0x356: {  	v6 =	vsub.f32 @!p1 $1.500000000e+00, v6;
	_ =	sdelay $0x1  }
0x357: {  	v4 =	vmul.f32 @!p1 v4, v6;
	_ =	sdelay $0x1  }
0x358: {  	v6 =	vmul.f32 @!p1 v4, v5;
	_ =	sdelay $0x1  }
0x359: {  	v6 =	vmul.f32 @!p1 v6, v4;
	_ =	sdelay $0x1  }
0x35a: {  	v6 =	vsub.f32 @!p1 $1.500000000e+00, v6;
	_ =	sdelay $0x1  }
0x35b: {  	v4 =	vmul.f32 @!p1 v6, v4;
	_ =	sdelay $0x1  }
0x35c: {  	v5 =	vmul.f32 @!p1 v4, v5;
	_ =	sdelay $0x1  }
0x35d: {  	v5 =	vmul.f32 @!p1 v5, v4;
	_ =	sdelay $0x1  }
0x35e: {  	s25 =	sadd.s32 $0x1, s25;
	v5 =	vsub.f32 @!p1 $1.500000000e+00, v5  }
0x35f: {  	p2 =	sne.s32 s25, $0x10  }
.Ltmp3:
0x360: {  	v4 =	vmul.f32 @!p1 v5, v4;
	(pc) =	sbr.rel @p2 .LBB2_8-.Ltmp3, $4  }
0x361: {  	_ = 	snop  }
0x362: {  	v3 =	vmul.f32 @!p1 v4, v3  }
0x363: {  	s14 =	sand.u32 @!p1 $0x70, s24  }
0x364: {  	s24 =	sadd.s32 $0x8, s24;
	s12 =	sadd.s32 $0x400, s12;
	s13 =	sadd.s32 $0x400, s13;
	[tilespmem:s14+$0x18780] =	vst @!p1 v3  }
0x365: {  	s23 =	sadd.s32 $0x1, s23  }
0x366: {  	p1 =	sne.s32 s23, s18  }
.Ltmp4:
0x367: {  	s12 =	simm.s32 $0x18600;
	(pc) =	sbr.rel @p1 .LBB2_1-.Ltmp4, $4  }
0x368: {  	[hbm4b:s17+s4] =	stream.linear.scatter [tilespmem:s12], [sflag:$0x7], $0x200, $0x38;
	[tilespmem:$0x197A0] =	vst v63  }
0x369: {  	_ =	swait.ge [sflag:s11], $0x200  }
0x36a: {  	[sflag:s11] =	ssyncset.done $0x0  }
0x36b: {  	[sflag:s11] =	ssyncadd.s32 $0xFFFFFE00  }
0x36c: {  	_ =	sfence.sel $0x180000  }
0x36d: {  	[bflag:$0x0] =	sbarrier.arrive $0xFFFF  }
0x36e: {  	_ =	strace $0x90000047  }
0x36f: {  	[bflag:$0x2] =	sbarrier.arrive $0xFFFF  }
0x370: {  	s0 =	rddreg [dreg:$0x7]  }
0x371: {  	s0 =	sadd.s32 @!p0 $0x100000, s0  }
0x372: {  	[sflag:s0] =	ssyncadd.tile.s32 @!p0 $0x1;
	_ =	shalt  }
.Lfunc_end2:
_tile_overlayer_lowered:
.L_overlay_start_2:
0x373: {  	(tag) =	ssettag $0x2  }
0x374: {  	s0 =	rddreg [dreg:$0x0];
	s2 =	stileid.u32  }
0x375: {  	s1 =	rddreg [dreg:$0x1];
	p0 =	sne.s32 s2, $0x0  }
0x376: {  	s3 =	rddreg [dreg:$0x2];
	[bflag:$0x3] =	sbarrier.arrive $0xFFFF;
	s2 =	simm.s32 @!p0 $0x1C07  }
0x377: {  	[timem:s3], [sflag:s2] =	dma.local @!p0 [hbm:s0], s1  }
0x378: {  	s0 =	simm.s32 @!p0 $0x7  }
0x379: {  	_ =	swait.ge @!p0 [sflag:s0], s1  }
0x37a: {  	s1 =	ssub.s32 @!p0 $0x0, s1;
	[sflag:s0] =	ssyncset.done @!p0 $0x0  }
0x37b: {  	[sflag:s0] =	ssyncadd.s32 @!p0 s1  }
0x37c: {  	[bflag:$0x3] =	sbarrier.arrive $0xFFFF  }
0x37d: {  	_ =	shalt  }

</sc_bundles>
